<compile_context>
chip_gen: v7x
topology: tpu7x:2x2x1
jax: 0.10.2.dev20260603
libtpu: 0.0.44.dev20260713+nightly
codegen_flags: <defaults>
</compile_context>

<pallas_src>
import functools

import jax
import jax.numpy as jnp
from jax import lax
from jax.experimental import pallas as pl
from jax.experimental.pallas import tpu as pltpu
from jax.experimental.pallas import tpu_sc as plsc

N = 10000
C = 128
K = 16
KD = 32
E = N * K
NEG = -3.0e38
THRESH = -1.0e38

NC = 2
NS = 16
NW = NC * NS
R = 320
NPAD = NW * R
DUMMY = R

CHUNK = 2000
NCH = E // CHUNK
GPC = CHUNK // 16
BATCH = 128
RCAP = 256
RING = 16 * RCAP
CLCAP = RING + 16
EPB = BATCH // 16
PRESS = RCAP - 126


def _lrelu(x):
    return jnp.where(x >= 0, x, 0.2 * x)



def _mm_kernel(x_ref, w_ref, b_ref, o_ref):
    o_ref[...] = jnp.dot(x_ref[...], w_ref[...],
                         preferred_element_type=jnp.float32) + b_ref[...]


def _mm(x, w, b):
    n, cin = x.shape
    cout = w.shape[1]
    blk = 400
    return pl.pallas_call(
        _mm_kernel,
        grid=(n // blk,),
        in_specs=[
            pl.BlockSpec((blk, cin), lambda i: (i, 0)),
            pl.BlockSpec((cin, cout), lambda i: (0, 0)),
            pl.BlockSpec((cout,), lambda i: (0,)),
        ],
        out_specs=pl.BlockSpec((blk, cout), lambda i: (i, 0)),
        out_shape=jax.ShapeDtypeStruct((n, cout), jnp.float32),
    )(x, w, b)


def _pq_kernel(x_ref, w_ref, b_ref, p_ref, q_ref):
    pq = jnp.dot(x_ref[...], w_ref[...],
                 preferred_element_type=jnp.float32) + b_ref[...]
    p_ref[...] = pq[:, :C]
    q_ref[...] = pq[:, C:].astype(jnp.bfloat16)


def _pq_mm(x, w, b):
    n, cin = x.shape
    blk = 400
    return pl.pallas_call(
        _pq_kernel,
        grid=(n // blk,),
        in_specs=[
            pl.BlockSpec((blk, cin), lambda i: (i, 0)),
            pl.BlockSpec((cin, 2 * C), lambda i: (0, 0)),
            pl.BlockSpec((2 * C,), lambda i: (0,)),
        ],
        out_specs=[
            pl.BlockSpec((blk, C), lambda i: (i, 0)),
            pl.BlockSpec((blk, C), lambda i: (i, 0)),
        ],
        out_shape=[
            jax.ShapeDtypeStruct((n, C), jnp.float32),
            jax.ShapeDtypeStruct((n, C), jnp.bfloat16),
        ],
    )(x, w, b)


def _h_mm_kernel(p_ref, s_ref, x_ref, w_ref, b_ref, h_ref, p1_ref, q1_ref):
    s = s_ref[...].astype(jnp.float32)
    h = jnp.where(s > THRESH, _lrelu(p_ref[...] + s), 0.0)
    h_ref[...] = h
    f = jnp.concatenate([x_ref[...], h], axis=-1)
    pq = jnp.dot(f, w_ref[...],
                 preferred_element_type=jnp.float32) + b_ref[...]
    p1_ref[...] = pq[:, :C]
    q1_ref[...] = pq[:, C:].astype(jnp.bfloat16)


def _h_and_mm(p, s, x, w, b):
    n = x.shape[0]
    cin = x.shape[1] + C
    blk = 400
    return pl.pallas_call(
        _h_mm_kernel,
        grid=(n // blk,),
        in_specs=[
            pl.BlockSpec((blk, C), lambda i: (i, 0)),
            pl.BlockSpec((blk, C), lambda i: (i, 0)),
            pl.BlockSpec((blk, x.shape[1]), lambda i: (i, 0)),
            pl.BlockSpec((cin, 2 * C), lambda i: (0, 0)),
            pl.BlockSpec((2 * C,), lambda i: (0,)),
        ],
        out_specs=[
            pl.BlockSpec((blk, C), lambda i: (i, 0)),
            pl.BlockSpec((blk, C), lambda i: (i, 0)),
            pl.BlockSpec((blk, C), lambda i: (i, 0)),
        ],
        out_shape=[
            jax.ShapeDtypeStruct((n, C), jnp.float32),
            jax.ShapeDtypeStruct((n, C), jnp.float32),
            jax.ShapeDtypeStruct((n, C), jnp.bfloat16),
        ],
    )(p, s, x, w, b)


def _final_kernel(x_ref, h00_ref, p10_ref, s10_ref, h01_ref, p11_ref,
                  s11_ref, wf0_ref, bf0_ref, wf1_ref, bf1_ref, o_ref):
    x = x_ref[...]
    outs = []
    for h0, p1, s1, wf, bf in (
        (h00_ref, p10_ref, s10_ref, wf0_ref, bf0_ref),
        (h01_ref, p11_ref, s11_ref, wf1_ref, bf1_ref),
    ):
        s = s1[...].astype(jnp.float32)
        h1 = jnp.where(s > THRESH, _lrelu(p1[...] + s), 0.0)
        f = jnp.concatenate([x, h0[...], h1], axis=-1)
        outs.append(jnp.dot(f, wf[...],
                            preferred_element_type=jnp.float32) + bf[...])
    o_ref[...] = jnp.maximum(outs[0], outs[1]) + x


def _final(x, h00, p10, s10, h01, p11, s11, wf0, bf0, wf1, bf1):
    n = x.shape[0]
    blk = 400
    row = lambda i: (i, 0)
    full = lambda i: (0, 0)
    return pl.pallas_call(
        _final_kernel,
        grid=(n // blk,),
        in_specs=[
            pl.BlockSpec((blk, C), row), pl.BlockSpec((blk, C), row),
            pl.BlockSpec((blk, C), row), pl.BlockSpec((blk, C), row),
            pl.BlockSpec((blk, C), row), pl.BlockSpec((blk, C), row),
            pl.BlockSpec((blk, C), row),
            pl.BlockSpec((3 * C, C), full), pl.BlockSpec((C,), lambda i: (0,)),
            pl.BlockSpec((3 * C, C), full), pl.BlockSpec((C,), lambda i: (0,)),
        ],
        out_specs=pl.BlockSpec((blk, C), row),
        out_shape=jax.ShapeDtypeStruct((n, C), jnp.float32),
    )(x, h00, p10, s10, h01, p11, s11, wf0, bf0, wf1, bf1)



def _segmax_body(src_hbm, dst_hbm, q_hbm, out_hbm,
                 dstb0, dstb1, srcb0, srcb1, cl, gidx, lst, rowb, acc,
                 sem_scan, sem_g):
    dstb = (dstb0, dstb1)
    srcb = (srcb0, srcb1)
    wid = lax.axis_index("s") * NC + lax.axis_index("c")
    lo = wid * R
    hi = lo + R
    negv = jnp.full((32,), NEG, jnp.bfloat16)

    def init_body(r, carry):
        for v in range(4):
            acc[r, pl.ds(v * 32, 32)] = negv
        return carry
    lax.fori_loop(0, R + 1, init_body, 0)

    def start_chunk(t, par):
        pltpu.make_async_copy(
            dst_hbm.at[pl.ds(t * CHUNK, CHUNK)], dstb[par], sem_scan).start()
        pltpu.make_async_copy(
            src_hbm.at[pl.ds(t * CHUNK, CHUNK)], srcb[par], sem_scan).start()

    def wait_chunk(par):
        pltpu.make_async_copy(
            dst_hbm.at[pl.ds(0, CHUNK)], dstb[par], sem_scan).wait()
        pltpu.make_async_copy(
            src_hbm.at[pl.ds(0, CHUNK)], srcb[par], sem_scan).wait()

    lanes = lax.iota(jnp.int32, 16)

    def start_gather(nf):
        par = (nf % 2) * BATCH
        fb = pl.multiple_of((nf * BATCH) % RING, BATCH)
        for i in range(EPB):
            pv = cl[pl.ds(fb + i * 16, 16)]
            gidx[pl.ds(par + i * 16, 16)] = pv >> 9
            lst[pl.ds(par + i * 16, 16)] = pv & 511
        pltpu.make_async_copy(
            q_hbm.at[gidx.at[pl.ds(par, BATCH)]],
            rowb.at[pl.ds(par, BATCH)], sem_g).start()

    def rmw_batch(nf):
        par = (nf % 2) * BATCH
        pltpu.make_async_copy(
            q_hbm.at[gidx.at[pl.ds(par, BATCH)]],
            rowb.at[pl.ds(par, BATCH)], sem_g).wait()

        def rmw_body(i, carry):
            lv = lst[pl.ds(par + i * 16, 16)]
            for j in range(16):
                ld = lv[j]
                r = par + i * 16 + j
                g = [plsc.bitcast(rowb[r, pl.ds(v * 16, 16)], jnp.bfloat16)
                     for v in range(4)]
                a = [acc[ld, pl.ds(v * 32, 32)] for v in range(4)]
                for v in range(4):
                    acc[ld, pl.ds(v * 32, 32)] = jnp.maximum(a[v], g[v])
            return carry
        lax.fori_loop(0, 8, rmw_body, 0)

    def scan_group(base, cposv, dbuf, sbuf):
        dv = dbuf[pl.ds(base, 16)]
        sv = sbuf[pl.ds(base, 16)]
        m = (dv >= lo) & (dv < hi)
        cs = plsc.cumsum(m.astype(jnp.int32))
        cnt = plsc.all_reduce_population_count(m)
        packed = sv * 512 + (dv - lo)
        pos = jnp.where(m, (cposv + cs - 1) & (RING - 1), RING)
        plsc.store_scatter(cl, [pos], packed)
        return cposv + cnt

    def flush_to(state, nf_target):
        def cond(st):
            return st < nf_target

        def body(nf):
            @pl.when(nf > 0)
            def _():
                rmw_batch(nf - 1)
            start_gather(nf)
            return nf + 1
        return lax.while_loop(cond, body, state)

    start_chunk(0, 0)

    def chunk_pair(tp, state):
        cposv, nf = state
        for par in range(2):
            t = tp * 2 + par

            @pl.when(t + 1 < NCH)
            def _():
                start_chunk(t + 1, (par + 1) % 2)

            wait_chunk(par)

            def group_body(g, cp):
                return scan_group(g * 16, cp, dstb[par], srcb[par])
            cposv = lax.fori_loop(0, GPC, group_body, cposv, unroll=5)
            cpos = cposv[0]
            nf = flush_to(nf, cpos // BATCH)
        return (cposv, nf)

    cpos0 = jnp.zeros((16,), jnp.int32)
    cposv, nf = lax.fori_loop(0, NCH // 2, chunk_pair, (cpos0, 0))
    cpos = cposv[0]

    dumv = jnp.full((16,), DUMMY, jnp.int32)
    for i in range(EPB):
        pos = (cpos + i * 16 + lanes) & (RING - 1)
        plsc.store_scatter(cl, [pos], dumv)

    nf = flush_to(nf, (cpos + BATCH - 1) // BATCH)

    @pl.when(nf > 0)
    def _():
        rmw_batch(nf - 1)

    pltpu.sync_copy(acc.at[pl.ds(0, R)], out_hbm.at[pl.ds(wid * R, R)])


@functools.partial(jax.jit, static_argnames=())
def _segmax(q, src, dst):
    mesh = plsc.VectorSubcoreMesh(core_axis_name="c", subcore_axis_name="s",
                                  num_cores=NC, num_subcores=NS)
    kern = pl.kernel(
        _segmax_body,
        out_type=jax.ShapeDtypeStruct((NPAD, C), jnp.bfloat16),
        mesh=mesh,
        compiler_params=pltpu.CompilerParams(needs_layout_passes=False,
                                             use_tc_tiling_on_sc=False),
        scratch_types=[
            pltpu.VMEM((CHUNK,), jnp.int32),
            pltpu.VMEM((CHUNK,), jnp.int32),
            pltpu.VMEM((CHUNK,), jnp.int32),
            pltpu.VMEM((CHUNK,), jnp.int32),
            pltpu.VMEM((CLCAP,), jnp.int32),
            pltpu.VMEM((2 * BATCH,), jnp.int32),
            pltpu.VMEM((2 * BATCH,), jnp.int32),
            pltpu.VMEM((2 * BATCH, C // 2), jnp.int32),
            pltpu.VMEM((R + 1, C), jnp.bfloat16),
            pltpu.SemaphoreType.DMA,
            pltpu.SemaphoreType.DMA,
        ],
    )
    return kern(src, dst, q)



def _branch_edges(edge_index, d):
    ei = edge_index.reshape(2, N, KD)
    ei = ei[:, :, 0:K * d:d]
    return ei[0].reshape(-1), ei[1].reshape(-1)


def _combined_w(W, b, cin):
    wt, wb = W[:cin], W[cin:]
    wc = jnp.concatenate([wt - wb, wb], axis=1)
    bc = jnp.concatenate([b, jnp.zeros_like(b)])
    return wc, bc


def kernel(x, edge_index, W0b0, b0b0, W0b1, b0b1, W0f, b0f,
           W1b0, b1b0, W1b1, b1b1, W1f, b1f):
    params = [((W0b0, b0b0), (W0b1, b0b1), (W0f, b0f)),
              ((W1b0, b1b0), (W1b1, b1b1), (W1f, b1f))]
    per_branch = []
    for d, ((Wa, ba), (Wb, bb), _) in zip((1, 2), params):
        src, dst = _branch_edges(edge_index, d)
        wc0, bc0 = _combined_w(Wa, ba, C)
        p0, q0 = _pq_mm(x, wc0, bc0)
        q0p = lax.bitcast_convert_type(q0.reshape(N, C // 2, 2), jnp.int32)
        s0 = _segmax(q0p, src, dst)[:N]
        wc1, bc1 = _combined_w(Wb, bb, 2 * C)
        h0, p1, q1 = _h_and_mm(p0, s0, x, wc1, bc1)
        q1p = lax.bitcast_convert_type(q1.reshape(N, C // 2, 2), jnp.int32)
        s1 = _segmax(q1p, src, dst)[:N]
        per_branch.append((h0, p1, s1))
    (h00, p10, s10), (h01, p11, s11) = per_branch
    return _final(x, h00, p10, s10, h01, p11, s11,
                  params[0][2][0], params[0][2][1],
                  params[1][2][0], params[1][2][1])

# --- scband reference (transcript-rebuilt; emitter-appended) ---
"""Pipeline reference for scband-inception-dense-gcn-7378753815017 (READ-ONLY COPY).

The authoritative reference and input builder live on the scoring server;
editing this copy changes nothing except your own understanding.
"""

import jax, jax.numpy as jnp
import numpy as np

N = 10000
C = 128
K = 16
DILATIONS = (1, 2)
N_BLOCKS = 2
KD_TOTAL = K * max(DILATIONS)


def _leaky_relu(x):
    return jnp.where(x >= 0, x, 0.2 * x)


def _get_dilated_k_fast(edge_index, k, d):
    # edge_index: [2, N * KD_TOTAL], neighbors grouped contiguously per destination node.
    # Dilated selection: take every d-th neighbor among the first k*d -> k neighbors per node.
    ei = edge_index.reshape(2, N, KD_TOTAL)
    ei = ei[:, :, 0:k * d:d]
    return ei.reshape(2, -1)


def _edge_conv(x, ei, W, b):
    # EdgeConv: h_i = max_{j in N(i)} LeakyReLU(Linear([x_i, x_j - x_i]))
    src, dst = ei[0], ei[1]
    x_i = jnp.take(x, dst, axis=0)
    x_j = jnp.take(x, src, axis=0)
    m = _leaky_relu(jnp.concatenate([x_i, x_j - x_i], axis=-1) @ W + b)
    out = jax.ops.segment_max(m, dst, num_segments=N)
    return jnp.where(jnp.isfinite(out), out, 0.0)


def _dense_gcn(x, ei, blocks, fusion):
    # Densely connected GCN: each block concatenates its output (growth_rate=C) to the features,
    # final fusion linear maps C*(n_blocks+1) -> C (out_channels).
    feats = x
    for (W, b) in blocks:
        h = _edge_conv(feats, ei, W, b)
        feats = jnp.concatenate([feats, h], axis=-1)
    Wf, bf = fusion
    return feats @ Wf + bf


def setup_inputs(seed: int = 0):
    key = jax.random.key(seed)
    ks = jax.random.split(key, 16)
    x = jax.random.normal(ks[0], (N, C), dtype=jnp.float32)
    edge_index = jax.random.randint(ks[1], (2, N * KD_TOTAL), 0, N, dtype=jnp.int32)

    def lin(k, fan_in, fan_out):
        return (jax.random.normal(k, (fan_in, fan_out), dtype=jnp.float32) / np.sqrt(fan_in)).astype(jnp.float32)

    inp = {"x": x, "edge_index": edge_index}
    i = 2
    for br in range(len(DILATIONS)):
        for bl in range(N_BLOCKS):
            fan_in = 2 * C * (bl + 1)
            inp[f"W{br}b{bl}"] = lin(ks[i], fan_in, C); i += 1
            inp[f"b{br}b{bl}"] = jnp.zeros((C,), jnp.float32)
        inp[f"W{br}f"] = lin(ks[i], C * (N_BLOCKS + 1), C); i += 1
        inp[f"b{br}f"] = jnp.zeros((C,), jnp.float32)
    return inp


def reference(x, edge_index, W0b0, b0b0, W0b1, b0b1, W0f, b0f, W1b0, b1b0, W1b1, b1b1, W1f, b1f):
    branch_params = [
        ([(W0b0, b0b0), (W0b1, b0b1)], (W0f, b0f)),
        ([(W1b0, b1b0), (W1b1, b1b1)], (W1f, b1f)),
    ]
    res = None
    for d, (blocks, fusion) in zip(DILATIONS, branch_params):
        ei = _get_dilated_k_fast(edge_index, K, d)
        h = _dense_gcn(x, ei, blocks, fusion)
        res = h if res is None else jnp.maximum(res, h)
    # use_residual=True
    return res + x

if __name__ == "__main__":
    import jax
    _d = setup_inputs()
    print(jax.jit(kernel)(*tuple(_d.values())))

</pallas_src>

<mosaic_0001>
#map = affine_map<(d0, d1) -> (0)>
#map1 = affine_map<(d0, d1) -> (0, 0)>
module attributes {stable_mosaic.version = 14 : i64} {
  func.func @_segmax_body(%arg0: i32, %arg1: i32, %arg2: memref<160000xi32, #tpu.memory_space<hbm>>, %arg3: memref<160000xi32, #tpu.memory_space<hbm>>, %arg4: memref<10000x64xi32, #tpu.memory_space<hbm>>, %arg5: memref<10240x128xbf16, #tpu.memory_space<hbm>>, %arg6: memref<2000xi32, #tpu.memory_space<vmem>>, %arg7: memref<2000xi32, #tpu.memory_space<vmem>>, %arg8: memref<2000xi32, #tpu.memory_space<vmem>>, %arg9: memref<2000xi32, #tpu.memory_space<vmem>>, %arg10: memref<4112xi32, #tpu.memory_space<vmem>>, %arg11: memref<256xi32, #tpu.memory_space<vmem>>, %arg12: memref<256xi32, #tpu.memory_space<vmem>>, %arg13: memref<256x64xi32, #tpu.memory_space<vmem>>, %arg14: memref<321x128xbf16, #tpu.memory_space<vmem>>, %arg15: memref<!tpu.dma_semaphore, #tpu.memory_space<semaphore_mem>>, %arg16: memref<!tpu.dma_semaphore, #tpu.memory_space<semaphore_mem>>) attributes {dimension_semantics = [#tpu.dimension_semantics<core_parallel>, #tpu.dimension_semantics<subcore_parallel>], iteration_bounds = array<i64: 2, 16>, scalar_prefetch = 0 : i64, scratch_operands = 11 : i64, tpu.core_type = #tpu.core_type<sc_vector_subcore>, window_params = [{transform_indices = #map}, {transform_indices = #map}, {transform_indices = #map1}, {transform_indices = #map1}]} {
    %mul3A = arith.constant 2 : i32
    %mul3A_0 = arith.muli %arg1, %mul3A : i32
    %add3A = arith.addi %mul3A_0, %arg0 : i32
    %mul3A_1 = arith.constant 320 : i32
    %mul3A_2 = arith.muli %add3A, %mul3A_1 : i32
    %add3A_3 = arith.constant 320 : i32
    %add3A_4 = arith.addi %mul3A_2, %add3A_3 : i32
    %broadcast_in_dim3A = arith.constant -3.004060e+38 : bf16
    %broadcast_in_dim3A_5 = vector.broadcast %broadcast_in_dim3A : bf16 to vector<32xbf16>
    %scan3A = arith.constant 0 : i32
    %scan3A_6 = arith.constant 0 : i32
    %scan3A_7 = arith.constant 321 : i32
    %scan3A_8 = arith.addi %scan3A_6, %scan3A_7 : i32
    %scan3A_9 = arith.constant 1 : i32
    scf.for %scan3A_109 = %scan3A_6 to %scan3A_8 step %scan3A_9  : i32 {
      %swap3A = arith.index_cast %scan3A_109 : i32 to index
      %swap3A_110 = arith.constant 0 : index
      %swap3A_111 = tpu.vector_load %arg14[%swap3A, %swap3A_110] {strides = array<i32>} : memref<321x128xbf16, #tpu.memory_space<vmem>>, vector<32xbf16>,
      tpu.vector_store %arg14[%swap3A, %swap3A_110], %broadcast_in_dim3A_5 {strides = array<i32>} : memref<321x128xbf16, #tpu.memory_space<vmem>>, vector<32xbf16>,
      %swap3A_112 = arith.index_cast %scan3A_109 : i32 to index
      %swap3A_113 = arith.constant 32 : index
      %swap3A_114 = tpu.vector_load %arg14[%swap3A_112, %swap3A_113] {strides = array<i32>} : memref<321x128xbf16, #tpu.memory_space<vmem>>, vector<32xbf16>,
      tpu.vector_store %arg14[%swap3A_112, %swap3A_113], %broadcast_in_dim3A_5 {strides = array<i32>} : memref<321x128xbf16, #tpu.memory_space<vmem>>, vector<32xbf16>,
      %swap3A_115 = arith.index_cast %scan3A_109 : i32 to index
      %swap3A_116 = arith.constant 64 : index
      %swap3A_117 = tpu.vector_load %arg14[%swap3A_115, %swap3A_116] {strides = array<i32>} : memref<321x128xbf16, #tpu.memory_space<vmem>>, vector<32xbf16>,
      tpu.vector_store %arg14[%swap3A_115, %swap3A_116], %broadcast_in_dim3A_5 {strides = array<i32>} : memref<321x128xbf16, #tpu.memory_space<vmem>>, vector<32xbf16>,
      %swap3A_118 = arith.index_cast %scan3A_109 : i32 to index
      %swap3A_119 = arith.constant 96 : index
      %swap3A_120 = tpu.vector_load %arg14[%swap3A_118, %swap3A_119] {strides = array<i32>} : memref<321x128xbf16, #tpu.memory_space<vmem>>, vector<32xbf16>,
      tpu.vector_store %arg14[%swap3A_118, %swap3A_119], %broadcast_in_dim3A_5 {strides = array<i32>} : memref<321x128xbf16, #tpu.memory_space<vmem>>, vector<32xbf16>,
    }
    %scan3A_10 = arith.constant 321 : i32
    %iota3A = tpu.iota {dimensions = array<i32: 0>} : vector<16xi32>
    %dma_start3A = arith.constant 0 : i32
    %dma_start3A_11 = tpu.memref_slice %arg3[%dma_start3A] : memref<160000xi32, #tpu.memory_space<hbm>> -> memref<2000xi32, #tpu.memory_space<hbm>>
    %dma_start3A_12 = arith.constant 0 : i32
    %dma_start3A_13 = tpu.memref_slice %arg3[%dma_start3A_12] : memref<160000xi32, #tpu.memory_space<hbm>> -> memref<2000xi32, #tpu.memory_space<hbm>>
    tpu.enqueue_dma source(%dma_start3A_13 : memref<2000xi32, #tpu.memory_space<hbm>>) target(%arg6 : memref<2000xi32, #tpu.memory_space<vmem>>) target_semaphore(%arg15 : memref<!tpu.dma_semaphore, #tpu.memory_space<semaphore_mem>>)
    %dma_start3A_14 = arith.constant 0 : i32
    %dma_start3A_15 = tpu.memref_slice %arg2[%dma_start3A_14] : memref<160000xi32, #tpu.memory_space<hbm>> -> memref<2000xi32, #tpu.memory_space<hbm>>
    %dma_start3A_16 = arith.constant 0 : i32
    %dma_start3A_17 = tpu.memref_slice %arg2[%dma_start3A_16] : memref<160000xi32, #tpu.memory_space<hbm>> -> memref<2000xi32, #tpu.memory_space<hbm>>
    tpu.enqueue_dma source(%dma_start3A_17 : memref<2000xi32, #tpu.memory_space<hbm>>) target(%arg8 : memref<2000xi32, #tpu.memory_space<vmem>>) target_semaphore(%arg15 : memref<!tpu.dma_semaphore, #tpu.memory_space<semaphore_mem>>)
    %broadcast_in_dim3A_18 = arith.constant 0 : i32
    %broadcast_in_dim3A_19 = vector.broadcast %broadcast_in_dim3A_18 : i32 to vector<16xi32>
    %scan3A_20 = arith.constant 0 : i32
    %scan3A_21 = arith.constant 0 : i32
    %scan3A_22 = arith.constant 40 : i32
    %scan3A_23 = arith.addi %scan3A_21, %scan3A_22 : i32
    %scan3A_24 = arith.constant 1 : i32
    %scan3A_25:2 = scf.for %scan3A_109 = %scan3A_21 to %scan3A_23 step %scan3A_24 iter_args(%scan3A_110 = %broadcast_in_dim3A_19, %scan3A_111 = %scan3A_20) -> (vector<16xi32>, i32)  : i32 {
      %mul3A_112 = arith.constant 2 : i32
      %mul3A_113 = arith.muli %scan3A_109, %mul3A_112 : i32
      %add3A_114 = arith.constant 0 : i32
      %add3A_115 = arith.addi %mul3A_113, %add3A_114 : i32
      %add3A_116 = arith.constant 1 : i32
      %add3A_117 = arith.addi %add3A_115, %add3A_116 : i32
      %lt3A = arith.constant 80 : i32
      %lt3A_118 = arith.cmpi slt, %add3A_117, %lt3A : i32
      %convert_element_type3A_119 = arith.extui %lt3A_118 : i1 to i32
      %cond3A_120 = arith.constant 0 : i32
      %cond3A_121 = arith.cmpi ne, %convert_element_type3A_119, %cond3A_120 : i32
      scf.if %cond3A_121 {
        %add3A_214 = arith.constant 1 : i32
        %add3A_215 = arith.addi %add3A_115, %add3A_214 : i32
        %mul3A_216 = arith.constant 2000 : i32
        %mul3A_217 = arith.muli %add3A_215, %mul3A_216 : i32
        %dma_start3A_218 = tpu.memref_slice %arg3[%mul3A_217] : memref<160000xi32, #tpu.memory_space<hbm>> -> memref<2000xi32, #tpu.memory_space<hbm>>
        %dma_start3A_219 = tpu.memref_slice %arg3[%mul3A_217] : memref<160000xi32, #tpu.memory_space<hbm>> -> memref<2000xi32, #tpu.memory_space<hbm>>
        tpu.enqueue_dma source(%dma_start3A_219 : memref<2000xi32, #tpu.memory_space<hbm>>) target(%arg7 : memref<2000xi32, #tpu.memory_space<vmem>>) target_semaphore(%arg15 : memref<!tpu.dma_semaphore, #tpu.memory_space<semaphore_mem>>)
        %mul3A_220 = arith.constant 2000 : i32
        %mul3A_221 = arith.muli %add3A_215, %mul3A_220 : i32
        %dma_start3A_222 = tpu.memref_slice %arg2[%mul3A_221] : memref<160000xi32, #tpu.memory_space<hbm>> -> memref<2000xi32, #tpu.memory_space<hbm>>
        %dma_start3A_223 = tpu.memref_slice %arg2[%mul3A_221] : memref<160000xi32, #tpu.memory_space<hbm>> -> memref<2000xi32, #tpu.memory_space<hbm>>
        tpu.enqueue_dma source(%dma_start3A_223 : memref<2000xi32, #tpu.memory_space<hbm>>) target(%arg9 : memref<2000xi32, #tpu.memory_space<vmem>>) target_semaphore(%arg15 : memref<!tpu.dma_semaphore, #tpu.memory_space<semaphore_mem>>)
      } else {
      }
      %dma_wait3A = arith.constant 0 : i32
      %dma_wait3A_122 = tpu.memref_slice %arg3[%dma_wait3A] : memref<160000xi32, #tpu.memory_space<hbm>> -> memref<2000xi32, #tpu.memory_space<hbm>>
      %dma_wait3A_123 = arith.constant 0 : i32
      %dma_wait3A_124 = tpu.memref_slice %arg3[%dma_wait3A_123] : memref<160000xi32, #tpu.memory_space<hbm>> -> memref<2000xi32, #tpu.memory_space<hbm>>
      tpu.wait_dma2 semaphore(%arg15 : memref<!tpu.dma_semaphore, #tpu.memory_space<semaphore_mem>>) src(%dma_wait3A_124 : memref<2000xi32, #tpu.memory_space<hbm>>) dst(%arg6 : memref<2000xi32, #tpu.memory_space<vmem>>)
      %dma_wait3A_125 = arith.constant 0 : i32
      %dma_wait3A_126 = tpu.memref_slice %arg2[%dma_wait3A_125] : memref<160000xi32, #tpu.memory_space<hbm>> -> memref<2000xi32, #tpu.memory_space<hbm>>
      %dma_wait3A_127 = arith.constant 0 : i32
      %dma_wait3A_128 = tpu.memref_slice %arg2[%dma_wait3A_127] : memref<160000xi32, #tpu.memory_space<hbm>> -> memref<2000xi32, #tpu.memory_space<hbm>>
      tpu.wait_dma2 semaphore(%arg15 : memref<!tpu.dma_semaphore, #tpu.memory_space<semaphore_mem>>) src(%dma_wait3A_128 : memref<2000xi32, #tpu.memory_space<hbm>>) dst(%arg8 : memref<2000xi32, #tpu.memory_space<vmem>>)
      %scan3A_129 = arith.constant 0 : i32
      %scan3A_130 = arith.constant 125 : i32
      %scan3A_131 = arith.addi %scan3A_129, %scan3A_130 : i32
      %scan3A_132 = arith.constant 5 : i32
      %scan3A_133 = scf.for %scan3A_214 = %scan3A_129 to %scan3A_131 step %scan3A_132 iter_args(%scan3A_215 = %scan3A_110) -> (vector<16xi32>)  : i32 {
        %mul3A_216 = arith.constant 16 : i32
        %mul3A_217 = arith.muli %scan3A_214, %mul3A_216 : i32
        %get3A = arith.index_cast %mul3A_217 : i32 to index
        %get3A_218 = tpu.vector_load %arg6[%get3A] {strides = array<i32>} : memref<2000xi32, #tpu.memory_space<vmem>>, vector<16xi32>,
        %get3A_219 = arith.index_cast %mul3A_217 : i32 to index
        %get3A_220 = tpu.vector_load %arg8[%get3A_219] {strides = array<i32>} : memref<2000xi32, #tpu.memory_space<vmem>>, vector<16xi32>,
        %ge3A = vector.broadcast %mul3A_2 : i32 to vector<16xi32>
        %ge3A_221 = arith.cmpi sge, %get3A_218, %ge3A : vector<16xi32>
        %lt3A_222 = vector.broadcast %add3A_4 : i32 to vector<16xi32>
        %lt3A_223 = arith.cmpi slt, %get3A_218, %lt3A_222 : vector<16xi32>
        %and3A_224 = arith.andi %ge3A_221, %lt3A_223 : vector<16xi1>
        %convert_element_type3A_225 = arith.extui %and3A_224 : vector<16xi1> to vector<16xi32>
        %broadcast_in_dim3A_226 = arith.constant true
        %broadcast_in_dim3A_227 = vector.broadcast %broadcast_in_dim3A_226 : i1 to vector<16xi1>
        %masked_cumsum3A = tpu.scan <sum>, %convert_element_type3A_225 masked %broadcast_in_dim3A_227 : vector<16xi32>, vector<16xi1> -> vector<16xi32>
        %all_reduce_population_count3A = tpu.all_reduce %and3A_224 {dim = 0 : i64, kind = #tpu.reduction_kind<sum>} : vector<16xi1> -> vector<16xi32>
        %mul3A_228 = arith.constant 512 : i32
        %mul3A_229 = vector.broadcast %mul3A_228 : i32 to vector<16xi32>
        %mul3A_230 = arith.muli %get3A_220, %mul3A_229 : vector<16xi32>
        %sub3A_231 = vector.broadcast %mul3A_2 : i32 to vector<16xi32>
        %sub3A_232 = arith.subi %get3A_218, %sub3A_231 : vector<16xi32>
        %add3A_233 = arith.addi %mul3A_230, %sub3A_232 : vector<16xi32>
        %add3A_234 = arith.addi %scan3A_215, %masked_cumsum3A : vector<16xi32>
        %sub3A_235 = arith.constant 1 : i32
        %sub3A_236 = vector.broadcast %sub3A_235 : i32 to vector<16xi32>
        %sub3A_237 = arith.subi %add3A_234, %sub3A_236 : vector<16xi32>
        %and3A_238 = arith.constant 4095 : i32
        %and3A_239 = vector.broadcast %and3A_238 : i32 to vector<16xi32>
        %and3A_240 = arith.andi %sub3A_237, %and3A_239 : vector<16xi32>
        %jit3A_241 = arith.constant 4096 : i32
        %broadcast_in_dim3A_242 = vector.broadcast %jit3A_241 : i32 to vector<16xi32>
        %select_n3A_243 = arith.select %and3A_224, %and3A_240, %broadcast_in_dim3A_242 : vector<16xi1>, vector<16xi32>
        tpu.vector_store_idx %arg10[%select_n3A_243], %add3A_233 : memref<4112xi32, #tpu.memory_space<vmem>>[vector<16xi32>], vector<16xi32>,
        %add3A_244 = arith.addi %scan3A_215, %all_reduce_population_count3A : vector<16xi32>
        %scan3A_245 = arith.constant 1 : i32
        %scan3A_246 = arith.addi %scan3A_214, %scan3A_245 : i32
        %mul3A_247 = arith.constant 16 : i32
        %mul3A_248 = arith.muli %scan3A_246, %mul3A_247 : i32
        %get3A_249 = arith.index_cast %mul3A_248 : i32 to index
        %get3A_250 = tpu.vector_load %arg6[%get3A_249] {strides = array<i32>} : memref<2000xi32, #tpu.memory_space<vmem>>, vector<16xi32>,
        %get3A_251 = arith.index_cast %mul3A_248 : i32 to index
        %get3A_252 = tpu.vector_load %arg8[%get3A_251] {strides = array<i32>} : memref<2000xi32, #tpu.memory_space<vmem>>, vector<16xi32>,
        %ge3A_253 = vector.broadcast %mul3A_2 : i32 to vector<16xi32>
        %ge3A_254 = arith.cmpi sge, %get3A_250, %ge3A_253 : vector<16xi32>
        %lt3A_255 = vector.broadcast %add3A_4 : i32 to vector<16xi32>
        %lt3A_256 = arith.cmpi slt, %get3A_250, %lt3A_255 : vector<16xi32>
        %and3A_257 = arith.andi %ge3A_254, %lt3A_256 : vector<16xi1>
        %convert_element_type3A_258 = arith.extui %and3A_257 : vector<16xi1> to vector<16xi32>
        %broadcast_in_dim3A_259 = arith.constant true
        %broadcast_in_dim3A_260 = vector.broadcast %broadcast_in_dim3A_259 : i1 to vector<16xi1>
        %masked_cumsum3A_261 = tpu.scan <sum>, %convert_element_type3A_258 masked %broadcast_in_dim3A_260 : vector<16xi32>, vector<16xi1> -> vector<16xi32>
        %all_reduce_population_count3A_262 = tpu.all_reduce %and3A_257 {dim = 0 : i64, kind = #tpu.reduction_kind<sum>} : vector<16xi1> -> vector<16xi32>
        %mul3A_263 = arith.constant 512 : i32
        %mul3A_264 = vector.broadcast %mul3A_263 : i32 to vector<16xi32>
        %mul3A_265 = arith.muli %get3A_252, %mul3A_264 : vector<16xi32>
        %sub3A_266 = vector.broadcast %mul3A_2 : i32 to vector<16xi32>
        %sub3A_267 = arith.subi %get3A_250, %sub3A_266 : vector<16xi32>
        %add3A_268 = arith.addi %mul3A_265, %sub3A_267 : vector<16xi32>
        %add3A_269 = arith.addi %add3A_244, %masked_cumsum3A_261 : vector<16xi32>
        %sub3A_270 = arith.constant 1 : i32
        %sub3A_271 = vector.broadcast %sub3A_270 : i32 to vector<16xi32>
        %sub3A_272 = arith.subi %add3A_269, %sub3A_271 : vector<16xi32>
        %and3A_273 = arith.constant 4095 : i32
        %and3A_274 = vector.broadcast %and3A_273 : i32 to vector<16xi32>
        %and3A_275 = arith.andi %sub3A_272, %and3A_274 : vector<16xi32>
        %jit3A_276 = arith.constant 4096 : i32
        %broadcast_in_dim3A_277 = vector.broadcast %jit3A_276 : i32 to vector<16xi32>
        %select_n3A_278 = arith.select %and3A_257, %and3A_275, %broadcast_in_dim3A_277 : vector<16xi1>, vector<16xi32>
        tpu.vector_store_idx %arg10[%select_n3A_278], %add3A_268 : memref<4112xi32, #tpu.memory_space<vmem>>[vector<16xi32>], vector<16xi32>,
        %add3A_279 = arith.addi %add3A_244, %all_reduce_population_count3A_262 : vector<16xi32>
        %scan3A_280 = arith.constant 2 : i32
        %scan3A_281 = arith.addi %scan3A_214, %scan3A_280 : i32
        %mul3A_282 = arith.constant 16 : i32
        %mul3A_283 = arith.muli %scan3A_281, %mul3A_282 : i32
        %get3A_284 = arith.index_cast %mul3A_283 : i32 to index
        %get3A_285 = tpu.vector_load %arg6[%get3A_284] {strides = array<i32>} : memref<2000xi32, #tpu.memory_space<vmem>>, vector<16xi32>,
        %get3A_286 = arith.index_cast %mul3A_283 : i32 to index
        %get3A_287 = tpu.vector_load %arg8[%get3A_286] {strides = array<i32>} : memref<2000xi32, #tpu.memory_space<vmem>>, vector<16xi32>,
        %ge3A_288 = vector.broadcast %mul3A_2 : i32 to vector<16xi32>
        %ge3A_289 = arith.cmpi sge, %get3A_285, %ge3A_288 : vector<16xi32>
        %lt3A_290 = vector.broadcast %add3A_4 : i32 to vector<16xi32>
        %lt3A_291 = arith.cmpi slt, %get3A_285, %lt3A_290 : vector<16xi32>
        %and3A_292 = arith.andi %ge3A_289, %lt3A_291 : vector<16xi1>
        %convert_element_type3A_293 = arith.extui %and3A_292 : vector<16xi1> to vector<16xi32>
        %broadcast_in_dim3A_294 = arith.constant true
        %broadcast_in_dim3A_295 = vector.broadcast %broadcast_in_dim3A_294 : i1 to vector<16xi1>
        %masked_cumsum3A_296 = tpu.scan <sum>, %convert_element_type3A_293 masked %broadcast_in_dim3A_295 : vector<16xi32>, vector<16xi1> -> vector<16xi32>
        %all_reduce_population_count3A_297 = tpu.all_reduce %and3A_292 {dim = 0 : i64, kind = #tpu.reduction_kind<sum>} : vector<16xi1> -> vector<16xi32>
        %mul3A_298 = arith.constant 512 : i32
        %mul3A_299 = vector.broadcast %mul3A_298 : i32 to vector<16xi32>
        %mul3A_300 = arith.muli %get3A_287, %mul3A_299 : vector<16xi32>
        %sub3A_301 = vector.broadcast %mul3A_2 : i32 to vector<16xi32>
        %sub3A_302 = arith.subi %get3A_285, %sub3A_301 : vector<16xi32>
        %add3A_303 = arith.addi %mul3A_300, %sub3A_302 : vector<16xi32>
        %add3A_304 = arith.addi %add3A_279, %masked_cumsum3A_296 : vector<16xi32>
        %sub3A_305 = arith.constant 1 : i32
        %sub3A_306 = vector.broadcast %sub3A_305 : i32 to vector<16xi32>
        %sub3A_307 = arith.subi %add3A_304, %sub3A_306 : vector<16xi32>
        %and3A_308 = arith.constant 4095 : i32
        %and3A_309 = vector.broadcast %and3A_308 : i32 to vector<16xi32>
        %and3A_310 = arith.andi %sub3A_307, %and3A_309 : vector<16xi32>
        %jit3A_311 = arith.constant 4096 : i32
        %broadcast_in_dim3A_312 = vector.broadcast %jit3A_311 : i32 to vector<16xi32>
        %select_n3A_313 = arith.select %and3A_292, %and3A_310, %broadcast_in_dim3A_312 : vector<16xi1>, vector<16xi32>
        tpu.vector_store_idx %arg10[%select_n3A_313], %add3A_303 : memref<4112xi32, #tpu.memory_space<vmem>>[vector<16xi32>], vector<16xi32>,
        %add3A_314 = arith.addi %add3A_279, %all_reduce_population_count3A_297 : vector<16xi32>
        %scan3A_315 = arith.constant 3 : i32
        %scan3A_316 = arith.addi %scan3A_214, %scan3A_315 : i32
        %mul3A_317 = arith.constant 16 : i32
        %mul3A_318 = arith.muli %scan3A_316, %mul3A_317 : i32
        %get3A_319 = arith.index_cast %mul3A_318 : i32 to index
        %get3A_320 = tpu.vector_load %arg6[%get3A_319] {strides = array<i32>} : memref<2000xi32, #tpu.memory_space<vmem>>, vector<16xi32>,
        %get3A_321 = arith.index_cast %mul3A_318 : i32 to index
        %get3A_322 = tpu.vector_load %arg8[%get3A_321] {strides = array<i32>} : memref<2000xi32, #tpu.memory_space<vmem>>, vector<16xi32>,
        %ge3A_323 = vector.broadcast %mul3A_2 : i32 to vector<16xi32>
        %ge3A_324 = arith.cmpi sge, %get3A_320, %ge3A_323 : vector<16xi32>
        %lt3A_325 = vector.broadcast %add3A_4 : i32 to vector<16xi32>
        %lt3A_326 = arith.cmpi slt, %get3A_320, %lt3A_325 : vector<16xi32>
        %and3A_327 = arith.andi %ge3A_324, %lt3A_326 : vector<16xi1>
        %convert_element_type3A_328 = arith.extui %and3A_327 : vector<16xi1> to vector<16xi32>
        %broadcast_in_dim3A_329 = arith.constant true
        %broadcast_in_dim3A_330 = vector.broadcast %broadcast_in_dim3A_329 : i1 to vector<16xi1>
        %masked_cumsum3A_331 = tpu.scan <sum>, %convert_element_type3A_328 masked %broadcast_in_dim3A_330 : vector<16xi32>, vector<16xi1> -> vector<16xi32>
        %all_reduce_population_count3A_332 = tpu.all_reduce %and3A_327 {dim = 0 : i64, kind = #tpu.reduction_kind<sum>} : vector<16xi1> -> vector<16xi32>
        %mul3A_333 = arith.constant 512 : i32
        %mul3A_334 = vector.broadcast %mul3A_333 : i32 to vector<16xi32>
        %mul3A_335 = arith.muli %get3A_322, %mul3A_334 : vector<16xi32>
        %sub3A_336 = vector.broadcast %mul3A_2 : i32 to vector<16xi32>
        %sub3A_337 = arith.subi %get3A_320, %sub3A_336 : vector<16xi32>
        %add3A_338 = arith.addi %mul3A_335, %sub3A_337 : vector<16xi32>
        %add3A_339 = arith.addi %add3A_314, %masked_cumsum3A_331 : vector<16xi32>
        %sub3A_340 = arith.constant 1 : i32
        %sub3A_341 = vector.broadcast %sub3A_340 : i32 to vector<16xi32>
        %sub3A_342 = arith.subi %add3A_339, %sub3A_341 : vector<16xi32>
        %and3A_343 = arith.constant 4095 : i32
        %and3A_344 = vector.broadcast %and3A_343 : i32 to vector<16xi32>
        %and3A_345 = arith.andi %sub3A_342, %and3A_344 : vector<16xi32>
        %jit3A_346 = arith.constant 4096 : i32
        %broadcast_in_dim3A_347 = vector.broadcast %jit3A_346 : i32 to vector<16xi32>
        %select_n3A_348 = arith.select %and3A_327, %and3A_345, %broadcast_in_dim3A_347 : vector<16xi1>, vector<16xi32>
        tpu.vector_store_idx %arg10[%select_n3A_348], %add3A_338 : memref<4112xi32, #tpu.memory_space<vmem>>[vector<16xi32>], vector<16xi32>,
        %add3A_349 = arith.addi %add3A_314, %all_reduce_population_count3A_332 : vector<16xi32>
        %scan3A_350 = arith.constant 4 : i32
        %scan3A_351 = arith.addi %scan3A_214, %scan3A_350 : i32
        %mul3A_352 = arith.constant 16 : i32
        %mul3A_353 = arith.muli %scan3A_351, %mul3A_352 : i32
        %get3A_354 = arith.index_cast %mul3A_353 : i32 to index
        %get3A_355 = tpu.vector_load %arg6[%get3A_354] {strides = array<i32>} : memref<2000xi32, #tpu.memory_space<vmem>>, vector<16xi32>,
        %get3A_356 = arith.index_cast %mul3A_353 : i32 to index
        %get3A_357 = tpu.vector_load %arg8[%get3A_356] {strides = array<i32>} : memref<2000xi32, #tpu.memory_space<vmem>>, vector<16xi32>,
        %ge3A_358 = vector.broadcast %mul3A_2 : i32 to vector<16xi32>
        %ge3A_359 = arith.cmpi sge, %get3A_355, %ge3A_358 : vector<16xi32>
        %lt3A_360 = vector.broadcast %add3A_4 : i32 to vector<16xi32>
        %lt3A_361 = arith.cmpi slt, %get3A_355, %lt3A_360 : vector<16xi32>
        %and3A_362 = arith.andi %ge3A_359, %lt3A_361 : vector<16xi1>
        %convert_element_type3A_363 = arith.extui %and3A_362 : vector<16xi1> to vector<16xi32>
        %broadcast_in_dim3A_364 = arith.constant true
        %broadcast_in_dim3A_365 = vector.broadcast %broadcast_in_dim3A_364 : i1 to vector<16xi1>
        %masked_cumsum3A_366 = tpu.scan <sum>, %convert_element_type3A_363 masked %broadcast_in_dim3A_365 : vector<16xi32>, vector<16xi1> -> vector<16xi32>
        %all_reduce_population_count3A_367 = tpu.all_reduce %and3A_362 {dim = 0 : i64, kind = #tpu.reduction_kind<sum>} : vector<16xi1> -> vector<16xi32>
        %mul3A_368 = arith.constant 512 : i32
        %mul3A_369 = vector.broadcast %mul3A_368 : i32 to vector<16xi32>
        %mul3A_370 = arith.muli %get3A_357, %mul3A_369 : vector<16xi32>
        %sub3A_371 = vector.broadcast %mul3A_2 : i32 to vector<16xi32>
        %sub3A_372 = arith.subi %get3A_355, %sub3A_371 : vector<16xi32>
        %add3A_373 = arith.addi %mul3A_370, %sub3A_372 : vector<16xi32>
        %add3A_374 = arith.addi %add3A_349, %masked_cumsum3A_366 : vector<16xi32>
        %sub3A_375 = arith.constant 1 : i32
        %sub3A_376 = vector.broadcast %sub3A_375 : i32 to vector<16xi32>
        %sub3A_377 = arith.subi %add3A_374, %sub3A_376 : vector<16xi32>
        %and3A_378 = arith.constant 4095 : i32
        %and3A_379 = vector.broadcast %and3A_378 : i32 to vector<16xi32>
        %and3A_380 = arith.andi %sub3A_377, %and3A_379 : vector<16xi32>
        %jit3A_381 = arith.constant 4096 : i32
        %broadcast_in_dim3A_382 = vector.broadcast %jit3A_381 : i32 to vector<16xi32>
        %select_n3A_383 = arith.select %and3A_362, %and3A_380, %broadcast_in_dim3A_382 : vector<16xi1>, vector<16xi32>
        tpu.vector_store_idx %arg10[%select_n3A_383], %add3A_373 : memref<4112xi32, #tpu.memory_space<vmem>>[vector<16xi32>], vector<16xi32>,
        %add3A_384 = arith.addi %add3A_349, %all_reduce_population_count3A_367 : vector<16xi32>
        scf.yield %add3A_384 : vector<16xi32>
      }
      %scan3A_134 = arith.constant 125 : i32
      %slice3A_135 = vector.extract_strided_slice %scan3A_133 {offsets = [0], sizes = [1], strides = [1]} : vector<16xi32> to vector<1xi32>
      %squeeze3A_136 = vector.extract %slice3A_135[0] : i32 from vector<1xi32>
      %jit3A_137 = arith.constant 128 : i32
      %div3A_138 = arith.divsi %squeeze3A_136, %jit3A_137 : i32
      %sign3A_139 = arith.constant 0 : i32
      %sign3A_140 = arith.cmpi sgt, %squeeze3A_136, %sign3A_139 : i32
      %sign3A_141 = arith.extui %sign3A_140 : i1 to i32
      %sign3A_142 = arith.constant 0 : i32
      %sign3A_143 = arith.cmpi slt, %squeeze3A_136, %sign3A_142 : i32
      %sign3A_144 = arith.extui %sign3A_143 : i1 to i32
      %sign3A_145 = arith.subi %sign3A_141, %sign3A_144 : i32
      %sign3A_146 = arith.constant 0 : i32
      %sign3A_147 = arith.cmpi sgt, %jit3A_137, %sign3A_146 : i32
      %sign3A_148 = arith.extui %sign3A_147 : i1 to i32
      %sign3A_149 = arith.constant 0 : i32
      %sign3A_150 = arith.cmpi slt, %jit3A_137, %sign3A_149 : i32
      %sign3A_151 = arith.extui %sign3A_150 : i1 to i32
      %sign3A_152 = arith.subi %sign3A_148, %sign3A_151 : i32
      %ne3A_153 = arith.cmpi ne, %sign3A_145, %sign3A_152 : i32
      %rem3A_154 = arith.remsi %squeeze3A_136, %jit3A_137 : i32
      %ne3A_155 = arith.constant 0 : i32
      %ne3A_156 = arith.cmpi ne, %rem3A_154, %ne3A_155 : i32
      %and3A_157 = arith.andi %ne3A_153, %ne3A_156 : i1
      %sub3A_158 = arith.constant 1 : i32
      %sub3A_159 = arith.subi %div3A_138, %sub3A_158 : i32
      %select_n3A_160 = arith.select %and3A_157, %sub3A_159, %div3A_138 : i32
      %while3A_161 = scf.while (%while3A_214 = %scan3A_111) : (i32) -> i32 {
        %lt3A_215 = arith.cmpi slt, %while3A_214, %select_n3A_160 : i32
        scf.condition(%lt3A_215) %while3A_214 : i32
      } do {
      ^bb0(%while3A_214: i32):
        %gt3A_215 = arith.constant 0 : i32
        %gt3A_216 = arith.cmpi sgt, %while3A_214, %gt3A_215 : i32
        %convert_element_type3A_217 = arith.extui %gt3A_216 : i1 to i32
        %cond3A_218 = arith.constant 0 : i32
        %cond3A_219 = arith.cmpi ne, %convert_element_type3A_217, %cond3A_218 : i32
        scf.if %cond3A_219 {
          %sub3A_404 = arith.constant 1 : i32
          %sub3A_405 = arith.subi %while3A_214, %sub3A_404 : i32
          %jit3A_406 = arith.constant 2 : i32
          %eq3A_407 = arith.constant 0 : i32
          %eq3A_408 = arith.cmpi eq, %jit3A_406, %eq3A_407 : i32
          %jit3A_409 = arith.constant 1 : i32
          %select_n3A_410 = arith.select %eq3A_408, %jit3A_409, %jit3A_406 : i32
          %rem3A_411 = arith.remsi %sub3A_405, %select_n3A_410 : i32
          %ne3A_412 = arith.constant 0 : i32
          %ne3A_413 = arith.cmpi ne, %rem3A_411, %ne3A_412 : i32
          %lt3A_414 = arith.constant 0 : i32
          %lt3A_415 = arith.cmpi slt, %rem3A_411, %lt3A_414 : i32
          %lt3A_416 = arith.constant 0 : i32
          %lt3A_417 = arith.cmpi slt, %select_n3A_410, %lt3A_416 : i32
          %ne3A_418 = arith.xori %lt3A_415, %lt3A_417 : i1
          %and3A_419 = arith.andi %ne3A_418, %ne3A_413 : i1
          %add3A_420 = arith.addi %rem3A_411, %select_n3A_410 : i32
          %select_n3A_421 = arith.select %and3A_419, %add3A_420, %rem3A_411 : i32
          %mul3A_422 = arith.constant 128 : i32
          %mul3A_423 = arith.muli %select_n3A_421, %mul3A_422 : i32
          %dma_wait3A_424 = arith.constant 0 : i32
          %dma_wait3A_425 = tpu.memref_slice %arg13[%mul3A_423, %dma_wait3A_424] : memref<256x64xi32, #tpu.memory_space<vmem>> -> memref<128x64xi32, #tpu.memory_space<vmem>>
          %dma_wait3A_426 = tpu.memref_slice %arg11[%mul3A_423] : memref<256xi32, #tpu.memory_space<vmem>> -> memref<128xi32, #tpu.memory_space<vmem>>
          %dma_wait3A_427 = arith.constant 0 : i32
          %dma_wait3A_428 = arith.constant 0 : i32
          %dma_wait3A_429 = tpu.memref_slice %arg4[%dma_wait3A_427, %dma_wait3A_428] : memref<10000x64xi32, #tpu.memory_space<hbm>> -> memref<10000x64xi32, #tpu.memory_space<hbm>>
          tpu.wait_indirect_dma semaphore(%arg16 : memref<!tpu.dma_semaphore, #tpu.memory_space<semaphore_mem>>) src(%dma_wait3A_429 : memref<10000x64xi32, #tpu.memory_space<hbm>>) dst(%dma_wait3A_425 : memref<128x64xi32, #tpu.memory_space<vmem>>)
          %scan3A_430 = arith.constant 0 : i32
          %scan3A_431 = arith.constant 0 : i32
          %scan3A_432 = arith.constant 8 : i32
          %scan3A_433 = arith.addi %scan3A_431, %scan3A_432 : i32
          %scan3A_434 = arith.constant 1 : i32
          scf.for %scan3A_436 = %scan3A_431 to %scan3A_433 step %scan3A_434  : i32 {
            %mul3A_437 = arith.constant 16 : i32
            %mul3A_438 = arith.muli %scan3A_436, %mul3A_437 : i32
            %add3A_439 = arith.addi %mul3A_423, %mul3A_438 : i32
            %get3A_440 = arith.index_cast %add3A_439 : i32 to index
            %get3A_441 = tpu.vector_load %arg12[%get3A_440] {strides = array<i32>} : memref<256xi32, #tpu.memory_space<vmem>>, vector<16xi32>,
            %slice3A_442 = vector.extract_strided_slice %get3A_441 {offsets = [0], sizes = [1], strides = [1]} : vector<16xi32> to vector<1xi32>
            %squeeze3A_443 = vector.extract %slice3A_442[0] : i32 from vector<1xi32>
            %mul3A_444 = arith.constant 16 : i32
            %mul3A_445 = arith.muli %scan3A_436, %mul3A_444 : i32
            %add3A_446 = arith.addi %mul3A_423, %mul3A_445 : i32
            %add3A_447 = arith.constant 0 : i32
            %add3A_448 = arith.addi %add3A_446, %add3A_447 : i32
            %get3A_449 = arith.index_cast %add3A_448 : i32 to index
            %get3A_450 = arith.constant 0 : index
            %get3A_451 = tpu.vector_load %arg13[%get3A_449, %get3A_450] {strides = array<i32>} : memref<256x64xi32, #tpu.memory_space<vmem>>, vector<16xi32>,
            %bitcast3A = vector.bitcast %get3A_451 : vector<16xi32> to vector<32xbf16>
            %get3A_452 = arith.index_cast %add3A_448 : i32 to index
            %get3A_453 = arith.constant 16 : index
            %get3A_454 = tpu.vector_load %arg13[%get3A_452, %get3A_453] {strides = array<i32>} : memref<256x64xi32, #tpu.memory_space<vmem>>, vector<16xi32>,
            %bitcast3A_455 = vector.bitcast %get3A_454 : vector<16xi32> to vector<32xbf16>
            %get3A_456 = arith.index_cast %add3A_448 : i32 to index
            %get3A_457 = arith.constant 32 : index
            %get3A_458 = tpu.vector_load %arg13[%get3A_456, %get3A_457] {strides = array<i32>} : memref<256x64xi32, #tpu.memory_space<vmem>>, vector<16xi32>,
            %bitcast3A_459 = vector.bitcast %get3A_458 : vector<16xi32> to vector<32xbf16>
            %get3A_460 = arith.index_cast %add3A_448 : i32 to index
            %get3A_461 = arith.constant 48 : index
            %get3A_462 = tpu.vector_load %arg13[%get3A_460, %get3A_461] {strides = array<i32>} : memref<256x64xi32, #tpu.memory_space<vmem>>, vector<16xi32>,
            %bitcast3A_463 = vector.bitcast %get3A_462 : vector<16xi32> to vector<32xbf16>
            %get3A_464 = arith.index_cast %squeeze3A_443 : i32 to index
            %get3A_465 = arith.constant 0 : index
            %get3A_466 = tpu.vector_load %arg14[%get3A_464, %get3A_465] {strides = array<i32>} : memref<321x128xbf16, #tpu.memory_space<vmem>>, vector<32xbf16>,
            %get3A_467 = arith.index_cast %squeeze3A_443 : i32 to index
            %get3A_468 = arith.constant 32 : index
            %get3A_469 = tpu.vector_load %arg14[%get3A_467, %get3A_468] {strides = array<i32>} : memref<321x128xbf16, #tpu.memory_space<vmem>>, vector<32xbf16>,
            %get3A_470 = arith.index_cast %squeeze3A_443 : i32 to index
            %get3A_471 = arith.constant 64 : index
            %get3A_472 = tpu.vector_load %arg14[%get3A_470, %get3A_471] {strides = array<i32>} : memref<321x128xbf16, #tpu.memory_space<vmem>>, vector<32xbf16>,
            %get3A_473 = arith.index_cast %squeeze3A_443 : i32 to index
            %get3A_474 = arith.constant 96 : index
            %get3A_475 = tpu.vector_load %arg14[%get3A_473, %get3A_474] {strides = array<i32>} : memref<321x128xbf16, #tpu.memory_space<vmem>>, vector<32xbf16>,
            %max3A = arith.maximumf %get3A_466, %bitcast3A : vector<32xbf16>
            %swap3A_476 = arith.index_cast %squeeze3A_443 : i32 to index
            %swap3A_477 = arith.constant 0 : index
            %swap3A_478 = tpu.vector_load %arg14[%swap3A_476, %swap3A_477] {strides = array<i32>} : memref<321x128xbf16, #tpu.memory_space<vmem>>, vector<32xbf16>,
            tpu.vector_store %arg14[%swap3A_476, %swap3A_477], %max3A {strides = array<i32>} : memref<321x128xbf16, #tpu.memory_space<vmem>>, vector<32xbf16>,
            %max3A_479 = arith.maximumf %get3A_469, %bitcast3A_455 : vector<32xbf16>
            %swap3A_480 = arith.index_cast %squeeze3A_443 : i32 to index
            %swap3A_481 = arith.constant 32 : index
            %swap3A_482 = tpu.vector_load %arg14[%swap3A_480, %swap3A_481] {strides = array<i32>} : memref<321x128xbf16, #tpu.memory_space<vmem>>, vector<32xbf16>,
            tpu.vector_store %arg14[%swap3A_480, %swap3A_481], %max3A_479 {strides = array<i32>} : memref<321x128xbf16, #tpu.memory_space<vmem>>, vector<32xbf16>,
            %max3A_483 = arith.maximumf %get3A_472, %bitcast3A_459 : vector<32xbf16>
            %swap3A_484 = arith.index_cast %squeeze3A_443 : i32 to index
            %swap3A_485 = arith.constant 64 : index
            %swap3A_486 = tpu.vector_load %arg14[%swap3A_484, %swap3A_485] {strides = array<i32>} : memref<321x128xbf16, #tpu.memory_space<vmem>>, vector<32xbf16>,
            tpu.vector_store %arg14[%swap3A_484, %swap3A_485], %max3A_483 {strides = array<i32>} : memref<321x128xbf16, #tpu.memory_space<vmem>>, vector<32xbf16>,
            %max3A_487 = arith.maximumf %get3A_475, %bitcast3A_463 : vector<32xbf16>
            %swap3A_488 = arith.index_cast %squeeze3A_443 : i32 to index
            %swap3A_489 = arith.constant 96 : index
            %swap3A_490 = tpu.vector_load %arg14[%swap3A_488, %swap3A_489] {strides = array<i32>} : memref<321x128xbf16, #tpu.memory_space<vmem>>, vector<32xbf16>,
            tpu.vector_store %arg14[%swap3A_488, %swap3A_489], %max3A_487 {strides = array<i32>} : memref<321x128xbf16, #tpu.memory_space<vmem>>, vector<32xbf16>,
            %slice3A_491 = vector.extract_strided_slice %get3A_441 {offsets = [1], sizes = [1], strides = [1]} : vector<16xi32> to vector<1xi32>
            %squeeze3A_492 = vector.extract %slice3A_491[0] : i32 from vector<1xi32>
            %mul3A_493 = arith.constant 16 : i32
            %mul3A_494 = arith.muli %scan3A_436, %mul3A_493 : i32
            %add3A_495 = arith.addi %mul3A_423, %mul3A_494 : i32
            %add3A_496 = arith.constant 1 : i32
            %add3A_497 = arith.addi %add3A_495, %add3A_496 : i32
            %get3A_498 = arith.index_cast %add3A_497 : i32 to index
            %get3A_499 = arith.constant 0 : index
            %get3A_500 = tpu.vector_load %arg13[%get3A_498, %get3A_499] {strides = array<i32>} : memref<256x64xi32, #tpu.memory_space<vmem>>, vector<16xi32>,
            %bitcast3A_501 = vector.bitcast %get3A_500 : vector<16xi32> to vector<32xbf16>
            %get3A_502 = arith.index_cast %add3A_497 : i32 to index
            %get3A_503 = arith.constant 16 : index
            %get3A_504 = tpu.vector_load %arg13[%get3A_502, %get3A_503] {strides = array<i32>} : memref<256x64xi32, #tpu.memory_space<vmem>>, vector<16xi32>,
            %bitcast3A_505 = vector.bitcast %get3A_504 : vector<16xi32> to vector<32xbf16>
            %get3A_506 = arith.index_cast %add3A_497 : i32 to index
            %get3A_507 = arith.constant 32 : index
            %get3A_508 = tpu.vector_load %arg13[%get3A_506, %get3A_507] {strides = array<i32>} : memref<256x64xi32, #tpu.memory_space<vmem>>, vector<16xi32>,
            %bitcast3A_509 = vector.bitcast %get3A_508 : vector<16xi32> to vector<32xbf16>
            %get3A_510 = arith.index_cast %add3A_497 : i32 to index
            %get3A_511 = arith.constant 48 : index
            %get3A_512 = tpu.vector_load %arg13[%get3A_510, %get3A_511] {strides = array<i32>} : memref<256x64xi32, #tpu.memory_space<vmem>>, vector<16xi32>,
            %bitcast3A_513 = vector.bitcast %get3A_512 : vector<16xi32> to vector<32xbf16>
            %get3A_514 = arith.index_cast %squeeze3A_492 : i32 to index
            %get3A_515 = arith.constant 0 : index
            %get3A_516 = tpu.vector_load %arg14[%get3A_514, %get3A_515] {strides = array<i32>} : memref<321x128xbf16, #tpu.memory_space<vmem>>, vector<32xbf16>,
            %get3A_517 = arith.index_cast %squeeze3A_492 : i32 to index
            %get3A_518 = arith.constant 32 : index
            %get3A_519 = tpu.vector_load %arg14[%get3A_517, %get3A_518] {strides = array<i32>} : memref<321x128xbf16, #tpu.memory_space<vmem>>, vector<32xbf16>,
            %get3A_520 = arith.index_cast %squeeze3A_492 : i32 to index
            %get3A_521 = arith.constant 64 : index
            %get3A_522 = tpu.vector_load %arg14[%get3A_520, %get3A_521] {strides = array<i32>} : memref<321x128xbf16, #tpu.memory_space<vmem>>, vector<32xbf16>,
            %get3A_523 = arith.index_cast %squeeze3A_492 : i32 to index
            %get3A_524 = arith.constant 96 : index
            %get3A_525 = tpu.vector_load %arg14[%get3A_523, %get3A_524] {strides = array<i32>} : memref<321x128xbf16, #tpu.memory_space<vmem>>, vector<32xbf16>,
            %max3A_526 = arith.maximumf %get3A_516, %bitcast3A_501 : vector<32xbf16>
            %swap3A_527 = arith.index_cast %squeeze3A_492 : i32 to index
            %swap3A_528 = arith.constant 0 : index
            %swap3A_529 = tpu.vector_load %arg14[%swap3A_527, %swap3A_528] {strides = array<i32>} : memref<321x128xbf16, #tpu.memory_space<vmem>>, vector<32xbf16>,
            tpu.vector_store %arg14[%swap3A_527, %swap3A_528], %max3A_526 {strides = array<i32>} : memref<321x128xbf16, #tpu.memory_space<vmem>>, vector<32xbf16>,
            %max3A_530 = arith.maximumf %get3A_519, %bitcast3A_505 : vector<32xbf16>
            %swap3A_531 = arith.index_cast %squeeze3A_492 : i32 to index
            %swap3A_532 = arith.constant 32 : index
            %swap3A_533 = tpu.vector_load %arg14[%swap3A_531, %swap3A_532] {strides = array<i32>} : memref<321x128xbf16, #tpu.memory_space<vmem>>, vector<32xbf16>,
            tpu.vector_store %arg14[%swap3A_531, %swap3A_532], %max3A_530 {strides = array<i32>} : memref<321x128xbf16, #tpu.memory_space<vmem>>, vector<32xbf16>,
            %max3A_534 = arith.maximumf %get3A_522, %bitcast3A_509 : vector<32xbf16>
            %swap3A_535 = arith.index_cast %squeeze3A_492 : i32 to index
            %swap3A_536 = arith.constant 64 : index
            %swap3A_537 = tpu.vector_load %arg14[%swap3A_535, %swap3A_536] {strides = array<i32>} : memref<321x128xbf16, #tpu.memory_space<vmem>>, vector<32xbf16>,
            tpu.vector_store %arg14[%swap3A_535, %swap3A_536], %max3A_534 {strides = array<i32>} : memref<321x128xbf16, #tpu.memory_space<vmem>>, vector<32xbf16>,
            %max3A_538 = arith.maximumf %get3A_525, %bitcast3A_513 : vector<32xbf16>
            %swap3A_539 = arith.index_cast %squeeze3A_492 : i32 to index
            %swap3A_540 = arith.constant 96 : index
            %swap3A_541 = tpu.vector_load %arg14[%swap3A_539, %swap3A_540] {strides = array<i32>} : memref<321x128xbf16, #tpu.memory_space<vmem>>, vector<32xbf16>,
            tpu.vector_store %arg14[%swap3A_539, %swap3A_540], %max3A_538 {strides = array<i32>} : memref<321x128xbf16, #tpu.memory_space<vmem>>, vector<32xbf16>,
            %slice3A_542 = vector.extract_strided_slice %get3A_441 {offsets = [2], sizes = [1], strides = [1]} : vector<16xi32> to vector<1xi32>
            %squeeze3A_543 = vector.extract %slice3A_542[0] : i32 from vector<1xi32>
            %mul3A_544 = arith.constant 16 : i32
            %mul3A_545 = arith.muli %scan3A_436, %mul3A_544 : i32
            %add3A_546 = arith.addi %mul3A_423, %mul3A_545 : i32
            %add3A_547 = arith.constant 2 : i32
            %add3A_548 = arith.addi %add3A_546, %add3A_547 : i32
            %get3A_549 = arith.index_cast %add3A_548 : i32 to index
            %get3A_550 = arith.constant 0 : index
            %get3A_551 = tpu.vector_load %arg13[%get3A_549, %get3A_550] {strides = array<i32>} : memref<256x64xi32, #tpu.memory_space<vmem>>, vector<16xi32>,
            %bitcast3A_552 = vector.bitcast %get3A_551 : vector<16xi32> to vector<32xbf16>
            %get3A_553 = arith.index_cast %add3A_548 : i32 to index
            %get3A_554 = arith.constant 16 : index
            %get3A_555 = tpu.vector_load %arg13[%get3A_553, %get3A_554] {strides = array<i32>} : memref<256x64xi32, #tpu.memory_space<vmem>>, vector<16xi32>,
            %bitcast3A_556 = vector.bitcast %get3A_555 : vector<16xi32> to vector<32xbf16>
            %get3A_557 = arith.index_cast %add3A_548 : i32 to index
            %get3A_558 = arith.constant 32 : index
            %get3A_559 = tpu.vector_load %arg13[%get3A_557, %get3A_558] {strides = array<i32>} : memref<256x64xi32, #tpu.memory_space<vmem>>, vector<16xi32>,
            %bitcast3A_560 = vector.bitcast %get3A_559 : vector<16xi32> to vector<32xbf16>
            %get3A_561 = arith.index_cast %add3A_548 : i32 to index
            %get3A_562 = arith.constant 48 : index
            %get3A_563 = tpu.vector_load %arg13[%get3A_561, %get3A_562] {strides = array<i32>} : memref<256x64xi32, #tpu.memory_space<vmem>>, vector<16xi32>,
            %bitcast3A_564 = vector.bitcast %get3A_563 : vector<16xi32> to vector<32xbf16>
            %get3A_565 = arith.index_cast %squeeze3A_543 : i32 to index
            %get3A_566 = arith.constant 0 : index
            %get3A_567 = tpu.vector_load %arg14[%get3A_565, %get3A_566] {strides = array<i32>} : memref<321x128xbf16, #tpu.memory_space<vmem>>, vector<32xbf16>,
            %get3A_568 = arith.index_cast %squeeze3A_543 : i32 to index
            %get3A_569 = arith.constant 32 : index
            %get3A_570 = tpu.vector_load %arg14[%get3A_568, %get3A_569] {strides = array<i32>} : memref<321x128xbf16, #tpu.memory_space<vmem>>, vector<32xbf16>,
            %get3A_571 = arith.index_cast %squeeze3A_543 : i32 to index
            %get3A_572 = arith.constant 64 : index
            %get3A_573 = tpu.vector_load %arg14[%get3A_571, %get3A_572] {strides = array<i32>} : memref<321x128xbf16, #tpu.memory_space<vmem>>, vector<32xbf16>,
            %get3A_574 = arith.index_cast %squeeze3A_543 : i32 to index
            %get3A_575 = arith.constant 96 : index
            %get3A_576 = tpu.vector_load %arg14[%get3A_574, %get3A_575] {strides = array<i32>} : memref<321x128xbf16, #tpu.memory_space<vmem>>, vector<32xbf16>,
            %max3A_577 = arith.maximumf %get3A_567, %bitcast3A_552 : vector<32xbf16>
            %swap3A_578 = arith.index_cast %squeeze3A_543 : i32 to index
            %swap3A_579 = arith.constant 0 : index
            %swap3A_580 = tpu.vector_load %arg14[%swap3A_578, %swap3A_579] {strides = array<i32>} : memref<321x128xbf16, #tpu.memory_space<vmem>>, vector<32xbf16>,
            tpu.vector_store %arg14[%swap3A_578, %swap3A_579], %max3A_577 {strides = array<i32>} : memref<321x128xbf16, #tpu.memory_space<vmem>>, vector<32xbf16>,
            %max3A_581 = arith.maximumf %get3A_570, %bitcast3A_556 : vector<32xbf16>
            %swap3A_582 = arith.index_cast %squeeze3A_543 : i32 to index
            %swap3A_583 = arith.constant 32 : index
            %swap3A_584 = tpu.vector_load %arg14[%swap3A_582, %swap3A_583] {strides = array<i32>} : memref<321x128xbf16, #tpu.memory_space<vmem>>, vector<32xbf16>,
            tpu.vector_store %arg14[%swap3A_582, %swap3A_583], %max3A_581 {strides = array<i32>} : memref<321x128xbf16, #tpu.memory_space<vmem>>, vector<32xbf16>,
            %max3A_585 = arith.maximumf %get3A_573, %bitcast3A_560 : vector<32xbf16>
            %swap3A_586 = arith.index_cast %squeeze3A_543 : i32 to index
            %swap3A_587 = arith.constant 64 : index
            %swap3A_588 = tpu.vector_load %arg14[%swap3A_586, %swap3A_587] {strides = array<i32>} : memref<321x128xbf16, #tpu.memory_space<vmem>>, vector<32xbf16>,
            tpu.vector_store %arg14[%swap3A_586, %swap3A_587], %max3A_585 {strides = array<i32>} : memref<321x128xbf16, #tpu.memory_space<vmem>>, vector<32xbf16>,
            %max3A_589 = arith.maximumf %get3A_576, %bitcast3A_564 : vector<32xbf16>
            %swap3A_590 = arith.index_cast %squeeze3A_543 : i32 to index
            %swap3A_591 = arith.constant 96 : index
            %swap3A_592 = tpu.vector_load %arg14[%swap3A_590, %swap3A_591] {strides = array<i32>} : memref<321x128xbf16, #tpu.memory_space<vmem>>, vector<32xbf16>,
            tpu.vector_store %arg14[%swap3A_590, %swap3A_591], %max3A_589 {strides = array<i32>} : memref<321x128xbf16, #tpu.memory_space<vmem>>, vector<32xbf16>,
            %slice3A_593 = vector.extract_strided_slice %get3A_441 {offsets = [3], sizes = [1], strides = [1]} : vector<16xi32> to vector<1xi32>
            %squeeze3A_594 = vector.extract %slice3A_593[0] : i32 from vector<1xi32>
            %mul3A_595 = arith.constant 16 : i32
            %mul3A_596 = arith.muli %scan3A_436, %mul3A_595 : i32
            %add3A_597 = arith.addi %mul3A_423, %mul3A_596 : i32
            %add3A_598 = arith.constant 3 : i32
            %add3A_599 = arith.addi %add3A_597, %add3A_598 : i32
            %get3A_600 = arith.index_cast %add3A_599 : i32 to index
            %get3A_601 = arith.constant 0 : index
            %get3A_602 = tpu.vector_load %arg13[%get3A_600, %get3A_601] {strides = array<i32>} : memref<256x64xi32, #tpu.memory_space<vmem>>, vector<16xi32>,
            %bitcast3A_603 = vector.bitcast %get3A_602 : vector<16xi32> to vector<32xbf16>
            %get3A_604 = arith.index_cast %add3A_599 : i32 to index
            %get3A_605 = arith.constant 16 : index
            %get3A_606 = tpu.vector_load %arg13[%get3A_604, %get3A_605] {strides = array<i32>} : memref<256x64xi32, #tpu.memory_space<vmem>>, vector<16xi32>,
            %bitcast3A_607 = vector.bitcast %get3A_606 : vector<16xi32> to vector<32xbf16>
            %get3A_608 = arith.index_cast %add3A_599 : i32 to index
            %get3A_609 = arith.constant 32 : index
            %get3A_610 = tpu.vector_load %arg13[%get3A_608, %get3A_609] {strides = array<i32>} : memref<256x64xi32, #tpu.memory_space<vmem>>, vector<16xi32>,
            %bitcast3A_611 = vector.bitcast %get3A_610 : vector<16xi32> to vector<32xbf16>
            %get3A_612 = arith.index_cast %add3A_599 : i32 to index
            %get3A_613 = arith.constant 48 : index
            %get3A_614 = tpu.vector_load %arg13[%get3A_612, %get3A_613] {strides = array<i32>} : memref<256x64xi32, #tpu.memory_space<vmem>>, vector<16xi32>,
            %bitcast3A_615 = vector.bitcast %get3A_614 : vector<16xi32> to vector<32xbf16>
            %get3A_616 = arith.index_cast %squeeze3A_594 : i32 to index
            %get3A_617 = arith.constant 0 : index
            %get3A_618 = tpu.vector_load %arg14[%get3A_616, %get3A_617] {strides = array<i32>} : memref<321x128xbf16, #tpu.memory_space<vmem>>, vector<32xbf16>,
            %get3A_619 = arith.index_cast %squeeze3A_594 : i32 to index
            %get3A_620 = arith.constant 32 : index
            %get3A_621 = tpu.vector_load %arg14[%get3A_619, %get3A_620] {strides = array<i32>} : memref<321x128xbf16, #tpu.memory_space<vmem>>, vector<32xbf16>,
            %get3A_622 = arith.index_cast %squeeze3A_594 : i32 to index
            %get3A_623 = arith.constant 64 : index
            %get3A_624 = tpu.vector_load %arg14[%get3A_622, %get3A_623] {strides = array<i32>} : memref<321x128xbf16, #tpu.memory_space<vmem>>, vector<32xbf16>,
            %get3A_625 = arith.index_cast %squeeze3A_594 : i32 to index
            %get3A_626 = arith.constant 96 : index
            %get3A_627 = tpu.vector_load %arg14[%get3A_625, %get3A_626] {strides = array<i32>} : memref<321x128xbf16, #tpu.memory_space<vmem>>, vector<32xbf16>,
            %max3A_628 = arith.maximumf %get3A_618, %bitcast3A_603 : vector<32xbf16>
            %swap3A_629 = arith.index_cast %squeeze3A_594 : i32 to index
            %swap3A_630 = arith.constant 0 : index
            %swap3A_631 = tpu.vector_load %arg14[%swap3A_629, %swap3A_630] {strides = array<i32>} : memref<321x128xbf16, #tpu.memory_space<vmem>>, vector<32xbf16>,
            tpu.vector_store %arg14[%swap3A_629, %swap3A_630], %max3A_628 {strides = array<i32>} : memref<321x128xbf16, #tpu.memory_space<vmem>>, vector<32xbf16>,
            %max3A_632 = arith.maximumf %get3A_621, %bitcast3A_607 : vector<32xbf16>
            %swap3A_633 = arith.index_cast %squeeze3A_594 : i32 to index
            %swap3A_634 = arith.constant 32 : index
            %swap3A_635 = tpu.vector_load %arg14[%swap3A_633, %swap3A_634] {strides = array<i32>} : memref<321x128xbf16, #tpu.memory_space<vmem>>, vector<32xbf16>,
            tpu.vector_store %arg14[%swap3A_633, %swap3A_634], %max3A_632 {strides = array<i32>} : memref<321x128xbf16, #tpu.memory_space<vmem>>, vector<32xbf16>,
            %max3A_636 = arith.maximumf %get3A_624, %bitcast3A_611 : vector<32xbf16>
            %swap3A_637 = arith.index_cast %squeeze3A_594 : i32 to index
            %swap3A_638 = arith.constant 64 : index
            %swap3A_639 = tpu.vector_load %arg14[%swap3A_637, %swap3A_638] {strides = array<i32>} : memref<321x128xbf16, #tpu.memory_space<vmem>>, vector<32xbf16>,
            tpu.vector_store %arg14[%swap3A_637, %swap3A_638], %max3A_636 {strides = array<i32>} : memref<321x128xbf16, #tpu.memory_space<vmem>>, vector<32xbf16>,
            %max3A_640 = arith.maximumf %get3A_627, %bitcast3A_615 : vector<32xbf16>
            %swap3A_641 = arith.index_cast %squeeze3A_594 : i32 to index
            %swap3A_642 = arith.constant 96 : index
            %swap3A_643 = tpu.vector_load %arg14[%swap3A_641, %swap3A_642] {strides = array<i32>} : memref<321x128xbf16, #tpu.memory_space<vmem>>, vector<32xbf16>,
            tpu.vector_store %arg14[%swap3A_641, %swap3A_642], %max3A_640 {strides = array<i32>} : memref<321x128xbf16, #tpu.memory_space<vmem>>, vector<32xbf16>,
            %slice3A_644 = vector.extract_strided_slice %get3A_441 {offsets = [4], sizes = [1], strides = [1]} : vector<16xi32> to vector<1xi32>
            %squeeze3A_645 = vector.extract %slice3A_644[0] : i32 from vector<1xi32>
            %mul3A_646 = arith.constant 16 : i32
            %mul3A_647 = arith.muli %scan3A_436, %mul3A_646 : i32
            %add3A_648 = arith.addi %mul3A_423, %mul3A_647 : i32
            %add3A_649 = arith.constant 4 : i32
            %add3A_650 = arith.addi %add3A_648, %add3A_649 : i32
            %get3A_651 = arith.index_cast %add3A_650 : i32 to index
            %get3A_652 = arith.constant 0 : index
            %get3A_653 = tpu.vector_load %arg13[%get3A_651, %get3A_652] {strides = array<i32>} : memref<256x64xi32, #tpu.memory_space<vmem>>, vector<16xi32>,
            %bitcast3A_654 = vector.bitcast %get3A_653 : vector<16xi32> to vector<32xbf16>
            %get3A_655 = arith.index_cast %add3A_650 : i32 to index
            %get3A_656 = arith.constant 16 : index
            %get3A_657 = tpu.vector_load %arg13[%get3A_655, %get3A_656] {strides = array<i32>} : memref<256x64xi32, #tpu.memory_space<vmem>>, vector<16xi32>,
            %bitcast3A_658 = vector.bitcast %get3A_657 : vector<16xi32> to vector<32xbf16>
            %get3A_659 = arith.index_cast %add3A_650 : i32 to index
            %get3A_660 = arith.constant 32 : index
            %get3A_661 = tpu.vector_load %arg13[%get3A_659, %get3A_660] {strides = array<i32>} : memref<256x64xi32, #tpu.memory_space<vmem>>, vector<16xi32>,
            %bitcast3A_662 = vector.bitcast %get3A_661 : vector<16xi32> to vector<32xbf16>
            %get3A_663 = arith.index_cast %add3A_650 : i32 to index
            %get3A_664 = arith.constant 48 : index
            %get3A_665 = tpu.vector_load %arg13[%get3A_663, %get3A_664] {strides = array<i32>} : memref<256x64xi32, #tpu.memory_space<vmem>>, vector<16xi32>,
            %bitcast3A_666 = vector.bitcast %get3A_665 : vector<16xi32> to vector<32xbf16>
            %get3A_667 = arith.index_cast %squeeze3A_645 : i32 to index
            %get3A_668 = arith.constant 0 : index
            %get3A_669 = tpu.vector_load %arg14[%get3A_667, %get3A_668] {strides = array<i32>} : memref<321x128xbf16, #tpu.memory_space<vmem>>, vector<32xbf16>,
            %get3A_670 = arith.index_cast %squeeze3A_645 : i32 to index
            %get3A_671 = arith.constant 32 : index
            %get3A_672 = tpu.vector_load %arg14[%get3A_670, %get3A_671] {strides = array<i32>} : memref<321x128xbf16, #tpu.memory_space<vmem>>, vector<32xbf16>,
            %get3A_673 = arith.index_cast %squeeze3A_645 : i32 to index
            %get3A_674 = arith.constant 64 : index
            %get3A_675 = tpu.vector_load %arg14[%get3A_673, %get3A_674] {strides = array<i32>} : memref<321x128xbf16, #tpu.memory_space<vmem>>, vector<32xbf16>,
            %get3A_676 = arith.index_cast %squeeze3A_645 : i32 to index
            %get3A_677 = arith.constant 96 : index
            %get3A_678 = tpu.vector_load %arg14[%get3A_676, %get3A_677] {strides = array<i32>} : memref<321x128xbf16, #tpu.memory_space<vmem>>, vector<32xbf16>,
            %max3A_679 = arith.maximumf %get3A_669, %bitcast3A_654 : vector<32xbf16>
            %swap3A_680 = arith.index_cast %squeeze3A_645 : i32 to index
            %swap3A_681 = arith.constant 0 : index
            %swap3A_682 = tpu.vector_load %arg14[%swap3A_680, %swap3A_681] {strides = array<i32>} : memref<321x128xbf16, #tpu.memory_space<vmem>>, vector<32xbf16>,
            tpu.vector_store %arg14[%swap3A_680, %swap3A_681], %max3A_679 {strides = array<i32>} : memref<321x128xbf16, #tpu.memory_space<vmem>>, vector<32xbf16>,
            %max3A_683 = arith.maximumf %get3A_672, %bitcast3A_658 : vector<32xbf16>
            %swap3A_684 = arith.index_cast %squeeze3A_645 : i32 to index
            %swap3A_685 = arith.constant 32 : index
            %swap3A_686 = tpu.vector_load %arg14[%swap3A_684, %swap3A_685] {strides = array<i32>} : memref<321x128xbf16, #tpu.memory_space<vmem>>, vector<32xbf16>,
            tpu.vector_store %arg14[%swap3A_684, %swap3A_685], %max3A_683 {strides = array<i32>} : memref<321x128xbf16, #tpu.memory_space<vmem>>, vector<32xbf16>,
            %max3A_687 = arith.maximumf %get3A_675, %bitcast3A_662 : vector<32xbf16>
            %swap3A_688 = arith.index_cast %squeeze3A_645 : i32 to index
            %swap3A_689 = arith.constant 64 : index
            %swap3A_690 = tpu.vector_load %arg14[%swap3A_688, %swap3A_689] {strides = array<i32>} : memref<321x128xbf16, #tpu.memory_space<vmem>>, vector<32xbf16>,
            tpu.vector_store %arg14[%swap3A_688, %swap3A_689], %max3A_687 {strides = array<i32>} : memref<321x128xbf16, #tpu.memory_space<vmem>>, vector<32xbf16>,
            %max3A_691 = arith.maximumf %get3A_678, %bitcast3A_666 : vector<32xbf16>
            %swap3A_692 = arith.index_cast %squeeze3A_645 : i32 to index
            %swap3A_693 = arith.constant 96 : index
            %swap3A_694 = tpu.vector_load %arg14[%swap3A_692, %swap3A_693] {strides = array<i32>} : memref<321x128xbf16, #tpu.memory_space<vmem>>, vector<32xbf16>,
            tpu.vector_store %arg14[%swap3A_692, %swap3A_693], %max3A_691 {strides = array<i32>} : memref<321x128xbf16, #tpu.memory_space<vmem>>, vector<32xbf16>,
            %slice3A_695 = vector.extract_strided_slice %get3A_441 {offsets = [5], sizes = [1], strides = [1]} : vector<16xi32> to vector<1xi32>
            %squeeze3A_696 = vector.extract %slice3A_695[0] : i32 from vector<1xi32>
            %mul3A_697 = arith.constant 16 : i32
            %mul3A_698 = arith.muli %scan3A_436, %mul3A_697 : i32
            %add3A_699 = arith.addi %mul3A_423, %mul3A_698 : i32
            %add3A_700 = arith.constant 5 : i32
            %add3A_701 = arith.addi %add3A_699, %add3A_700 : i32
            %get3A_702 = arith.index_cast %add3A_701 : i32 to index
            %get3A_703 = arith.constant 0 : index
            %get3A_704 = tpu.vector_load %arg13[%get3A_702, %get3A_703] {strides = array<i32>} : memref<256x64xi32, #tpu.memory_space<vmem>>, vector<16xi32>,
            %bitcast3A_705 = vector.bitcast %get3A_704 : vector<16xi32> to vector<32xbf16>
            %get3A_706 = arith.index_cast %add3A_701 : i32 to index
            %get3A_707 = arith.constant 16 : index
            %get3A_708 = tpu.vector_load %arg13[%get3A_706, %get3A_707] {strides = array<i32>} : memref<256x64xi32, #tpu.memory_space<vmem>>, vector<16xi32>,
            %bitcast3A_709 = vector.bitcast %get3A_708 : vector<16xi32> to vector<32xbf16>
            %get3A_710 = arith.index_cast %add3A_701 : i32 to index
            %get3A_711 = arith.constant 32 : index
            %get3A_712 = tpu.vector_load %arg13[%get3A_710, %get3A_711] {strides = array<i32>} : memref<256x64xi32, #tpu.memory_space<vmem>>, vector<16xi32>,
            %bitcast3A_713 = vector.bitcast %get3A_712 : vector<16xi32> to vector<32xbf16>
            %get3A_714 = arith.index_cast %add3A_701 : i32 to index
            %get3A_715 = arith.constant 48 : index
            %get3A_716 = tpu.vector_load %arg13[%get3A_714, %get3A_715] {strides = array<i32>} : memref<256x64xi32, #tpu.memory_space<vmem>>, vector<16xi32>,
            %bitcast3A_717 = vector.bitcast %get3A_716 : vector<16xi32> to vector<32xbf16>
            %get3A_718 = arith.index_cast %squeeze3A_696 : i32 to index
            %get3A_719 = arith.constant 0 : index
            %get3A_720 = tpu.vector_load %arg14[%get3A_718, %get3A_719] {strides = array<i32>} : memref<321x128xbf16, #tpu.memory_space<vmem>>, vector<32xbf16>,
            %get3A_721 = arith.index_cast %squeeze3A_696 : i32 to index
            %get3A_722 = arith.constant 32 : index
            %get3A_723 = tpu.vector_load %arg14[%get3A_721, %get3A_722] {strides = array<i32>} : memref<321x128xbf16, #tpu.memory_space<vmem>>, vector<32xbf16>,
            %get3A_724 = arith.index_cast %squeeze3A_696 : i32 to index
            %get3A_725 = arith.constant 64 : index
            %get3A_726 = tpu.vector_load %arg14[%get3A_724, %get3A_725] {strides = array<i32>} : memref<321x128xbf16, #tpu.memory_space<vmem>>, vector<32xbf16>,
            %get3A_727 = arith.index_cast %squeeze3A_696 : i32 to index
            %get3A_728 = arith.constant 96 : index
            %get3A_729 = tpu.vector_load %arg14[%get3A_727, %get3A_728] {strides = array<i32>} : memref<321x128xbf16, #tpu.memory_space<vmem>>, vector<32xbf16>,
            %max3A_730 = arith.maximumf %get3A_720, %bitcast3A_705 : vector<32xbf16>
            %swap3A_731 = arith.index_cast %squeeze3A_696 : i32 to index
            %swap3A_732 = arith.constant 0 : index
            %swap3A_733 = tpu.vector_load %arg14[%swap3A_731, %swap3A_732] {strides = array<i32>} : memref<321x128xbf16, #tpu.memory_space<vmem>>, vector<32xbf16>,
            tpu.vector_store %arg14[%swap3A_731, %swap3A_732], %max3A_730 {strides = array<i32>} : memref<321x128xbf16, #tpu.memory_space<vmem>>, vector<32xbf16>,
            %max3A_734 = arith.maximumf %get3A_723, %bitcast3A_709 : vector<32xbf16>
            %swap3A_735 = arith.index_cast %squeeze3A_696 : i32 to index
            %swap3A_736 = arith.constant 32 : index
            %swap3A_737 = tpu.vector_load %arg14[%swap3A_735, %swap3A_736] {strides = array<i32>} : memref<321x128xbf16, #tpu.memory_space<vmem>>, vector<32xbf16>,
            tpu.vector_store %arg14[%swap3A_735, %swap3A_736], %max3A_734 {strides = array<i32>} : memref<321x128xbf16, #tpu.memory_space<vmem>>, vector<32xbf16>,
            %max3A_738 = arith.maximumf %get3A_726, %bitcast3A_713 : vector<32xbf16>
            %swap3A_739 = arith.index_cast %squeeze3A_696 : i32 to index
            %swap3A_740 = arith.constant 64 : index
            %swap3A_741 = tpu.vector_load %arg14[%swap3A_739, %swap3A_740] {strides = array<i32>} : memref<321x128xbf16, #tpu.memory_space<vmem>>, vector<32xbf16>,
            tpu.vector_store %arg14[%swap3A_739, %swap3A_740], %max3A_738 {strides = array<i32>} : memref<321x128xbf16, #tpu.memory_space<vmem>>, vector<32xbf16>,
            %max3A_742 = arith.maximumf %get3A_729, %bitcast3A_717 : vector<32xbf16>
            %swap3A_743 = arith.index_cast %squeeze3A_696 : i32 to index
            %swap3A_744 = arith.constant 96 : index
            %swap3A_745 = tpu.vector_load %arg14[%swap3A_743, %swap3A_744] {strides = array<i32>} : memref<321x128xbf16, #tpu.memory_space<vmem>>, vector<32xbf16>,
            tpu.vector_store %arg14[%swap3A_743, %swap3A_744], %max3A_742 {strides = array<i32>} : memref<321x128xbf16, #tpu.memory_space<vmem>>, vector<32xbf16>,
            %slice3A_746 = vector.extract_strided_slice %get3A_441 {offsets = [6], sizes = [1], strides = [1]} : vector<16xi32> to vector<1xi32>
            %squeeze3A_747 = vector.extract %slice3A_746[0] : i32 from vector<1xi32>
            %mul3A_748 = arith.constant 16 : i32
            %mul3A_749 = arith.muli %scan3A_436, %mul3A_748 : i32
            %add3A_750 = arith.addi %mul3A_423, %mul3A_749 : i32
            %add3A_751 = arith.constant 6 : i32
            %add3A_752 = arith.addi %add3A_750, %add3A_751 : i32
            %get3A_753 = arith.index_cast %add3A_752 : i32 to index
            %get3A_754 = arith.constant 0 : index
            %get3A_755 = tpu.vector_load %arg13[%get3A_753, %get3A_754] {strides = array<i32>} : memref<256x64xi32, #tpu.memory_space<vmem>>, vector<16xi32>,
            %bitcast3A_756 = vector.bitcast %get3A_755 : vector<16xi32> to vector<32xbf16>
            %get3A_757 = arith.index_cast %add3A_752 : i32 to index
            %get3A_758 = arith.constant 16 : index
            %get3A_759 = tpu.vector_load %arg13[%get3A_757, %get3A_758] {strides = array<i32>} : memref<256x64xi32, #tpu.memory_space<vmem>>, vector<16xi32>,
            %bitcast3A_760 = vector.bitcast %get3A_759 : vector<16xi32> to vector<32xbf16>
            %get3A_761 = arith.index_cast %add3A_752 : i32 to index
            %get3A_762 = arith.constant 32 : index
            %get3A_763 = tpu.vector_load %arg13[%get3A_761, %get3A_762] {strides = array<i32>} : memref<256x64xi32, #tpu.memory_space<vmem>>, vector<16xi32>,
            %bitcast3A_764 = vector.bitcast %get3A_763 : vector<16xi32> to vector<32xbf16>
            %get3A_765 = arith.index_cast %add3A_752 : i32 to index
            %get3A_766 = arith.constant 48 : index
            %get3A_767 = tpu.vector_load %arg13[%get3A_765, %get3A_766] {strides = array<i32>} : memref<256x64xi32, #tpu.memory_space<vmem>>, vector<16xi32>,
            %bitcast3A_768 = vector.bitcast %get3A_767 : vector<16xi32> to vector<32xbf16>
            %get3A_769 = arith.index_cast %squeeze3A_747 : i32 to index
            %get3A_770 = arith.constant 0 : index
            %get3A_771 = tpu.vector_load %arg14[%get3A_769, %get3A_770] {strides = array<i32>} : memref<321x128xbf16, #tpu.memory_space<vmem>>, vector<32xbf16>,
            %get3A_772 = arith.index_cast %squeeze3A_747 : i32 to index
            %get3A_773 = arith.constant 32 : index
            %get3A_774 = tpu.vector_load %arg14[%get3A_772, %get3A_773] {strides = array<i32>} : memref<321x128xbf16, #tpu.memory_space<vmem>>, vector<32xbf16>,
            %get3A_775 = arith.index_cast %squeeze3A_747 : i32 to index
            %get3A_776 = arith.constant 64 : index
            %get3A_777 = tpu.vector_load %arg14[%get3A_775, %get3A_776] {strides = array<i32>} : memref<321x128xbf16, #tpu.memory_space<vmem>>, vector<32xbf16>,
            %get3A_778 = arith.index_cast %squeeze3A_747 : i32 to index
            %get3A_779 = arith.constant 96 : index
            %get3A_780 = tpu.vector_load %arg14[%get3A_778, %get3A_779] {strides = array<i32>} : memref<321x128xbf16, #tpu.memory_space<vmem>>, vector<32xbf16>,
            %max3A_781 = arith.maximumf %get3A_771, %bitcast3A_756 : vector<32xbf16>
            %swap3A_782 = arith.index_cast %squeeze3A_747 : i32 to index
            %swap3A_783 = arith.constant 0 : index
            %swap3A_784 = tpu.vector_load %arg14[%swap3A_782, %swap3A_783] {strides = array<i32>} : memref<321x128xbf16, #tpu.memory_space<vmem>>, vector<32xbf16>,
            tpu.vector_store %arg14[%swap3A_782, %swap3A_783], %max3A_781 {strides = array<i32>} : memref<321x128xbf16, #tpu.memory_space<vmem>>, vector<32xbf16>,
            %max3A_785 = arith.maximumf %get3A_774, %bitcast3A_760 : vector<32xbf16>
            %swap3A_786 = arith.index_cast %squeeze3A_747 : i32 to index
            %swap3A_787 = arith.constant 32 : index
            %swap3A_788 = tpu.vector_load %arg14[%swap3A_786, %swap3A_787] {strides = array<i32>} : memref<321x128xbf16, #tpu.memory_space<vmem>>, vector<32xbf16>,
            tpu.vector_store %arg14[%swap3A_786, %swap3A_787], %max3A_785 {strides = array<i32>} : memref<321x128xbf16, #tpu.memory_space<vmem>>, vector<32xbf16>,
            %max3A_789 = arith.maximumf %get3A_777, %bitcast3A_764 : vector<32xbf16>
            %swap3A_790 = arith.index_cast %squeeze3A_747 : i32 to index
            %swap3A_791 = arith.constant 64 : index
            %swap3A_792 = tpu.vector_load %arg14[%swap3A_790, %swap3A_791] {strides = array<i32>} : memref<321x128xbf16, #tpu.memory_space<vmem>>, vector<32xbf16>,
            tpu.vector_store %arg14[%swap3A_790, %swap3A_791], %max3A_789 {strides = array<i32>} : memref<321x128xbf16, #tpu.memory_space<vmem>>, vector<32xbf16>,
            %max3A_793 = arith.maximumf %get3A_780, %bitcast3A_768 : vector<32xbf16>
            %swap3A_794 = arith.index_cast %squeeze3A_747 : i32 to index
            %swap3A_795 = arith.constant 96 : index
            %swap3A_796 = tpu.vector_load %arg14[%swap3A_794, %swap3A_795] {strides = array<i32>} : memref<321x128xbf16, #tpu.memory_space<vmem>>, vector<32xbf16>,
            tpu.vector_store %arg14[%swap3A_794, %swap3A_795], %max3A_793 {strides = array<i32>} : memref<321x128xbf16, #tpu.memory_space<vmem>>, vector<32xbf16>,
            %slice3A_797 = vector.extract_strided_slice %get3A_441 {offsets = [7], sizes = [1], strides = [1]} : vector<16xi32> to vector<1xi32>
            %squeeze3A_798 = vector.extract %slice3A_797[0] : i32 from vector<1xi32>
            %mul3A_799 = arith.constant 16 : i32
            %mul3A_800 = arith.muli %scan3A_436, %mul3A_799 : i32
            %add3A_801 = arith.addi %mul3A_423, %mul3A_800 : i32
            %add3A_802 = arith.constant 7 : i32
            %add3A_803 = arith.addi %add3A_801, %add3A_802 : i32
            %get3A_804 = arith.index_cast %add3A_803 : i32 to index
            %get3A_805 = arith.constant 0 : index
            %get3A_806 = tpu.vector_load %arg13[%get3A_804, %get3A_805] {strides = array<i32>} : memref<256x64xi32, #tpu.memory_space<vmem>>, vector<16xi32>,
            %bitcast3A_807 = vector.bitcast %get3A_806 : vector<16xi32> to vector<32xbf16>
            %get3A_808 = arith.index_cast %add3A_803 : i32 to index
            %get3A_809 = arith.constant 16 : index
            %get3A_810 = tpu.vector_load %arg13[%get3A_808, %get3A_809] {strides = array<i32>} : memref<256x64xi32, #tpu.memory_space<vmem>>, vector<16xi32>,
            %bitcast3A_811 = vector.bitcast %get3A_810 : vector<16xi32> to vector<32xbf16>
            %get3A_812 = arith.index_cast %add3A_803 : i32 to index
            %get3A_813 = arith.constant 32 : index
            %get3A_814 = tpu.vector_load %arg13[%get3A_812, %get3A_813] {strides = array<i32>} : memref<256x64xi32, #tpu.memory_space<vmem>>, vector<16xi32>,
            %bitcast3A_815 = vector.bitcast %get3A_814 : vector<16xi32> to vector<32xbf16>
            %get3A_816 = arith.index_cast %add3A_803 : i32 to index
            %get3A_817 = arith.constant 48 : index
            %get3A_818 = tpu.vector_load %arg13[%get3A_816, %get3A_817] {strides = array<i32>} : memref<256x64xi32, #tpu.memory_space<vmem>>, vector<16xi32>,
            %bitcast3A_819 = vector.bitcast %get3A_818 : vector<16xi32> to vector<32xbf16>
            %get3A_820 = arith.index_cast %squeeze3A_798 : i32 to index
            %get3A_821 = arith.constant 0 : index
            %get3A_822 = tpu.vector_load %arg14[%get3A_820, %get3A_821] {strides = array<i32>} : memref<321x128xbf16, #tpu.memory_space<vmem>>, vector<32xbf16>,
            %get3A_823 = arith.index_cast %squeeze3A_798 : i32 to index
            %get3A_824 = arith.constant 32 : index
            %get3A_825 = tpu.vector_load %arg14[%get3A_823, %get3A_824] {strides = array<i32>} : memref<321x128xbf16, #tpu.memory_space<vmem>>, vector<32xbf16>,
            %get3A_826 = arith.index_cast %squeeze3A_798 : i32 to index
            %get3A_827 = arith.constant 64 : index
            %get3A_828 = tpu.vector_load %arg14[%get3A_826, %get3A_827] {strides = array<i32>} : memref<321x128xbf16, #tpu.memory_space<vmem>>, vector<32xbf16>,
            %get3A_829 = arith.index_cast %squeeze3A_798 : i32 to index
            %get3A_830 = arith.constant 96 : index
            %get3A_831 = tpu.vector_load %arg14[%get3A_829, %get3A_830] {strides = array<i32>} : memref<321x128xbf16, #tpu.memory_space<vmem>>, vector<32xbf16>,
            %max3A_832 = arith.maximumf %get3A_822, %bitcast3A_807 : vector<32xbf16>
            %swap3A_833 = arith.index_cast %squeeze3A_798 : i32 to index
            %swap3A_834 = arith.constant 0 : index
            %swap3A_835 = tpu.vector_load %arg14[%swap3A_833, %swap3A_834] {strides = array<i32>} : memref<321x128xbf16, #tpu.memory_space<vmem>>, vector<32xbf16>,
            tpu.vector_store %arg14[%swap3A_833, %swap3A_834], %max3A_832 {strides = array<i32>} : memref<321x128xbf16, #tpu.memory_space<vmem>>, vector<32xbf16>,
            %max3A_836 = arith.maximumf %get3A_825, %bitcast3A_811 : vector<32xbf16>
            %swap3A_837 = arith.index_cast %squeeze3A_798 : i32 to index
            %swap3A_838 = arith.constant 32 : index
            %swap3A_839 = tpu.vector_load %arg14[%swap3A_837, %swap3A_838] {strides = array<i32>} : memref<321x128xbf16, #tpu.memory_space<vmem>>, vector<32xbf16>,
            tpu.vector_store %arg14[%swap3A_837, %swap3A_838], %max3A_836 {strides = array<i32>} : memref<321x128xbf16, #tpu.memory_space<vmem>>, vector<32xbf16>,
            %max3A_840 = arith.maximumf %get3A_828, %bitcast3A_815 : vector<32xbf16>
            %swap3A_841 = arith.index_cast %squeeze3A_798 : i32 to index
            %swap3A_842 = arith.constant 64 : index
            %swap3A_843 = tpu.vector_load %arg14[%swap3A_841, %swap3A_842] {strides = array<i32>} : memref<321x128xbf16, #tpu.memory_space<vmem>>, vector<32xbf16>,
            tpu.vector_store %arg14[%swap3A_841, %swap3A_842], %max3A_840 {strides = array<i32>} : memref<321x128xbf16, #tpu.memory_space<vmem>>, vector<32xbf16>,
            %max3A_844 = arith.maximumf %get3A_831, %bitcast3A_819 : vector<32xbf16>
            %swap3A_845 = arith.index_cast %squeeze3A_798 : i32 to index
            %swap3A_846 = arith.constant 96 : index
            %swap3A_847 = tpu.vector_load %arg14[%swap3A_845, %swap3A_846] {strides = array<i32>} : memref<321x128xbf16, #tpu.memory_space<vmem>>, vector<32xbf16>,
            tpu.vector_store %arg14[%swap3A_845, %swap3A_846], %max3A_844 {strides = array<i32>} : memref<321x128xbf16, #tpu.memory_space<vmem>>, vector<32xbf16>,
            %slice3A_848 = vector.extract_strided_slice %get3A_441 {offsets = [8], sizes = [1], strides = [1]} : vector<16xi32> to vector<1xi32>
            %squeeze3A_849 = vector.extract %slice3A_848[0] : i32 from vector<1xi32>
            %mul3A_850 = arith.constant 16 : i32
            %mul3A_851 = arith.muli %scan3A_436, %mul3A_850 : i32
            %add3A_852 = arith.addi %mul3A_423, %mul3A_851 : i32
            %add3A_853 = arith.constant 8 : i32
            %add3A_854 = arith.addi %add3A_852, %add3A_853 : i32
            %get3A_855 = arith.index_cast %add3A_854 : i32 to index
            %get3A_856 = arith.constant 0 : index
            %get3A_857 = tpu.vector_load %arg13[%get3A_855, %get3A_856] {strides = array<i32>} : memref<256x64xi32, #tpu.memory_space<vmem>>, vector<16xi32>,
            %bitcast3A_858 = vector.bitcast %get3A_857 : vector<16xi32> to vector<32xbf16>
            %get3A_859 = arith.index_cast %add3A_854 : i32 to index
            %get3A_860 = arith.constant 16 : index
            %get3A_861 = tpu.vector_load %arg13[%get3A_859, %get3A_860] {strides = array<i32>} : memref<256x64xi32, #tpu.memory_space<vmem>>, vector<16xi32>,
            %bitcast3A_862 = vector.bitcast %get3A_861 : vector<16xi32> to vector<32xbf16>
            %get3A_863 = arith.index_cast %add3A_854 : i32 to index
            %get3A_864 = arith.constant 32 : index
            %get3A_865 = tpu.vector_load %arg13[%get3A_863, %get3A_864] {strides = array<i32>} : memref<256x64xi32, #tpu.memory_space<vmem>>, vector<16xi32>,
            %bitcast3A_866 = vector.bitcast %get3A_865 : vector<16xi32> to vector<32xbf16>
            %get3A_867 = arith.index_cast %add3A_854 : i32 to index
            %get3A_868 = arith.constant 48 : index
            %get3A_869 = tpu.vector_load %arg13[%get3A_867, %get3A_868] {strides = array<i32>} : memref<256x64xi32, #tpu.memory_space<vmem>>, vector<16xi32>,
            %bitcast3A_870 = vector.bitcast %get3A_869 : vector<16xi32> to vector<32xbf16>
            %get3A_871 = arith.index_cast %squeeze3A_849 : i32 to index
            %get3A_872 = arith.constant 0 : index
            %get3A_873 = tpu.vector_load %arg14[%get3A_871, %get3A_872] {strides = array<i32>} : memref<321x128xbf16, #tpu.memory_space<vmem>>, vector<32xbf16>,
            %get3A_874 = arith.index_cast %squeeze3A_849 : i32 to index
            %get3A_875 = arith.constant 32 : index
            %get3A_876 = tpu.vector_load %arg14[%get3A_874, %get3A_875] {strides = array<i32>} : memref<321x128xbf16, #tpu.memory_space<vmem>>, vector<32xbf16>,
            %get3A_877 = arith.index_cast %squeeze3A_849 : i32 to index
            %get3A_878 = arith.constant 64 : index
            %get3A_879 = tpu.vector_load %arg14[%get3A_877, %get3A_878] {strides = array<i32>} : memref<321x128xbf16, #tpu.memory_space<vmem>>, vector<32xbf16>,
            %get3A_880 = arith.index_cast %squeeze3A_849 : i32 to index
            %get3A_881 = arith.constant 96 : index
            %get3A_882 = tpu.vector_load %arg14[%get3A_880, %get3A_881] {strides = array<i32>} : memref<321x128xbf16, #tpu.memory_space<vmem>>, vector<32xbf16>,
            %max3A_883 = arith.maximumf %get3A_873, %bitcast3A_858 : vector<32xbf16>
            %swap3A_884 = arith.index_cast %squeeze3A_849 : i32 to index
            %swap3A_885 = arith.constant 0 : index
            %swap3A_886 = tpu.vector_load %arg14[%swap3A_884, %swap3A_885] {strides = array<i32>} : memref<321x128xbf16, #tpu.memory_space<vmem>>, vector<32xbf16>,
            tpu.vector_store %arg14[%swap3A_884, %swap3A_885], %max3A_883 {strides = array<i32>} : memref<321x128xbf16, #tpu.memory_space<vmem>>, vector<32xbf16>,
            %max3A_887 = arith.maximumf %get3A_876, %bitcast3A_862 : vector<32xbf16>
            %swap3A_888 = arith.index_cast %squeeze3A_849 : i32 to index
            %swap3A_889 = arith.constant 32 : index
            %swap3A_890 = tpu.vector_load %arg14[%swap3A_888, %swap3A_889] {strides = array<i32>} : memref<321x128xbf16, #tpu.memory_space<vmem>>, vector<32xbf16>,
            tpu.vector_store %arg14[%swap3A_888, %swap3A_889], %max3A_887 {strides = array<i32>} : memref<321x128xbf16, #tpu.memory_space<vmem>>, vector<32xbf16>,
            %max3A_891 = arith.maximumf %get3A_879, %bitcast3A_866 : vector<32xbf16>
            %swap3A_892 = arith.index_cast %squeeze3A_849 : i32 to index
            %swap3A_893 = arith.constant 64 : index
            %swap3A_894 = tpu.vector_load %arg14[%swap3A_892, %swap3A_893] {strides = array<i32>} : memref<321x128xbf16, #tpu.memory_space<vmem>>, vector<32xbf16>,
            tpu.vector_store %arg14[%swap3A_892, %swap3A_893], %max3A_891 {strides = array<i32>} : memref<321x128xbf16, #tpu.memory_space<vmem>>, vector<32xbf16>,
            %max3A_895 = arith.maximumf %get3A_882, %bitcast3A_870 : vector<32xbf16>
            %swap3A_896 = arith.index_cast %squeeze3A_849 : i32 to index
            %swap3A_897 = arith.constant 96 : index
            %swap3A_898 = tpu.vector_load %arg14[%swap3A_896, %swap3A_897] {strides = array<i32>} : memref<321x128xbf16, #tpu.memory_space<vmem>>, vector<32xbf16>,
            tpu.vector_store %arg14[%swap3A_896, %swap3A_897], %max3A_895 {strides = array<i32>} : memref<321x128xbf16, #tpu.memory_space<vmem>>, vector<32xbf16>,
            %slice3A_899 = vector.extract_strided_slice %get3A_441 {offsets = [9], sizes = [1], strides = [1]} : vector<16xi32> to vector<1xi32>
            %squeeze3A_900 = vector.extract %slice3A_899[0] : i32 from vector<1xi32>
            %mul3A_901 = arith.constant 16 : i32
            %mul3A_902 = arith.muli %scan3A_436, %mul3A_901 : i32
            %add3A_903 = arith.addi %mul3A_423, %mul3A_902 : i32
            %add3A_904 = arith.constant 9 : i32
            %add3A_905 = arith.addi %add3A_903, %add3A_904 : i32
            %get3A_906 = arith.index_cast %add3A_905 : i32 to index
            %get3A_907 = arith.constant 0 : index
            %get3A_908 = tpu.vector_load %arg13[%get3A_906, %get3A_907] {strides = array<i32>} : memref<256x64xi32, #tpu.memory_space<vmem>>, vector<16xi32>,
            %bitcast3A_909 = vector.bitcast %get3A_908 : vector<16xi32> to vector<32xbf16>
            %get3A_910 = arith.index_cast %add3A_905 : i32 to index
            %get3A_911 = arith.constant 16 : index
            %get3A_912 = tpu.vector_load %arg13[%get3A_910, %get3A_911] {strides = array<i32>} : memref<256x64xi32, #tpu.memory_space<vmem>>, vector<16xi32>,
            %bitcast3A_913 = vector.bitcast %get3A_912 : vector<16xi32> to vector<32xbf16>
            %get3A_914 = arith.index_cast %add3A_905 : i32 to index
            %get3A_915 = arith.constant 32 : index
            %get3A_916 = tpu.vector_load %arg13[%get3A_914, %get3A_915] {strides = array<i32>} : memref<256x64xi32, #tpu.memory_space<vmem>>, vector<16xi32>,
            %bitcast3A_917 = vector.bitcast %get3A_916 : vector<16xi32> to vector<32xbf16>
            %get3A_918 = arith.index_cast %add3A_905 : i32 to index
            %get3A_919 = arith.constant 48 : index
            %get3A_920 = tpu.vector_load %arg13[%get3A_918, %get3A_919] {strides = array<i32>} : memref<256x64xi32, #tpu.memory_space<vmem>>, vector<16xi32>,
            %bitcast3A_921 = vector.bitcast %get3A_920 : vector<16xi32> to vector<32xbf16>
            %get3A_922 = arith.index_cast %squeeze3A_900 : i32 to index
            %get3A_923 = arith.constant 0 : index
            %get3A_924 = tpu.vector_load %arg14[%get3A_922, %get3A_923] {strides = array<i32>} : memref<321x128xbf16, #tpu.memory_space<vmem>>, vector<32xbf16>,
            %get3A_925 = arith.index_cast %squeeze3A_900 : i32 to index
            %get3A_926 = arith.constant 32 : index
            %get3A_927 = tpu.vector_load %arg14[%get3A_925, %get3A_926] {strides = array<i32>} : memref<321x128xbf16, #tpu.memory_space<vmem>>, vector<32xbf16>,
            %get3A_928 = arith.index_cast %squeeze3A_900 : i32 to index
            %get3A_929 = arith.constant 64 : index
            %get3A_930 = tpu.vector_load %arg14[%get3A_928, %get3A_929] {strides = array<i32>} : memref<321x128xbf16, #tpu.memory_space<vmem>>, vector<32xbf16>,
            %get3A_931 = arith.index_cast %squeeze3A_900 : i32 to index
            %get3A_932 = arith.constant 96 : index
            %get3A_933 = tpu.vector_load %arg14[%get3A_931, %get3A_932] {strides = array<i32>} : memref<321x128xbf16, #tpu.memory_space<vmem>>, vector<32xbf16>,
            %max3A_934 = arith.maximumf %get3A_924, %bitcast3A_909 : vector<32xbf16>
            %swap3A_935 = arith.index_cast %squeeze3A_900 : i32 to index
            %swap3A_936 = arith.constant 0 : index
            %swap3A_937 = tpu.vector_load %arg14[%swap3A_935, %swap3A_936] {strides = array<i32>} : memref<321x128xbf16, #tpu.memory_space<vmem>>, vector<32xbf16>,
            tpu.vector_store %arg14[%swap3A_935, %swap3A_936], %max3A_934 {strides = array<i32>} : memref<321x128xbf16, #tpu.memory_space<vmem>>, vector<32xbf16>,
            %max3A_938 = arith.maximumf %get3A_927, %bitcast3A_913 : vector<32xbf16>
            %swap3A_939 = arith.index_cast %squeeze3A_900 : i32 to index
            %swap3A_940 = arith.constant 32 : index
            %swap3A_941 = tpu.vector_load %arg14[%swap3A_939, %swap3A_940] {strides = array<i32>} : memref<321x128xbf16, #tpu.memory_space<vmem>>, vector<32xbf16>,
            tpu.vector_store %arg14[%swap3A_939, %swap3A_940], %max3A_938 {strides = array<i32>} : memref<321x128xbf16, #tpu.memory_space<vmem>>, vector<32xbf16>,
            %max3A_942 = arith.maximumf %get3A_930, %bitcast3A_917 : vector<32xbf16>
            %swap3A_943 = arith.index_cast %squeeze3A_900 : i32 to index
            %swap3A_944 = arith.constant 64 : index
            %swap3A_945 = tpu.vector_load %arg14[%swap3A_943, %swap3A_944] {strides = array<i32>} : memref<321x128xbf16, #tpu.memory_space<vmem>>, vector<32xbf16>,
            tpu.vector_store %arg14[%swap3A_943, %swap3A_944], %max3A_942 {strides = array<i32>} : memref<321x128xbf16, #tpu.memory_space<vmem>>, vector<32xbf16>,
            %max3A_946 = arith.maximumf %get3A_933, %bitcast3A_921 : vector<32xbf16>
            %swap3A_947 = arith.index_cast %squeeze3A_900 : i32 to index
            %swap3A_948 = arith.constant 96 : index
            %swap3A_949 = tpu.vector_load %arg14[%swap3A_947, %swap3A_948] {strides = array<i32>} : memref<321x128xbf16, #tpu.memory_space<vmem>>, vector<32xbf16>,
            tpu.vector_store %arg14[%swap3A_947, %swap3A_948], %max3A_946 {strides = array<i32>} : memref<321x128xbf16, #tpu.memory_space<vmem>>, vector<32xbf16>,
            %slice3A_950 = vector.extract_strided_slice %get3A_441 {offsets = [10], sizes = [1], strides = [1]} : vector<16xi32> to vector<1xi32>
            %squeeze3A_951 = vector.extract %slice3A_950[0] : i32 from vector<1xi32>
            %mul3A_952 = arith.constant 16 : i32
            %mul3A_953 = arith.muli %scan3A_436, %mul3A_952 : i32
            %add3A_954 = arith.addi %mul3A_423, %mul3A_953 : i32
            %add3A_955 = arith.constant 10 : i32
            %add3A_956 = arith.addi %add3A_954, %add3A_955 : i32
            %get3A_957 = arith.index_cast %add3A_956 : i32 to index
            %get3A_958 = arith.constant 0 : index
            %get3A_959 = tpu.vector_load %arg13[%get3A_957, %get3A_958] {strides = array<i32>} : memref<256x64xi32, #tpu.memory_space<vmem>>, vector<16xi32>,
            %bitcast3A_960 = vector.bitcast %get3A_959 : vector<16xi32> to vector<32xbf16>
            %get3A_961 = arith.index_cast %add3A_956 : i32 to index
            %get3A_962 = arith.constant 16 : index
            %get3A_963 = tpu.vector_load %arg13[%get3A_961, %get3A_962] {strides = array<i32>} : memref<256x64xi32, #tpu.memory_space<vmem>>, vector<16xi32>,
            %bitcast3A_964 = vector.bitcast %get3A_963 : vector<16xi32> to vector<32xbf16>
            %get3A_965 = arith.index_cast %add3A_956 : i32 to index
            %get3A_966 = arith.constant 32 : index
            %get3A_967 = tpu.vector_load %arg13[%get3A_965, %get3A_966] {strides = array<i32>} : memref<256x64xi32, #tpu.memory_space<vmem>>, vector<16xi32>,
            %bitcast3A_968 = vector.bitcast %get3A_967 : vector<16xi32> to vector<32xbf16>
            %get3A_969 = arith.index_cast %add3A_956 : i32 to index
            %get3A_970 = arith.constant 48 : index
            %get3A_971 = tpu.vector_load %arg13[%get3A_969, %get3A_970] {strides = array<i32>} : memref<256x64xi32, #tpu.memory_space<vmem>>, vector<16xi32>,
            %bitcast3A_972 = vector.bitcast %get3A_971 : vector<16xi32> to vector<32xbf16>
            %get3A_973 = arith.index_cast %squeeze3A_951 : i32 to index
            %get3A_974 = arith.constant 0 : index
            %get3A_975 = tpu.vector_load %arg14[%get3A_973, %get3A_974] {strides = array<i32>} : memref<321x128xbf16, #tpu.memory_space<vmem>>, vector<32xbf16>,
            %get3A_976 = arith.index_cast %squeeze3A_951 : i32 to index
            %get3A_977 = arith.constant 32 : index
            %get3A_978 = tpu.vector_load %arg14[%get3A_976, %get3A_977] {strides = array<i32>} : memref<321x128xbf16, #tpu.memory_space<vmem>>, vector<32xbf16>,
            %get3A_979 = arith.index_cast %squeeze3A_951 : i32 to index
            %get3A_980 = arith.constant 64 : index
            %get3A_981 = tpu.vector_load %arg14[%get3A_979, %get3A_980] {strides = array<i32>} : memref<321x128xbf16, #tpu.memory_space<vmem>>, vector<32xbf16>,
            %get3A_982 = arith.index_cast %squeeze3A_951 : i32 to index
            %get3A_983 = arith.constant 96 : index
            %get3A_984 = tpu.vector_load %arg14[%get3A_982, %get3A_983] {strides = array<i32>} : memref<321x128xbf16, #tpu.memory_space<vmem>>, vector<32xbf16>,
            %max3A_985 = arith.maximumf %get3A_975, %bitcast3A_960 : vector<32xbf16>
            %swap3A_986 = arith.index_cast %squeeze3A_951 : i32 to index
            %swap3A_987 = arith.constant 0 : index
            %swap3A_988 = tpu.vector_load %arg14[%swap3A_986, %swap3A_987] {strides = array<i32>} : memref<321x128xbf16, #tpu.memory_space<vmem>>, vector<32xbf16>,
            tpu.vector_store %arg14[%swap3A_986, %swap3A_987], %max3A_985 {strides = array<i32>} : memref<321x128xbf16, #tpu.memory_space<vmem>>, vector<32xbf16>,
            %max3A_989 = arith.maximumf %get3A_978, %bitcast3A_964 : vector<32xbf16>
            %swap3A_990 = arith.index_cast %squeeze3A_951 : i32 to index
            %swap3A_991 = arith.constant 32 : index
            %swap3A_992 = tpu.vector_load %arg14[%swap3A_990, %swap3A_991] {strides = array<i32>} : memref<321x128xbf16, #tpu.memory_space<vmem>>, vector<32xbf16>,
            tpu.vector_store %arg14[%swap3A_990, %swap3A_991], %max3A_989 {strides = array<i32>} : memref<321x128xbf16, #tpu.memory_space<vmem>>, vector<32xbf16>,
            %max3A_993 = arith.maximumf %get3A_981, %bitcast3A_968 : vector<32xbf16>
            %swap3A_994 = arith.index_cast %squeeze3A_951 : i32 to index
            %swap3A_995 = arith.constant 64 : index
            %swap3A_996 = tpu.vector_load %arg14[%swap3A_994, %swap3A_995] {strides = array<i32>} : memref<321x128xbf16, #tpu.memory_space<vmem>>, vector<32xbf16>,
            tpu.vector_store %arg14[%swap3A_994, %swap3A_995], %max3A_993 {strides = array<i32>} : memref<321x128xbf16, #tpu.memory_space<vmem>>, vector<32xbf16>,
            %max3A_997 = arith.maximumf %get3A_984, %bitcast3A_972 : vector<32xbf16>
            %swap3A_998 = arith.index_cast %squeeze3A_951 : i32 to index
            %swap3A_999 = arith.constant 96 : index
            %swap3A_1000 = tpu.vector_load %arg14[%swap3A_998, %swap3A_999] {strides = array<i32>} : memref<321x128xbf16, #tpu.memory_space<vmem>>, vector<32xbf16>,
            tpu.vector_store %arg14[%swap3A_998, %swap3A_999], %max3A_997 {strides = array<i32>} : memref<321x128xbf16, #tpu.memory_space<vmem>>, vector<32xbf16>,
            %slice3A_1001 = vector.extract_strided_slice %get3A_441 {offsets = [11], sizes = [1], strides = [1]} : vector<16xi32> to vector<1xi32>
            %squeeze3A_1002 = vector.extract %slice3A_1001[0] : i32 from vector<1xi32>
            %mul3A_1003 = arith.constant 16 : i32
            %mul3A_1004 = arith.muli %scan3A_436, %mul3A_1003 : i32
            %add3A_1005 = arith.addi %mul3A_423, %mul3A_1004 : i32
            %add3A_1006 = arith.constant 11 : i32
            %add3A_1007 = arith.addi %add3A_1005, %add3A_1006 : i32
            %get3A_1008 = arith.index_cast %add3A_1007 : i32 to index
            %get3A_1009 = arith.constant 0 : index
            %get3A_1010 = tpu.vector_load %arg13[%get3A_1008, %get3A_1009] {strides = array<i32>} : memref<256x64xi32, #tpu.memory_space<vmem>>, vector<16xi32>,
            %bitcast3A_1011 = vector.bitcast %get3A_1010 : vector<16xi32> to vector<32xbf16>
            %get3A_1012 = arith.index_cast %add3A_1007 : i32 to index
            %get3A_1013 = arith.constant 16 : index
            %get3A_1014 = tpu.vector_load %arg13[%get3A_1012, %get3A_1013] {strides = array<i32>} : memref<256x64xi32, #tpu.memory_space<vmem>>, vector<16xi32>,
            %bitcast3A_1015 = vector.bitcast %get3A_1014 : vector<16xi32> to vector<32xbf16>
            %get3A_1016 = arith.index_cast %add3A_1007 : i32 to index
            %get3A_1017 = arith.constant 32 : index
            %get3A_1018 = tpu.vector_load %arg13[%get3A_1016, %get3A_1017] {strides = array<i32>} : memref<256x64xi32, #tpu.memory_space<vmem>>, vector<16xi32>,
            %bitcast3A_1019 = vector.bitcast %get3A_1018 : vector<16xi32> to vector<32xbf16>
            %get3A_1020 = arith.index_cast %add3A_1007 : i32 to index
            %get3A_1021 = arith.constant 48 : index
            %get3A_1022 = tpu.vector_load %arg13[%get3A_1020, %get3A_1021] {strides = array<i32>} : memref<256x64xi32, #tpu.memory_space<vmem>>, vector<16xi32>,
            %bitcast3A_1023 = vector.bitcast %get3A_1022 : vector<16xi32> to vector<32xbf16>
            %get3A_1024 = arith.index_cast %squeeze3A_1002 : i32 to index
            %get3A_1025 = arith.constant 0 : index
            %get3A_1026 = tpu.vector_load %arg14[%get3A_1024, %get3A_1025] {strides = array<i32>} : memref<321x128xbf16, #tpu.memory_space<vmem>>, vector<32xbf16>,
            %get3A_1027 = arith.index_cast %squeeze3A_1002 : i32 to index
            %get3A_1028 = arith.constant 32 : index
            %get3A_1029 = tpu.vector_load %arg14[%get3A_1027, %get3A_1028] {strides = array<i32>} : memref<321x128xbf16, #tpu.memory_space<vmem>>, vector<32xbf16>,
            %get3A_1030 = arith.index_cast %squeeze3A_1002 : i32 to index
            %get3A_1031 = arith.constant 64 : index
            %get3A_1032 = tpu.vector_load %arg14[%get3A_1030, %get3A_1031] {strides = array<i32>} : memref<321x128xbf16, #tpu.memory_space<vmem>>, vector<32xbf16>,
            %get3A_1033 = arith.index_cast %squeeze3A_1002 : i32 to index
            %get3A_1034 = arith.constant 96 : index
            %get3A_1035 = tpu.vector_load %arg14[%get3A_1033, %get3A_1034] {strides = array<i32>} : memref<321x128xbf16, #tpu.memory_space<vmem>>, vector<32xbf16>,
            %max3A_1036 = arith.maximumf %get3A_1026, %bitcast3A_1011 : vector<32xbf16>
            %swap3A_1037 = arith.index_cast %squeeze3A_1002 : i32 to index
            %swap3A_1038 = arith.constant 0 : index
            %swap3A_1039 = tpu.vector_load %arg14[%swap3A_1037, %swap3A_1038] {strides = array<i32>} : memref<321x128xbf16, #tpu.memory_space<vmem>>, vector<32xbf16>,
            tpu.vector_store %arg14[%swap3A_1037, %swap3A_1038], %max3A_1036 {strides = array<i32>} : memref<321x128xbf16, #tpu.memory_space<vmem>>, vector<32xbf16>,
            %max3A_1040 = arith.maximumf %get3A_1029, %bitcast3A_1015 : vector<32xbf16>
            %swap3A_1041 = arith.index_cast %squeeze3A_1002 : i32 to index
            %swap3A_1042 = arith.constant 32 : index
            %swap3A_1043 = tpu.vector_load %arg14[%swap3A_1041, %swap3A_1042] {strides = array<i32>} : memref<321x128xbf16, #tpu.memory_space<vmem>>, vector<32xbf16>,
            tpu.vector_store %arg14[%swap3A_1041, %swap3A_1042], %max3A_1040 {strides = array<i32>} : memref<321x128xbf16, #tpu.memory_space<vmem>>, vector<32xbf16>,
            %max3A_1044 = arith.maximumf %get3A_1032, %bitcast3A_1019 : vector<32xbf16>
            %swap3A_1045 = arith.index_cast %squeeze3A_1002 : i32 to index
            %swap3A_1046 = arith.constant 64 : index
            %swap3A_1047 = tpu.vector_load %arg14[%swap3A_1045, %swap3A_1046] {strides = array<i32>} : memref<321x128xbf16, #tpu.memory_space<vmem>>, vector<32xbf16>,
            tpu.vector_store %arg14[%swap3A_1045, %swap3A_1046], %max3A_1044 {strides = array<i32>} : memref<321x128xbf16, #tpu.memory_space<vmem>>, vector<32xbf16>,
            %max3A_1048 = arith.maximumf %get3A_1035, %bitcast3A_1023 : vector<32xbf16>
            %swap3A_1049 = arith.index_cast %squeeze3A_1002 : i32 to index
            %swap3A_1050 = arith.constant 96 : index
            %swap3A_1051 = tpu.vector_load %arg14[%swap3A_1049, %swap3A_1050] {strides = array<i32>} : memref<321x128xbf16, #tpu.memory_space<vmem>>, vector<32xbf16>,
            tpu.vector_store %arg14[%swap3A_1049, %swap3A_1050], %max3A_1048 {strides = array<i32>} : memref<321x128xbf16, #tpu.memory_space<vmem>>, vector<32xbf16>,
            %slice3A_1052 = vector.extract_strided_slice %get3A_441 {offsets = [12], sizes = [1], strides = [1]} : vector<16xi32> to vector<1xi32>
            %squeeze3A_1053 = vector.extract %slice3A_1052[0] : i32 from vector<1xi32>
            %mul3A_1054 = arith.constant 16 : i32
            %mul3A_1055 = arith.muli %scan3A_436, %mul3A_1054 : i32
            %add3A_1056 = arith.addi %mul3A_423, %mul3A_1055 : i32
            %add3A_1057 = arith.constant 12 : i32
            %add3A_1058 = arith.addi %add3A_1056, %add3A_1057 : i32
            %get3A_1059 = arith.index_cast %add3A_1058 : i32 to index
            %get3A_1060 = arith.constant 0 : index
            %get3A_1061 = tpu.vector_load %arg13[%get3A_1059, %get3A_1060] {strides = array<i32>} : memref<256x64xi32, #tpu.memory_space<vmem>>, vector<16xi32>,
            %bitcast3A_1062 = vector.bitcast %get3A_1061 : vector<16xi32> to vector<32xbf16>
            %get3A_1063 = arith.index_cast %add3A_1058 : i32 to index
            %get3A_1064 = arith.constant 16 : index
            %get3A_1065 = tpu.vector_load %arg13[%get3A_1063, %get3A_1064] {strides = array<i32>} : memref<256x64xi32, #tpu.memory_space<vmem>>, vector<16xi32>,
            %bitcast3A_1066 = vector.bitcast %get3A_1065 : vector<16xi32> to vector<32xbf16>
            %get3A_1067 = arith.index_cast %add3A_1058 : i32 to index
            %get3A_1068 = arith.constant 32 : index
            %get3A_1069 = tpu.vector_load %arg13[%get3A_1067, %get3A_1068] {strides = array<i32>} : memref<256x64xi32, #tpu.memory_space<vmem>>, vector<16xi32>,
            %bitcast3A_1070 = vector.bitcast %get3A_1069 : vector<16xi32> to vector<32xbf16>
            %get3A_1071 = arith.index_cast %add3A_1058 : i32 to index
            %get3A_1072 = arith.constant 48 : index
            %get3A_1073 = tpu.vector_load %arg13[%get3A_1071, %get3A_1072] {strides = array<i32>} : memref<256x64xi32, #tpu.memory_space<vmem>>, vector<16xi32>,
            %bitcast3A_1074 = vector.bitcast %get3A_1073 : vector<16xi32> to vector<32xbf16>
            %get3A_1075 = arith.index_cast %squeeze3A_1053 : i32 to index
            %get3A_1076 = arith.constant 0 : index
            %get3A_1077 = tpu.vector_load %arg14[%get3A_1075, %get3A_1076] {strides = array<i32>} : memref<321x128xbf16, #tpu.memory_space<vmem>>, vector<32xbf16>,
            %get3A_1078 = arith.index_cast %squeeze3A_1053 : i32 to index
            %get3A_1079 = arith.constant 32 : index
            %get3A_1080 = tpu.vector_load %arg14[%get3A_1078, %get3A_1079] {strides = array<i32>} : memref<321x128xbf16, #tpu.memory_space<vmem>>, vector<32xbf16>,
            %get3A_1081 = arith.index_cast %squeeze3A_1053 : i32 to index
            %get3A_1082 = arith.constant 64 : index
            %get3A_1083 = tpu.vector_load %arg14[%get3A_1081, %get3A_1082] {strides = array<i32>} : memref<321x128xbf16, #tpu.memory_space<vmem>>, vector<32xbf16>,
            %get3A_1084 = arith.index_cast %squeeze3A_1053 : i32 to index
            %get3A_1085 = arith.constant 96 : index
            %get3A_1086 = tpu.vector_load %arg14[%get3A_1084, %get3A_1085] {strides = array<i32>} : memref<321x128xbf16, #tpu.memory_space<vmem>>, vector<32xbf16>,
            %max3A_1087 = arith.maximumf %get3A_1077, %bitcast3A_1062 : vector<32xbf16>
            %swap3A_1088 = arith.index_cast %squeeze3A_1053 : i32 to index
            %swap3A_1089 = arith.constant 0 : index
            %swap3A_1090 = tpu.vector_load %arg14[%swap3A_1088, %swap3A_1089] {strides = array<i32>} : memref<321x128xbf16, #tpu.memory_space<vmem>>, vector<32xbf16>,
            tpu.vector_store %arg14[%swap3A_1088, %swap3A_1089], %max3A_1087 {strides = array<i32>} : memref<321x128xbf16, #tpu.memory_space<vmem>>, vector<32xbf16>,
            %max3A_1091 = arith.maximumf %get3A_1080, %bitcast3A_1066 : vector<32xbf16>
            %swap3A_1092 = arith.index_cast %squeeze3A_1053 : i32 to index
            %swap3A_1093 = arith.constant 32 : index
            %swap3A_1094 = tpu.vector_load %arg14[%swap3A_1092, %swap3A_1093] {strides = array<i32>} : memref<321x128xbf16, #tpu.memory_space<vmem>>, vector<32xbf16>,
            tpu.vector_store %arg14[%swap3A_1092, %swap3A_1093], %max3A_1091 {strides = array<i32>} : memref<321x128xbf16, #tpu.memory_space<vmem>>, vector<32xbf16>,
            %max3A_1095 = arith.maximumf %get3A_1083, %bitcast3A_1070 : vector<32xbf16>
            %swap3A_1096 = arith.index_cast %squeeze3A_1053 : i32 to index
            %swap3A_1097 = arith.constant 64 : index
            %swap3A_1098 = tpu.vector_load %arg14[%swap3A_1096, %swap3A_1097] {strides = array<i32>} : memref<321x128xbf16, #tpu.memory_space<vmem>>, vector<32xbf16>,
            tpu.vector_store %arg14[%swap3A_1096, %swap3A_1097], %max3A_1095 {strides = array<i32>} : memref<321x128xbf16, #tpu.memory_space<vmem>>, vector<32xbf16>,
            %max3A_1099 = arith.maximumf %get3A_1086, %bitcast3A_1074 : vector<32xbf16>
            %swap3A_1100 = arith.index_cast %squeeze3A_1053 : i32 to index
            %swap3A_1101 = arith.constant 96 : index
            %swap3A_1102 = tpu.vector_load %arg14[%swap3A_1100, %swap3A_1101] {strides = array<i32>} : memref<321x128xbf16, #tpu.memory_space<vmem>>, vector<32xbf16>,
            tpu.vector_store %arg14[%swap3A_1100, %swap3A_1101], %max3A_1099 {strides = array<i32>} : memref<321x128xbf16, #tpu.memory_space<vmem>>, vector<32xbf16>,
            %slice3A_1103 = vector.extract_strided_slice %get3A_441 {offsets = [13], sizes = [1], strides = [1]} : vector<16xi32> to vector<1xi32>
            %squeeze3A_1104 = vector.extract %slice3A_1103[0] : i32 from vector<1xi32>
            %mul3A_1105 = arith.constant 16 : i32
            %mul3A_1106 = arith.muli %scan3A_436, %mul3A_1105 : i32
            %add3A_1107 = arith.addi %mul3A_423, %mul3A_1106 : i32
            %add3A_1108 = arith.constant 13 : i32
            %add3A_1109 = arith.addi %add3A_1107, %add3A_1108 : i32
            %get3A_1110 = arith.index_cast %add3A_1109 : i32 to index
            %get3A_1111 = arith.constant 0 : index
            %get3A_1112 = tpu.vector_load %arg13[%get3A_1110, %get3A_1111] {strides = array<i32>} : memref<256x64xi32, #tpu.memory_space<vmem>>, vector<16xi32>,
            %bitcast3A_1113 = vector.bitcast %get3A_1112 : vector<16xi32> to vector<32xbf16>
            %get3A_1114 = arith.index_cast %add3A_1109 : i32 to index
            %get3A_1115 = arith.constant 16 : index
            %get3A_1116 = tpu.vector_load %arg13[%get3A_1114, %get3A_1115] {strides = array<i32>} : memref<256x64xi32, #tpu.memory_space<vmem>>, vector<16xi32>,
            %bitcast3A_1117 = vector.bitcast %get3A_1116 : vector<16xi32> to vector<32xbf16>
            %get3A_1118 = arith.index_cast %add3A_1109 : i32 to index
            %get3A_1119 = arith.constant 32 : index
            %get3A_1120 = tpu.vector_load %arg13[%get3A_1118, %get3A_1119] {strides = array<i32>} : memref<256x64xi32, #tpu.memory_space<vmem>>, vector<16xi32>,
            %bitcast3A_1121 = vector.bitcast %get3A_1120 : vector<16xi32> to vector<32xbf16>
            %get3A_1122 = arith.index_cast %add3A_1109 : i32 to index
            %get3A_1123 = arith.constant 48 : index
            %get3A_1124 = tpu.vector_load %arg13[%get3A_1122, %get3A_1123] {strides = array<i32>} : memref<256x64xi32, #tpu.memory_space<vmem>>, vector<16xi32>,
            %bitcast3A_1125 = vector.bitcast %get3A_1124 : vector<16xi32> to vector<32xbf16>
            %get3A_1126 = arith.index_cast %squeeze3A_1104 : i32 to index
            %get3A_1127 = arith.constant 0 : index
            %get3A_1128 = tpu.vector_load %arg14[%get3A_1126, %get3A_1127] {strides = array<i32>} : memref<321x128xbf16, #tpu.memory_space<vmem>>, vector<32xbf16>,
            %get3A_1129 = arith.index_cast %squeeze3A_1104 : i32 to index
            %get3A_1130 = arith.constant 32 : index
            %get3A_1131 = tpu.vector_load %arg14[%get3A_1129, %get3A_1130] {strides = array<i32>} : memref<321x128xbf16, #tpu.memory_space<vmem>>, vector<32xbf16>,
            %get3A_1132 = arith.index_cast %squeeze3A_1104 : i32 to index
            %get3A_1133 = arith.constant 64 : index
            %get3A_1134 = tpu.vector_load %arg14[%get3A_1132, %get3A_1133] {strides = array<i32>} : memref<321x128xbf16, #tpu.memory_space<vmem>>, vector<32xbf16>,
            %get3A_1135 = arith.index_cast %squeeze3A_1104 : i32 to index
            %get3A_1136 = arith.constant 96 : index
            %get3A_1137 = tpu.vector_load %arg14[%get3A_1135, %get3A_1136] {strides = array<i32>} : memref<321x128xbf16, #tpu.memory_space<vmem>>, vector<32xbf16>,
            %max3A_1138 = arith.maximumf %get3A_1128, %bitcast3A_1113 : vector<32xbf16>
            %swap3A_1139 = arith.index_cast %squeeze3A_1104 : i32 to index
            %swap3A_1140 = arith.constant 0 : index
            %swap3A_1141 = tpu.vector_load %arg14[%swap3A_1139, %swap3A_1140] {strides = array<i32>} : memref<321x128xbf16, #tpu.memory_space<vmem>>, vector<32xbf16>,
            tpu.vector_store %arg14[%swap3A_1139, %swap3A_1140], %max3A_1138 {strides = array<i32>} : memref<321x128xbf16, #tpu.memory_space<vmem>>, vector<32xbf16>,
            %max3A_1142 = arith.maximumf %get3A_1131, %bitcast3A_1117 : vector<32xbf16>
            %swap3A_1143 = arith.index_cast %squeeze3A_1104 : i32 to index
            %swap3A_1144 = arith.constant 32 : index
            %swap3A_1145 = tpu.vector_load %arg14[%swap3A_1143, %swap3A_1144] {strides = array<i32>} : memref<321x128xbf16, #tpu.memory_space<vmem>>, vector<32xbf16>,
            tpu.vector_store %arg14[%swap3A_1143, %swap3A_1144], %max3A_1142 {strides = array<i32>} : memref<321x128xbf16, #tpu.memory_space<vmem>>, vector<32xbf16>,
            %max3A_1146 = arith.maximumf %get3A_1134, %bitcast3A_1121 : vector<32xbf16>
            %swap3A_1147 = arith.index_cast %squeeze3A_1104 : i32 to index
            %swap3A_1148 = arith.constant 64 : index
            %swap3A_1149 = tpu.vector_load %arg14[%swap3A_1147, %swap3A_1148] {strides = array<i32>} : memref<321x128xbf16, #tpu.memory_space<vmem>>, vector<32xbf16>,
            tpu.vector_store %arg14[%swap3A_1147, %swap3A_1148], %max3A_1146 {strides = array<i32>} : memref<321x128xbf16, #tpu.memory_space<vmem>>, vector<32xbf16>,
            %max3A_1150 = arith.maximumf %get3A_1137, %bitcast3A_1125 : vector<32xbf16>
            %swap3A_1151 = arith.index_cast %squeeze3A_1104 : i32 to index
            %swap3A_1152 = arith.constant 96 : index
            %swap3A_1153 = tpu.vector_load %arg14[%swap3A_1151, %swap3A_1152] {strides = array<i32>} : memref<321x128xbf16, #tpu.memory_space<vmem>>, vector<32xbf16>,
            tpu.vector_store %arg14[%swap3A_1151, %swap3A_1152], %max3A_1150 {strides = array<i32>} : memref<321x128xbf16, #tpu.memory_space<vmem>>, vector<32xbf16>,
            %slice3A_1154 = vector.extract_strided_slice %get3A_441 {offsets = [14], sizes = [1], strides = [1]} : vector<16xi32> to vector<1xi32>
            %squeeze3A_1155 = vector.extract %slice3A_1154[0] : i32 from vector<1xi32>
            %mul3A_1156 = arith.constant 16 : i32
            %mul3A_1157 = arith.muli %scan3A_436, %mul3A_1156 : i32
            %add3A_1158 = arith.addi %mul3A_423, %mul3A_1157 : i32
            %add3A_1159 = arith.constant 14 : i32
            %add3A_1160 = arith.addi %add3A_1158, %add3A_1159 : i32
            %get3A_1161 = arith.index_cast %add3A_1160 : i32 to index
            %get3A_1162 = arith.constant 0 : index
            %get3A_1163 = tpu.vector_load %arg13[%get3A_1161, %get3A_1162] {strides = array<i32>} : memref<256x64xi32, #tpu.memory_space<vmem>>, vector<16xi32>,
            %bitcast3A_1164 = vector.bitcast %get3A_1163 : vector<16xi32> to vector<32xbf16>
            %get3A_1165 = arith.index_cast %add3A_1160 : i32 to index
            %get3A_1166 = arith.constant 16 : index
            %get3A_1167 = tpu.vector_load %arg13[%get3A_1165, %get3A_1166] {strides = array<i32>} : memref<256x64xi32, #tpu.memory_space<vmem>>, vector<16xi32>,
            %bitcast3A_1168 = vector.bitcast %get3A_1167 : vector<16xi32> to vector<32xbf16>
            %get3A_1169 = arith.index_cast %add3A_1160 : i32 to index
            %get3A_1170 = arith.constant 32 : index
            %get3A_1171 = tpu.vector_load %arg13[%get3A_1169, %get3A_1170] {strides = array<i32>} : memref<256x64xi32, #tpu.memory_space<vmem>>, vector<16xi32>,
            %bitcast3A_1172 = vector.bitcast %get3A_1171 : vector<16xi32> to vector<32xbf16>
            %get3A_1173 = arith.index_cast %add3A_1160 : i32 to index
            %get3A_1174 = arith.constant 48 : index
            %get3A_1175 = tpu.vector_load %arg13[%get3A_1173, %get3A_1174] {strides = array<i32>} : memref<256x64xi32, #tpu.memory_space<vmem>>, vector<16xi32>,
            %bitcast3A_1176 = vector.bitcast %get3A_1175 : vector<16xi32> to vector<32xbf16>
            %get3A_1177 = arith.index_cast %squeeze3A_1155 : i32 to index
            %get3A_1178 = arith.constant 0 : index
            %get3A_1179 = tpu.vector_load %arg14[%get3A_1177, %get3A_1178] {strides = array<i32>} : memref<321x128xbf16, #tpu.memory_space<vmem>>, vector<32xbf16>,
            %get3A_1180 = arith.index_cast %squeeze3A_1155 : i32 to index
            %get3A_1181 = arith.constant 32 : index
            %get3A_1182 = tpu.vector_load %arg14[%get3A_1180, %get3A_1181] {strides = array<i32>} : memref<321x128xbf16, #tpu.memory_space<vmem>>, vector<32xbf16>,
            %get3A_1183 = arith.index_cast %squeeze3A_1155 : i32 to index
            %get3A_1184 = arith.constant 64 : index
            %get3A_1185 = tpu.vector_load %arg14[%get3A_1183, %get3A_1184] {strides = array<i32>} : memref<321x128xbf16, #tpu.memory_space<vmem>>, vector<32xbf16>,
            %get3A_1186 = arith.index_cast %squeeze3A_1155 : i32 to index
            %get3A_1187 = arith.constant 96 : index
            %get3A_1188 = tpu.vector_load %arg14[%get3A_1186, %get3A_1187] {strides = array<i32>} : memref<321x128xbf16, #tpu.memory_space<vmem>>, vector<32xbf16>,
            %max3A_1189 = arith.maximumf %get3A_1179, %bitcast3A_1164 : vector<32xbf16>
            %swap3A_1190 = arith.index_cast %squeeze3A_1155 : i32 to index
            %swap3A_1191 = arith.constant 0 : index
            %swap3A_1192 = tpu.vector_load %arg14[%swap3A_1190, %swap3A_1191] {strides = array<i32>} : memref<321x128xbf16, #tpu.memory_space<vmem>>, vector<32xbf16>,
            tpu.vector_store %arg14[%swap3A_1190, %swap3A_1191], %max3A_1189 {strides = array<i32>} : memref<321x128xbf16, #tpu.memory_space<vmem>>, vector<32xbf16>,
            %max3A_1193 = arith.maximumf %get3A_1182, %bitcast3A_1168 : vector<32xbf16>
            %swap3A_1194 = arith.index_cast %squeeze3A_1155 : i32 to index
            %swap3A_1195 = arith.constant 32 : index
            %swap3A_1196 = tpu.vector_load %arg14[%swap3A_1194, %swap3A_1195] {strides = array<i32>} : memref<321x128xbf16, #tpu.memory_space<vmem>>, vector<32xbf16>,
            tpu.vector_store %arg14[%swap3A_1194, %swap3A_1195], %max3A_1193 {strides = array<i32>} : memref<321x128xbf16, #tpu.memory_space<vmem>>, vector<32xbf16>,
            %max3A_1197 = arith.maximumf %get3A_1185, %bitcast3A_1172 : vector<32xbf16>
            %swap3A_1198 = arith.index_cast %squeeze3A_1155 : i32 to index
            %swap3A_1199 = arith.constant 64 : index
            %swap3A_1200 = tpu.vector_load %arg14[%swap3A_1198, %swap3A_1199] {strides = array<i32>} : memref<321x128xbf16, #tpu.memory_space<vmem>>, vector<32xbf16>,
            tpu.vector_store %arg14[%swap3A_1198, %swap3A_1199], %max3A_1197 {strides = array<i32>} : memref<321x128xbf16, #tpu.memory_space<vmem>>, vector<32xbf16>,
            %max3A_1201 = arith.maximumf %get3A_1188, %bitcast3A_1176 : vector<32xbf16>
            %swap3A_1202 = arith.index_cast %squeeze3A_1155 : i32 to index
            %swap3A_1203 = arith.constant 96 : index
            %swap3A_1204 = tpu.vector_load %arg14[%swap3A_1202, %swap3A_1203] {strides = array<i32>} : memref<321x128xbf16, #tpu.memory_space<vmem>>, vector<32xbf16>,
            tpu.vector_store %arg14[%swap3A_1202, %swap3A_1203], %max3A_1201 {strides = array<i32>} : memref<321x128xbf16, #tpu.memory_space<vmem>>, vector<32xbf16>,
            %slice3A_1205 = vector.extract_strided_slice %get3A_441 {offsets = [15], sizes = [1], strides = [1]} : vector<16xi32> to vector<1xi32>
            %squeeze3A_1206 = vector.extract %slice3A_1205[0] : i32 from vector<1xi32>
            %mul3A_1207 = arith.constant 16 : i32
            %mul3A_1208 = arith.muli %scan3A_436, %mul3A_1207 : i32
            %add3A_1209 = arith.addi %mul3A_423, %mul3A_1208 : i32
            %add3A_1210 = arith.constant 15 : i32
            %add3A_1211 = arith.addi %add3A_1209, %add3A_1210 : i32
            %get3A_1212 = arith.index_cast %add3A_1211 : i32 to index
            %get3A_1213 = arith.constant 0 : index
            %get3A_1214 = tpu.vector_load %arg13[%get3A_1212, %get3A_1213] {strides = array<i32>} : memref<256x64xi32, #tpu.memory_space<vmem>>, vector<16xi32>,
            %bitcast3A_1215 = vector.bitcast %get3A_1214 : vector<16xi32> to vector<32xbf16>
            %get3A_1216 = arith.index_cast %add3A_1211 : i32 to index
            %get3A_1217 = arith.constant 16 : index
            %get3A_1218 = tpu.vector_load %arg13[%get3A_1216, %get3A_1217] {strides = array<i32>} : memref<256x64xi32, #tpu.memory_space<vmem>>, vector<16xi32>,
            %bitcast3A_1219 = vector.bitcast %get3A_1218 : vector<16xi32> to vector<32xbf16>
            %get3A_1220 = arith.index_cast %add3A_1211 : i32 to index
            %get3A_1221 = arith.constant 32 : index
            %get3A_1222 = tpu.vector_load %arg13[%get3A_1220, %get3A_1221] {strides = array<i32>} : memref<256x64xi32, #tpu.memory_space<vmem>>, vector<16xi32>,
            %bitcast3A_1223 = vector.bitcast %get3A_1222 : vector<16xi32> to vector<32xbf16>
            %get3A_1224 = arith.index_cast %add3A_1211 : i32 to index
            %get3A_1225 = arith.constant 48 : index
            %get3A_1226 = tpu.vector_load %arg13[%get3A_1224, %get3A_1225] {strides = array<i32>} : memref<256x64xi32, #tpu.memory_space<vmem>>, vector<16xi32>,
            %bitcast3A_1227 = vector.bitcast %get3A_1226 : vector<16xi32> to vector<32xbf16>
            %get3A_1228 = arith.index_cast %squeeze3A_1206 : i32 to index
            %get3A_1229 = arith.constant 0 : index
            %get3A_1230 = tpu.vector_load %arg14[%get3A_1228, %get3A_1229] {strides = array<i32>} : memref<321x128xbf16, #tpu.memory_space<vmem>>, vector<32xbf16>,
            %get3A_1231 = arith.index_cast %squeeze3A_1206 : i32 to index
            %get3A_1232 = arith.constant 32 : index
            %get3A_1233 = tpu.vector_load %arg14[%get3A_1231, %get3A_1232] {strides = array<i32>} : memref<321x128xbf16, #tpu.memory_space<vmem>>, vector<32xbf16>,
            %get3A_1234 = arith.index_cast %squeeze3A_1206 : i32 to index
            %get3A_1235 = arith.constant 64 : index
            %get3A_1236 = tpu.vector_load %arg14[%get3A_1234, %get3A_1235] {strides = array<i32>} : memref<321x128xbf16, #tpu.memory_space<vmem>>, vector<32xbf16>,
            %get3A_1237 = arith.index_cast %squeeze3A_1206 : i32 to index
            %get3A_1238 = arith.constant 96 : index
            %get3A_1239 = tpu.vector_load %arg14[%get3A_1237, %get3A_1238] {strides = array<i32>} : memref<321x128xbf16, #tpu.memory_space<vmem>>, vector<32xbf16>,
            %max3A_1240 = arith.maximumf %get3A_1230, %bitcast3A_1215 : vector<32xbf16>
            %swap3A_1241 = arith.index_cast %squeeze3A_1206 : i32 to index
            %swap3A_1242 = arith.constant 0 : index
            %swap3A_1243 = tpu.vector_load %arg14[%swap3A_1241, %swap3A_1242] {strides = array<i32>} : memref<321x128xbf16, #tpu.memory_space<vmem>>, vector<32xbf16>,
            tpu.vector_store %arg14[%swap3A_1241, %swap3A_1242], %max3A_1240 {strides = array<i32>} : memref<321x128xbf16, #tpu.memory_space<vmem>>, vector<32xbf16>,
            %max3A_1244 = arith.maximumf %get3A_1233, %bitcast3A_1219 : vector<32xbf16>
            %swap3A_1245 = arith.index_cast %squeeze3A_1206 : i32 to index
            %swap3A_1246 = arith.constant 32 : index
            %swap3A_1247 = tpu.vector_load %arg14[%swap3A_1245, %swap3A_1246] {strides = array<i32>} : memref<321x128xbf16, #tpu.memory_space<vmem>>, vector<32xbf16>,
            tpu.vector_store %arg14[%swap3A_1245, %swap3A_1246], %max3A_1244 {strides = array<i32>} : memref<321x128xbf16, #tpu.memory_space<vmem>>, vector<32xbf16>,
            %max3A_1248 = arith.maximumf %get3A_1236, %bitcast3A_1223 : vector<32xbf16>
            %swap3A_1249 = arith.index_cast %squeeze3A_1206 : i32 to index
            %swap3A_1250 = arith.constant 64 : index
            %swap3A_1251 = tpu.vector_load %arg14[%swap3A_1249, %swap3A_1250] {strides = array<i32>} : memref<321x128xbf16, #tpu.memory_space<vmem>>, vector<32xbf16>,
            tpu.vector_store %arg14[%swap3A_1249, %swap3A_1250], %max3A_1248 {strides = array<i32>} : memref<321x128xbf16, #tpu.memory_space<vmem>>, vector<32xbf16>,
            %max3A_1252 = arith.maximumf %get3A_1239, %bitcast3A_1227 : vector<32xbf16>
            %swap3A_1253 = arith.index_cast %squeeze3A_1206 : i32 to index
            %swap3A_1254 = arith.constant 96 : index
            %swap3A_1255 = tpu.vector_load %arg14[%swap3A_1253, %swap3A_1254] {strides = array<i32>} : memref<321x128xbf16, #tpu.memory_space<vmem>>, vector<32xbf16>,
            tpu.vector_store %arg14[%swap3A_1253, %swap3A_1254], %max3A_1252 {strides = array<i32>} : memref<321x128xbf16, #tpu.memory_space<vmem>>, vector<32xbf16>,
          }
          %scan3A_435 = arith.constant 8 : i32
        } else {
        }
        %jit3A_220 = arith.constant 2 : i32
        %eq3A = arith.constant 0 : i32
        %eq3A_221 = arith.cmpi eq, %jit3A_220, %eq3A : i32
        %jit3A_222 = arith.constant 1 : i32
        %select_n3A_223 = arith.select %eq3A_221, %jit3A_222, %jit3A_220 : i32
        %rem3A_224 = arith.remsi %while3A_214, %select_n3A_223 : i32
        %ne3A_225 = arith.constant 0 : i32
        %ne3A_226 = arith.cmpi ne, %rem3A_224, %ne3A_225 : i32
        %lt3A_227 = arith.constant 0 : i32
        %lt3A_228 = arith.cmpi slt, %rem3A_224, %lt3A_227 : i32
        %lt3A_229 = arith.constant 0 : i32
        %lt3A_230 = arith.cmpi slt, %select_n3A_223, %lt3A_229 : i32
        %ne3A_231 = arith.xori %lt3A_228, %lt3A_230 : i1
        %and3A_232 = arith.andi %ne3A_231, %ne3A_226 : i1
        %add3A_233 = arith.addi %rem3A_224, %select_n3A_223 : i32
        %select_n3A_234 = arith.select %and3A_232, %add3A_233, %rem3A_224 : i32
        %mul3A_235 = arith.constant 128 : i32
        %mul3A_236 = arith.muli %select_n3A_234, %mul3A_235 : i32
        %mul3A_237 = arith.constant 128 : i32
        %mul3A_238 = arith.muli %while3A_214, %mul3A_237 : i32
        %jit3A_239 = arith.constant 4096 : i32
        %eq3A_240 = arith.constant 0 : i32
        %eq3A_241 = arith.cmpi eq, %jit3A_239, %eq3A_240 : i32
        %jit3A_242 = arith.constant 1 : i32
        %select_n3A_243 = arith.select %eq3A_241, %jit3A_242, %jit3A_239 : i32
        %rem3A_244 = arith.remsi %mul3A_238, %select_n3A_243 : i32
        %ne3A_245 = arith.constant 0 : i32
        %ne3A_246 = arith.cmpi ne, %rem3A_244, %ne3A_245 : i32
        %lt3A_247 = arith.constant 0 : i32
        %lt3A_248 = arith.cmpi slt, %rem3A_244, %lt3A_247 : i32
        %lt3A_249 = arith.constant 0 : i32
        %lt3A_250 = arith.cmpi slt, %select_n3A_243, %lt3A_249 : i32
        %ne3A_251 = arith.xori %lt3A_248, %lt3A_250 : i1
        %and3A_252 = arith.andi %ne3A_251, %ne3A_246 : i1
        %add3A_253 = arith.addi %rem3A_244, %select_n3A_243 : i32
        %select_n3A_254 = arith.select %and3A_252, %add3A_253, %rem3A_244 : i32
        %multiple_of3A = tpu.assume_multiple %select_n3A_254, 128 : i32
        %add3A_255 = arith.constant 0 : i32
        %add3A_256 = arith.addi %multiple_of3A, %add3A_255 : i32
        %get3A = arith.index_cast %add3A_256 : i32 to index
        %get3A_257 = tpu.vector_load %arg10[%get3A] {strides = array<i32>} : memref<4112xi32, #tpu.memory_space<vmem>>, vector<16xi32>,
        %shift_right_arithmetic3A = arith.constant 9 : i32
        %shift_right_arithmetic3A_258 = vector.broadcast %shift_right_arithmetic3A : i32 to vector<16xi32>
        %shift_right_arithmetic3A_259 = arith.shrsi %get3A_257, %shift_right_arithmetic3A_258 : vector<16xi32>
        %add3A_260 = arith.constant 0 : i32
        %add3A_261 = arith.addi %mul3A_236, %add3A_260 : i32
        %swap3A = arith.index_cast %add3A_261 : i32 to index
        %swap3A_262 = tpu.vector_load %arg11[%swap3A] {strides = array<i32>} : memref<256xi32, #tpu.memory_space<vmem>>, vector<16xi32>,
        tpu.vector_store %arg11[%swap3A], %shift_right_arithmetic3A_259 {strides = array<i32>} : memref<256xi32, #tpu.memory_space<vmem>>, vector<16xi32>,
        %and3A_263 = arith.constant 511 : i32
        %and3A_264 = vector.broadcast %and3A_263 : i32 to vector<16xi32>
        %and3A_265 = arith.andi %get3A_257, %and3A_264 : vector<16xi32>
        %add3A_266 = arith.constant 0 : i32
        %add3A_267 = arith.addi %mul3A_236, %add3A_266 : i32
        %swap3A_268 = arith.index_cast %add3A_267 : i32 to index
        %swap3A_269 = tpu.vector_load %arg12[%swap3A_268] {strides = array<i32>} : memref<256xi32, #tpu.memory_space<vmem>>, vector<16xi32>,
        tpu.vector_store %arg12[%swap3A_268], %and3A_265 {strides = array<i32>} : memref<256xi32, #tpu.memory_space<vmem>>, vector<16xi32>,
        %add3A_270 = arith.constant 16 : i32
        %add3A_271 = arith.addi %multiple_of3A, %add3A_270 : i32
        %get3A_272 = arith.index_cast %add3A_271 : i32 to index
        %get3A_273 = tpu.vector_load %arg10[%get3A_272] {strides = array<i32>} : memref<4112xi32, #tpu.memory_space<vmem>>, vector<16xi32>,
        %shift_right_arithmetic3A_274 = arith.constant 9 : i32
        %shift_right_arithmetic3A_275 = vector.broadcast %shift_right_arithmetic3A_274 : i32 to vector<16xi32>
        %shift_right_arithmetic3A_276 = arith.shrsi %get3A_273, %shift_right_arithmetic3A_275 : vector<16xi32>
        %add3A_277 = arith.constant 16 : i32
        %add3A_278 = arith.addi %mul3A_236, %add3A_277 : i32
        %swap3A_279 = arith.index_cast %add3A_278 : i32 to index
        %swap3A_280 = tpu.vector_load %arg11[%swap3A_279] {strides = array<i32>} : memref<256xi32, #tpu.memory_space<vmem>>, vector<16xi32>,
        tpu.vector_store %arg11[%swap3A_279], %shift_right_arithmetic3A_276 {strides = array<i32>} : memref<256xi32, #tpu.memory_space<vmem>>, vector<16xi32>,
        %and3A_281 = arith.constant 511 : i32
        %and3A_282 = vector.broadcast %and3A_281 : i32 to vector<16xi32>
        %and3A_283 = arith.andi %get3A_273, %and3A_282 : vector<16xi32>
        %add3A_284 = arith.constant 16 : i32
        %add3A_285 = arith.addi %mul3A_236, %add3A_284 : i32
        %swap3A_286 = arith.index_cast %add3A_285 : i32 to index
        %swap3A_287 = tpu.vector_load %arg12[%swap3A_286] {strides = array<i32>} : memref<256xi32, #tpu.memory_space<vmem>>, vector<16xi32>,
        tpu.vector_store %arg12[%swap3A_286], %and3A_283 {strides = array<i32>} : memref<256xi32, #tpu.memory_space<vmem>>, vector<16xi32>,
        %add3A_288 = arith.constant 32 : i32
        %add3A_289 = arith.addi %multiple_of3A, %add3A_288 : i32
        %get3A_290 = arith.index_cast %add3A_289 : i32 to index
        %get3A_291 = tpu.vector_load %arg10[%get3A_290] {strides = array<i32>} : memref<4112xi32, #tpu.memory_space<vmem>>, vector<16xi32>,
        %shift_right_arithmetic3A_292 = arith.constant 9 : i32
        %shift_right_arithmetic3A_293 = vector.broadcast %shift_right_arithmetic3A_292 : i32 to vector<16xi32>
        %shift_right_arithmetic3A_294 = arith.shrsi %get3A_291, %shift_right_arithmetic3A_293 : vector<16xi32>
        %add3A_295 = arith.constant 32 : i32
        %add3A_296 = arith.addi %mul3A_236, %add3A_295 : i32
        %swap3A_297 = arith.index_cast %add3A_296 : i32 to index
        %swap3A_298 = tpu.vector_load %arg11[%swap3A_297] {strides = array<i32>} : memref<256xi32, #tpu.memory_space<vmem>>, vector<16xi32>,
        tpu.vector_store %arg11[%swap3A_297], %shift_right_arithmetic3A_294 {strides = array<i32>} : memref<256xi32, #tpu.memory_space<vmem>>, vector<16xi32>,
        %and3A_299 = arith.constant 511 : i32
        %and3A_300 = vector.broadcast %and3A_299 : i32 to vector<16xi32>
        %and3A_301 = arith.andi %get3A_291, %and3A_300 : vector<16xi32>
        %add3A_302 = arith.constant 32 : i32
        %add3A_303 = arith.addi %mul3A_236, %add3A_302 : i32
        %swap3A_304 = arith.index_cast %add3A_303 : i32 to index
        %swap3A_305 = tpu.vector_load %arg12[%swap3A_304] {strides = array<i32>} : memref<256xi32, #tpu.memory_space<vmem>>, vector<16xi32>,
        tpu.vector_store %arg12[%swap3A_304], %and3A_301 {strides = array<i32>} : memref<256xi32, #tpu.memory_space<vmem>>, vector<16xi32>,
        %add3A_306 = arith.constant 48 : i32
        %add3A_307 = arith.addi %multiple_of3A, %add3A_306 : i32
        %get3A_308 = arith.index_cast %add3A_307 : i32 to index
        %get3A_309 = tpu.vector_load %arg10[%get3A_308] {strides = array<i32>} : memref<4112xi32, #tpu.memory_space<vmem>>, vector<16xi32>,
        %shift_right_arithmetic3A_310 = arith.constant 9 : i32
        %shift_right_arithmetic3A_311 = vector.broadcast %shift_right_arithmetic3A_310 : i32 to vector<16xi32>
        %shift_right_arithmetic3A_312 = arith.shrsi %get3A_309, %shift_right_arithmetic3A_311 : vector<16xi32>
        %add3A_313 = arith.constant 48 : i32
        %add3A_314 = arith.addi %mul3A_236, %add3A_313 : i32
        %swap3A_315 = arith.index_cast %add3A_314 : i32 to index
        %swap3A_316 = tpu.vector_load %arg11[%swap3A_315] {strides = array<i32>} : memref<256xi32, #tpu.memory_space<vmem>>, vector<16xi32>,
        tpu.vector_store %arg11[%swap3A_315], %shift_right_arithmetic3A_312 {strides = array<i32>} : memref<256xi32, #tpu.memory_space<vmem>>, vector<16xi32>,
        %and3A_317 = arith.constant 511 : i32
        %and3A_318 = vector.broadcast %and3A_317 : i32 to vector<16xi32>
        %and3A_319 = arith.andi %get3A_309, %and3A_318 : vector<16xi32>
        %add3A_320 = arith.constant 48 : i32
        %add3A_321 = arith.addi %mul3A_236, %add3A_320 : i32
        %swap3A_322 = arith.index_cast %add3A_321 : i32 to index
        %swap3A_323 = tpu.vector_load %arg12[%swap3A_322] {strides = array<i32>} : memref<256xi32, #tpu.memory_space<vmem>>, vector<16xi32>,
        tpu.vector_store %arg12[%swap3A_322], %and3A_319 {strides = array<i32>} : memref<256xi32, #tpu.memory_space<vmem>>, vector<16xi32>,
        %add3A_324 = arith.constant 64 : i32
        %add3A_325 = arith.addi %multiple_of3A, %add3A_324 : i32
        %get3A_326 = arith.index_cast %add3A_325 : i32 to index
        %get3A_327 = tpu.vector_load %arg10[%get3A_326] {strides = array<i32>} : memref<4112xi32, #tpu.memory_space<vmem>>, vector<16xi32>,
        %shift_right_arithmetic3A_328 = arith.constant 9 : i32
        %shift_right_arithmetic3A_329 = vector.broadcast %shift_right_arithmetic3A_328 : i32 to vector<16xi32>
        %shift_right_arithmetic3A_330 = arith.shrsi %get3A_327, %shift_right_arithmetic3A_329 : vector<16xi32>
        %add3A_331 = arith.constant 64 : i32
        %add3A_332 = arith.addi %mul3A_236, %add3A_331 : i32
        %swap3A_333 = arith.index_cast %add3A_332 : i32 to index
        %swap3A_334 = tpu.vector_load %arg11[%swap3A_333] {strides = array<i32>} : memref<256xi32, #tpu.memory_space<vmem>>, vector<16xi32>,
        tpu.vector_store %arg11[%swap3A_333], %shift_right_arithmetic3A_330 {strides = array<i32>} : memref<256xi32, #tpu.memory_space<vmem>>, vector<16xi32>,
        %and3A_335 = arith.constant 511 : i32
        %and3A_336 = vector.broadcast %and3A_335 : i32 to vector<16xi32>
        %and3A_337 = arith.andi %get3A_327, %and3A_336 : vector<16xi32>
        %add3A_338 = arith.constant 64 : i32
        %add3A_339 = arith.addi %mul3A_236, %add3A_338 : i32
        %swap3A_340 = arith.index_cast %add3A_339 : i32 to index
        %swap3A_341 = tpu.vector_load %arg12[%swap3A_340] {strides = array<i32>} : memref<256xi32, #tpu.memory_space<vmem>>, vector<16xi32>,
        tpu.vector_store %arg12[%swap3A_340], %and3A_337 {strides = array<i32>} : memref<256xi32, #tpu.memory_space<vmem>>, vector<16xi32>,
        %add3A_342 = arith.constant 80 : i32
        %add3A_343 = arith.addi %multiple_of3A, %add3A_342 : i32
        %get3A_344 = arith.index_cast %add3A_343 : i32 to index
        %get3A_345 = tpu.vector_load %arg10[%get3A_344] {strides = array<i32>} : memref<4112xi32, #tpu.memory_space<vmem>>, vector<16xi32>,
        %shift_right_arithmetic3A_346 = arith.constant 9 : i32
        %shift_right_arithmetic3A_347 = vector.broadcast %shift_right_arithmetic3A_346 : i32 to vector<16xi32>
        %shift_right_arithmetic3A_348 = arith.shrsi %get3A_345, %shift_right_arithmetic3A_347 : vector<16xi32>
        %add3A_349 = arith.constant 80 : i32
        %add3A_350 = arith.addi %mul3A_236, %add3A_349 : i32
        %swap3A_351 = arith.index_cast %add3A_350 : i32 to index
        %swap3A_352 = tpu.vector_load %arg11[%swap3A_351] {strides = array<i32>} : memref<256xi32, #tpu.memory_space<vmem>>, vector<16xi32>,
        tpu.vector_store %arg11[%swap3A_351], %shift_right_arithmetic3A_348 {strides = array<i32>} : memref<256xi32, #tpu.memory_space<vmem>>, vector<16xi32>,
        %and3A_353 = arith.constant 511 : i32
        %and3A_354 = vector.broadcast %and3A_353 : i32 to vector<16xi32>
        %and3A_355 = arith.andi %get3A_345, %and3A_354 : vector<16xi32>
        %add3A_356 = arith.constant 80 : i32
        %add3A_357 = arith.addi %mul3A_236, %add3A_356 : i32
        %swap3A_358 = arith.index_cast %add3A_357 : i32 to index
        %swap3A_359 = tpu.vector_load %arg12[%swap3A_358] {strides = array<i32>} : memref<256xi32, #tpu.memory_space<vmem>>, vector<16xi32>,
        tpu.vector_store %arg12[%swap3A_358], %and3A_355 {strides = array<i32>} : memref<256xi32, #tpu.memory_space<vmem>>, vector<16xi32>,
        %add3A_360 = arith.constant 96 : i32
        %add3A_361 = arith.addi %multiple_of3A, %add3A_360 : i32
        %get3A_362 = arith.index_cast %add3A_361 : i32 to index
        %get3A_363 = tpu.vector_load %arg10[%get3A_362] {strides = array<i32>} : memref<4112xi32, #tpu.memory_space<vmem>>, vector<16xi32>,
        %shift_right_arithmetic3A_364 = arith.constant 9 : i32
        %shift_right_arithmetic3A_365 = vector.broadcast %shift_right_arithmetic3A_364 : i32 to vector<16xi32>
        %shift_right_arithmetic3A_366 = arith.shrsi %get3A_363, %shift_right_arithmetic3A_365 : vector<16xi32>
        %add3A_367 = arith.constant 96 : i32
        %add3A_368 = arith.addi %mul3A_236, %add3A_367 : i32
        %swap3A_369 = arith.index_cast %add3A_368 : i32 to index
        %swap3A_370 = tpu.vector_load %arg11[%swap3A_369] {strides = array<i32>} : memref<256xi32, #tpu.memory_space<vmem>>, vector<16xi32>,
        tpu.vector_store %arg11[%swap3A_369], %shift_right_arithmetic3A_366 {strides = array<i32>} : memref<256xi32, #tpu.memory_space<vmem>>, vector<16xi32>,
        %and3A_371 = arith.constant 511 : i32
        %and3A_372 = vector.broadcast %and3A_371 : i32 to vector<16xi32>
        %and3A_373 = arith.andi %get3A_363, %and3A_372 : vector<16xi32>
        %add3A_374 = arith.constant 96 : i32
        %add3A_375 = arith.addi %mul3A_236, %add3A_374 : i32
        %swap3A_376 = arith.index_cast %add3A_375 : i32 to index
        %swap3A_377 = tpu.vector_load %arg12[%swap3A_376] {strides = array<i32>} : memref<256xi32, #tpu.memory_space<vmem>>, vector<16xi32>,
        tpu.vector_store %arg12[%swap3A_376], %and3A_373 {strides = array<i32>} : memref<256xi32, #tpu.memory_space<vmem>>, vector<16xi32>,
        %add3A_378 = arith.constant 112 : i32
        %add3A_379 = arith.addi %multiple_of3A, %add3A_378 : i32
        %get3A_380 = arith.index_cast %add3A_379 : i32 to index
        %get3A_381 = tpu.vector_load %arg10[%get3A_380] {strides = array<i32>} : memref<4112xi32, #tpu.memory_space<vmem>>, vector<16xi32>,
        %shift_right_arithmetic3A_382 = arith.constant 9 : i32
        %shift_right_arithmetic3A_383 = vector.broadcast %shift_right_arithmetic3A_382 : i32 to vector<16xi32>
        %shift_right_arithmetic3A_384 = arith.shrsi %get3A_381, %shift_right_arithmetic3A_383 : vector<16xi32>
        %add3A_385 = arith.constant 112 : i32
        %add3A_386 = arith.addi %mul3A_236, %add3A_385 : i32
        %swap3A_387 = arith.index_cast %add3A_386 : i32 to index
        %swap3A_388 = tpu.vector_load %arg11[%swap3A_387] {strides = array<i32>} : memref<256xi32, #tpu.memory_space<vmem>>, vector<16xi32>,
        tpu.vector_store %arg11[%swap3A_387], %shift_right_arithmetic3A_384 {strides = array<i32>} : memref<256xi32, #tpu.memory_space<vmem>>, vector<16xi32>,
        %and3A_389 = arith.constant 511 : i32
        %and3A_390 = vector.broadcast %and3A_389 : i32 to vector<16xi32>
        %and3A_391 = arith.andi %get3A_381, %and3A_390 : vector<16xi32>
        %add3A_392 = arith.constant 112 : i32
        %add3A_393 = arith.addi %mul3A_236, %add3A_392 : i32
        %swap3A_394 = arith.index_cast %add3A_393 : i32 to index
        %swap3A_395 = tpu.vector_load %arg12[%swap3A_394] {strides = array<i32>} : memref<256xi32, #tpu.memory_space<vmem>>, vector<16xi32>,
        tpu.vector_store %arg12[%swap3A_394], %and3A_391 {strides = array<i32>} : memref<256xi32, #tpu.memory_space<vmem>>, vector<16xi32>,
        %dma_start3A_396 = arith.constant 0 : i32
        %dma_start3A_397 = tpu.memref_slice %arg13[%mul3A_236, %dma_start3A_396] : memref<256x64xi32, #tpu.memory_space<vmem>> -> memref<128x64xi32, #tpu.memory_space<vmem>>
        %dma_start3A_398 = tpu.memref_slice %arg11[%mul3A_236] : memref<256xi32, #tpu.memory_space<vmem>> -> memref<128xi32, #tpu.memory_space<vmem>>
        %dma_start3A_399 = arith.constant 0 : i32
        %dma_start3A_400 = arith.constant 0 : i32
        %dma_start3A_401 = tpu.memref_slice %arg4[%dma_start3A_399, %dma_start3A_400] : memref<10000x64xi32, #tpu.memory_space<hbm>> -> memref<10000x64xi32, #tpu.memory_space<hbm>>
        tpu.enqueue_indirect_dma source(%dma_start3A_401 : memref<10000x64xi32, #tpu.memory_space<hbm>>) target(%dma_start3A_397 : memref<128x64xi32, #tpu.memory_space<vmem>>) offsets(%dma_start3A_398 : memref<128xi32, #tpu.memory_space<vmem>>) semaphore(%arg16 : memref<!tpu.dma_semaphore, #tpu.memory_space<semaphore_mem>>)
        %add3A_402 = arith.constant 1 : i32
        %add3A_403 = arith.addi %while3A_214, %add3A_402 : i32
        scf.yield %add3A_403 : i32
      }
      %mul3A_162 = arith.constant 2 : i32
      %mul3A_163 = arith.muli %scan3A_109, %mul3A_162 : i32
      %add3A_164 = arith.constant 1 : i32
      %add3A_165 = arith.addi %mul3A_163, %add3A_164 : i32
      %add3A_166 = arith.constant 1 : i32
      %add3A_167 = arith.addi %add3A_165, %add3A_166 : i32
      %lt3A_168 = arith.constant 80 : i32
      %lt3A_169 = arith.cmpi slt, %add3A_167, %lt3A_168 : i32
      %convert_element_type3A_170 = arith.extui %lt3A_169 : i1 to i32
      %cond3A_171 = arith.constant 0 : i32
      %cond3A_172 = arith.cmpi ne, %convert_element_type3A_170, %cond3A_171 : i32
      scf.if %cond3A_172 {
        %add3A_214 = arith.constant 1 : i32
        %add3A_215 = arith.addi %add3A_165, %add3A_214 : i32
        %mul3A_216 = arith.constant 2000 : i32
        %mul3A_217 = arith.muli %add3A_215, %mul3A_216 : i32
        %dma_start3A_218 = tpu.memref_slice %arg3[%mul3A_217] : memref<160000xi32, #tpu.memory_space<hbm>> -> memref<2000xi32, #tpu.memory_space<hbm>>
        %dma_start3A_219 = tpu.memref_slice %arg3[%mul3A_217] : memref<160000xi32, #tpu.memory_space<hbm>> -> memref<2000xi32, #tpu.memory_space<hbm>>
        tpu.enqueue_dma source(%dma_start3A_219 : memref<2000xi32, #tpu.memory_space<hbm>>) target(%arg6 : memref<2000xi32, #tpu.memory_space<vmem>>) target_semaphore(%arg15 : memref<!tpu.dma_semaphore, #tpu.memory_space<semaphore_mem>>)
        %mul3A_220 = arith.constant 2000 : i32
        %mul3A_221 = arith.muli %add3A_215, %mul3A_220 : i32
        %dma_start3A_222 = tpu.memref_slice %arg2[%mul3A_221] : memref<160000xi32, #tpu.memory_space<hbm>> -> memref<2000xi32, #tpu.memory_space<hbm>>
        %dma_start3A_223 = tpu.memref_slice %arg2[%mul3A_221] : memref<160000xi32, #tpu.memory_space<hbm>> -> memref<2000xi32, #tpu.memory_space<hbm>>
        tpu.enqueue_dma source(%dma_start3A_223 : memref<2000xi32, #tpu.memory_space<hbm>>) target(%arg8 : memref<2000xi32, #tpu.memory_space<vmem>>) target_semaphore(%arg15 : memref<!tpu.dma_semaphore, #tpu.memory_space<semaphore_mem>>)
      } else {
      }
      %dma_wait3A_173 = arith.constant 0 : i32
      %dma_wait3A_174 = tpu.memref_slice %arg3[%dma_wait3A_173] : memref<160000xi32, #tpu.memory_space<hbm>> -> memref<2000xi32, #tpu.memory_space<hbm>>
      %dma_wait3A_175 = arith.constant 0 : i32
      %dma_wait3A_176 = tpu.memref_slice %arg3[%dma_wait3A_175] : memref<160000xi32, #tpu.memory_space<hbm>> -> memref<2000xi32, #tpu.memory_space<hbm>>
      tpu.wait_dma2 semaphore(%arg15 : memref<!tpu.dma_semaphore, #tpu.memory_space<semaphore_mem>>) src(%dma_wait3A_176 : memref<2000xi32, #tpu.memory_space<hbm>>) dst(%arg7 : memref<2000xi32, #tpu.memory_space<vmem>>)
      %dma_wait3A_177 = arith.constant 0 : i32
      %dma_wait3A_178 = tpu.memref_slice %arg2[%dma_wait3A_177] : memref<160000xi32, #tpu.memory_space<hbm>> -> memref<2000xi32, #tpu.memory_space<hbm>>
      %dma_wait3A_179 = arith.constant 0 : i32
      %dma_wait3A_180 = tpu.memref_slice %arg2[%dma_wait3A_179] : memref<160000xi32, #tpu.memory_space<hbm>> -> memref<2000xi32, #tpu.memory_space<hbm>>
      tpu.wait_dma2 semaphore(%arg15 : memref<!tpu.dma_semaphore, #tpu.memory_space<semaphore_mem>>) src(%dma_wait3A_180 : memref<2000xi32, #tpu.memory_space<hbm>>) dst(%arg9 : memref<2000xi32, #tpu.memory_space<vmem>>)
      %scan3A_181 = arith.constant 0 : i32
      %scan3A_182 = arith.constant 125 : i32
      %scan3A_183 = arith.addi %scan3A_181, %scan3A_182 : i32
      %scan3A_184 = arith.constant 5 : i32
      %scan3A_185 = scf.for %scan3A_214 = %scan3A_181 to %scan3A_183 step %scan3A_184 iter_args(%scan3A_215 = %scan3A_133) -> (vector<16xi32>)  : i32 {
        %mul3A_216 = arith.constant 16 : i32
        %mul3A_217 = arith.muli %scan3A_214, %mul3A_216 : i32
        %get3A = arith.index_cast %mul3A_217 : i32 to index
        %get3A_218 = tpu.vector_load %arg7[%get3A] {strides = array<i32>} : memref<2000xi32, #tpu.memory_space<vmem>>, vector<16xi32>,
        %get3A_219 = arith.index_cast %mul3A_217 : i32 to index
        %get3A_220 = tpu.vector_load %arg9[%get3A_219] {strides = array<i32>} : memref<2000xi32, #tpu.memory_space<vmem>>, vector<16xi32>,
        %ge3A = vector.broadcast %mul3A_2 : i32 to vector<16xi32>
        %ge3A_221 = arith.cmpi sge, %get3A_218, %ge3A : vector<16xi32>
        %lt3A_222 = vector.broadcast %add3A_4 : i32 to vector<16xi32>
        %lt3A_223 = arith.cmpi slt, %get3A_218, %lt3A_222 : vector<16xi32>
        %and3A_224 = arith.andi %ge3A_221, %lt3A_223 : vector<16xi1>
        %convert_element_type3A_225 = arith.extui %and3A_224 : vector<16xi1> to vector<16xi32>
        %broadcast_in_dim3A_226 = arith.constant true
        %broadcast_in_dim3A_227 = vector.broadcast %broadcast_in_dim3A_226 : i1 to vector<16xi1>
        %masked_cumsum3A = tpu.scan <sum>, %convert_element_type3A_225 masked %broadcast_in_dim3A_227 : vector<16xi32>, vector<16xi1> -> vector<16xi32>
        %all_reduce_population_count3A = tpu.all_reduce %and3A_224 {dim = 0 : i64, kind = #tpu.reduction_kind<sum>} : vector<16xi1> -> vector<16xi32>
        %mul3A_228 = arith.constant 512 : i32
        %mul3A_229 = vector.broadcast %mul3A_228 : i32 to vector<16xi32>
        %mul3A_230 = arith.muli %get3A_220, %mul3A_229 : vector<16xi32>
        %sub3A_231 = vector.broadcast %mul3A_2 : i32 to vector<16xi32>
        %sub3A_232 = arith.subi %get3A_218, %sub3A_231 : vector<16xi32>
        %add3A_233 = arith.addi %mul3A_230, %sub3A_232 : vector<16xi32>
        %add3A_234 = arith.addi %scan3A_215, %masked_cumsum3A : vector<16xi32>
        %sub3A_235 = arith.constant 1 : i32
        %sub3A_236 = vector.broadcast %sub3A_235 : i32 to vector<16xi32>
        %sub3A_237 = arith.subi %add3A_234, %sub3A_236 : vector<16xi32>
        %and3A_238 = arith.constant 4095 : i32
        %and3A_239 = vector.broadcast %and3A_238 : i32 to vector<16xi32>
        %and3A_240 = arith.andi %sub3A_237, %and3A_239 : vector<16xi32>
        %jit3A_241 = arith.constant 4096 : i32
        %broadcast_in_dim3A_242 = vector.broadcast %jit3A_241 : i32 to vector<16xi32>
        %select_n3A_243 = arith.select %and3A_224, %and3A_240, %broadcast_in_dim3A_242 : vector<16xi1>, vector<16xi32>
        tpu.vector_store_idx %arg10[%select_n3A_243], %add3A_233 : memref<4112xi32, #tpu.memory_space<vmem>>[vector<16xi32>], vector<16xi32>,
        %add3A_244 = arith.addi %scan3A_215, %all_reduce_population_count3A : vector<16xi32>
        %scan3A_245 = arith.constant 1 : i32
        %scan3A_246 = arith.addi %scan3A_214, %scan3A_245 : i32
        %mul3A_247 = arith.constant 16 : i32
        %mul3A_248 = arith.muli %scan3A_246, %mul3A_247 : i32
        %get3A_249 = arith.index_cast %mul3A_248 : i32 to index
        %get3A_250 = tpu.vector_load %arg7[%get3A_249] {strides = array<i32>} : memref<2000xi32, #tpu.memory_space<vmem>>, vector<16xi32>,
        %get3A_251 = arith.index_cast %mul3A_248 : i32 to index
        %get3A_252 = tpu.vector_load %arg9[%get3A_251] {strides = array<i32>} : memref<2000xi32, #tpu.memory_space<vmem>>, vector<16xi32>,
        %ge3A_253 = vector.broadcast %mul3A_2 : i32 to vector<16xi32>
        %ge3A_254 = arith.cmpi sge, %get3A_250, %ge3A_253 : vector<16xi32>
        %lt3A_255 = vector.broadcast %add3A_4 : i32 to vector<16xi32>
        %lt3A_256 = arith.cmpi slt, %get3A_250, %lt3A_255 : vector<16xi32>
        %and3A_257 = arith.andi %ge3A_254, %lt3A_256 : vector<16xi1>
        %convert_element_type3A_258 = arith.extui %and3A_257 : vector<16xi1> to vector<16xi32>
        %broadcast_in_dim3A_259 = arith.constant true
        %broadcast_in_dim3A_260 = vector.broadcast %broadcast_in_dim3A_259 : i1 to vector<16xi1>
        %masked_cumsum3A_261 = tpu.scan <sum>, %convert_element_type3A_258 masked %broadcast_in_dim3A_260 : vector<16xi32>, vector<16xi1> -> vector<16xi32>
        %all_reduce_population_count3A_262 = tpu.all_reduce %and3A_257 {dim = 0 : i64, kind = #tpu.reduction_kind<sum>} : vector<16xi1> -> vector<16xi32>
        %mul3A_263 = arith.constant 512 : i32
        %mul3A_264 = vector.broadcast %mul3A_263 : i32 to vector<16xi32>
        %mul3A_265 = arith.muli %get3A_252, %mul3A_264 : vector<16xi32>
        %sub3A_266 = vector.broadcast %mul3A_2 : i32 to vector<16xi32>
        %sub3A_267 = arith.subi %get3A_250, %sub3A_266 : vector<16xi32>
        %add3A_268 = arith.addi %mul3A_265, %sub3A_267 : vector<16xi32>
        %add3A_269 = arith.addi %add3A_244, %masked_cumsum3A_261 : vector<16xi32>
        %sub3A_270 = arith.constant 1 : i32
        %sub3A_271 = vector.broadcast %sub3A_270 : i32 to vector<16xi32>
        %sub3A_272 = arith.subi %add3A_269, %sub3A_271 : vector<16xi32>
        %and3A_273 = arith.constant 4095 : i32
        %and3A_274 = vector.broadcast %and3A_273 : i32 to vector<16xi32>
        %and3A_275 = arith.andi %sub3A_272, %and3A_274 : vector<16xi32>
        %jit3A_276 = arith.constant 4096 : i32
        %broadcast_in_dim3A_277 = vector.broadcast %jit3A_276 : i32 to vector<16xi32>
        %select_n3A_278 = arith.select %and3A_257, %and3A_275, %broadcast_in_dim3A_277 : vector<16xi1>, vector<16xi32>
        tpu.vector_store_idx %arg10[%select_n3A_278], %add3A_268 : memref<4112xi32, #tpu.memory_space<vmem>>[vector<16xi32>], vector<16xi32>,
        %add3A_279 = arith.addi %add3A_244, %all_reduce_population_count3A_262 : vector<16xi32>
        %scan3A_280 = arith.constant 2 : i32
        %scan3A_281 = arith.addi %scan3A_214, %scan3A_280 : i32
        %mul3A_282 = arith.constant 16 : i32
        %mul3A_283 = arith.muli %scan3A_281, %mul3A_282 : i32
        %get3A_284 = arith.index_cast %mul3A_283 : i32 to index
        %get3A_285 = tpu.vector_load %arg7[%get3A_284] {strides = array<i32>} : memref<2000xi32, #tpu.memory_space<vmem>>, vector<16xi32>,
        %get3A_286 = arith.index_cast %mul3A_283 : i32 to index
        %get3A_287 = tpu.vector_load %arg9[%get3A_286] {strides = array<i32>} : memref<2000xi32, #tpu.memory_space<vmem>>, vector<16xi32>,
        %ge3A_288 = vector.broadcast %mul3A_2 : i32 to vector<16xi32>
        %ge3A_289 = arith.cmpi sge, %get3A_285, %ge3A_288 : vector<16xi32>
        %lt3A_290 = vector.broadcast %add3A_4 : i32 to vector<16xi32>
        %lt3A_291 = arith.cmpi slt, %get3A_285, %lt3A_290 : vector<16xi32>
        %and3A_292 = arith.andi %ge3A_289, %lt3A_291 : vector<16xi1>
        %convert_element_type3A_293 = arith.extui %and3A_292 : vector<16xi1> to vector<16xi32>
        %broadcast_in_dim3A_294 = arith.constant true
        %broadcast_in_dim3A_295 = vector.broadcast %broadcast_in_dim3A_294 : i1 to vector<16xi1>
        %masked_cumsum3A_296 = tpu.scan <sum>, %convert_element_type3A_293 masked %broadcast_in_dim3A_295 : vector<16xi32>, vector<16xi1> -> vector<16xi32>
        %all_reduce_population_count3A_297 = tpu.all_reduce %and3A_292 {dim = 0 : i64, kind = #tpu.reduction_kind<sum>} : vector<16xi1> -> vector<16xi32>
        %mul3A_298 = arith.constant 512 : i32
        %mul3A_299 = vector.broadcast %mul3A_298 : i32 to vector<16xi32>
        %mul3A_300 = arith.muli %get3A_287, %mul3A_299 : vector<16xi32>
        %sub3A_301 = vector.broadcast %mul3A_2 : i32 to vector<16xi32>
        %sub3A_302 = arith.subi %get3A_285, %sub3A_301 : vector<16xi32>
        %add3A_303 = arith.addi %mul3A_300, %sub3A_302 : vector<16xi32>
        %add3A_304 = arith.addi %add3A_279, %masked_cumsum3A_296 : vector<16xi32>
        %sub3A_305 = arith.constant 1 : i32
        %sub3A_306 = vector.broadcast %sub3A_305 : i32 to vector<16xi32>
        %sub3A_307 = arith.subi %add3A_304, %sub3A_306 : vector<16xi32>
        %and3A_308 = arith.constant 4095 : i32
        %and3A_309 = vector.broadcast %and3A_308 : i32 to vector<16xi32>
        %and3A_310 = arith.andi %sub3A_307, %and3A_309 : vector<16xi32>
        %jit3A_311 = arith.constant 4096 : i32
        %broadcast_in_dim3A_312 = vector.broadcast %jit3A_311 : i32 to vector<16xi32>
        %select_n3A_313 = arith.select %and3A_292, %and3A_310, %broadcast_in_dim3A_312 : vector<16xi1>, vector<16xi32>
        tpu.vector_store_idx %arg10[%select_n3A_313], %add3A_303 : memref<4112xi32, #tpu.memory_space<vmem>>[vector<16xi32>], vector<16xi32>,
        %add3A_314 = arith.addi %add3A_279, %all_reduce_population_count3A_297 : vector<16xi32>
        %scan3A_315 = arith.constant 3 : i32
        %scan3A_316 = arith.addi %scan3A_214, %scan3A_315 : i32
        %mul3A_317 = arith.constant 16 : i32
        %mul3A_318 = arith.muli %scan3A_316, %mul3A_317 : i32
        %get3A_319 = arith.index_cast %mul3A_318 : i32 to index
        %get3A_320 = tpu.vector_load %arg7[%get3A_319] {strides = array<i32>} : memref<2000xi32, #tpu.memory_space<vmem>>, vector<16xi32>,
        %get3A_321 = arith.index_cast %mul3A_318 : i32 to index
        %get3A_322 = tpu.vector_load %arg9[%get3A_321] {strides = array<i32>} : memref<2000xi32, #tpu.memory_space<vmem>>, vector<16xi32>,
        %ge3A_323 = vector.broadcast %mul3A_2 : i32 to vector<16xi32>
        %ge3A_324 = arith.cmpi sge, %get3A_320, %ge3A_323 : vector<16xi32>
        %lt3A_325 = vector.broadcast %add3A_4 : i32 to vector<16xi32>
        %lt3A_326 = arith.cmpi slt, %get3A_320, %lt3A_325 : vector<16xi32>
        %and3A_327 = arith.andi %ge3A_324, %lt3A_326 : vector<16xi1>
        %convert_element_type3A_328 = arith.extui %and3A_327 : vector<16xi1> to vector<16xi32>
        %broadcast_in_dim3A_329 = arith.constant true
        %broadcast_in_dim3A_330 = vector.broadcast %broadcast_in_dim3A_329 : i1 to vector<16xi1>
        %masked_cumsum3A_331 = tpu.scan <sum>, %convert_element_type3A_328 masked %broadcast_in_dim3A_330 : vector<16xi32>, vector<16xi1> -> vector<16xi32>
        %all_reduce_population_count3A_332 = tpu.all_reduce %and3A_327 {dim = 0 : i64, kind = #tpu.reduction_kind<sum>} : vector<16xi1> -> vector<16xi32>
        %mul3A_333 = arith.constant 512 : i32
        %mul3A_334 = vector.broadcast %mul3A_333 : i32 to vector<16xi32>
        %mul3A_335 = arith.muli %get3A_322, %mul3A_334 : vector<16xi32>
        %sub3A_336 = vector.broadcast %mul3A_2 : i32 to vector<16xi32>
        %sub3A_337 = arith.subi %get3A_320, %sub3A_336 : vector<16xi32>
        %add3A_338 = arith.addi %mul3A_335, %sub3A_337 : vector<16xi32>
        %add3A_339 = arith.addi %add3A_314, %masked_cumsum3A_331 : vector<16xi32>
        %sub3A_340 = arith.constant 1 : i32
        %sub3A_341 = vector.broadcast %sub3A_340 : i32 to vector<16xi32>
        %sub3A_342 = arith.subi %add3A_339, %sub3A_341 : vector<16xi32>
        %and3A_343 = arith.constant 4095 : i32
        %and3A_344 = vector.broadcast %and3A_343 : i32 to vector<16xi32>
        %and3A_345 = arith.andi %sub3A_342, %and3A_344 : vector<16xi32>
        %jit3A_346 = arith.constant 4096 : i32
        %broadcast_in_dim3A_347 = vector.broadcast %jit3A_346 : i32 to vector<16xi32>
        %select_n3A_348 = arith.select %and3A_327, %and3A_345, %broadcast_in_dim3A_347 : vector<16xi1>, vector<16xi32>
        tpu.vector_store_idx %arg10[%select_n3A_348], %add3A_338 : memref<4112xi32, #tpu.memory_space<vmem>>[vector<16xi32>], vector<16xi32>,
        %add3A_349 = arith.addi %add3A_314, %all_reduce_population_count3A_332 : vector<16xi32>
        %scan3A_350 = arith.constant 4 : i32
        %scan3A_351 = arith.addi %scan3A_214, %scan3A_350 : i32
        %mul3A_352 = arith.constant 16 : i32
        %mul3A_353 = arith.muli %scan3A_351, %mul3A_352 : i32
        %get3A_354 = arith.index_cast %mul3A_353 : i32 to index
        %get3A_355 = tpu.vector_load %arg7[%get3A_354] {strides = array<i32>} : memref<2000xi32, #tpu.memory_space<vmem>>, vector<16xi32>,
        %get3A_356 = arith.index_cast %mul3A_353 : i32 to index
        %get3A_357 = tpu.vector_load %arg9[%get3A_356] {strides = array<i32>} : memref<2000xi32, #tpu.memory_space<vmem>>, vector<16xi32>,
        %ge3A_358 = vector.broadcast %mul3A_2 : i32 to vector<16xi32>
        %ge3A_359 = arith.cmpi sge, %get3A_355, %ge3A_358 : vector<16xi32>
        %lt3A_360 = vector.broadcast %add3A_4 : i32 to vector<16xi32>
        %lt3A_361 = arith.cmpi slt, %get3A_355, %lt3A_360 : vector<16xi32>
        %and3A_362 = arith.andi %ge3A_359, %lt3A_361 : vector<16xi1>
        %convert_element_type3A_363 = arith.extui %and3A_362 : vector<16xi1> to vector<16xi32>
        %broadcast_in_dim3A_364 = arith.constant true
        %broadcast_in_dim3A_365 = vector.broadcast %broadcast_in_dim3A_364 : i1 to vector<16xi1>
        %masked_cumsum3A_366 = tpu.scan <sum>, %convert_element_type3A_363 masked %broadcast_in_dim3A_365 : vector<16xi32>, vector<16xi1> -> vector<16xi32>
        %all_reduce_population_count3A_367 = tpu.all_reduce %and3A_362 {dim = 0 : i64, kind = #tpu.reduction_kind<sum>} : vector<16xi1> -> vector<16xi32>
        %mul3A_368 = arith.constant 512 : i32
        %mul3A_369 = vector.broadcast %mul3A_368 : i32 to vector<16xi32>
        %mul3A_370 = arith.muli %get3A_357, %mul3A_369 : vector<16xi32>
        %sub3A_371 = vector.broadcast %mul3A_2 : i32 to vector<16xi32>
        %sub3A_372 = arith.subi %get3A_355, %sub3A_371 : vector<16xi32>
        %add3A_373 = arith.addi %mul3A_370, %sub3A_372 : vector<16xi32>
        %add3A_374 = arith.addi %add3A_349, %masked_cumsum3A_366 : vector<16xi32>
        %sub3A_375 = arith.constant 1 : i32
        %sub3A_376 = vector.broadcast %sub3A_375 : i32 to vector<16xi32>
        %sub3A_377 = arith.subi %add3A_374, %sub3A_376 : vector<16xi32>
        %and3A_378 = arith.constant 4095 : i32
        %and3A_379 = vector.broadcast %and3A_378 : i32 to vector<16xi32>
        %and3A_380 = arith.andi %sub3A_377, %and3A_379 : vector<16xi32>
        %jit3A_381 = arith.constant 4096 : i32
        %broadcast_in_dim3A_382 = vector.broadcast %jit3A_381 : i32 to vector<16xi32>
        %select_n3A_383 = arith.select %and3A_362, %and3A_380, %broadcast_in_dim3A_382 : vector<16xi1>, vector<16xi32>
        tpu.vector_store_idx %arg10[%select_n3A_383], %add3A_373 : memref<4112xi32, #tpu.memory_space<vmem>>[vector<16xi32>], vector<16xi32>,
        %add3A_384 = arith.addi %add3A_349, %all_reduce_population_count3A_367 : vector<16xi32>
        scf.yield %add3A_384 : vector<16xi32>
      }
      %scan3A_186 = arith.constant 125 : i32
      %slice3A_187 = vector.extract_strided_slice %scan3A_185 {offsets = [0], sizes = [1], strides = [1]} : vector<16xi32> to vector<1xi32>
      %squeeze3A_188 = vector.extract %slice3A_187[0] : i32 from vector<1xi32>
      %jit3A_189 = arith.constant 128 : i32
      %div3A_190 = arith.divsi %squeeze3A_188, %jit3A_189 : i32
      %sign3A_191 = arith.constant 0 : i32
      %sign3A_192 = arith.cmpi sgt, %squeeze3A_188, %sign3A_191 : i32
      %sign3A_193 = arith.extui %sign3A_192 : i1 to i32
      %sign3A_194 = arith.constant 0 : i32
      %sign3A_195 = arith.cmpi slt, %squeeze3A_188, %sign3A_194 : i32
      %sign3A_196 = arith.extui %sign3A_195 : i1 to i32
      %sign3A_197 = arith.subi %sign3A_193, %sign3A_196 : i32
      %sign3A_198 = arith.constant 0 : i32
      %sign3A_199 = arith.cmpi sgt, %jit3A_189, %sign3A_198 : i32
      %sign3A_200 = arith.extui %sign3A_199 : i1 to i32
      %sign3A_201 = arith.constant 0 : i32
      %sign3A_202 = arith.cmpi slt, %jit3A_189, %sign3A_201 : i32
      %sign3A_203 = arith.extui %sign3A_202 : i1 to i32
      %sign3A_204 = arith.subi %sign3A_200, %sign3A_203 : i32
      %ne3A_205 = arith.cmpi ne, %sign3A_197, %sign3A_204 : i32
      %rem3A_206 = arith.remsi %squeeze3A_188, %jit3A_189 : i32
      %ne3A_207 = arith.constant 0 : i32
      %ne3A_208 = arith.cmpi ne, %rem3A_206, %ne3A_207 : i32
      %and3A_209 = arith.andi %ne3A_205, %ne3A_208 : i1
      %sub3A_210 = arith.constant 1 : i32
      %sub3A_211 = arith.subi %div3A_190, %sub3A_210 : i32
      %select_n3A_212 = arith.select %and3A_209, %sub3A_211, %div3A_190 : i32
      %while3A_213 = scf.while (%while3A_214 = %while3A_161) : (i32) -> i32 {
        %lt3A_215 = arith.cmpi slt, %while3A_214, %select_n3A_212 : i32
        scf.condition(%lt3A_215) %while3A_214 : i32
      } do {
      ^bb0(%while3A_214: i32):
        %gt3A_215 = arith.constant 0 : i32
        %gt3A_216 = arith.cmpi sgt, %while3A_214, %gt3A_215 : i32
        %convert_element_type3A_217 = arith.extui %gt3A_216 : i1 to i32
        %cond3A_218 = arith.constant 0 : i32
        %cond3A_219 = arith.cmpi ne, %convert_element_type3A_217, %cond3A_218 : i32
        scf.if %cond3A_219 {
          %sub3A_404 = arith.constant 1 : i32
          %sub3A_405 = arith.subi %while3A_214, %sub3A_404 : i32
          %jit3A_406 = arith.constant 2 : i32
          %eq3A_407 = arith.constant 0 : i32
          %eq3A_408 = arith.cmpi eq, %jit3A_406, %eq3A_407 : i32
          %jit3A_409 = arith.constant 1 : i32
          %select_n3A_410 = arith.select %eq3A_408, %jit3A_409, %jit3A_406 : i32
          %rem3A_411 = arith.remsi %sub3A_405, %select_n3A_410 : i32
          %ne3A_412 = arith.constant 0 : i32
          %ne3A_413 = arith.cmpi ne, %rem3A_411, %ne3A_412 : i32
          %lt3A_414 = arith.constant 0 : i32
          %lt3A_415 = arith.cmpi slt, %rem3A_411, %lt3A_414 : i32
          %lt3A_416 = arith.constant 0 : i32
          %lt3A_417 = arith.cmpi slt, %select_n3A_410, %lt3A_416 : i32
          %ne3A_418 = arith.xori %lt3A_415, %lt3A_417 : i1
          %and3A_419 = arith.andi %ne3A_418, %ne3A_413 : i1
          %add3A_420 = arith.addi %rem3A_411, %select_n3A_410 : i32
          %select_n3A_421 = arith.select %and3A_419, %add3A_420, %rem3A_411 : i32
          %mul3A_422 = arith.constant 128 : i32
          %mul3A_423 = arith.muli %select_n3A_421, %mul3A_422 : i32
          %dma_wait3A_424 = arith.constant 0 : i32
          %dma_wait3A_425 = tpu.memref_slice %arg13[%mul3A_423, %dma_wait3A_424] : memref<256x64xi32, #tpu.memory_space<vmem>> -> memref<128x64xi32, #tpu.memory_space<vmem>>
          %dma_wait3A_426 = tpu.memref_slice %arg11[%mul3A_423] : memref<256xi32, #tpu.memory_space<vmem>> -> memref<128xi32, #tpu.memory_space<vmem>>
          %dma_wait3A_427 = arith.constant 0 : i32
          %dma_wait3A_428 = arith.constant 0 : i32
          %dma_wait3A_429 = tpu.memref_slice %arg4[%dma_wait3A_427, %dma_wait3A_428] : memref<10000x64xi32, #tpu.memory_space<hbm>> -> memref<10000x64xi32, #tpu.memory_space<hbm>>
          tpu.wait_indirect_dma semaphore(%arg16 : memref<!tpu.dma_semaphore, #tpu.memory_space<semaphore_mem>>) src(%dma_wait3A_429 : memref<10000x64xi32, #tpu.memory_space<hbm>>) dst(%dma_wait3A_425 : memref<128x64xi32, #tpu.memory_space<vmem>>)
          %scan3A_430 = arith.constant 0 : i32
          %scan3A_431 = arith.constant 0 : i32
          %scan3A_432 = arith.constant 8 : i32
          %scan3A_433 = arith.addi %scan3A_431, %scan3A_432 : i32
          %scan3A_434 = arith.constant 1 : i32
          scf.for %scan3A_436 = %scan3A_431 to %scan3A_433 step %scan3A_434  : i32 {
            %mul3A_437 = arith.constant 16 : i32
            %mul3A_438 = arith.muli %scan3A_436, %mul3A_437 : i32
            %add3A_439 = arith.addi %mul3A_423, %mul3A_438 : i32
            %get3A_440 = arith.index_cast %add3A_439 : i32 to index
            %get3A_441 = tpu.vector_load %arg12[%get3A_440] {strides = array<i32>} : memref<256xi32, #tpu.memory_space<vmem>>, vector<16xi32>,
            %slice3A_442 = vector.extract_strided_slice %get3A_441 {offsets = [0], sizes = [1], strides = [1]} : vector<16xi32> to vector<1xi32>
            %squeeze3A_443 = vector.extract %slice3A_442[0] : i32 from vector<1xi32>
            %mul3A_444 = arith.constant 16 : i32
            %mul3A_445 = arith.muli %scan3A_436, %mul3A_444 : i32
            %add3A_446 = arith.addi %mul3A_423, %mul3A_445 : i32
            %add3A_447 = arith.constant 0 : i32
            %add3A_448 = arith.addi %add3A_446, %add3A_447 : i32
            %get3A_449 = arith.index_cast %add3A_448 : i32 to index
            %get3A_450 = arith.constant 0 : index
            %get3A_451 = tpu.vector_load %arg13[%get3A_449, %get3A_450] {strides = array<i32>} : memref<256x64xi32, #tpu.memory_space<vmem>>, vector<16xi32>,
            %bitcast3A = vector.bitcast %get3A_451 : vector<16xi32> to vector<32xbf16>
            %get3A_452 = arith.index_cast %add3A_448 : i32 to index
            %get3A_453 = arith.constant 16 : index
            %get3A_454 = tpu.vector_load %arg13[%get3A_452, %get3A_453] {strides = array<i32>} : memref<256x64xi32, #tpu.memory_space<vmem>>, vector<16xi32>,
            %bitcast3A_455 = vector.bitcast %get3A_454 : vector<16xi32> to vector<32xbf16>
            %get3A_456 = arith.index_cast %add3A_448 : i32 to index
            %get3A_457 = arith.constant 32 : index
            %get3A_458 = tpu.vector_load %arg13[%get3A_456, %get3A_457] {strides = array<i32>} : memref<256x64xi32, #tpu.memory_space<vmem>>, vector<16xi32>,
            %bitcast3A_459 = vector.bitcast %get3A_458 : vector<16xi32> to vector<32xbf16>
            %get3A_460 = arith.index_cast %add3A_448 : i32 to index
            %get3A_461 = arith.constant 48 : index
            %get3A_462 = tpu.vector_load %arg13[%get3A_460, %get3A_461] {strides = array<i32>} : memref<256x64xi32, #tpu.memory_space<vmem>>, vector<16xi32>,
            %bitcast3A_463 = vector.bitcast %get3A_462 : vector<16xi32> to vector<32xbf16>
            %get3A_464 = arith.index_cast %squeeze3A_443 : i32 to index
            %get3A_465 = arith.constant 0 : index
            %get3A_466 = tpu.vector_load %arg14[%get3A_464, %get3A_465] {strides = array<i32>} : memref<321x128xbf16, #tpu.memory_space<vmem>>, vector<32xbf16>,
            %get3A_467 = arith.index_cast %squeeze3A_443 : i32 to index
            %get3A_468 = arith.constant 32 : index
            %get3A_469 = tpu.vector_load %arg14[%get3A_467, %get3A_468] {strides = array<i32>} : memref<321x128xbf16, #tpu.memory_space<vmem>>, vector<32xbf16>,
            %get3A_470 = arith.index_cast %squeeze3A_443 : i32 to index
            %get3A_471 = arith.constant 64 : index
            %get3A_472 = tpu.vector_load %arg14[%get3A_470, %get3A_471] {strides = array<i32>} : memref<321x128xbf16, #tpu.memory_space<vmem>>, vector<32xbf16>,
            %get3A_473 = arith.index_cast %squeeze3A_443 : i32 to index
            %get3A_474 = arith.constant 96 : index
            %get3A_475 = tpu.vector_load %arg14[%get3A_473, %get3A_474] {strides = array<i32>} : memref<321x128xbf16, #tpu.memory_space<vmem>>, vector<32xbf16>,
            %max3A = arith.maximumf %get3A_466, %bitcast3A : vector<32xbf16>
            %swap3A_476 = arith.index_cast %squeeze3A_443 : i32 to index
            %swap3A_477 = arith.constant 0 : index
            %swap3A_478 = tpu.vector_load %arg14[%swap3A_476, %swap3A_477] {strides = array<i32>} : memref<321x128xbf16, #tpu.memory_space<vmem>>, vector<32xbf16>,
            tpu.vector_store %arg14[%swap3A_476, %swap3A_477], %max3A {strides = array<i32>} : memref<321x128xbf16, #tpu.memory_space<vmem>>, vector<32xbf16>,
            %max3A_479 = arith.maximumf %get3A_469, %bitcast3A_455 : vector<32xbf16>
            %swap3A_480 = arith.index_cast %squeeze3A_443 : i32 to index
            %swap3A_481 = arith.constant 32 : index
            %swap3A_482 = tpu.vector_load %arg14[%swap3A_480, %swap3A_481] {strides = array<i32>} : memref<321x128xbf16, #tpu.memory_space<vmem>>, vector<32xbf16>,
            tpu.vector_store %arg14[%swap3A_480, %swap3A_481], %max3A_479 {strides = array<i32>} : memref<321x128xbf16, #tpu.memory_space<vmem>>, vector<32xbf16>,
            %max3A_483 = arith.maximumf %get3A_472, %bitcast3A_459 : vector<32xbf16>
            %swap3A_484 = arith.index_cast %squeeze3A_443 : i32 to index
            %swap3A_485 = arith.constant 64 : index
            %swap3A_486 = tpu.vector_load %arg14[%swap3A_484, %swap3A_485] {strides = array<i32>} : memref<321x128xbf16, #tpu.memory_space<vmem>>, vector<32xbf16>,
            tpu.vector_store %arg14[%swap3A_484, %swap3A_485], %max3A_483 {strides = array<i32>} : memref<321x128xbf16, #tpu.memory_space<vmem>>, vector<32xbf16>,
            %max3A_487 = arith.maximumf %get3A_475, %bitcast3A_463 : vector<32xbf16>
            %swap3A_488 = arith.index_cast %squeeze3A_443 : i32 to index
            %swap3A_489 = arith.constant 96 : index
            %swap3A_490 = tpu.vector_load %arg14[%swap3A_488, %swap3A_489] {strides = array<i32>} : memref<321x128xbf16, #tpu.memory_space<vmem>>, vector<32xbf16>,
            tpu.vector_store %arg14[%swap3A_488, %swap3A_489], %max3A_487 {strides = array<i32>} : memref<321x128xbf16, #tpu.memory_space<vmem>>, vector<32xbf16>,
            %slice3A_491 = vector.extract_strided_slice %get3A_441 {offsets = [1], sizes = [1], strides = [1]} : vector<16xi32> to vector<1xi32>
            %squeeze3A_492 = vector.extract %slice3A_491[0] : i32 from vector<1xi32>
            %mul3A_493 = arith.constant 16 : i32
            %mul3A_494 = arith.muli %scan3A_436, %mul3A_493 : i32
            %add3A_495 = arith.addi %mul3A_423, %mul3A_494 : i32
            %add3A_496 = arith.constant 1 : i32
            %add3A_497 = arith.addi %add3A_495, %add3A_496 : i32
            %get3A_498 = arith.index_cast %add3A_497 : i32 to index
            %get3A_499 = arith.constant 0 : index
            %get3A_500 = tpu.vector_load %arg13[%get3A_498, %get3A_499] {strides = array<i32>} : memref<256x64xi32, #tpu.memory_space<vmem>>, vector<16xi32>,
            %bitcast3A_501 = vector.bitcast %get3A_500 : vector<16xi32> to vector<32xbf16>
            %get3A_502 = arith.index_cast %add3A_497 : i32 to index
            %get3A_503 = arith.constant 16 : index
            %get3A_504 = tpu.vector_load %arg13[%get3A_502, %get3A_503] {strides = array<i32>} : memref<256x64xi32, #tpu.memory_space<vmem>>, vector<16xi32>,
            %bitcast3A_505 = vector.bitcast %get3A_504 : vector<16xi32> to vector<32xbf16>
            %get3A_506 = arith.index_cast %add3A_497 : i32 to index
            %get3A_507 = arith.constant 32 : index
            %get3A_508 = tpu.vector_load %arg13[%get3A_506, %get3A_507] {strides = array<i32>} : memref<256x64xi32, #tpu.memory_space<vmem>>, vector<16xi32>,
            %bitcast3A_509 = vector.bitcast %get3A_508 : vector<16xi32> to vector<32xbf16>
            %get3A_510 = arith.index_cast %add3A_497 : i32 to index
            %get3A_511 = arith.constant 48 : index
            %get3A_512 = tpu.vector_load %arg13[%get3A_510, %get3A_511] {strides = array<i32>} : memref<256x64xi32, #tpu.memory_space<vmem>>, vector<16xi32>,
            %bitcast3A_513 = vector.bitcast %get3A_512 : vector<16xi32> to vector<32xbf16>
            %get3A_514 = arith.index_cast %squeeze3A_492 : i32 to index
            %get3A_515 = arith.constant 0 : index
            %get3A_516 = tpu.vector_load %arg14[%get3A_514, %get3A_515] {strides = array<i32>} : memref<321x128xbf16, #tpu.memory_space<vmem>>, vector<32xbf16>,
            %get3A_517 = arith.index_cast %squeeze3A_492 : i32 to index
            %get3A_518 = arith.constant 32 : index
            %get3A_519 = tpu.vector_load %arg14[%get3A_517, %get3A_518] {strides = array<i32>} : memref<321x128xbf16, #tpu.memory_space<vmem>>, vector<32xbf16>,
            %get3A_520 = arith.index_cast %squeeze3A_492 : i32 to index
            %get3A_521 = arith.constant 64 : index
            %get3A_522 = tpu.vector_load %arg14[%get3A_520, %get3A_521] {strides = array<i32>} : memref<321x128xbf16, #tpu.memory_space<vmem>>, vector<32xbf16>,
            %get3A_523 = arith.index_cast %squeeze3A_492 : i32 to index
            %get3A_524 = arith.constant 96 : index
            %get3A_525 = tpu.vector_load %arg14[%get3A_523, %get3A_524] {strides = array<i32>} : memref<321x128xbf16, #tpu.memory_space<vmem>>, vector<32xbf16>,
            %max3A_526 = arith.maximumf %get3A_516, %bitcast3A_501 : vector<32xbf16>
            %swap3A_527 = arith.index_cast %squeeze3A_492 : i32 to index
            %swap3A_528 = arith.constant 0 : index
            %swap3A_529 = tpu.vector_load %arg14[%swap3A_527, %swap3A_528] {strides = array<i32>} : memref<321x128xbf16, #tpu.memory_space<vmem>>, vector<32xbf16>,
            tpu.vector_store %arg14[%swap3A_527, %swap3A_528], %max3A_526 {strides = array<i32>} : memref<321x128xbf16, #tpu.memory_space<vmem>>, vector<32xbf16>,
            %max3A_530 = arith.maximumf %get3A_519, %bitcast3A_505 : vector<32xbf16>
            %swap3A_531 = arith.index_cast %squeeze3A_492 : i32 to index
            %swap3A_532 = arith.constant 32 : index
            %swap3A_533 = tpu.vector_load %arg14[%swap3A_531, %swap3A_532] {strides = array<i32>} : memref<321x128xbf16, #tpu.memory_space<vmem>>, vector<32xbf16>,
            tpu.vector_store %arg14[%swap3A_531, %swap3A_532], %max3A_530 {strides = array<i32>} : memref<321x128xbf16, #tpu.memory_space<vmem>>, vector<32xbf16>,
            %max3A_534 = arith.maximumf %get3A_522, %bitcast3A_509 : vector<32xbf16>
            %swap3A_535 = arith.index_cast %squeeze3A_492 : i32 to index
            %swap3A_536 = arith.constant 64 : index
            %swap3A_537 = tpu.vector_load %arg14[%swap3A_535, %swap3A_536] {strides = array<i32>} : memref<321x128xbf16, #tpu.memory_space<vmem>>, vector<32xbf16>,
            tpu.vector_store %arg14[%swap3A_535, %swap3A_536], %max3A_534 {strides = array<i32>} : memref<321x128xbf16, #tpu.memory_space<vmem>>, vector<32xbf16>,
            %max3A_538 = arith.maximumf %get3A_525, %bitcast3A_513 : vector<32xbf16>
            %swap3A_539 = arith.index_cast %squeeze3A_492 : i32 to index
            %swap3A_540 = arith.constant 96 : index
            %swap3A_541 = tpu.vector_load %arg14[%swap3A_539, %swap3A_540] {strides = array<i32>} : memref<321x128xbf16, #tpu.memory_space<vmem>>, vector<32xbf16>,
            tpu.vector_store %arg14[%swap3A_539, %swap3A_540], %max3A_538 {strides = array<i32>} : memref<321x128xbf16, #tpu.memory_space<vmem>>, vector<32xbf16>,
            %slice3A_542 = vector.extract_strided_slice %get3A_441 {offsets = [2], sizes = [1], strides = [1]} : vector<16xi32> to vector<1xi32>
            %squeeze3A_543 = vector.extract %slice3A_542[0] : i32 from vector<1xi32>
            %mul3A_544 = arith.constant 16 : i32
            %mul3A_545 = arith.muli %scan3A_436, %mul3A_544 : i32
            %add3A_546 = arith.addi %mul3A_423, %mul3A_545 : i32
            %add3A_547 = arith.constant 2 : i32
            %add3A_548 = arith.addi %add3A_546, %add3A_547 : i32
            %get3A_549 = arith.index_cast %add3A_548 : i32 to index
            %get3A_550 = arith.constant 0 : index
            %get3A_551 = tpu.vector_load %arg13[%get3A_549, %get3A_550] {strides = array<i32>} : memref<256x64xi32, #tpu.memory_space<vmem>>, vector<16xi32>,
            %bitcast3A_552 = vector.bitcast %get3A_551 : vector<16xi32> to vector<32xbf16>
            %get3A_553 = arith.index_cast %add3A_548 : i32 to index
            %get3A_554 = arith.constant 16 : index
            %get3A_555 = tpu.vector_load %arg13[%get3A_553, %get3A_554] {strides = array<i32>} : memref<256x64xi32, #tpu.memory_space<vmem>>, vector<16xi32>,
            %bitcast3A_556 = vector.bitcast %get3A_555 : vector<16xi32> to vector<32xbf16>
            %get3A_557 = arith.index_cast %add3A_548 : i32 to index
            %get3A_558 = arith.constant 32 : index
            %get3A_559 = tpu.vector_load %arg13[%get3A_557, %get3A_558] {strides = array<i32>} : memref<256x64xi32, #tpu.memory_space<vmem>>, vector<16xi32>,
            %bitcast3A_560 = vector.bitcast %get3A_559 : vector<16xi32> to vector<32xbf16>
            %get3A_561 = arith.index_cast %add3A_548 : i32 to index
            %get3A_562 = arith.constant 48 : index
            %get3A_563 = tpu.vector_load %arg13[%get3A_561, %get3A_562] {strides = array<i32>} : memref<256x64xi32, #tpu.memory_space<vmem>>, vector<16xi32>,
            %bitcast3A_564 = vector.bitcast %get3A_563 : vector<16xi32> to vector<32xbf16>
            %get3A_565 = arith.index_cast %squeeze3A_543 : i32 to index
            %get3A_566 = arith.constant 0 : index
            %get3A_567 = tpu.vector_load %arg14[%get3A_565, %get3A_566] {strides = array<i32>} : memref<321x128xbf16, #tpu.memory_space<vmem>>, vector<32xbf16>,
            %get3A_568 = arith.index_cast %squeeze3A_543 : i32 to index
            %get3A_569 = arith.constant 32 : index
            %get3A_570 = tpu.vector_load %arg14[%get3A_568, %get3A_569] {strides = array<i32>} : memref<321x128xbf16, #tpu.memory_space<vmem>>, vector<32xbf16>,
            %get3A_571 = arith.index_cast %squeeze3A_543 : i32 to index
            %get3A_572 = arith.constant 64 : index
            %get3A_573 = tpu.vector_load %arg14[%get3A_571, %get3A_572] {strides = array<i32>} : memref<321x128xbf16, #tpu.memory_space<vmem>>, vector<32xbf16>,
            %get3A_574 = arith.index_cast %squeeze3A_543 : i32 to index
            %get3A_575 = arith.constant 96 : index
            %get3A_576 = tpu.vector_load %arg14[%get3A_574, %get3A_575] {strides = array<i32>} : memref<321x128xbf16, #tpu.memory_space<vmem>>, vector<32xbf16>,
            %max3A_577 = arith.maximumf %get3A_567, %bitcast3A_552 : vector<32xbf16>
            %swap3A_578 = arith.index_cast %squeeze3A_543 : i32 to index
            %swap3A_579 = arith.constant 0 : index
            %swap3A_580 = tpu.vector_load %arg14[%swap3A_578, %swap3A_579] {strides = array<i32>} : memref<321x128xbf16, #tpu.memory_space<vmem>>, vector<32xbf16>,
            tpu.vector_store %arg14[%swap3A_578, %swap3A_579], %max3A_577 {strides = array<i32>} : memref<321x128xbf16, #tpu.memory_space<vmem>>, vector<32xbf16>,
            %max3A_581 = arith.maximumf %get3A_570, %bitcast3A_556 : vector<32xbf16>
            %swap3A_582 = arith.index_cast %squeeze3A_543 : i32 to index
            %swap3A_583 = arith.constant 32 : index
            %swap3A_584 = tpu.vector_load %arg14[%swap3A_582, %swap3A_583] {strides = array<i32>} : memref<321x128xbf16, #tpu.memory_space<vmem>>, vector<32xbf16>,
            tpu.vector_store %arg14[%swap3A_582, %swap3A_583], %max3A_581 {strides = array<i32>} : memref<321x128xbf16, #tpu.memory_space<vmem>>, vector<32xbf16>,
            %max3A_585 = arith.maximumf %get3A_573, %bitcast3A_560 : vector<32xbf16>
            %swap3A_586 = arith.index_cast %squeeze3A_543 : i32 to index
            %swap3A_587 = arith.constant 64 : index
            %swap3A_588 = tpu.vector_load %arg14[%swap3A_586, %swap3A_587] {strides = array<i32>} : memref<321x128xbf16, #tpu.memory_space<vmem>>, vector<32xbf16>,
            tpu.vector_store %arg14[%swap3A_586, %swap3A_587], %max3A_585 {strides = array<i32>} : memref<321x128xbf16, #tpu.memory_space<vmem>>, vector<32xbf16>,
            %max3A_589 = arith.maximumf %get3A_576, %bitcast3A_564 : vector<32xbf16>
            %swap3A_590 = arith.index_cast %squeeze3A_543 : i32 to index
            %swap3A_591 = arith.constant 96 : index
            %swap3A_592 = tpu.vector_load %arg14[%swap3A_590, %swap3A_591] {strides = array<i32>} : memref<321x128xbf16, #tpu.memory_space<vmem>>, vector<32xbf16>,
            tpu.vector_store %arg14[%swap3A_590, %swap3A_591], %max3A_589 {strides = array<i32>} : memref<321x128xbf16, #tpu.memory_space<vmem>>, vector<32xbf16>,
            %slice3A_593 = vector.extract_strided_slice %get3A_441 {offsets = [3], sizes = [1], strides = [1]} : vector<16xi32> to vector<1xi32>
            %squeeze3A_594 = vector.extract %slice3A_593[0] : i32 from vector<1xi32>
            %mul3A_595 = arith.constant 16 : i32
            %mul3A_596 = arith.muli %scan3A_436, %mul3A_595 : i32
            %add3A_597 = arith.addi %mul3A_423, %mul3A_596 : i32
            %add3A_598 = arith.constant 3 : i32
            %add3A_599 = arith.addi %add3A_597, %add3A_598 : i32
            %get3A_600 = arith.index_cast %add3A_599 : i32 to index
            %get3A_601 = arith.constant 0 : index
            %get3A_602 = tpu.vector_load %arg13[%get3A_600, %get3A_601] {strides = array<i32>} : memref<256x64xi32, #tpu.memory_space<vmem>>, vector<16xi32>,
            %bitcast3A_603 = vector.bitcast %get3A_602 : vector<16xi32> to vector<32xbf16>
            %get3A_604 = arith.index_cast %add3A_599 : i32 to index
            %get3A_605 = arith.constant 16 : index
            %get3A_606 = tpu.vector_load %arg13[%get3A_604, %get3A_605] {strides = array<i32>} : memref<256x64xi32, #tpu.memory_space<vmem>>, vector<16xi32>,
            %bitcast3A_607 = vector.bitcast %get3A_606 : vector<16xi32> to vector<32xbf16>
            %get3A_608 = arith.index_cast %add3A_599 : i32 to index
            %get3A_609 = arith.constant 32 : index
            %get3A_610 = tpu.vector_load %arg13[%get3A_608, %get3A_609] {strides = array<i32>} : memref<256x64xi32, #tpu.memory_space<vmem>>, vector<16xi32>,
            %bitcast3A_611 = vector.bitcast %get3A_610 : vector<16xi32> to vector<32xbf16>
            %get3A_612 = arith.index_cast %add3A_599 : i32 to index
            %get3A_613 = arith.constant 48 : index
            %get3A_614 = tpu.vector_load %arg13[%get3A_612, %get3A_613] {strides = array<i32>} : memref<256x64xi32, #tpu.memory_space<vmem>>, vector<16xi32>,
            %bitcast3A_615 = vector.bitcast %get3A_614 : vector<16xi32> to vector<32xbf16>
            %get3A_616 = arith.index_cast %squeeze3A_594 : i32 to index
            %get3A_617 = arith.constant 0 : index
            %get3A_618 = tpu.vector_load %arg14[%get3A_616, %get3A_617] {strides = array<i32>} : memref<321x128xbf16, #tpu.memory_space<vmem>>, vector<32xbf16>,
            %get3A_619 = arith.index_cast %squeeze3A_594 : i32 to index
            %get3A_620 = arith.constant 32 : index
            %get3A_621 = tpu.vector_load %arg14[%get3A_619, %get3A_620] {strides = array<i32>} : memref<321x128xbf16, #tpu.memory_space<vmem>>, vector<32xbf16>,
            %get3A_622 = arith.index_cast %squeeze3A_594 : i32 to index
            %get3A_623 = arith.constant 64 : index
            %get3A_624 = tpu.vector_load %arg14[%get3A_622, %get3A_623] {strides = array<i32>} : memref<321x128xbf16, #tpu.memory_space<vmem>>, vector<32xbf16>,
            %get3A_625 = arith.index_cast %squeeze3A_594 : i32 to index
            %get3A_626 = arith.constant 96 : index
            %get3A_627 = tpu.vector_load %arg14[%get3A_625, %get3A_626] {strides = array<i32>} : memref<321x128xbf16, #tpu.memory_space<vmem>>, vector<32xbf16>,
            %max3A_628 = arith.maximumf %get3A_618, %bitcast3A_603 : vector<32xbf16>
            %swap3A_629 = arith.index_cast %squeeze3A_594 : i32 to index
            %swap3A_630 = arith.constant 0 : index
            %swap3A_631 = tpu.vector_load %arg14[%swap3A_629, %swap3A_630] {strides = array<i32>} : memref<321x128xbf16, #tpu.memory_space<vmem>>, vector<32xbf16>,
            tpu.vector_store %arg14[%swap3A_629, %swap3A_630], %max3A_628 {strides = array<i32>} : memref<321x128xbf16, #tpu.memory_space<vmem>>, vector<32xbf16>,
            %max3A_632 = arith.maximumf %get3A_621, %bitcast3A_607 : vector<32xbf16>
            %swap3A_633 = arith.index_cast %squeeze3A_594 : i32 to index
            %swap3A_634 = arith.constant 32 : index
            %swap3A_635 = tpu.vector_load %arg14[%swap3A_633, %swap3A_634] {strides = array<i32>} : memref<321x128xbf16, #tpu.memory_space<vmem>>, vector<32xbf16>,
            tpu.vector_store %arg14[%swap3A_633, %swap3A_634], %max3A_632 {strides = array<i32>} : memref<321x128xbf16, #tpu.memory_space<vmem>>, vector<32xbf16>,
            %max3A_636 = arith.maximumf %get3A_624, %bitcast3A_611 : vector<32xbf16>
            %swap3A_637 = arith.index_cast %squeeze3A_594 : i32 to index
            %swap3A_638 = arith.constant 64 : index
            %swap3A_639 = tpu.vector_load %arg14[%swap3A_637, %swap3A_638] {strides = array<i32>} : memref<321x128xbf16, #tpu.memory_space<vmem>>, vector<32xbf16>,
            tpu.vector_store %arg14[%swap3A_637, %swap3A_638], %max3A_636 {strides = array<i32>} : memref<321x128xbf16, #tpu.memory_space<vmem>>, vector<32xbf16>,
            %max3A_640 = arith.maximumf %get3A_627, %bitcast3A_615 : vector<32xbf16>
            %swap3A_641 = arith.index_cast %squeeze3A_594 : i32 to index
            %swap3A_642 = arith.constant 96 : index
            %swap3A_643 = tpu.vector_load %arg14[%swap3A_641, %swap3A_642] {strides = array<i32>} : memref<321x128xbf16, #tpu.memory_space<vmem>>, vector<32xbf16>,
            tpu.vector_store %arg14[%swap3A_641, %swap3A_642], %max3A_640 {strides = array<i32>} : memref<321x128xbf16, #tpu.memory_space<vmem>>, vector<32xbf16>,
            %slice3A_644 = vector.extract_strided_slice %get3A_441 {offsets = [4], sizes = [1], strides = [1]} : vector<16xi32> to vector<1xi32>
            %squeeze3A_645 = vector.extract %slice3A_644[0] : i32 from vector<1xi32>
            %mul3A_646 = arith.constant 16 : i32
            %mul3A_647 = arith.muli %scan3A_436, %mul3A_646 : i32
            %add3A_648 = arith.addi %mul3A_423, %mul3A_647 : i32
            %add3A_649 = arith.constant 4 : i32
            %add3A_650 = arith.addi %add3A_648, %add3A_649 : i32
            %get3A_651 = arith.index_cast %add3A_650 : i32 to index
            %get3A_652 = arith.constant 0 : index
            %get3A_653 = tpu.vector_load %arg13[%get3A_651, %get3A_652] {strides = array<i32>} : memref<256x64xi32, #tpu.memory_space<vmem>>, vector<16xi32>,
            %bitcast3A_654 = vector.bitcast %get3A_653 : vector<16xi32> to vector<32xbf16>
            %get3A_655 = arith.index_cast %add3A_650 : i32 to index
            %get3A_656 = arith.constant 16 : index
            %get3A_657 = tpu.vector_load %arg13[%get3A_655, %get3A_656] {strides = array<i32>} : memref<256x64xi32, #tpu.memory_space<vmem>>, vector<16xi32>,
            %bitcast3A_658 = vector.bitcast %get3A_657 : vector<16xi32> to vector<32xbf16>
            %get3A_659 = arith.index_cast %add3A_650 : i32 to index
            %get3A_660 = arith.constant 32 : index
            %get3A_661 = tpu.vector_load %arg13[%get3A_659, %get3A_660] {strides = array<i32>} : memref<256x64xi32, #tpu.memory_space<vmem>>, vector<16xi32>,
            %bitcast3A_662 = vector.bitcast %get3A_661 : vector<16xi32> to vector<32xbf16>
            %get3A_663 = arith.index_cast %add3A_650 : i32 to index
            %get3A_664 = arith.constant 48 : index
            %get3A_665 = tpu.vector_load %arg13[%get3A_663, %get3A_664] {strides = array<i32>} : memref<256x64xi32, #tpu.memory_space<vmem>>, vector<16xi32>,
            %bitcast3A_666 = vector.bitcast %get3A_665 : vector<16xi32> to vector<32xbf16>
            %get3A_667 = arith.index_cast %squeeze3A_645 : i32 to index
            %get3A_668 = arith.constant 0 : index
            %get3A_669 = tpu.vector_load %arg14[%get3A_667, %get3A_668] {strides = array<i32>} : memref<321x128xbf16, #tpu.memory_space<vmem>>, vector<32xbf16>,
            %get3A_670 = arith.index_cast %squeeze3A_645 : i32 to index
            %get3A_671 = arith.constant 32 : index
            %get3A_672 = tpu.vector_load %arg14[%get3A_670, %get3A_671] {strides = array<i32>} : memref<321x128xbf16, #tpu.memory_space<vmem>>, vector<32xbf16>,
            %get3A_673 = arith.index_cast %squeeze3A_645 : i32 to index
            %get3A_674 = arith.constant 64 : index
            %get3A_675 = tpu.vector_load %arg14[%get3A_673, %get3A_674] {strides = array<i32>} : memref<321x128xbf16, #tpu.memory_space<vmem>>, vector<32xbf16>,
            %get3A_676 = arith.index_cast %squeeze3A_645 : i32 to index
            %get3A_677 = arith.constant 96 : index
            %get3A_678 = tpu.vector_load %arg14[%get3A_676, %get3A_677] {strides = array<i32>} : memref<321x128xbf16, #tpu.memory_space<vmem>>, vector<32xbf16>,
            %max3A_679 = arith.maximumf %get3A_669, %bitcast3A_654 : vector<32xbf16>
            %swap3A_680 = arith.index_cast %squeeze3A_645 : i32 to index
            %swap3A_681 = arith.constant 0 : index
            %swap3A_682 = tpu.vector_load %arg14[%swap3A_680, %swap3A_681] {strides = array<i32>} : memref<321x128xbf16, #tpu.memory_space<vmem>>, vector<32xbf16>,
            tpu.vector_store %arg14[%swap3A_680, %swap3A_681], %max3A_679 {strides = array<i32>} : memref<321x128xbf16, #tpu.memory_space<vmem>>, vector<32xbf16>,
            %max3A_683 = arith.maximumf %get3A_672, %bitcast3A_658 : vector<32xbf16>
            %swap3A_684 = arith.index_cast %squeeze3A_645 : i32 to index
            %swap3A_685 = arith.constant 32 : index
            %swap3A_686 = tpu.vector_load %arg14[%swap3A_684, %swap3A_685] {strides = array<i32>} : memref<321x128xbf16, #tpu.memory_space<vmem>>, vector<32xbf16>,
            tpu.vector_store %arg14[%swap3A_684, %swap3A_685], %max3A_683 {strides = array<i32>} : memref<321x128xbf16, #tpu.memory_space<vmem>>, vector<32xbf16>,
            %max3A_687 = arith.maximumf %get3A_675, %bitcast3A_662 : vector<32xbf16>
            %swap3A_688 = arith.index_cast %squeeze3A_645 : i32 to index
            %swap3A_689 = arith.constant 64 : index
            %swap3A_690 = tpu.vector_load %arg14[%swap3A_688, %swap3A_689] {strides = array<i32>} : memref<321x128xbf16, #tpu.memory_space<vmem>>, vector<32xbf16>,
            tpu.vector_store %arg14[%swap3A_688, %swap3A_689], %max3A_687 {strides = array<i32>} : memref<321x128xbf16, #tpu.memory_space<vmem>>, vector<32xbf16>,
            %max3A_691 = arith.maximumf %get3A_678, %bitcast3A_666 : vector<32xbf16>
            %swap3A_692 = arith.index_cast %squeeze3A_645 : i32 to index
            %swap3A_693 = arith.constant 96 : index
            %swap3A_694 = tpu.vector_load %arg14[%swap3A_692, %swap3A_693] {strides = array<i32>} : memref<321x128xbf16, #tpu.memory_space<vmem>>, vector<32xbf16>,
            tpu.vector_store %arg14[%swap3A_692, %swap3A_693], %max3A_691 {strides = array<i32>} : memref<321x128xbf16, #tpu.memory_space<vmem>>, vector<32xbf16>,
            %slice3A_695 = vector.extract_strided_slice %get3A_441 {offsets = [5], sizes = [1], strides = [1]} : vector<16xi32> to vector<1xi32>
            %squeeze3A_696 = vector.extract %slice3A_695[0] : i32 from vector<1xi32>
            %mul3A_697 = arith.constant 16 : i32
            %mul3A_698 = arith.muli %scan3A_436, %mul3A_697 : i32
            %add3A_699 = arith.addi %mul3A_423, %mul3A_698 : i32
            %add3A_700 = arith.constant 5 : i32
            %add3A_701 = arith.addi %add3A_699, %add3A_700 : i32
            %get3A_702 = arith.index_cast %add3A_701 : i32 to index
            %get3A_703 = arith.constant 0 : index
            %get3A_704 = tpu.vector_load %arg13[%get3A_702, %get3A_703] {strides = array<i32>} : memref<256x64xi32, #tpu.memory_space<vmem>>, vector<16xi32>,
            %bitcast3A_705 = vector.bitcast %get3A_704 : vector<16xi32> to vector<32xbf16>
            %get3A_706 = arith.index_cast %add3A_701 : i32 to index
            %get3A_707 = arith.constant 16 : index
            %get3A_708 = tpu.vector_load %arg13[%get3A_706, %get3A_707] {strides = array<i32>} : memref<256x64xi32, #tpu.memory_space<vmem>>, vector<16xi32>,
            %bitcast3A_709 = vector.bitcast %get3A_708 : vector<16xi32> to vector<32xbf16>
            %get3A_710 = arith.index_cast %add3A_701 : i32 to index
            %get3A_711 = arith.constant 32 : index
            %get3A_712 = tpu.vector_load %arg13[%get3A_710, %get3A_711] {strides = array<i32>} : memref<256x64xi32, #tpu.memory_space<vmem>>, vector<16xi32>,
            %bitcast3A_713 = vector.bitcast %get3A_712 : vector<16xi32> to vector<32xbf16>
            %get3A_714 = arith.index_cast %add3A_701 : i32 to index
            %get3A_715 = arith.constant 48 : index
            %get3A_716 = tpu.vector_load %arg13[%get3A_714, %get3A_715] {strides = array<i32>} : memref<256x64xi32, #tpu.memory_space<vmem>>, vector<16xi32>,
            %bitcast3A_717 = vector.bitcast %get3A_716 : vector<16xi32> to vector<32xbf16>
            %get3A_718 = arith.index_cast %squeeze3A_696 : i32 to index
            %get3A_719 = arith.constant 0 : index
            %get3A_720 = tpu.vector_load %arg14[%get3A_718, %get3A_719] {strides = array<i32>} : memref<321x128xbf16, #tpu.memory_space<vmem>>, vector<32xbf16>,
            %get3A_721 = arith.index_cast %squeeze3A_696 : i32 to index
            %get3A_722 = arith.constant 32 : index
            %get3A_723 = tpu.vector_load %arg14[%get3A_721, %get3A_722] {strides = array<i32>} : memref<321x128xbf16, #tpu.memory_space<vmem>>, vector<32xbf16>,
            %get3A_724 = arith.index_cast %squeeze3A_696 : i32 to index
            %get3A_725 = arith.constant 64 : index
            %get3A_726 = tpu.vector_load %arg14[%get3A_724, %get3A_725] {strides = array<i32>} : memref<321x128xbf16, #tpu.memory_space<vmem>>, vector<32xbf16>,
            %get3A_727 = arith.index_cast %squeeze3A_696 : i32 to index
            %get3A_728 = arith.constant 96 : index
            %get3A_729 = tpu.vector_load %arg14[%get3A_727, %get3A_728] {strides = array<i32>} : memref<321x128xbf16, #tpu.memory_space<vmem>>, vector<32xbf16>,
            %max3A_730 = arith.maximumf %get3A_720, %bitcast3A_705 : vector<32xbf16>
            %swap3A_731 = arith.index_cast %squeeze3A_696 : i32 to index
            %swap3A_732 = arith.constant 0 : index
            %swap3A_733 = tpu.vector_load %arg14[%swap3A_731, %swap3A_732] {strides = array<i32>} : memref<321x128xbf16, #tpu.memory_space<vmem>>, vector<32xbf16>,
            tpu.vector_store %arg14[%swap3A_731, %swap3A_732], %max3A_730 {strides = array<i32>} : memref<321x128xbf16, #tpu.memory_space<vmem>>, vector<32xbf16>,
            %max3A_734 = arith.maximumf %get3A_723, %bitcast3A_709 : vector<32xbf16>
            %swap3A_735 = arith.index_cast %squeeze3A_696 : i32 to index
            %swap3A_736 = arith.constant 32 : index
            %swap3A_737 = tpu.vector_load %arg14[%swap3A_735, %swap3A_736] {strides = array<i32>} : memref<321x128xbf16, #tpu.memory_space<vmem>>, vector<32xbf16>,
            tpu.vector_store %arg14[%swap3A_735, %swap3A_736], %max3A_734 {strides = array<i32>} : memref<321x128xbf16, #tpu.memory_space<vmem>>, vector<32xbf16>,
            %max3A_738 = arith.maximumf %get3A_726, %bitcast3A_713 : vector<32xbf16>
            %swap3A_739 = arith.index_cast %squeeze3A_696 : i32 to index
            %swap3A_740 = arith.constant 64 : index
            %swap3A_741 = tpu.vector_load %arg14[%swap3A_739, %swap3A_740] {strides = array<i32>} : memref<321x128xbf16, #tpu.memory_space<vmem>>, vector<32xbf16>,
            tpu.vector_store %arg14[%swap3A_739, %swap3A_740], %max3A_738 {strides = array<i32>} : memref<321x128xbf16, #tpu.memory_space<vmem>>, vector<32xbf16>,
            %max3A_742 = arith.maximumf %get3A_729, %bitcast3A_717 : vector<32xbf16>
            %swap3A_743 = arith.index_cast %squeeze3A_696 : i32 to index
            %swap3A_744 = arith.constant 96 : index
            %swap3A_745 = tpu.vector_load %arg14[%swap3A_743, %swap3A_744] {strides = array<i32>} : memref<321x128xbf16, #tpu.memory_space<vmem>>, vector<32xbf16>,
            tpu.vector_store %arg14[%swap3A_743, %swap3A_744], %max3A_742 {strides = array<i32>} : memref<321x128xbf16, #tpu.memory_space<vmem>>, vector<32xbf16>,
            %slice3A_746 = vector.extract_strided_slice %get3A_441 {offsets = [6], sizes = [1], strides = [1]} : vector<16xi32> to vector<1xi32>
            %squeeze3A_747 = vector.extract %slice3A_746[0] : i32 from vector<1xi32>
            %mul3A_748 = arith.constant 16 : i32
            %mul3A_749 = arith.muli %scan3A_436, %mul3A_748 : i32
            %add3A_750 = arith.addi %mul3A_423, %mul3A_749 : i32
            %add3A_751 = arith.constant 6 : i32
            %add3A_752 = arith.addi %add3A_750, %add3A_751 : i32
            %get3A_753 = arith.index_cast %add3A_752 : i32 to index
            %get3A_754 = arith.constant 0 : index
            %get3A_755 = tpu.vector_load %arg13[%get3A_753, %get3A_754] {strides = array<i32>} : memref<256x64xi32, #tpu.memory_space<vmem>>, vector<16xi32>,
            %bitcast3A_756 = vector.bitcast %get3A_755 : vector<16xi32> to vector<32xbf16>
            %get3A_757 = arith.index_cast %add3A_752 : i32 to index
            %get3A_758 = arith.constant 16 : index
            %get3A_759 = tpu.vector_load %arg13[%get3A_757, %get3A_758] {strides = array<i32>} : memref<256x64xi32, #tpu.memory_space<vmem>>, vector<16xi32>,
            %bitcast3A_760 = vector.bitcast %get3A_759 : vector<16xi32> to vector<32xbf16>
            %get3A_761 = arith.index_cast %add3A_752 : i32 to index
            %get3A_762 = arith.constant 32 : index
            %get3A_763 = tpu.vector_load %arg13[%get3A_761, %get3A_762] {strides = array<i32>} : memref<256x64xi32, #tpu.memory_space<vmem>>, vector<16xi32>,
            %bitcast3A_764 = vector.bitcast %get3A_763 : vector<16xi32> to vector<32xbf16>
            %get3A_765 = arith.index_cast %add3A_752 : i32 to index
            %get3A_766 = arith.constant 48 : index
            %get3A_767 = tpu.vector_load %arg13[%get3A_765, %get3A_766] {strides = array<i32>} : memref<256x64xi32, #tpu.memory_space<vmem>>, vector<16xi32>,
            %bitcast3A_768 = vector.bitcast %get3A_767 : vector<16xi32> to vector<32xbf16>
            %get3A_769 = arith.index_cast %squeeze3A_747 : i32 to index
            %get3A_770 = arith.constant 0 : index
            %get3A_771 = tpu.vector_load %arg14[%get3A_769, %get3A_770] {strides = array<i32>} : memref<321x128xbf16, #tpu.memory_space<vmem>>, vector<32xbf16>,
            %get3A_772 = arith.index_cast %squeeze3A_747 : i32 to index
            %get3A_773 = arith.constant 32 : index
            %get3A_774 = tpu.vector_load %arg14[%get3A_772, %get3A_773] {strides = array<i32>} : memref<321x128xbf16, #tpu.memory_space<vmem>>, vector<32xbf16>,
            %get3A_775 = arith.index_cast %squeeze3A_747 : i32 to index
            %get3A_776 = arith.constant 64 : index
            %get3A_777 = tpu.vector_load %arg14[%get3A_775, %get3A_776] {strides = array<i32>} : memref<321x128xbf16, #tpu.memory_space<vmem>>, vector<32xbf16>,
            %get3A_778 = arith.index_cast %squeeze3A_747 : i32 to index
            %get3A_779 = arith.constant 96 : index
            %get3A_780 = tpu.vector_load %arg14[%get3A_778, %get3A_779] {strides = array<i32>} : memref<321x128xbf16, #tpu.memory_space<vmem>>, vector<32xbf16>,
            %max3A_781 = arith.maximumf %get3A_771, %bitcast3A_756 : vector<32xbf16>
            %swap3A_782 = arith.index_cast %squeeze3A_747 : i32 to index
            %swap3A_783 = arith.constant 0 : index
            %swap3A_784 = tpu.vector_load %arg14[%swap3A_782, %swap3A_783] {strides = array<i32>} : memref<321x128xbf16, #tpu.memory_space<vmem>>, vector<32xbf16>,
            tpu.vector_store %arg14[%swap3A_782, %swap3A_783], %max3A_781 {strides = array<i32>} : memref<321x128xbf16, #tpu.memory_space<vmem>>, vector<32xbf16>,
            %max3A_785 = arith.maximumf %get3A_774, %bitcast3A_760 : vector<32xbf16>
            %swap3A_786 = arith.index_cast %squeeze3A_747 : i32 to index
            %swap3A_787 = arith.constant 32 : index
            %swap3A_788 = tpu.vector_load %arg14[%swap3A_786, %swap3A_787] {strides = array<i32>} : memref<321x128xbf16, #tpu.memory_space<vmem>>, vector<32xbf16>,
            tpu.vector_store %arg14[%swap3A_786, %swap3A_787], %max3A_785 {strides = array<i32>} : memref<321x128xbf16, #tpu.memory_space<vmem>>, vector<32xbf16>,
            %max3A_789 = arith.maximumf %get3A_777, %bitcast3A_764 : vector<32xbf16>
            %swap3A_790 = arith.index_cast %squeeze3A_747 : i32 to index
            %swap3A_791 = arith.constant 64 : index
            %swap3A_792 = tpu.vector_load %arg14[%swap3A_790, %swap3A_791] {strides = array<i32>} : memref<321x128xbf16, #tpu.memory_space<vmem>>, vector<32xbf16>,
            tpu.vector_store %arg14[%swap3A_790, %swap3A_791], %max3A_789 {strides = array<i32>} : memref<321x128xbf16, #tpu.memory_space<vmem>>, vector<32xbf16>,
            %max3A_793 = arith.maximumf %get3A_780, %bitcast3A_768 : vector<32xbf16>
            %swap3A_794 = arith.index_cast %squeeze3A_747 : i32 to index
            %swap3A_795 = arith.constant 96 : index
            %swap3A_796 = tpu.vector_load %arg14[%swap3A_794, %swap3A_795] {strides = array<i32>} : memref<321x128xbf16, #tpu.memory_space<vmem>>, vector<32xbf16>,
            tpu.vector_store %arg14[%swap3A_794, %swap3A_795], %max3A_793 {strides = array<i32>} : memref<321x128xbf16, #tpu.memory_space<vmem>>, vector<32xbf16>,
            %slice3A_797 = vector.extract_strided_slice %get3A_441 {offsets = [7], sizes = [1], strides = [1]} : vector<16xi32> to vector<1xi32>
            %squeeze3A_798 = vector.extract %slice3A_797[0] : i32 from vector<1xi32>
            %mul3A_799 = arith.constant 16 : i32
            %mul3A_800 = arith.muli %scan3A_436, %mul3A_799 : i32
            %add3A_801 = arith.addi %mul3A_423, %mul3A_800 : i32
            %add3A_802 = arith.constant 7 : i32
            %add3A_803 = arith.addi %add3A_801, %add3A_802 : i32
            %get3A_804 = arith.index_cast %add3A_803 : i32 to index
            %get3A_805 = arith.constant 0 : index
            %get3A_806 = tpu.vector_load %arg13[%get3A_804, %get3A_805] {strides = array<i32>} : memref<256x64xi32, #tpu.memory_space<vmem>>, vector<16xi32>,
            %bitcast3A_807 = vector.bitcast %get3A_806 : vector<16xi32> to vector<32xbf16>
            %get3A_808 = arith.index_cast %add3A_803 : i32 to index
            %get3A_809 = arith.constant 16 : index
            %get3A_810 = tpu.vector_load %arg13[%get3A_808, %get3A_809] {strides = array<i32>} : memref<256x64xi32, #tpu.memory_space<vmem>>, vector<16xi32>,
            %bitcast3A_811 = vector.bitcast %get3A_810 : vector<16xi32> to vector<32xbf16>
            %get3A_812 = arith.index_cast %add3A_803 : i32 to index
            %get3A_813 = arith.constant 32 : index
            %get3A_814 = tpu.vector_load %arg13[%get3A_812, %get3A_813] {strides = array<i32>} : memref<256x64xi32, #tpu.memory_space<vmem>>, vector<16xi32>,
            %bitcast3A_815 = vector.bitcast %get3A_814 : vector<16xi32> to vector<32xbf16>
            %get3A_816 = arith.index_cast %add3A_803 : i32 to index
            %get3A_817 = arith.constant 48 : index
            %get3A_818 = tpu.vector_load %arg13[%get3A_816, %get3A_817] {strides = array<i32>} : memref<256x64xi32, #tpu.memory_space<vmem>>, vector<16xi32>,
            %bitcast3A_819 = vector.bitcast %get3A_818 : vector<16xi32> to vector<32xbf16>
            %get3A_820 = arith.index_cast %squeeze3A_798 : i32 to index
            %get3A_821 = arith.constant 0 : index
            %get3A_822 = tpu.vector_load %arg14[%get3A_820, %get3A_821] {strides = array<i32>} : memref<321x128xbf16, #tpu.memory_space<vmem>>, vector<32xbf16>,
            %get3A_823 = arith.index_cast %squeeze3A_798 : i32 to index
            %get3A_824 = arith.constant 32 : index
            %get3A_825 = tpu.vector_load %arg14[%get3A_823, %get3A_824] {strides = array<i32>} : memref<321x128xbf16, #tpu.memory_space<vmem>>, vector<32xbf16>,
            %get3A_826 = arith.index_cast %squeeze3A_798 : i32 to index
            %get3A_827 = arith.constant 64 : index
            %get3A_828 = tpu.vector_load %arg14[%get3A_826, %get3A_827] {strides = array<i32>} : memref<321x128xbf16, #tpu.memory_space<vmem>>, vector<32xbf16>,
            %get3A_829 = arith.index_cast %squeeze3A_798 : i32 to index
            %get3A_830 = arith.constant 96 : index
            %get3A_831 = tpu.vector_load %arg14[%get3A_829, %get3A_830] {strides = array<i32>} : memref<321x128xbf16, #tpu.memory_space<vmem>>, vector<32xbf16>,
            %max3A_832 = arith.maximumf %get3A_822, %bitcast3A_807 : vector<32xbf16>
            %swap3A_833 = arith.index_cast %squeeze3A_798 : i32 to index
            %swap3A_834 = arith.constant 0 : index
            %swap3A_835 = tpu.vector_load %arg14[%swap3A_833, %swap3A_834] {strides = array<i32>} : memref<321x128xbf16, #tpu.memory_space<vmem>>, vector<32xbf16>,
            tpu.vector_store %arg14[%swap3A_833, %swap3A_834], %max3A_832 {strides = array<i32>} : memref<321x128xbf16, #tpu.memory_space<vmem>>, vector<32xbf16>,
            %max3A_836 = arith.maximumf %get3A_825, %bitcast3A_811 : vector<32xbf16>
            %swap3A_837 = arith.index_cast %squeeze3A_798 : i32 to index
            %swap3A_838 = arith.constant 32 : index
            %swap3A_839 = tpu.vector_load %arg14[%swap3A_837, %swap3A_838] {strides = array<i32>} : memref<321x128xbf16, #tpu.memory_space<vmem>>, vector<32xbf16>,
            tpu.vector_store %arg14[%swap3A_837, %swap3A_838], %max3A_836 {strides = array<i32>} : memref<321x128xbf16, #tpu.memory_space<vmem>>, vector<32xbf16>,
            %max3A_840 = arith.maximumf %get3A_828, %bitcast3A_815 : vector<32xbf16>
            %swap3A_841 = arith.index_cast %squeeze3A_798 : i32 to index
            %swap3A_842 = arith.constant 64 : index
            %swap3A_843 = tpu.vector_load %arg14[%swap3A_841, %swap3A_842] {strides = array<i32>} : memref<321x128xbf16, #tpu.memory_space<vmem>>, vector<32xbf16>,
            tpu.vector_store %arg14[%swap3A_841, %swap3A_842], %max3A_840 {strides = array<i32>} : memref<321x128xbf16, #tpu.memory_space<vmem>>, vector<32xbf16>,
            %max3A_844 = arith.maximumf %get3A_831, %bitcast3A_819 : vector<32xbf16>
            %swap3A_845 = arith.index_cast %squeeze3A_798 : i32 to index
            %swap3A_846 = arith.constant 96 : index
            %swap3A_847 = tpu.vector_load %arg14[%swap3A_845, %swap3A_846] {strides = array<i32>} : memref<321x128xbf16, #tpu.memory_space<vmem>>, vector<32xbf16>,
            tpu.vector_store %arg14[%swap3A_845, %swap3A_846], %max3A_844 {strides = array<i32>} : memref<321x128xbf16, #tpu.memory_space<vmem>>, vector<32xbf16>,
            %slice3A_848 = vector.extract_strided_slice %get3A_441 {offsets = [8], sizes = [1], strides = [1]} : vector<16xi32> to vector<1xi32>
            %squeeze3A_849 = vector.extract %slice3A_848[0] : i32 from vector<1xi32>
            %mul3A_850 = arith.constant 16 : i32
            %mul3A_851 = arith.muli %scan3A_436, %mul3A_850 : i32
            %add3A_852 = arith.addi %mul3A_423, %mul3A_851 : i32
            %add3A_853 = arith.constant 8 : i32
            %add3A_854 = arith.addi %add3A_852, %add3A_853 : i32
            %get3A_855 = arith.index_cast %add3A_854 : i32 to index
            %get3A_856 = arith.constant 0 : index
            %get3A_857 = tpu.vector_load %arg13[%get3A_855, %get3A_856] {strides = array<i32>} : memref<256x64xi32, #tpu.memory_space<vmem>>, vector<16xi32>,
            %bitcast3A_858 = vector.bitcast %get3A_857 : vector<16xi32> to vector<32xbf16>
            %get3A_859 = arith.index_cast %add3A_854 : i32 to index
            %get3A_860 = arith.constant 16 : index
            %get3A_861 = tpu.vector_load %arg13[%get3A_859, %get3A_860] {strides = array<i32>} : memref<256x64xi32, #tpu.memory_space<vmem>>, vector<16xi32>,
            %bitcast3A_862 = vector.bitcast %get3A_861 : vector<16xi32> to vector<32xbf16>
            %get3A_863 = arith.index_cast %add3A_854 : i32 to index
            %get3A_864 = arith.constant 32 : index
            %get3A_865 = tpu.vector_load %arg13[%get3A_863, %get3A_864] {strides = array<i32>} : memref<256x64xi32, #tpu.memory_space<vmem>>, vector<16xi32>,
            %bitcast3A_866 = vector.bitcast %get3A_865 : vector<16xi32> to vector<32xbf16>
            %get3A_867 = arith.index_cast %add3A_854 : i32 to index
            %get3A_868 = arith.constant 48 : index
            %get3A_869 = tpu.vector_load %arg13[%get3A_867, %get3A_868] {strides = array<i32>} : memref<256x64xi32, #tpu.memory_space<vmem>>, vector<16xi32>,
            %bitcast3A_870 = vector.bitcast %get3A_869 : vector<16xi32> to vector<32xbf16>
            %get3A_871 = arith.index_cast %squeeze3A_849 : i32 to index
            %get3A_872 = arith.constant 0 : index
            %get3A_873 = tpu.vector_load %arg14[%get3A_871, %get3A_872] {strides = array<i32>} : memref<321x128xbf16, #tpu.memory_space<vmem>>, vector<32xbf16>,
            %get3A_874 = arith.index_cast %squeeze3A_849 : i32 to index
            %get3A_875 = arith.constant 32 : index
            %get3A_876 = tpu.vector_load %arg14[%get3A_874, %get3A_875] {strides = array<i32>} : memref<321x128xbf16, #tpu.memory_space<vmem>>, vector<32xbf16>,
            %get3A_877 = arith.index_cast %squeeze3A_849 : i32 to index
            %get3A_878 = arith.constant 64 : index
            %get3A_879 = tpu.vector_load %arg14[%get3A_877, %get3A_878] {strides = array<i32>} : memref<321x128xbf16, #tpu.memory_space<vmem>>, vector<32xbf16>,
            %get3A_880 = arith.index_cast %squeeze3A_849 : i32 to index
            %get3A_881 = arith.constant 96 : index
            %get3A_882 = tpu.vector_load %arg14[%get3A_880, %get3A_881] {strides = array<i32>} : memref<321x128xbf16, #tpu.memory_space<vmem>>, vector<32xbf16>,
            %max3A_883 = arith.maximumf %get3A_873, %bitcast3A_858 : vector<32xbf16>
            %swap3A_884 = arith.index_cast %squeeze3A_849 : i32 to index
            %swap3A_885 = arith.constant 0 : index
            %swap3A_886 = tpu.vector_load %arg14[%swap3A_884, %swap3A_885] {strides = array<i32>} : memref<321x128xbf16, #tpu.memory_space<vmem>>, vector<32xbf16>,
            tpu.vector_store %arg14[%swap3A_884, %swap3A_885], %max3A_883 {strides = array<i32>} : memref<321x128xbf16, #tpu.memory_space<vmem>>, vector<32xbf16>,
            %max3A_887 = arith.maximumf %get3A_876, %bitcast3A_862 : vector<32xbf16>
            %swap3A_888 = arith.index_cast %squeeze3A_849 : i32 to index
            %swap3A_889 = arith.constant 32 : index
            %swap3A_890 = tpu.vector_load %arg14[%swap3A_888, %swap3A_889] {strides = array<i32>} : memref<321x128xbf16, #tpu.memory_space<vmem>>, vector<32xbf16>,
            tpu.vector_store %arg14[%swap3A_888, %swap3A_889], %max3A_887 {strides = array<i32>} : memref<321x128xbf16, #tpu.memory_space<vmem>>, vector<32xbf16>,
            %max3A_891 = arith.maximumf %get3A_879, %bitcast3A_866 : vector<32xbf16>
            %swap3A_892 = arith.index_cast %squeeze3A_849 : i32 to index
            %swap3A_893 = arith.constant 64 : index
            %swap3A_894 = tpu.vector_load %arg14[%swap3A_892, %swap3A_893] {strides = array<i32>} : memref<321x128xbf16, #tpu.memory_space<vmem>>, vector<32xbf16>,
            tpu.vector_store %arg14[%swap3A_892, %swap3A_893], %max3A_891 {strides = array<i32>} : memref<321x128xbf16, #tpu.memory_space<vmem>>, vector<32xbf16>,
            %max3A_895 = arith.maximumf %get3A_882, %bitcast3A_870 : vector<32xbf16>
            %swap3A_896 = arith.index_cast %squeeze3A_849 : i32 to index
            %swap3A_897 = arith.constant 96 : index
            %swap3A_898 = tpu.vector_load %arg14[%swap3A_896, %swap3A_897] {strides = array<i32>} : memref<321x128xbf16, #tpu.memory_space<vmem>>, vector<32xbf16>,
            tpu.vector_store %arg14[%swap3A_896, %swap3A_897], %max3A_895 {strides = array<i32>} : memref<321x128xbf16, #tpu.memory_space<vmem>>, vector<32xbf16>,
            %slice3A_899 = vector.extract_strided_slice %get3A_441 {offsets = [9], sizes = [1], strides = [1]} : vector<16xi32> to vector<1xi32>
            %squeeze3A_900 = vector.extract %slice3A_899[0] : i32 from vector<1xi32>
            %mul3A_901 = arith.constant 16 : i32
            %mul3A_902 = arith.muli %scan3A_436, %mul3A_901 : i32
            %add3A_903 = arith.addi %mul3A_423, %mul3A_902 : i32
            %add3A_904 = arith.constant 9 : i32
            %add3A_905 = arith.addi %add3A_903, %add3A_904 : i32
            %get3A_906 = arith.index_cast %add3A_905 : i32 to index
            %get3A_907 = arith.constant 0 : index
            %get3A_908 = tpu.vector_load %arg13[%get3A_906, %get3A_907] {strides = array<i32>} : memref<256x64xi32, #tpu.memory_space<vmem>>, vector<16xi32>,
            %bitcast3A_909 = vector.bitcast %get3A_908 : vector<16xi32> to vector<32xbf16>
            %get3A_910 = arith.index_cast %add3A_905 : i32 to index
            %get3A_911 = arith.constant 16 : index
            %get3A_912 = tpu.vector_load %arg13[%get3A_910, %get3A_911] {strides = array<i32>} : memref<256x64xi32, #tpu.memory_space<vmem>>, vector<16xi32>,
            %bitcast3A_913 = vector.bitcast %get3A_912 : vector<16xi32> to vector<32xbf16>
            %get3A_914 = arith.index_cast %add3A_905 : i32 to index
            %get3A_915 = arith.constant 32 : index
            %get3A_916 = tpu.vector_load %arg13[%get3A_914, %get3A_915] {strides = array<i32>} : memref<256x64xi32, #tpu.memory_space<vmem>>, vector<16xi32>,
            %bitcast3A_917 = vector.bitcast %get3A_916 : vector<16xi32> to vector<32xbf16>
            %get3A_918 = arith.index_cast %add3A_905 : i32 to index
            %get3A_919 = arith.constant 48 : index
            %get3A_920 = tpu.vector_load %arg13[%get3A_918, %get3A_919] {strides = array<i32>} : memref<256x64xi32, #tpu.memory_space<vmem>>, vector<16xi32>,
            %bitcast3A_921 = vector.bitcast %get3A_920 : vector<16xi32> to vector<32xbf16>
            %get3A_922 = arith.index_cast %squeeze3A_900 : i32 to index
            %get3A_923 = arith.constant 0 : index
            %get3A_924 = tpu.vector_load %arg14[%get3A_922, %get3A_923] {strides = array<i32>} : memref<321x128xbf16, #tpu.memory_space<vmem>>, vector<32xbf16>,
            %get3A_925 = arith.index_cast %squeeze3A_900 : i32 to index
            %get3A_926 = arith.constant 32 : index
            %get3A_927 = tpu.vector_load %arg14[%get3A_925, %get3A_926] {strides = array<i32>} : memref<321x128xbf16, #tpu.memory_space<vmem>>, vector<32xbf16>,
            %get3A_928 = arith.index_cast %squeeze3A_900 : i32 to index
            %get3A_929 = arith.constant 64 : index
            %get3A_930 = tpu.vector_load %arg14[%get3A_928, %get3A_929] {strides = array<i32>} : memref<321x128xbf16, #tpu.memory_space<vmem>>, vector<32xbf16>,
            %get3A_931 = arith.index_cast %squeeze3A_900 : i32 to index
            %get3A_932 = arith.constant 96 : index
            %get3A_933 = tpu.vector_load %arg14[%get3A_931, %get3A_932] {strides = array<i32>} : memref<321x128xbf16, #tpu.memory_space<vmem>>, vector<32xbf16>,
            %max3A_934 = arith.maximumf %get3A_924, %bitcast3A_909 : vector<32xbf16>
            %swap3A_935 = arith.index_cast %squeeze3A_900 : i32 to index
            %swap3A_936 = arith.constant 0 : index
            %swap3A_937 = tpu.vector_load %arg14[%swap3A_935, %swap3A_936] {strides = array<i32>} : memref<321x128xbf16, #tpu.memory_space<vmem>>, vector<32xbf16>,
            tpu.vector_store %arg14[%swap3A_935, %swap3A_936], %max3A_934 {strides = array<i32>} : memref<321x128xbf16, #tpu.memory_space<vmem>>, vector<32xbf16>,
            %max3A_938 = arith.maximumf %get3A_927, %bitcast3A_913 : vector<32xbf16>
            %swap3A_939 = arith.index_cast %squeeze3A_900 : i32 to index
            %swap3A_940 = arith.constant 32 : index
            %swap3A_941 = tpu.vector_load %arg14[%swap3A_939, %swap3A_940] {strides = array<i32>} : memref<321x128xbf16, #tpu.memory_space<vmem>>, vector<32xbf16>,
            tpu.vector_store %arg14[%swap3A_939, %swap3A_940], %max3A_938 {strides = array<i32>} : memref<321x128xbf16, #tpu.memory_space<vmem>>, vector<32xbf16>,
            %max3A_942 = arith.maximumf %get3A_930, %bitcast3A_917 : vector<32xbf16>
            %swap3A_943 = arith.index_cast %squeeze3A_900 : i32 to index
            %swap3A_944 = arith.constant 64 : index
            %swap3A_945 = tpu.vector_load %arg14[%swap3A_943, %swap3A_944] {strides = array<i32>} : memref<321x128xbf16, #tpu.memory_space<vmem>>, vector<32xbf16>,
            tpu.vector_store %arg14[%swap3A_943, %swap3A_944], %max3A_942 {strides = array<i32>} : memref<321x128xbf16, #tpu.memory_space<vmem>>, vector<32xbf16>,
            %max3A_946 = arith.maximumf %get3A_933, %bitcast3A_921 : vector<32xbf16>
            %swap3A_947 = arith.index_cast %squeeze3A_900 : i32 to index
            %swap3A_948 = arith.constant 96 : index
            %swap3A_949 = tpu.vector_load %arg14[%swap3A_947, %swap3A_948] {strides = array<i32>} : memref<321x128xbf16, #tpu.memory_space<vmem>>, vector<32xbf16>,
            tpu.vector_store %arg14[%swap3A_947, %swap3A_948], %max3A_946 {strides = array<i32>} : memref<321x128xbf16, #tpu.memory_space<vmem>>, vector<32xbf16>,
            %slice3A_950 = vector.extract_strided_slice %get3A_441 {offsets = [10], sizes = [1], strides = [1]} : vector<16xi32> to vector<1xi32>
            %squeeze3A_951 = vector.extract %slice3A_950[0] : i32 from vector<1xi32>
            %mul3A_952 = arith.constant 16 : i32
            %mul3A_953 = arith.muli %scan3A_436, %mul3A_952 : i32
            %add3A_954 = arith.addi %mul3A_423, %mul3A_953 : i32
            %add3A_955 = arith.constant 10 : i32
            %add3A_956 = arith.addi %add3A_954, %add3A_955 : i32
            %get3A_957 = arith.index_cast %add3A_956 : i32 to index
            %get3A_958 = arith.constant 0 : index
            %get3A_959 = tpu.vector_load %arg13[%get3A_957, %get3A_958] {strides = array<i32>} : memref<256x64xi32, #tpu.memory_space<vmem>>, vector<16xi32>,
            %bitcast3A_960 = vector.bitcast %get3A_959 : vector<16xi32> to vector<32xbf16>
            %get3A_961 = arith.index_cast %add3A_956 : i32 to index
            %get3A_962 = arith.constant 16 : index
            %get3A_963 = tpu.vector_load %arg13[%get3A_961, %get3A_962] {strides = array<i32>} : memref<256x64xi32, #tpu.memory_space<vmem>>, vector<16xi32>,
            %bitcast3A_964 = vector.bitcast %get3A_963 : vector<16xi32> to vector<32xbf16>
            %get3A_965 = arith.index_cast %add3A_956 : i32 to index
            %get3A_966 = arith.constant 32 : index
            %get3A_967 = tpu.vector_load %arg13[%get3A_965, %get3A_966] {strides = array<i32>} : memref<256x64xi32, #tpu.memory_space<vmem>>, vector<16xi32>,
            %bitcast3A_968 = vector.bitcast %get3A_967 : vector<16xi32> to vector<32xbf16>
            %get3A_969 = arith.index_cast %add3A_956 : i32 to index
            %get3A_970 = arith.constant 48 : index
            %get3A_971 = tpu.vector_load %arg13[%get3A_969, %get3A_970] {strides = array<i32>} : memref<256x64xi32, #tpu.memory_space<vmem>>, vector<16xi32>,
            %bitcast3A_972 = vector.bitcast %get3A_971 : vector<16xi32> to vector<32xbf16>
            %get3A_973 = arith.index_cast %squeeze3A_951 : i32 to index
            %get3A_974 = arith.constant 0 : index
            %get3A_975 = tpu.vector_load %arg14[%get3A_973, %get3A_974] {strides = array<i32>} : memref<321x128xbf16, #tpu.memory_space<vmem>>, vector<32xbf16>,
            %get3A_976 = arith.index_cast %squeeze3A_951 : i32 to index
            %get3A_977 = arith.constant 32 : index
            %get3A_978 = tpu.vector_load %arg14[%get3A_976, %get3A_977] {strides = array<i32>} : memref<321x128xbf16, #tpu.memory_space<vmem>>, vector<32xbf16>,
            %get3A_979 = arith.index_cast %squeeze3A_951 : i32 to index
            %get3A_980 = arith.constant 64 : index
            %get3A_981 = tpu.vector_load %arg14[%get3A_979, %get3A_980] {strides = array<i32>} : memref<321x128xbf16, #tpu.memory_space<vmem>>, vector<32xbf16>,
            %get3A_982 = arith.index_cast %squeeze3A_951 : i32 to index
            %get3A_983 = arith.constant 96 : index
            %get3A_984 = tpu.vector_load %arg14[%get3A_982, %get3A_983] {strides = array<i32>} : memref<321x128xbf16, #tpu.memory_space<vmem>>, vector<32xbf16>,
            %max3A_985 = arith.maximumf %get3A_975, %bitcast3A_960 : vector<32xbf16>
            %swap3A_986 = arith.index_cast %squeeze3A_951 : i32 to index
            %swap3A_987 = arith.constant 0 : index
            %swap3A_988 = tpu.vector_load %arg14[%swap3A_986, %swap3A_987] {strides = array<i32>} : memref<321x128xbf16, #tpu.memory_space<vmem>>, vector<32xbf16>,
            tpu.vector_store %arg14[%swap3A_986, %swap3A_987], %max3A_985 {strides = array<i32>} : memref<321x128xbf16, #tpu.memory_space<vmem>>, vector<32xbf16>,
            %max3A_989 = arith.maximumf %get3A_978, %bitcast3A_964 : vector<32xbf16>
            %swap3A_990 = arith.index_cast %squeeze3A_951 : i32 to index
            %swap3A_991 = arith.constant 32 : index
            %swap3A_992 = tpu.vector_load %arg14[%swap3A_990, %swap3A_991] {strides = array<i32>} : memref<321x128xbf16, #tpu.memory_space<vmem>>, vector<32xbf16>,
            tpu.vector_store %arg14[%swap3A_990, %swap3A_991], %max3A_989 {strides = array<i32>} : memref<321x128xbf16, #tpu.memory_space<vmem>>, vector<32xbf16>,
            %max3A_993 = arith.maximumf %get3A_981, %bitcast3A_968 : vector<32xbf16>
            %swap3A_994 = arith.index_cast %squeeze3A_951 : i32 to index
            %swap3A_995 = arith.constant 64 : index
            %swap3A_996 = tpu.vector_load %arg14[%swap3A_994, %swap3A_995] {strides = array<i32>} : memref<321x128xbf16, #tpu.memory_space<vmem>>, vector<32xbf16>,
            tpu.vector_store %arg14[%swap3A_994, %swap3A_995], %max3A_993 {strides = array<i32>} : memref<321x128xbf16, #tpu.memory_space<vmem>>, vector<32xbf16>,
            %max3A_997 = arith.maximumf %get3A_984, %bitcast3A_972 : vector<32xbf16>
            %swap3A_998 = arith.index_cast %squeeze3A_951 : i32 to index
            %swap3A_999 = arith.constant 96 : index
            %swap3A_1000 = tpu.vector_load %arg14[%swap3A_998, %swap3A_999] {strides = array<i32>} : memref<321x128xbf16, #tpu.memory_space<vmem>>, vector<32xbf16>,
            tpu.vector_store %arg14[%swap3A_998, %swap3A_999], %max3A_997 {strides = array<i32>} : memref<321x128xbf16, #tpu.memory_space<vmem>>, vector<32xbf16>,
            %slice3A_1001 = vector.extract_strided_slice %get3A_441 {offsets = [11], sizes = [1], strides = [1]} : vector<16xi32> to vector<1xi32>
            %squeeze3A_1002 = vector.extract %slice3A_1001[0] : i32 from vector<1xi32>
            %mul3A_1003 = arith.constant 16 : i32
            %mul3A_1004 = arith.muli %scan3A_436, %mul3A_1003 : i32
            %add3A_1005 = arith.addi %mul3A_423, %mul3A_1004 : i32
            %add3A_1006 = arith.constant 11 : i32
            %add3A_1007 = arith.addi %add3A_1005, %add3A_1006 : i32
            %get3A_1008 = arith.index_cast %add3A_1007 : i32 to index
            %get3A_1009 = arith.constant 0 : index
            %get3A_1010 = tpu.vector_load %arg13[%get3A_1008, %get3A_1009] {strides = array<i32>} : memref<256x64xi32, #tpu.memory_space<vmem>>, vector<16xi32>,
            %bitcast3A_1011 = vector.bitcast %get3A_1010 : vector<16xi32> to vector<32xbf16>
            %get3A_1012 = arith.index_cast %add3A_1007 : i32 to index
            %get3A_1013 = arith.constant 16 : index
            %get3A_1014 = tpu.vector_load %arg13[%get3A_1012, %get3A_1013] {strides = array<i32>} : memref<256x64xi32, #tpu.memory_space<vmem>>, vector<16xi32>,
            %bitcast3A_1015 = vector.bitcast %get3A_1014 : vector<16xi32> to vector<32xbf16>
            %get3A_1016 = arith.index_cast %add3A_1007 : i32 to index
            %get3A_1017 = arith.constant 32 : index
            %get3A_1018 = tpu.vector_load %arg13[%get3A_1016, %get3A_1017] {strides = array<i32>} : memref<256x64xi32, #tpu.memory_space<vmem>>, vector<16xi32>,
            %bitcast3A_1019 = vector.bitcast %get3A_1018 : vector<16xi32> to vector<32xbf16>
            %get3A_1020 = arith.index_cast %add3A_1007 : i32 to index
            %get3A_1021 = arith.constant 48 : index
            %get3A_1022 = tpu.vector_load %arg13[%get3A_1020, %get3A_1021] {strides = array<i32>} : memref<256x64xi32, #tpu.memory_space<vmem>>, vector<16xi32>,
            %bitcast3A_1023 = vector.bitcast %get3A_1022 : vector<16xi32> to vector<32xbf16>
            %get3A_1024 = arith.index_cast %squeeze3A_1002 : i32 to index
            %get3A_1025 = arith.constant 0 : index
            %get3A_1026 = tpu.vector_load %arg14[%get3A_1024, %get3A_1025] {strides = array<i32>} : memref<321x128xbf16, #tpu.memory_space<vmem>>, vector<32xbf16>,
            %get3A_1027 = arith.index_cast %squeeze3A_1002 : i32 to index
            %get3A_1028 = arith.constant 32 : index
            %get3A_1029 = tpu.vector_load %arg14[%get3A_1027, %get3A_1028] {strides = array<i32>} : memref<321x128xbf16, #tpu.memory_space<vmem>>, vector<32xbf16>,
            %get3A_1030 = arith.index_cast %squeeze3A_1002 : i32 to index
            %get3A_1031 = arith.constant 64 : index
            %get3A_1032 = tpu.vector_load %arg14[%get3A_1030, %get3A_1031] {strides = array<i32>} : memref<321x128xbf16, #tpu.memory_space<vmem>>, vector<32xbf16>,
            %get3A_1033 = arith.index_cast %squeeze3A_1002 : i32 to index
            %get3A_1034 = arith.constant 96 : index
            %get3A_1035 = tpu.vector_load %arg14[%get3A_1033, %get3A_1034] {strides = array<i32>} : memref<321x128xbf16, #tpu.memory_space<vmem>>, vector<32xbf16>,
            %max3A_1036 = arith.maximumf %get3A_1026, %bitcast3A_1011 : vector<32xbf16>
            %swap3A_1037 = arith.index_cast %squeeze3A_1002 : i32 to index
            %swap3A_1038 = arith.constant 0 : index
            %swap3A_1039 = tpu.vector_load %arg14[%swap3A_1037, %swap3A_1038] {strides = array<i32>} : memref<321x128xbf16, #tpu.memory_space<vmem>>, vector<32xbf16>,
            tpu.vector_store %arg14[%swap3A_1037, %swap3A_1038], %max3A_1036 {strides = array<i32>} : memref<321x128xbf16, #tpu.memory_space<vmem>>, vector<32xbf16>,
            %max3A_1040 = arith.maximumf %get3A_1029, %bitcast3A_1015 : vector<32xbf16>
            %swap3A_1041 = arith.index_cast %squeeze3A_1002 : i32 to index
            %swap3A_1042 = arith.constant 32 : index
            %swap3A_1043 = tpu.vector_load %arg14[%swap3A_1041, %swap3A_1042] {strides = array<i32>} : memref<321x128xbf16, #tpu.memory_space<vmem>>, vector<32xbf16>,
            tpu.vector_store %arg14[%swap3A_1041, %swap3A_1042], %max3A_1040 {strides = array<i32>} : memref<321x128xbf16, #tpu.memory_space<vmem>>, vector<32xbf16>,
            %max3A_1044 = arith.maximumf %get3A_1032, %bitcast3A_1019 : vector<32xbf16>
            %swap3A_1045 = arith.index_cast %squeeze3A_1002 : i32 to index
            %swap3A_1046 = arith.constant 64 : index
            %swap3A_1047 = tpu.vector_load %arg14[%swap3A_1045, %swap3A_1046] {strides = array<i32>} : memref<321x128xbf16, #tpu.memory_space<vmem>>, vector<32xbf16>,
            tpu.vector_store %arg14[%swap3A_1045, %swap3A_1046], %max3A_1044 {strides = array<i32>} : memref<321x128xbf16, #tpu.memory_space<vmem>>, vector<32xbf16>,
            %max3A_1048 = arith.maximumf %get3A_1035, %bitcast3A_1023 : vector<32xbf16>
            %swap3A_1049 = arith.index_cast %squeeze3A_1002 : i32 to index
            %swap3A_1050 = arith.constant 96 : index
            %swap3A_1051 = tpu.vector_load %arg14[%swap3A_1049, %swap3A_1050] {strides = array<i32>} : memref<321x128xbf16, #tpu.memory_space<vmem>>, vector<32xbf16>,
            tpu.vector_store %arg14[%swap3A_1049, %swap3A_1050], %max3A_1048 {strides = array<i32>} : memref<321x128xbf16, #tpu.memory_space<vmem>>, vector<32xbf16>,
            %slice3A_1052 = vector.extract_strided_slice %get3A_441 {offsets = [12], sizes = [1], strides = [1]} : vector<16xi32> to vector<1xi32>
            %squeeze3A_1053 = vector.extract %slice3A_1052[0] : i32 from vector<1xi32>
            %mul3A_1054 = arith.constant 16 : i32
            %mul3A_1055 = arith.muli %scan3A_436, %mul3A_1054 : i32
            %add3A_1056 = arith.addi %mul3A_423, %mul3A_1055 : i32
            %add3A_1057 = arith.constant 12 : i32
            %add3A_1058 = arith.addi %add3A_1056, %add3A_1057 : i32
            %get3A_1059 = arith.index_cast %add3A_1058 : i32 to index
            %get3A_1060 = arith.constant 0 : index
            %get3A_1061 = tpu.vector_load %arg13[%get3A_1059, %get3A_1060] {strides = array<i32>} : memref<256x64xi32, #tpu.memory_space<vmem>>, vector<16xi32>,
            %bitcast3A_1062 = vector.bitcast %get3A_1061 : vector<16xi32> to vector<32xbf16>
            %get3A_1063 = arith.index_cast %add3A_1058 : i32 to index
            %get3A_1064 = arith.constant 16 : index
            %get3A_1065 = tpu.vector_load %arg13[%get3A_1063, %get3A_1064] {strides = array<i32>} : memref<256x64xi32, #tpu.memory_space<vmem>>, vector<16xi32>,
            %bitcast3A_1066 = vector.bitcast %get3A_1065 : vector<16xi32> to vector<32xbf16>
            %get3A_1067 = arith.index_cast %add3A_1058 : i32 to index
            %get3A_1068 = arith.constant 32 : index
            %get3A_1069 = tpu.vector_load %arg13[%get3A_1067, %get3A_1068] {strides = array<i32>} : memref<256x64xi32, #tpu.memory_space<vmem>>, vector<16xi32>,
            %bitcast3A_1070 = vector.bitcast %get3A_1069 : vector<16xi32> to vector<32xbf16>
            %get3A_1071 = arith.index_cast %add3A_1058 : i32 to index
            %get3A_1072 = arith.constant 48 : index
            %get3A_1073 = tpu.vector_load %arg13[%get3A_1071, %get3A_1072] {strides = array<i32>} : memref<256x64xi32, #tpu.memory_space<vmem>>, vector<16xi32>,
            %bitcast3A_1074 = vector.bitcast %get3A_1073 : vector<16xi32> to vector<32xbf16>
            %get3A_1075 = arith.index_cast %squeeze3A_1053 : i32 to index
            %get3A_1076 = arith.constant 0 : index
            %get3A_1077 = tpu.vector_load %arg14[%get3A_1075, %get3A_1076] {strides = array<i32>} : memref<321x128xbf16, #tpu.memory_space<vmem>>, vector<32xbf16>,
            %get3A_1078 = arith.index_cast %squeeze3A_1053 : i32 to index
            %get3A_1079 = arith.constant 32 : index
            %get3A_1080 = tpu.vector_load %arg14[%get3A_1078, %get3A_1079] {strides = array<i32>} : memref<321x128xbf16, #tpu.memory_space<vmem>>, vector<32xbf16>,
            %get3A_1081 = arith.index_cast %squeeze3A_1053 : i32 to index
            %get3A_1082 = arith.constant 64 : index
            %get3A_1083 = tpu.vector_load %arg14[%get3A_1081, %get3A_1082] {strides = array<i32>} : memref<321x128xbf16, #tpu.memory_space<vmem>>, vector<32xbf16>,
            %get3A_1084 = arith.index_cast %squeeze3A_1053 : i32 to index
            %get3A_1085 = arith.constant 96 : index
            %get3A_1086 = tpu.vector_load %arg14[%get3A_1084, %get3A_1085] {strides = array<i32>} : memref<321x128xbf16, #tpu.memory_space<vmem>>, vector<32xbf16>,
            %max3A_1087 = arith.maximumf %get3A_1077, %bitcast3A_1062 : vector<32xbf16>
            %swap3A_1088 = arith.index_cast %squeeze3A_1053 : i32 to index
            %swap3A_1089 = arith.constant 0 : index
            %swap3A_1090 = tpu.vector_load %arg14[%swap3A_1088, %swap3A_1089] {strides = array<i32>} : memref<321x128xbf16, #tpu.memory_space<vmem>>, vector<32xbf16>,
            tpu.vector_store %arg14[%swap3A_1088, %swap3A_1089], %max3A_1087 {strides = array<i32>} : memref<321x128xbf16, #tpu.memory_space<vmem>>, vector<32xbf16>,
            %max3A_1091 = arith.maximumf %get3A_1080, %bitcast3A_1066 : vector<32xbf16>
            %swap3A_1092 = arith.index_cast %squeeze3A_1053 : i32 to index
            %swap3A_1093 = arith.constant 32 : index
            %swap3A_1094 = tpu.vector_load %arg14[%swap3A_1092, %swap3A_1093] {strides = array<i32>} : memref<321x128xbf16, #tpu.memory_space<vmem>>, vector<32xbf16>,
            tpu.vector_store %arg14[%swap3A_1092, %swap3A_1093], %max3A_1091 {strides = array<i32>} : memref<321x128xbf16, #tpu.memory_space<vmem>>, vector<32xbf16>,
            %max3A_1095 = arith.maximumf %get3A_1083, %bitcast3A_1070 : vector<32xbf16>
            %swap3A_1096 = arith.index_cast %squeeze3A_1053 : i32 to index
            %swap3A_1097 = arith.constant 64 : index
            %swap3A_1098 = tpu.vector_load %arg14[%swap3A_1096, %swap3A_1097] {strides = array<i32>} : memref<321x128xbf16, #tpu.memory_space<vmem>>, vector<32xbf16>,
            tpu.vector_store %arg14[%swap3A_1096, %swap3A_1097], %max3A_1095 {strides = array<i32>} : memref<321x128xbf16, #tpu.memory_space<vmem>>, vector<32xbf16>,
            %max3A_1099 = arith.maximumf %get3A_1086, %bitcast3A_1074 : vector<32xbf16>
            %swap3A_1100 = arith.index_cast %squeeze3A_1053 : i32 to index
            %swap3A_1101 = arith.constant 96 : index
            %swap3A_1102 = tpu.vector_load %arg14[%swap3A_1100, %swap3A_1101] {strides = array<i32>} : memref<321x128xbf16, #tpu.memory_space<vmem>>, vector<32xbf16>,
            tpu.vector_store %arg14[%swap3A_1100, %swap3A_1101], %max3A_1099 {strides = array<i32>} : memref<321x128xbf16, #tpu.memory_space<vmem>>, vector<32xbf16>,
            %slice3A_1103 = vector.extract_strided_slice %get3A_441 {offsets = [13], sizes = [1], strides = [1]} : vector<16xi32> to vector<1xi32>
            %squeeze3A_1104 = vector.extract %slice3A_1103[0] : i32 from vector<1xi32>
            %mul3A_1105 = arith.constant 16 : i32
            %mul3A_1106 = arith.muli %scan3A_436, %mul3A_1105 : i32
            %add3A_1107 = arith.addi %mul3A_423, %mul3A_1106 : i32
            %add3A_1108 = arith.constant 13 : i32
            %add3A_1109 = arith.addi %add3A_1107, %add3A_1108 : i32
            %get3A_1110 = arith.index_cast %add3A_1109 : i32 to index
            %get3A_1111 = arith.constant 0 : index
            %get3A_1112 = tpu.vector_load %arg13[%get3A_1110, %get3A_1111] {strides = array<i32>} : memref<256x64xi32, #tpu.memory_space<vmem>>, vector<16xi32>,
            %bitcast3A_1113 = vector.bitcast %get3A_1112 : vector<16xi32> to vector<32xbf16>
            %get3A_1114 = arith.index_cast %add3A_1109 : i32 to index
            %get3A_1115 = arith.constant 16 : index
            %get3A_1116 = tpu.vector_load %arg13[%get3A_1114, %get3A_1115] {strides = array<i32>} : memref<256x64xi32, #tpu.memory_space<vmem>>, vector<16xi32>,
            %bitcast3A_1117 = vector.bitcast %get3A_1116 : vector<16xi32> to vector<32xbf16>
            %get3A_1118 = arith.index_cast %add3A_1109 : i32 to index
            %get3A_1119 = arith.constant 32 : index
            %get3A_1120 = tpu.vector_load %arg13[%get3A_1118, %get3A_1119] {strides = array<i32>} : memref<256x64xi32, #tpu.memory_space<vmem>>, vector<16xi32>,
            %bitcast3A_1121 = vector.bitcast %get3A_1120 : vector<16xi32> to vector<32xbf16>
            %get3A_1122 = arith.index_cast %add3A_1109 : i32 to index
            %get3A_1123 = arith.constant 48 : index
            %get3A_1124 = tpu.vector_load %arg13[%get3A_1122, %get3A_1123] {strides = array<i32>} : memref<256x64xi32, #tpu.memory_space<vmem>>, vector<16xi32>,
            %bitcast3A_1125 = vector.bitcast %get3A_1124 : vector<16xi32> to vector<32xbf16>
            %get3A_1126 = arith.index_cast %squeeze3A_1104 : i32 to index
            %get3A_1127 = arith.constant 0 : index
            %get3A_1128 = tpu.vector_load %arg14[%get3A_1126, %get3A_1127] {strides = array<i32>} : memref<321x128xbf16, #tpu.memory_space<vmem>>, vector<32xbf16>,
            %get3A_1129 = arith.index_cast %squeeze3A_1104 : i32 to index
            %get3A_1130 = arith.constant 32 : index
            %get3A_1131 = tpu.vector_load %arg14[%get3A_1129, %get3A_1130] {strides = array<i32>} : memref<321x128xbf16, #tpu.memory_space<vmem>>, vector<32xbf16>,
            %get3A_1132 = arith.index_cast %squeeze3A_1104 : i32 to index
            %get3A_1133 = arith.constant 64 : index
            %get3A_1134 = tpu.vector_load %arg14[%get3A_1132, %get3A_1133] {strides = array<i32>} : memref<321x128xbf16, #tpu.memory_space<vmem>>, vector<32xbf16>,
            %get3A_1135 = arith.index_cast %squeeze3A_1104 : i32 to index
            %get3A_1136 = arith.constant 96 : index
            %get3A_1137 = tpu.vector_load %arg14[%get3A_1135, %get3A_1136] {strides = array<i32>} : memref<321x128xbf16, #tpu.memory_space<vmem>>, vector<32xbf16>,
            %max3A_1138 = arith.maximumf %get3A_1128, %bitcast3A_1113 : vector<32xbf16>
            %swap3A_1139 = arith.index_cast %squeeze3A_1104 : i32 to index
            %swap3A_1140 = arith.constant 0 : index
            %swap3A_1141 = tpu.vector_load %arg14[%swap3A_1139, %swap3A_1140] {strides = array<i32>} : memref<321x128xbf16, #tpu.memory_space<vmem>>, vector<32xbf16>,
            tpu.vector_store %arg14[%swap3A_1139, %swap3A_1140], %max3A_1138 {strides = array<i32>} : memref<321x128xbf16, #tpu.memory_space<vmem>>, vector<32xbf16>,
            %max3A_1142 = arith.maximumf %get3A_1131, %bitcast3A_1117 : vector<32xbf16>
            %swap3A_1143 = arith.index_cast %squeeze3A_1104 : i32 to index
            %swap3A_1144 = arith.constant 32 : index
            %swap3A_1145 = tpu.vector_load %arg14[%swap3A_1143, %swap3A_1144] {strides = array<i32>} : memref<321x128xbf16, #tpu.memory_space<vmem>>, vector<32xbf16>,
            tpu.vector_store %arg14[%swap3A_1143, %swap3A_1144], %max3A_1142 {strides = array<i32>} : memref<321x128xbf16, #tpu.memory_space<vmem>>, vector<32xbf16>,
            %max3A_1146 = arith.maximumf %get3A_1134, %bitcast3A_1121 : vector<32xbf16>
            %swap3A_1147 = arith.index_cast %squeeze3A_1104 : i32 to index
            %swap3A_1148 = arith.constant 64 : index
            %swap3A_1149 = tpu.vector_load %arg14[%swap3A_1147, %swap3A_1148] {strides = array<i32>} : memref<321x128xbf16, #tpu.memory_space<vmem>>, vector<32xbf16>,
            tpu.vector_store %arg14[%swap3A_1147, %swap3A_1148], %max3A_1146 {strides = array<i32>} : memref<321x128xbf16, #tpu.memory_space<vmem>>, vector<32xbf16>,
            %max3A_1150 = arith.maximumf %get3A_1137, %bitcast3A_1125 : vector<32xbf16>
            %swap3A_1151 = arith.index_cast %squeeze3A_1104 : i32 to index
            %swap3A_1152 = arith.constant 96 : index
            %swap3A_1153 = tpu.vector_load %arg14[%swap3A_1151, %swap3A_1152] {strides = array<i32>} : memref<321x128xbf16, #tpu.memory_space<vmem>>, vector<32xbf16>,
            tpu.vector_store %arg14[%swap3A_1151, %swap3A_1152], %max3A_1150 {strides = array<i32>} : memref<321x128xbf16, #tpu.memory_space<vmem>>, vector<32xbf16>,
            %slice3A_1154 = vector.extract_strided_slice %get3A_441 {offsets = [14], sizes = [1], strides = [1]} : vector<16xi32> to vector<1xi32>
            %squeeze3A_1155 = vector.extract %slice3A_1154[0] : i32 from vector<1xi32>
            %mul3A_1156 = arith.constant 16 : i32
            %mul3A_1157 = arith.muli %scan3A_436, %mul3A_1156 : i32
            %add3A_1158 = arith.addi %mul3A_423, %mul3A_1157 : i32
            %add3A_1159 = arith.constant 14 : i32
            %add3A_1160 = arith.addi %add3A_1158, %add3A_1159 : i32
            %get3A_1161 = arith.index_cast %add3A_1160 : i32 to index
            %get3A_1162 = arith.constant 0 : index
            %get3A_1163 = tpu.vector_load %arg13[%get3A_1161, %get3A_1162] {strides = array<i32>} : memref<256x64xi32, #tpu.memory_space<vmem>>, vector<16xi32>,
            %bitcast3A_1164 = vector.bitcast %get3A_1163 : vector<16xi32> to vector<32xbf16>
            %get3A_1165 = arith.index_cast %add3A_1160 : i32 to index
            %get3A_1166 = arith.constant 16 : index
            %get3A_1167 = tpu.vector_load %arg13[%get3A_1165, %get3A_1166] {strides = array<i32>} : memref<256x64xi32, #tpu.memory_space<vmem>>, vector<16xi32>,
            %bitcast3A_1168 = vector.bitcast %get3A_1167 : vector<16xi32> to vector<32xbf16>
            %get3A_1169 = arith.index_cast %add3A_1160 : i32 to index
            %get3A_1170 = arith.constant 32 : index
            %get3A_1171 = tpu.vector_load %arg13[%get3A_1169, %get3A_1170] {strides = array<i32>} : memref<256x64xi32, #tpu.memory_space<vmem>>, vector<16xi32>,
            %bitcast3A_1172 = vector.bitcast %get3A_1171 : vector<16xi32> to vector<32xbf16>
            %get3A_1173 = arith.index_cast %add3A_1160 : i32 to index
            %get3A_1174 = arith.constant 48 : index
            %get3A_1175 = tpu.vector_load %arg13[%get3A_1173, %get3A_1174] {strides = array<i32>} : memref<256x64xi32, #tpu.memory_space<vmem>>, vector<16xi32>,
            %bitcast3A_1176 = vector.bitcast %get3A_1175 : vector<16xi32> to vector<32xbf16>
            %get3A_1177 = arith.index_cast %squeeze3A_1155 : i32 to index
            %get3A_1178 = arith.constant 0 : index
            %get3A_1179 = tpu.vector_load %arg14[%get3A_1177, %get3A_1178] {strides = array<i32>} : memref<321x128xbf16, #tpu.memory_space<vmem>>, vector<32xbf16>,
            %get3A_1180 = arith.index_cast %squeeze3A_1155 : i32 to index
            %get3A_1181 = arith.constant 32 : index
            %get3A_1182 = tpu.vector_load %arg14[%get3A_1180, %get3A_1181] {strides = array<i32>} : memref<321x128xbf16, #tpu.memory_space<vmem>>, vector<32xbf16>,
            %get3A_1183 = arith.index_cast %squeeze3A_1155 : i32 to index
            %get3A_1184 = arith.constant 64 : index
            %get3A_1185 = tpu.vector_load %arg14[%get3A_1183, %get3A_1184] {strides = array<i32>} : memref<321x128xbf16, #tpu.memory_space<vmem>>, vector<32xbf16>,
            %get3A_1186 = arith.index_cast %squeeze3A_1155 : i32 to index
            %get3A_1187 = arith.constant 96 : index
            %get3A_1188 = tpu.vector_load %arg14[%get3A_1186, %get3A_1187] {strides = array<i32>} : memref<321x128xbf16, #tpu.memory_space<vmem>>, vector<32xbf16>,
            %max3A_1189 = arith.maximumf %get3A_1179, %bitcast3A_1164 : vector<32xbf16>
            %swap3A_1190 = arith.index_cast %squeeze3A_1155 : i32 to index
            %swap3A_1191 = arith.constant 0 : index
            %swap3A_1192 = tpu.vector_load %arg14[%swap3A_1190, %swap3A_1191] {strides = array<i32>} : memref<321x128xbf16, #tpu.memory_space<vmem>>, vector<32xbf16>,
            tpu.vector_store %arg14[%swap3A_1190, %swap3A_1191], %max3A_1189 {strides = array<i32>} : memref<321x128xbf16, #tpu.memory_space<vmem>>, vector<32xbf16>,
            %max3A_1193 = arith.maximumf %get3A_1182, %bitcast3A_1168 : vector<32xbf16>
            %swap3A_1194 = arith.index_cast %squeeze3A_1155 : i32 to index
            %swap3A_1195 = arith.constant 32 : index
            %swap3A_1196 = tpu.vector_load %arg14[%swap3A_1194, %swap3A_1195] {strides = array<i32>} : memref<321x128xbf16, #tpu.memory_space<vmem>>, vector<32xbf16>,
            tpu.vector_store %arg14[%swap3A_1194, %swap3A_1195], %max3A_1193 {strides = array<i32>} : memref<321x128xbf16, #tpu.memory_space<vmem>>, vector<32xbf16>,
            %max3A_1197 = arith.maximumf %get3A_1185, %bitcast3A_1172 : vector<32xbf16>
            %swap3A_1198 = arith.index_cast %squeeze3A_1155 : i32 to index
            %swap3A_1199 = arith.constant 64 : index
            %swap3A_1200 = tpu.vector_load %arg14[%swap3A_1198, %swap3A_1199] {strides = array<i32>} : memref<321x128xbf16, #tpu.memory_space<vmem>>, vector<32xbf16>,
            tpu.vector_store %arg14[%swap3A_1198, %swap3A_1199], %max3A_1197 {strides = array<i32>} : memref<321x128xbf16, #tpu.memory_space<vmem>>, vector<32xbf16>,
            %max3A_1201 = arith.maximumf %get3A_1188, %bitcast3A_1176 : vector<32xbf16>
            %swap3A_1202 = arith.index_cast %squeeze3A_1155 : i32 to index
            %swap3A_1203 = arith.constant 96 : index
            %swap3A_1204 = tpu.vector_load %arg14[%swap3A_1202, %swap3A_1203] {strides = array<i32>} : memref<321x128xbf16, #tpu.memory_space<vmem>>, vector<32xbf16>,
            tpu.vector_store %arg14[%swap3A_1202, %swap3A_1203], %max3A_1201 {strides = array<i32>} : memref<321x128xbf16, #tpu.memory_space<vmem>>, vector<32xbf16>,
            %slice3A_1205 = vector.extract_strided_slice %get3A_441 {offsets = [15], sizes = [1], strides = [1]} : vector<16xi32> to vector<1xi32>
            %squeeze3A_1206 = vector.extract %slice3A_1205[0] : i32 from vector<1xi32>
            %mul3A_1207 = arith.constant 16 : i32
            %mul3A_1208 = arith.muli %scan3A_436, %mul3A_1207 : i32
            %add3A_1209 = arith.addi %mul3A_423, %mul3A_1208 : i32
            %add3A_1210 = arith.constant 15 : i32
            %add3A_1211 = arith.addi %add3A_1209, %add3A_1210 : i32
            %get3A_1212 = arith.index_cast %add3A_1211 : i32 to index
            %get3A_1213 = arith.constant 0 : index
            %get3A_1214 = tpu.vector_load %arg13[%get3A_1212, %get3A_1213] {strides = array<i32>} : memref<256x64xi32, #tpu.memory_space<vmem>>, vector<16xi32>,
            %bitcast3A_1215 = vector.bitcast %get3A_1214 : vector<16xi32> to vector<32xbf16>
            %get3A_1216 = arith.index_cast %add3A_1211 : i32 to index
            %get3A_1217 = arith.constant 16 : index
            %get3A_1218 = tpu.vector_load %arg13[%get3A_1216, %get3A_1217] {strides = array<i32>} : memref<256x64xi32, #tpu.memory_space<vmem>>, vector<16xi32>,
            %bitcast3A_1219 = vector.bitcast %get3A_1218 : vector<16xi32> to vector<32xbf16>
            %get3A_1220 = arith.index_cast %add3A_1211 : i32 to index
            %get3A_1221 = arith.constant 32 : index
            %get3A_1222 = tpu.vector_load %arg13[%get3A_1220, %get3A_1221] {strides = array<i32>} : memref<256x64xi32, #tpu.memory_space<vmem>>, vector<16xi32>,
            %bitcast3A_1223 = vector.bitcast %get3A_1222 : vector<16xi32> to vector<32xbf16>
            %get3A_1224 = arith.index_cast %add3A_1211 : i32 to index
            %get3A_1225 = arith.constant 48 : index
            %get3A_1226 = tpu.vector_load %arg13[%get3A_1224, %get3A_1225] {strides = array<i32>} : memref<256x64xi32, #tpu.memory_space<vmem>>, vector<16xi32>,
            %bitcast3A_1227 = vector.bitcast %get3A_1226 : vector<16xi32> to vector<32xbf16>
            %get3A_1228 = arith.index_cast %squeeze3A_1206 : i32 to index
            %get3A_1229 = arith.constant 0 : index
            %get3A_1230 = tpu.vector_load %arg14[%get3A_1228, %get3A_1229] {strides = array<i32>} : memref<321x128xbf16, #tpu.memory_space<vmem>>, vector<32xbf16>,
            %get3A_1231 = arith.index_cast %squeeze3A_1206 : i32 to index
            %get3A_1232 = arith.constant 32 : index
            %get3A_1233 = tpu.vector_load %arg14[%get3A_1231, %get3A_1232] {strides = array<i32>} : memref<321x128xbf16, #tpu.memory_space<vmem>>, vector<32xbf16>,
            %get3A_1234 = arith.index_cast %squeeze3A_1206 : i32 to index
            %get3A_1235 = arith.constant 64 : index
            %get3A_1236 = tpu.vector_load %arg14[%get3A_1234, %get3A_1235] {strides = array<i32>} : memref<321x128xbf16, #tpu.memory_space<vmem>>, vector<32xbf16>,
            %get3A_1237 = arith.index_cast %squeeze3A_1206 : i32 to index
            %get3A_1238 = arith.constant 96 : index
            %get3A_1239 = tpu.vector_load %arg14[%get3A_1237, %get3A_1238] {strides = array<i32>} : memref<321x128xbf16, #tpu.memory_space<vmem>>, vector<32xbf16>,
            %max3A_1240 = arith.maximumf %get3A_1230, %bitcast3A_1215 : vector<32xbf16>
            %swap3A_1241 = arith.index_cast %squeeze3A_1206 : i32 to index
            %swap3A_1242 = arith.constant 0 : index
            %swap3A_1243 = tpu.vector_load %arg14[%swap3A_1241, %swap3A_1242] {strides = array<i32>} : memref<321x128xbf16, #tpu.memory_space<vmem>>, vector<32xbf16>,
            tpu.vector_store %arg14[%swap3A_1241, %swap3A_1242], %max3A_1240 {strides = array<i32>} : memref<321x128xbf16, #tpu.memory_space<vmem>>, vector<32xbf16>,
            %max3A_1244 = arith.maximumf %get3A_1233, %bitcast3A_1219 : vector<32xbf16>
            %swap3A_1245 = arith.index_cast %squeeze3A_1206 : i32 to index
            %swap3A_1246 = arith.constant 32 : index
            %swap3A_1247 = tpu.vector_load %arg14[%swap3A_1245, %swap3A_1246] {strides = array<i32>} : memref<321x128xbf16, #tpu.memory_space<vmem>>, vector<32xbf16>,
            tpu.vector_store %arg14[%swap3A_1245, %swap3A_1246], %max3A_1244 {strides = array<i32>} : memref<321x128xbf16, #tpu.memory_space<vmem>>, vector<32xbf16>,
            %max3A_1248 = arith.maximumf %get3A_1236, %bitcast3A_1223 : vector<32xbf16>
            %swap3A_1249 = arith.index_cast %squeeze3A_1206 : i32 to index
            %swap3A_1250 = arith.constant 64 : index
            %swap3A_1251 = tpu.vector_load %arg14[%swap3A_1249, %swap3A_1250] {strides = array<i32>} : memref<321x128xbf16, #tpu.memory_space<vmem>>, vector<32xbf16>,
            tpu.vector_store %arg14[%swap3A_1249, %swap3A_1250], %max3A_1248 {strides = array<i32>} : memref<321x128xbf16, #tpu.memory_space<vmem>>, vector<32xbf16>,
            %max3A_1252 = arith.maximumf %get3A_1239, %bitcast3A_1227 : vector<32xbf16>
            %swap3A_1253 = arith.index_cast %squeeze3A_1206 : i32 to index
            %swap3A_1254 = arith.constant 96 : index
            %swap3A_1255 = tpu.vector_load %arg14[%swap3A_1253, %swap3A_1254] {strides = array<i32>} : memref<321x128xbf16, #tpu.memory_space<vmem>>, vector<32xbf16>,
            tpu.vector_store %arg14[%swap3A_1253, %swap3A_1254], %max3A_1252 {strides = array<i32>} : memref<321x128xbf16, #tpu.memory_space<vmem>>, vector<32xbf16>,
          }
          %scan3A_435 = arith.constant 8 : i32
        } else {
        }
        %jit3A_220 = arith.constant 2 : i32
        %eq3A = arith.constant 0 : i32
        %eq3A_221 = arith.cmpi eq, %jit3A_220, %eq3A : i32
        %jit3A_222 = arith.constant 1 : i32
        %select_n3A_223 = arith.select %eq3A_221, %jit3A_222, %jit3A_220 : i32
        %rem3A_224 = arith.remsi %while3A_214, %select_n3A_223 : i32
        %ne3A_225 = arith.constant 0 : i32
        %ne3A_226 = arith.cmpi ne, %rem3A_224, %ne3A_225 : i32
        %lt3A_227 = arith.constant 0 : i32
        %lt3A_228 = arith.cmpi slt, %rem3A_224, %lt3A_227 : i32
        %lt3A_229 = arith.constant 0 : i32
        %lt3A_230 = arith.cmpi slt, %select_n3A_223, %lt3A_229 : i32
        %ne3A_231 = arith.xori %lt3A_228, %lt3A_230 : i1
        %and3A_232 = arith.andi %ne3A_231, %ne3A_226 : i1
        %add3A_233 = arith.addi %rem3A_224, %select_n3A_223 : i32
        %select_n3A_234 = arith.select %and3A_232, %add3A_233, %rem3A_224 : i32
        %mul3A_235 = arith.constant 128 : i32
        %mul3A_236 = arith.muli %select_n3A_234, %mul3A_235 : i32
        %mul3A_237 = arith.constant 128 : i32
        %mul3A_238 = arith.muli %while3A_214, %mul3A_237 : i32
        %jit3A_239 = arith.constant 4096 : i32
        %eq3A_240 = arith.constant 0 : i32
        %eq3A_241 = arith.cmpi eq, %jit3A_239, %eq3A_240 : i32
        %jit3A_242 = arith.constant 1 : i32
        %select_n3A_243 = arith.select %eq3A_241, %jit3A_242, %jit3A_239 : i32
        %rem3A_244 = arith.remsi %mul3A_238, %select_n3A_243 : i32
        %ne3A_245 = arith.constant 0 : i32
        %ne3A_246 = arith.cmpi ne, %rem3A_244, %ne3A_245 : i32
        %lt3A_247 = arith.constant 0 : i32
        %lt3A_248 = arith.cmpi slt, %rem3A_244, %lt3A_247 : i32
        %lt3A_249 = arith.constant 0 : i32
        %lt3A_250 = arith.cmpi slt, %select_n3A_243, %lt3A_249 : i32
        %ne3A_251 = arith.xori %lt3A_248, %lt3A_250 : i1
        %and3A_252 = arith.andi %ne3A_251, %ne3A_246 : i1
        %add3A_253 = arith.addi %rem3A_244, %select_n3A_243 : i32
        %select_n3A_254 = arith.select %and3A_252, %add3A_253, %rem3A_244 : i32
        %multiple_of3A = tpu.assume_multiple %select_n3A_254, 128 : i32
        %add3A_255 = arith.constant 0 : i32
        %add3A_256 = arith.addi %multiple_of3A, %add3A_255 : i32
        %get3A = arith.index_cast %add3A_256 : i32 to index
        %get3A_257 = tpu.vector_load %arg10[%get3A] {strides = array<i32>} : memref<4112xi32, #tpu.memory_space<vmem>>, vector<16xi32>,
        %shift_right_arithmetic3A = arith.constant 9 : i32
        %shift_right_arithmetic3A_258 = vector.broadcast %shift_right_arithmetic3A : i32 to vector<16xi32>
        %shift_right_arithmetic3A_259 = arith.shrsi %get3A_257, %shift_right_arithmetic3A_258 : vector<16xi32>
        %add3A_260 = arith.constant 0 : i32
        %add3A_261 = arith.addi %mul3A_236, %add3A_260 : i32
        %swap3A = arith.index_cast %add3A_261 : i32 to index
        %swap3A_262 = tpu.vector_load %arg11[%swap3A] {strides = array<i32>} : memref<256xi32, #tpu.memory_space<vmem>>, vector<16xi32>,
        tpu.vector_store %arg11[%swap3A], %shift_right_arithmetic3A_259 {strides = array<i32>} : memref<256xi32, #tpu.memory_space<vmem>>, vector<16xi32>,
        %and3A_263 = arith.constant 511 : i32
        %and3A_264 = vector.broadcast %and3A_263 : i32 to vector<16xi32>
        %and3A_265 = arith.andi %get3A_257, %and3A_264 : vector<16xi32>
        %add3A_266 = arith.constant 0 : i32
        %add3A_267 = arith.addi %mul3A_236, %add3A_266 : i32
        %swap3A_268 = arith.index_cast %add3A_267 : i32 to index
        %swap3A_269 = tpu.vector_load %arg12[%swap3A_268] {strides = array<i32>} : memref<256xi32, #tpu.memory_space<vmem>>, vector<16xi32>,
        tpu.vector_store %arg12[%swap3A_268], %and3A_265 {strides = array<i32>} : memref<256xi32, #tpu.memory_space<vmem>>, vector<16xi32>,
        %add3A_270 = arith.constant 16 : i32
        %add3A_271 = arith.addi %multiple_of3A, %add3A_270 : i32
        %get3A_272 = arith.index_cast %add3A_271 : i32 to index
        %get3A_273 = tpu.vector_load %arg10[%get3A_272] {strides = array<i32>} : memref<4112xi32, #tpu.memory_space<vmem>>, vector<16xi32>,
        %shift_right_arithmetic3A_274 = arith.constant 9 : i32
        %shift_right_arithmetic3A_275 = vector.broadcast %shift_right_arithmetic3A_274 : i32 to vector<16xi32>
        %shift_right_arithmetic3A_276 = arith.shrsi %get3A_273, %shift_right_arithmetic3A_275 : vector<16xi32>
        %add3A_277 = arith.constant 16 : i32
        %add3A_278 = arith.addi %mul3A_236, %add3A_277 : i32
        %swap3A_279 = arith.index_cast %add3A_278 : i32 to index
        %swap3A_280 = tpu.vector_load %arg11[%swap3A_279] {strides = array<i32>} : memref<256xi32, #tpu.memory_space<vmem>>, vector<16xi32>,
        tpu.vector_store %arg11[%swap3A_279], %shift_right_arithmetic3A_276 {strides = array<i32>} : memref<256xi32, #tpu.memory_space<vmem>>, vector<16xi32>,
        %and3A_281 = arith.constant 511 : i32
        %and3A_282 = vector.broadcast %and3A_281 : i32 to vector<16xi32>
        %and3A_283 = arith.andi %get3A_273, %and3A_282 : vector<16xi32>
        %add3A_284 = arith.constant 16 : i32
        %add3A_285 = arith.addi %mul3A_236, %add3A_284 : i32
        %swap3A_286 = arith.index_cast %add3A_285 : i32 to index
        %swap3A_287 = tpu.vector_load %arg12[%swap3A_286] {strides = array<i32>} : memref<256xi32, #tpu.memory_space<vmem>>, vector<16xi32>,
        tpu.vector_store %arg12[%swap3A_286], %and3A_283 {strides = array<i32>} : memref<256xi32, #tpu.memory_space<vmem>>, vector<16xi32>,
        %add3A_288 = arith.constant 32 : i32
        %add3A_289 = arith.addi %multiple_of3A, %add3A_288 : i32
        %get3A_290 = arith.index_cast %add3A_289 : i32 to index
        %get3A_291 = tpu.vector_load %arg10[%get3A_290] {strides = array<i32>} : memref<4112xi32, #tpu.memory_space<vmem>>, vector<16xi32>,
        %shift_right_arithmetic3A_292 = arith.constant 9 : i32
        %shift_right_arithmetic3A_293 = vector.broadcast %shift_right_arithmetic3A_292 : i32 to vector<16xi32>
        %shift_right_arithmetic3A_294 = arith.shrsi %get3A_291, %shift_right_arithmetic3A_293 : vector<16xi32>
        %add3A_295 = arith.constant 32 : i32
        %add3A_296 = arith.addi %mul3A_236, %add3A_295 : i32
        %swap3A_297 = arith.index_cast %add3A_296 : i32 to index
        %swap3A_298 = tpu.vector_load %arg11[%swap3A_297] {strides = array<i32>} : memref<256xi32, #tpu.memory_space<vmem>>, vector<16xi32>,
        tpu.vector_store %arg11[%swap3A_297], %shift_right_arithmetic3A_294 {strides = array<i32>} : memref<256xi32, #tpu.memory_space<vmem>>, vector<16xi32>,
        %and3A_299 = arith.constant 511 : i32
        %and3A_300 = vector.broadcast %and3A_299 : i32 to vector<16xi32>
        %and3A_301 = arith.andi %get3A_291, %and3A_300 : vector<16xi32>
        %add3A_302 = arith.constant 32 : i32
        %add3A_303 = arith.addi %mul3A_236, %add3A_302 : i32
        %swap3A_304 = arith.index_cast %add3A_303 : i32 to index
        %swap3A_305 = tpu.vector_load %arg12[%swap3A_304] {strides = array<i32>} : memref<256xi32, #tpu.memory_space<vmem>>, vector<16xi32>,
        tpu.vector_store %arg12[%swap3A_304], %and3A_301 {strides = array<i32>} : memref<256xi32, #tpu.memory_space<vmem>>, vector<16xi32>,
        %add3A_306 = arith.constant 48 : i32
        %add3A_307 = arith.addi %multiple_of3A, %add3A_306 : i32
        %get3A_308 = arith.index_cast %add3A_307 : i32 to index
        %get3A_309 = tpu.vector_load %arg10[%get3A_308] {strides = array<i32>} : memref<4112xi32, #tpu.memory_space<vmem>>, vector<16xi32>,
        %shift_right_arithmetic3A_310 = arith.constant 9 : i32
        %shift_right_arithmetic3A_311 = vector.broadcast %shift_right_arithmetic3A_310 : i32 to vector<16xi32>
        %shift_right_arithmetic3A_312 = arith.shrsi %get3A_309, %shift_right_arithmetic3A_311 : vector<16xi32>
        %add3A_313 = arith.constant 48 : i32
        %add3A_314 = arith.addi %mul3A_236, %add3A_313 : i32
        %swap3A_315 = arith.index_cast %add3A_314 : i32 to index
        %swap3A_316 = tpu.vector_load %arg11[%swap3A_315] {strides = array<i32>} : memref<256xi32, #tpu.memory_space<vmem>>, vector<16xi32>,
        tpu.vector_store %arg11[%swap3A_315], %shift_right_arithmetic3A_312 {strides = array<i32>} : memref<256xi32, #tpu.memory_space<vmem>>, vector<16xi32>,
        %and3A_317 = arith.constant 511 : i32
        %and3A_318 = vector.broadcast %and3A_317 : i32 to vector<16xi32>
        %and3A_319 = arith.andi %get3A_309, %and3A_318 : vector<16xi32>
        %add3A_320 = arith.constant 48 : i32
        %add3A_321 = arith.addi %mul3A_236, %add3A_320 : i32
        %swap3A_322 = arith.index_cast %add3A_321 : i32 to index
        %swap3A_323 = tpu.vector_load %arg12[%swap3A_322] {strides = array<i32>} : memref<256xi32, #tpu.memory_space<vmem>>, vector<16xi32>,
        tpu.vector_store %arg12[%swap3A_322], %and3A_319 {strides = array<i32>} : memref<256xi32, #tpu.memory_space<vmem>>, vector<16xi32>,
        %add3A_324 = arith.constant 64 : i32
        %add3A_325 = arith.addi %multiple_of3A, %add3A_324 : i32
        %get3A_326 = arith.index_cast %add3A_325 : i32 to index
        %get3A_327 = tpu.vector_load %arg10[%get3A_326] {strides = array<i32>} : memref<4112xi32, #tpu.memory_space<vmem>>, vector<16xi32>,
        %shift_right_arithmetic3A_328 = arith.constant 9 : i32
        %shift_right_arithmetic3A_329 = vector.broadcast %shift_right_arithmetic3A_328 : i32 to vector<16xi32>
        %shift_right_arithmetic3A_330 = arith.shrsi %get3A_327, %shift_right_arithmetic3A_329 : vector<16xi32>
        %add3A_331 = arith.constant 64 : i32
        %add3A_332 = arith.addi %mul3A_236, %add3A_331 : i32
        %swap3A_333 = arith.index_cast %add3A_332 : i32 to index
        %swap3A_334 = tpu.vector_load %arg11[%swap3A_333] {strides = array<i32>} : memref<256xi32, #tpu.memory_space<vmem>>, vector<16xi32>,
        tpu.vector_store %arg11[%swap3A_333], %shift_right_arithmetic3A_330 {strides = array<i32>} : memref<256xi32, #tpu.memory_space<vmem>>, vector<16xi32>,
        %and3A_335 = arith.constant 511 : i32
        %and3A_336 = vector.broadcast %and3A_335 : i32 to vector<16xi32>
        %and3A_337 = arith.andi %get3A_327, %and3A_336 : vector<16xi32>
        %add3A_338 = arith.constant 64 : i32
        %add3A_339 = arith.addi %mul3A_236, %add3A_338 : i32
        %swap3A_340 = arith.index_cast %add3A_339 : i32 to index
        %swap3A_341 = tpu.vector_load %arg12[%swap3A_340] {strides = array<i32>} : memref<256xi32, #tpu.memory_space<vmem>>, vector<16xi32>,
        tpu.vector_store %arg12[%swap3A_340], %and3A_337 {strides = array<i32>} : memref<256xi32, #tpu.memory_space<vmem>>, vector<16xi32>,
        %add3A_342 = arith.constant 80 : i32
        %add3A_343 = arith.addi %multiple_of3A, %add3A_342 : i32
        %get3A_344 = arith.index_cast %add3A_343 : i32 to index
        %get3A_345 = tpu.vector_load %arg10[%get3A_344] {strides = array<i32>} : memref<4112xi32, #tpu.memory_space<vmem>>, vector<16xi32>,
        %shift_right_arithmetic3A_346 = arith.constant 9 : i32
        %shift_right_arithmetic3A_347 = vector.broadcast %shift_right_arithmetic3A_346 : i32 to vector<16xi32>
        %shift_right_arithmetic3A_348 = arith.shrsi %get3A_345, %shift_right_arithmetic3A_347 : vector<16xi32>
        %add3A_349 = arith.constant 80 : i32
        %add3A_350 = arith.addi %mul3A_236, %add3A_349 : i32
        %swap3A_351 = arith.index_cast %add3A_350 : i32 to index
        %swap3A_352 = tpu.vector_load %arg11[%swap3A_351] {strides = array<i32>} : memref<256xi32, #tpu.memory_space<vmem>>, vector<16xi32>,
        tpu.vector_store %arg11[%swap3A_351], %shift_right_arithmetic3A_348 {strides = array<i32>} : memref<256xi32, #tpu.memory_space<vmem>>, vector<16xi32>,
        %and3A_353 = arith.constant 511 : i32
        %and3A_354 = vector.broadcast %and3A_353 : i32 to vector<16xi32>
        %and3A_355 = arith.andi %get3A_345, %and3A_354 : vector<16xi32>
        %add3A_356 = arith.constant 80 : i32
        %add3A_357 = arith.addi %mul3A_236, %add3A_356 : i32
        %swap3A_358 = arith.index_cast %add3A_357 : i32 to index
        %swap3A_359 = tpu.vector_load %arg12[%swap3A_358] {strides = array<i32>} : memref<256xi32, #tpu.memory_space<vmem>>, vector<16xi32>,
        tpu.vector_store %arg12[%swap3A_358], %and3A_355 {strides = array<i32>} : memref<256xi32, #tpu.memory_space<vmem>>, vector<16xi32>,
        %add3A_360 = arith.constant 96 : i32
        %add3A_361 = arith.addi %multiple_of3A, %add3A_360 : i32
        %get3A_362 = arith.index_cast %add3A_361 : i32 to index
        %get3A_363 = tpu.vector_load %arg10[%get3A_362] {strides = array<i32>} : memref<4112xi32, #tpu.memory_space<vmem>>, vector<16xi32>,
        %shift_right_arithmetic3A_364 = arith.constant 9 : i32
        %shift_right_arithmetic3A_365 = vector.broadcast %shift_right_arithmetic3A_364 : i32 to vector<16xi32>
        %shift_right_arithmetic3A_366 = arith.shrsi %get3A_363, %shift_right_arithmetic3A_365 : vector<16xi32>
        %add3A_367 = arith.constant 96 : i32
        %add3A_368 = arith.addi %mul3A_236, %add3A_367 : i32
        %swap3A_369 = arith.index_cast %add3A_368 : i32 to index
        %swap3A_370 = tpu.vector_load %arg11[%swap3A_369] {strides = array<i32>} : memref<256xi32, #tpu.memory_space<vmem>>, vector<16xi32>,
        tpu.vector_store %arg11[%swap3A_369], %shift_right_arithmetic3A_366 {strides = array<i32>} : memref<256xi32, #tpu.memory_space<vmem>>, vector<16xi32>,
        %and3A_371 = arith.constant 511 : i32
        %and3A_372 = vector.broadcast %and3A_371 : i32 to vector<16xi32>
        %and3A_373 = arith.andi %get3A_363, %and3A_372 : vector<16xi32>
        %add3A_374 = arith.constant 96 : i32
        %add3A_375 = arith.addi %mul3A_236, %add3A_374 : i32
        %swap3A_376 = arith.index_cast %add3A_375 : i32 to index
        %swap3A_377 = tpu.vector_load %arg12[%swap3A_376] {strides = array<i32>} : memref<256xi32, #tpu.memory_space<vmem>>, vector<16xi32>,
        tpu.vector_store %arg12[%swap3A_376], %and3A_373 {strides = array<i32>} : memref<256xi32, #tpu.memory_space<vmem>>, vector<16xi32>,
        %add3A_378 = arith.constant 112 : i32
        %add3A_379 = arith.addi %multiple_of3A, %add3A_378 : i32
        %get3A_380 = arith.index_cast %add3A_379 : i32 to index
        %get3A_381 = tpu.vector_load %arg10[%get3A_380] {strides = array<i32>} : memref<4112xi32, #tpu.memory_space<vmem>>, vector<16xi32>,
        %shift_right_arithmetic3A_382 = arith.constant 9 : i32
        %shift_right_arithmetic3A_383 = vector.broadcast %shift_right_arithmetic3A_382 : i32 to vector<16xi32>
        %shift_right_arithmetic3A_384 = arith.shrsi %get3A_381, %shift_right_arithmetic3A_383 : vector<16xi32>
        %add3A_385 = arith.constant 112 : i32
        %add3A_386 = arith.addi %mul3A_236, %add3A_385 : i32
        %swap3A_387 = arith.index_cast %add3A_386 : i32 to index
        %swap3A_388 = tpu.vector_load %arg11[%swap3A_387] {strides = array<i32>} : memref<256xi32, #tpu.memory_space<vmem>>, vector<16xi32>,
        tpu.vector_store %arg11[%swap3A_387], %shift_right_arithmetic3A_384 {strides = array<i32>} : memref<256xi32, #tpu.memory_space<vmem>>, vector<16xi32>,
        %and3A_389 = arith.constant 511 : i32
        %and3A_390 = vector.broadcast %and3A_389 : i32 to vector<16xi32>
        %and3A_391 = arith.andi %get3A_381, %and3A_390 : vector<16xi32>
        %add3A_392 = arith.constant 112 : i32
        %add3A_393 = arith.addi %mul3A_236, %add3A_392 : i32
        %swap3A_394 = arith.index_cast %add3A_393 : i32 to index
        %swap3A_395 = tpu.vector_load %arg12[%swap3A_394] {strides = array<i32>} : memref<256xi32, #tpu.memory_space<vmem>>, vector<16xi32>,
        tpu.vector_store %arg12[%swap3A_394], %and3A_391 {strides = array<i32>} : memref<256xi32, #tpu.memory_space<vmem>>, vector<16xi32>,
        %dma_start3A_396 = arith.constant 0 : i32
        %dma_start3A_397 = tpu.memref_slice %arg13[%mul3A_236, %dma_start3A_396] : memref<256x64xi32, #tpu.memory_space<vmem>> -> memref<128x64xi32, #tpu.memory_space<vmem>>
        %dma_start3A_398 = tpu.memref_slice %arg11[%mul3A_236] : memref<256xi32, #tpu.memory_space<vmem>> -> memref<128xi32, #tpu.memory_space<vmem>>
        %dma_start3A_399 = arith.constant 0 : i32
        %dma_start3A_400 = arith.constant 0 : i32
        %dma_start3A_401 = tpu.memref_slice %arg4[%dma_start3A_399, %dma_start3A_400] : memref<10000x64xi32, #tpu.memory_space<hbm>> -> memref<10000x64xi32, #tpu.memory_space<hbm>>
        tpu.enqueue_indirect_dma source(%dma_start3A_401 : memref<10000x64xi32, #tpu.memory_space<hbm>>) target(%dma_start3A_397 : memref<128x64xi32, #tpu.memory_space<vmem>>) offsets(%dma_start3A_398 : memref<128xi32, #tpu.memory_space<vmem>>) semaphore(%arg16 : memref<!tpu.dma_semaphore, #tpu.memory_space<semaphore_mem>>)
        %add3A_402 = arith.constant 1 : i32
        %add3A_403 = arith.addi %while3A_214, %add3A_402 : i32
        scf.yield %add3A_403 : i32
      }
      scf.yield %scan3A_185, %while3A_213 : vector<16xi32>, i32
    }
    %scan3A_26 = arith.constant 40 : i32
    %slice3A = vector.extract_strided_slice %scan3A_25#0 {offsets = [0], sizes = [1], strides = [1]} : vector<16xi32> to vector<1xi32>
    %squeeze3A = vector.extract %slice3A[0] : i32 from vector<1xi32>
    %broadcast_in_dim3A_27 = arith.constant 320 : i32
    %broadcast_in_dim3A_28 = vector.broadcast %broadcast_in_dim3A_27 : i32 to vector<16xi32>
    %add3A_29 = arith.constant 0 : i32
    %add3A_30 = arith.addi %squeeze3A, %add3A_29 : i32
    %add3A_31 = vector.broadcast %add3A_30 : i32 to vector<16xi32>
    %add3A_32 = arith.addi %add3A_31, %iota3A : vector<16xi32>
    %and3A = arith.constant 4095 : i32
    %and3A_33 = vector.broadcast %and3A : i32 to vector<16xi32>
    %and3A_34 = arith.andi %add3A_32, %and3A_33 : vector<16xi32>
    tpu.vector_store_idx %arg10[%and3A_34], %broadcast_in_dim3A_28 : memref<4112xi32, #tpu.memory_space<vmem>>[vector<16xi32>], vector<16xi32>,
    %add3A_35 = arith.constant 16 : i32
    %add3A_36 = arith.addi %squeeze3A, %add3A_35 : i32
    %add3A_37 = vector.broadcast %add3A_36 : i32 to vector<16xi32>
    %add3A_38 = arith.addi %add3A_37, %iota3A : vector<16xi32>
    %and3A_39 = arith.constant 4095 : i32
    %and3A_40 = vector.broadcast %and3A_39 : i32 to vector<16xi32>
    %and3A_41 = arith.andi %add3A_38, %and3A_40 : vector<16xi32>
    tpu.vector_store_idx %arg10[%and3A_41], %broadcast_in_dim3A_28 : memref<4112xi32, #tpu.memory_space<vmem>>[vector<16xi32>], vector<16xi32>,
    %add3A_42 = arith.constant 32 : i32
    %add3A_43 = arith.addi %squeeze3A, %add3A_42 : i32
    %add3A_44 = vector.broadcast %add3A_43 : i32 to vector<16xi32>
    %add3A_45 = arith.addi %add3A_44, %iota3A : vector<16xi32>
    %and3A_46 = arith.constant 4095 : i32
    %and3A_47 = vector.broadcast %and3A_46 : i32 to vector<16xi32>
    %and3A_48 = arith.andi %add3A_45, %and3A_47 : vector<16xi32>
    tpu.vector_store_idx %arg10[%and3A_48], %broadcast_in_dim3A_28 : memref<4112xi32, #tpu.memory_space<vmem>>[vector<16xi32>], vector<16xi32>,
    %add3A_49 = arith.constant 48 : i32
    %add3A_50 = arith.addi %squeeze3A, %add3A_49 : i32
    %add3A_51 = vector.broadcast %add3A_50 : i32 to vector<16xi32>
    %add3A_52 = arith.addi %add3A_51, %iota3A : vector<16xi32>
    %and3A_53 = arith.constant 4095 : i32
    %and3A_54 = vector.broadcast %and3A_53 : i32 to vector<16xi32>
    %and3A_55 = arith.andi %add3A_52, %and3A_54 : vector<16xi32>
    tpu.vector_store_idx %arg10[%and3A_55], %broadcast_in_dim3A_28 : memref<4112xi32, #tpu.memory_space<vmem>>[vector<16xi32>], vector<16xi32>,
    %add3A_56 = arith.constant 64 : i32
    %add3A_57 = arith.addi %squeeze3A, %add3A_56 : i32
    %add3A_58 = vector.broadcast %add3A_57 : i32 to vector<16xi32>
    %add3A_59 = arith.addi %add3A_58, %iota3A : vector<16xi32>
    %and3A_60 = arith.constant 4095 : i32
    %and3A_61 = vector.broadcast %and3A_60 : i32 to vector<16xi32>
    %and3A_62 = arith.andi %add3A_59, %and3A_61 : vector<16xi32>
    tpu.vector_store_idx %arg10[%and3A_62], %broadcast_in_dim3A_28 : memref<4112xi32, #tpu.memory_space<vmem>>[vector<16xi32>], vector<16xi32>,
    %add3A_63 = arith.constant 80 : i32
    %add3A_64 = arith.addi %squeeze3A, %add3A_63 : i32
    %add3A_65 = vector.broadcast %add3A_64 : i32 to vector<16xi32>
    %add3A_66 = arith.addi %add3A_65, %iota3A : vector<16xi32>
    %and3A_67 = arith.constant 4095 : i32
    %and3A_68 = vector.broadcast %and3A_67 : i32 to vector<16xi32>
    %and3A_69 = arith.andi %add3A_66, %and3A_68 : vector<16xi32>
    tpu.vector_store_idx %arg10[%and3A_69], %broadcast_in_dim3A_28 : memref<4112xi32, #tpu.memory_space<vmem>>[vector<16xi32>], vector<16xi32>,
    %add3A_70 = arith.constant 96 : i32
    %add3A_71 = arith.addi %squeeze3A, %add3A_70 : i32
    %add3A_72 = vector.broadcast %add3A_71 : i32 to vector<16xi32>
    %add3A_73 = arith.addi %add3A_72, %iota3A : vector<16xi32>
    %and3A_74 = arith.constant 4095 : i32
    %and3A_75 = vector.broadcast %and3A_74 : i32 to vector<16xi32>
    %and3A_76 = arith.andi %add3A_73, %and3A_75 : vector<16xi32>
    tpu.vector_store_idx %arg10[%and3A_76], %broadcast_in_dim3A_28 : memref<4112xi32, #tpu.memory_space<vmem>>[vector<16xi32>], vector<16xi32>,
    %add3A_77 = arith.constant 112 : i32
    %add3A_78 = arith.addi %squeeze3A, %add3A_77 : i32
    %add3A_79 = vector.broadcast %add3A_78 : i32 to vector<16xi32>
    %add3A_80 = arith.addi %add3A_79, %iota3A : vector<16xi32>
    %and3A_81 = arith.constant 4095 : i32
    %and3A_82 = vector.broadcast %and3A_81 : i32 to vector<16xi32>
    %and3A_83 = arith.andi %add3A_80, %and3A_82 : vector<16xi32>
    tpu.vector_store_idx %arg10[%and3A_83], %broadcast_in_dim3A_28 : memref<4112xi32, #tpu.memory_space<vmem>>[vector<16xi32>], vector<16xi32>,
    %add3A_84 = arith.constant 128 : i32
    %add3A_85 = arith.addi %squeeze3A, %add3A_84 : i32
    %sub3A = arith.constant 1 : i32
    %sub3A_86 = arith.subi %add3A_85, %sub3A : i32
    %jit3A = arith.constant 128 : i32
    %div3A = arith.divsi %sub3A_86, %jit3A : i32
    %sign3A = arith.constant 0 : i32
    %sign3A_87 = arith.cmpi sgt, %sub3A_86, %sign3A : i32
    %sign3A_88 = arith.extui %sign3A_87 : i1 to i32
    %sign3A_89 = arith.constant 0 : i32
    %sign3A_90 = arith.cmpi slt, %sub3A_86, %sign3A_89 : i32
    %sign3A_91 = arith.extui %sign3A_90 : i1 to i32
    %sign3A_92 = arith.subi %sign3A_88, %sign3A_91 : i32
    %sign3A_93 = arith.constant 0 : i32
    %sign3A_94 = arith.cmpi sgt, %jit3A, %sign3A_93 : i32
    %sign3A_95 = arith.extui %sign3A_94 : i1 to i32
    %sign3A_96 = arith.constant 0 : i32
    %sign3A_97 = arith.cmpi slt, %jit3A, %sign3A_96 : i32
    %sign3A_98 = arith.extui %sign3A_97 : i1 to i32
    %sign3A_99 = arith.subi %sign3A_95, %sign3A_98 : i32
    %ne3A = arith.cmpi ne, %sign3A_92, %sign3A_99 : i32
    %rem3A = arith.remsi %sub3A_86, %jit3A : i32
    %ne3A_100 = arith.constant 0 : i32
    %ne3A_101 = arith.cmpi ne, %rem3A, %ne3A_100 : i32
    %and3A_102 = arith.andi %ne3A, %ne3A_101 : i1
    %sub3A_103 = arith.constant 1 : i32
    %sub3A_104 = arith.subi %div3A, %sub3A_103 : i32
    %select_n3A = arith.select %and3A_102, %sub3A_104, %div3A : i32
    %while3A = scf.while (%while3A_109 = %scan3A_25#1) : (i32) -> i32 {
      %lt3A = arith.cmpi slt, %while3A_109, %select_n3A : i32
      scf.condition(%lt3A) %while3A_109 : i32
    } do {
    ^bb0(%while3A_109: i32):
      %gt3A_110 = arith.constant 0 : i32
      %gt3A_111 = arith.cmpi sgt, %while3A_109, %gt3A_110 : i32
      %convert_element_type3A_112 = arith.extui %gt3A_111 : i1 to i32
      %cond3A_113 = arith.constant 0 : i32
      %cond3A_114 = arith.cmpi ne, %convert_element_type3A_112, %cond3A_113 : i32
      scf.if %cond3A_114 {
        %sub3A_298 = arith.constant 1 : i32
        %sub3A_299 = arith.subi %while3A_109, %sub3A_298 : i32
        %jit3A_300 = arith.constant 2 : i32
        %eq3A_301 = arith.constant 0 : i32
        %eq3A_302 = arith.cmpi eq, %jit3A_300, %eq3A_301 : i32
        %jit3A_303 = arith.constant 1 : i32
        %select_n3A_304 = arith.select %eq3A_302, %jit3A_303, %jit3A_300 : i32
        %rem3A_305 = arith.remsi %sub3A_299, %select_n3A_304 : i32
        %ne3A_306 = arith.constant 0 : i32
        %ne3A_307 = arith.cmpi ne, %rem3A_305, %ne3A_306 : i32
        %lt3A_308 = arith.constant 0 : i32
        %lt3A_309 = arith.cmpi slt, %rem3A_305, %lt3A_308 : i32
        %lt3A_310 = arith.constant 0 : i32
        %lt3A_311 = arith.cmpi slt, %select_n3A_304, %lt3A_310 : i32
        %ne3A_312 = arith.xori %lt3A_309, %lt3A_311 : i1
        %and3A_313 = arith.andi %ne3A_312, %ne3A_307 : i1
        %add3A_314 = arith.addi %rem3A_305, %select_n3A_304 : i32
        %select_n3A_315 = arith.select %and3A_313, %add3A_314, %rem3A_305 : i32
        %mul3A_316 = arith.constant 128 : i32
        %mul3A_317 = arith.muli %select_n3A_315, %mul3A_316 : i32
        %dma_wait3A = arith.constant 0 : i32
        %dma_wait3A_318 = tpu.memref_slice %arg13[%mul3A_317, %dma_wait3A] : memref<256x64xi32, #tpu.memory_space<vmem>> -> memref<128x64xi32, #tpu.memory_space<vmem>>
        %dma_wait3A_319 = tpu.memref_slice %arg11[%mul3A_317] : memref<256xi32, #tpu.memory_space<vmem>> -> memref<128xi32, #tpu.memory_space<vmem>>
        %dma_wait3A_320 = arith.constant 0 : i32
        %dma_wait3A_321 = arith.constant 0 : i32
        %dma_wait3A_322 = tpu.memref_slice %arg4[%dma_wait3A_320, %dma_wait3A_321] : memref<10000x64xi32, #tpu.memory_space<hbm>> -> memref<10000x64xi32, #tpu.memory_space<hbm>>
        tpu.wait_indirect_dma semaphore(%arg16 : memref<!tpu.dma_semaphore, #tpu.memory_space<semaphore_mem>>) src(%dma_wait3A_322 : memref<10000x64xi32, #tpu.memory_space<hbm>>) dst(%dma_wait3A_318 : memref<128x64xi32, #tpu.memory_space<vmem>>)
        %scan3A_323 = arith.constant 0 : i32
        %scan3A_324 = arith.constant 0 : i32
        %scan3A_325 = arith.constant 8 : i32
        %scan3A_326 = arith.addi %scan3A_324, %scan3A_325 : i32
        %scan3A_327 = arith.constant 1 : i32
        scf.for %scan3A_329 = %scan3A_324 to %scan3A_326 step %scan3A_327  : i32 {
          %mul3A_330 = arith.constant 16 : i32
          %mul3A_331 = arith.muli %scan3A_329, %mul3A_330 : i32
          %add3A_332 = arith.addi %mul3A_317, %mul3A_331 : i32
          %get3A_333 = arith.index_cast %add3A_332 : i32 to index
          %get3A_334 = tpu.vector_load %arg12[%get3A_333] {strides = array<i32>} : memref<256xi32, #tpu.memory_space<vmem>>, vector<16xi32>,
          %slice3A_335 = vector.extract_strided_slice %get3A_334 {offsets = [0], sizes = [1], strides = [1]} : vector<16xi32> to vector<1xi32>
          %squeeze3A_336 = vector.extract %slice3A_335[0] : i32 from vector<1xi32>
          %mul3A_337 = arith.constant 16 : i32
          %mul3A_338 = arith.muli %scan3A_329, %mul3A_337 : i32
          %add3A_339 = arith.addi %mul3A_317, %mul3A_338 : i32
          %add3A_340 = arith.constant 0 : i32
          %add3A_341 = arith.addi %add3A_339, %add3A_340 : i32
          %get3A_342 = arith.index_cast %add3A_341 : i32 to index
          %get3A_343 = arith.constant 0 : index
          %get3A_344 = tpu.vector_load %arg13[%get3A_342, %get3A_343] {strides = array<i32>} : memref<256x64xi32, #tpu.memory_space<vmem>>, vector<16xi32>,
          %bitcast3A = vector.bitcast %get3A_344 : vector<16xi32> to vector<32xbf16>
          %get3A_345 = arith.index_cast %add3A_341 : i32 to index
          %get3A_346 = arith.constant 16 : index
          %get3A_347 = tpu.vector_load %arg13[%get3A_345, %get3A_346] {strides = array<i32>} : memref<256x64xi32, #tpu.memory_space<vmem>>, vector<16xi32>,
          %bitcast3A_348 = vector.bitcast %get3A_347 : vector<16xi32> to vector<32xbf16>
          %get3A_349 = arith.index_cast %add3A_341 : i32 to index
          %get3A_350 = arith.constant 32 : index
          %get3A_351 = tpu.vector_load %arg13[%get3A_349, %get3A_350] {strides = array<i32>} : memref<256x64xi32, #tpu.memory_space<vmem>>, vector<16xi32>,
          %bitcast3A_352 = vector.bitcast %get3A_351 : vector<16xi32> to vector<32xbf16>
          %get3A_353 = arith.index_cast %add3A_341 : i32 to index
          %get3A_354 = arith.constant 48 : index
          %get3A_355 = tpu.vector_load %arg13[%get3A_353, %get3A_354] {strides = array<i32>} : memref<256x64xi32, #tpu.memory_space<vmem>>, vector<16xi32>,
          %bitcast3A_356 = vector.bitcast %get3A_355 : vector<16xi32> to vector<32xbf16>
          %get3A_357 = arith.index_cast %squeeze3A_336 : i32 to index
          %get3A_358 = arith.constant 0 : index
          %get3A_359 = tpu.vector_load %arg14[%get3A_357, %get3A_358] {strides = array<i32>} : memref<321x128xbf16, #tpu.memory_space<vmem>>, vector<32xbf16>,
          %get3A_360 = arith.index_cast %squeeze3A_336 : i32 to index
          %get3A_361 = arith.constant 32 : index
          %get3A_362 = tpu.vector_load %arg14[%get3A_360, %get3A_361] {strides = array<i32>} : memref<321x128xbf16, #tpu.memory_space<vmem>>, vector<32xbf16>,
          %get3A_363 = arith.index_cast %squeeze3A_336 : i32 to index
          %get3A_364 = arith.constant 64 : index
          %get3A_365 = tpu.vector_load %arg14[%get3A_363, %get3A_364] {strides = array<i32>} : memref<321x128xbf16, #tpu.memory_space<vmem>>, vector<32xbf16>,
          %get3A_366 = arith.index_cast %squeeze3A_336 : i32 to index
          %get3A_367 = arith.constant 96 : index
          %get3A_368 = tpu.vector_load %arg14[%get3A_366, %get3A_367] {strides = array<i32>} : memref<321x128xbf16, #tpu.memory_space<vmem>>, vector<32xbf16>,
          %max3A = arith.maximumf %get3A_359, %bitcast3A : vector<32xbf16>
          %swap3A_369 = arith.index_cast %squeeze3A_336 : i32 to index
          %swap3A_370 = arith.constant 0 : index
          %swap3A_371 = tpu.vector_load %arg14[%swap3A_369, %swap3A_370] {strides = array<i32>} : memref<321x128xbf16, #tpu.memory_space<vmem>>, vector<32xbf16>,
          tpu.vector_store %arg14[%swap3A_369, %swap3A_370], %max3A {strides = array<i32>} : memref<321x128xbf16, #tpu.memory_space<vmem>>, vector<32xbf16>,
          %max3A_372 = arith.maximumf %get3A_362, %bitcast3A_348 : vector<32xbf16>
          %swap3A_373 = arith.index_cast %squeeze3A_336 : i32 to index
          %swap3A_374 = arith.constant 32 : index
          %swap3A_375 = tpu.vector_load %arg14[%swap3A_373, %swap3A_374] {strides = array<i32>} : memref<321x128xbf16, #tpu.memory_space<vmem>>, vector<32xbf16>,
          tpu.vector_store %arg14[%swap3A_373, %swap3A_374], %max3A_372 {strides = array<i32>} : memref<321x128xbf16, #tpu.memory_space<vmem>>, vector<32xbf16>,
          %max3A_376 = arith.maximumf %get3A_365, %bitcast3A_352 : vector<32xbf16>
          %swap3A_377 = arith.index_cast %squeeze3A_336 : i32 to index
          %swap3A_378 = arith.constant 64 : index
          %swap3A_379 = tpu.vector_load %arg14[%swap3A_377, %swap3A_378] {strides = array<i32>} : memref<321x128xbf16, #tpu.memory_space<vmem>>, vector<32xbf16>,
          tpu.vector_store %arg14[%swap3A_377, %swap3A_378], %max3A_376 {strides = array<i32>} : memref<321x128xbf16, #tpu.memory_space<vmem>>, vector<32xbf16>,
          %max3A_380 = arith.maximumf %get3A_368, %bitcast3A_356 : vector<32xbf16>
          %swap3A_381 = arith.index_cast %squeeze3A_336 : i32 to index
          %swap3A_382 = arith.constant 96 : index
          %swap3A_383 = tpu.vector_load %arg14[%swap3A_381, %swap3A_382] {strides = array<i32>} : memref<321x128xbf16, #tpu.memory_space<vmem>>, vector<32xbf16>,
          tpu.vector_store %arg14[%swap3A_381, %swap3A_382], %max3A_380 {strides = array<i32>} : memref<321x128xbf16, #tpu.memory_space<vmem>>, vector<32xbf16>,
          %slice3A_384 = vector.extract_strided_slice %get3A_334 {offsets = [1], sizes = [1], strides = [1]} : vector<16xi32> to vector<1xi32>
          %squeeze3A_385 = vector.extract %slice3A_384[0] : i32 from vector<1xi32>
          %mul3A_386 = arith.constant 16 : i32
          %mul3A_387 = arith.muli %scan3A_329, %mul3A_386 : i32
          %add3A_388 = arith.addi %mul3A_317, %mul3A_387 : i32
          %add3A_389 = arith.constant 1 : i32
          %add3A_390 = arith.addi %add3A_388, %add3A_389 : i32
          %get3A_391 = arith.index_cast %add3A_390 : i32 to index
          %get3A_392 = arith.constant 0 : index
          %get3A_393 = tpu.vector_load %arg13[%get3A_391, %get3A_392] {strides = array<i32>} : memref<256x64xi32, #tpu.memory_space<vmem>>, vector<16xi32>,
          %bitcast3A_394 = vector.bitcast %get3A_393 : vector<16xi32> to vector<32xbf16>
          %get3A_395 = arith.index_cast %add3A_390 : i32 to index
          %get3A_396 = arith.constant 16 : index
          %get3A_397 = tpu.vector_load %arg13[%get3A_395, %get3A_396] {strides = array<i32>} : memref<256x64xi32, #tpu.memory_space<vmem>>, vector<16xi32>,
          %bitcast3A_398 = vector.bitcast %get3A_397 : vector<16xi32> to vector<32xbf16>
          %get3A_399 = arith.index_cast %add3A_390 : i32 to index
          %get3A_400 = arith.constant 32 : index
          %get3A_401 = tpu.vector_load %arg13[%get3A_399, %get3A_400] {strides = array<i32>} : memref<256x64xi32, #tpu.memory_space<vmem>>, vector<16xi32>,
          %bitcast3A_402 = vector.bitcast %get3A_401 : vector<16xi32> to vector<32xbf16>
          %get3A_403 = arith.index_cast %add3A_390 : i32 to index
          %get3A_404 = arith.constant 48 : index
          %get3A_405 = tpu.vector_load %arg13[%get3A_403, %get3A_404] {strides = array<i32>} : memref<256x64xi32, #tpu.memory_space<vmem>>, vector<16xi32>,
          %bitcast3A_406 = vector.bitcast %get3A_405 : vector<16xi32> to vector<32xbf16>
          %get3A_407 = arith.index_cast %squeeze3A_385 : i32 to index
          %get3A_408 = arith.constant 0 : index
          %get3A_409 = tpu.vector_load %arg14[%get3A_407, %get3A_408] {strides = array<i32>} : memref<321x128xbf16, #tpu.memory_space<vmem>>, vector<32xbf16>,
          %get3A_410 = arith.index_cast %squeeze3A_385 : i32 to index
          %get3A_411 = arith.constant 32 : index
          %get3A_412 = tpu.vector_load %arg14[%get3A_410, %get3A_411] {strides = array<i32>} : memref<321x128xbf16, #tpu.memory_space<vmem>>, vector<32xbf16>,
          %get3A_413 = arith.index_cast %squeeze3A_385 : i32 to index
          %get3A_414 = arith.constant 64 : index
          %get3A_415 = tpu.vector_load %arg14[%get3A_413, %get3A_414] {strides = array<i32>} : memref<321x128xbf16, #tpu.memory_space<vmem>>, vector<32xbf16>,
          %get3A_416 = arith.index_cast %squeeze3A_385 : i32 to index
          %get3A_417 = arith.constant 96 : index
          %get3A_418 = tpu.vector_load %arg14[%get3A_416, %get3A_417] {strides = array<i32>} : memref<321x128xbf16, #tpu.memory_space<vmem>>, vector<32xbf16>,
          %max3A_419 = arith.maximumf %get3A_409, %bitcast3A_394 : vector<32xbf16>
          %swap3A_420 = arith.index_cast %squeeze3A_385 : i32 to index
          %swap3A_421 = arith.constant 0 : index
          %swap3A_422 = tpu.vector_load %arg14[%swap3A_420, %swap3A_421] {strides = array<i32>} : memref<321x128xbf16, #tpu.memory_space<vmem>>, vector<32xbf16>,
          tpu.vector_store %arg14[%swap3A_420, %swap3A_421], %max3A_419 {strides = array<i32>} : memref<321x128xbf16, #tpu.memory_space<vmem>>, vector<32xbf16>,
          %max3A_423 = arith.maximumf %get3A_412, %bitcast3A_398 : vector<32xbf16>
          %swap3A_424 = arith.index_cast %squeeze3A_385 : i32 to index
          %swap3A_425 = arith.constant 32 : index
          %swap3A_426 = tpu.vector_load %arg14[%swap3A_424, %swap3A_425] {strides = array<i32>} : memref<321x128xbf16, #tpu.memory_space<vmem>>, vector<32xbf16>,
          tpu.vector_store %arg14[%swap3A_424, %swap3A_425], %max3A_423 {strides = array<i32>} : memref<321x128xbf16, #tpu.memory_space<vmem>>, vector<32xbf16>,
          %max3A_427 = arith.maximumf %get3A_415, %bitcast3A_402 : vector<32xbf16>
          %swap3A_428 = arith.index_cast %squeeze3A_385 : i32 to index
          %swap3A_429 = arith.constant 64 : index
          %swap3A_430 = tpu.vector_load %arg14[%swap3A_428, %swap3A_429] {strides = array<i32>} : memref<321x128xbf16, #tpu.memory_space<vmem>>, vector<32xbf16>,
          tpu.vector_store %arg14[%swap3A_428, %swap3A_429], %max3A_427 {strides = array<i32>} : memref<321x128xbf16, #tpu.memory_space<vmem>>, vector<32xbf16>,
          %max3A_431 = arith.maximumf %get3A_418, %bitcast3A_406 : vector<32xbf16>
          %swap3A_432 = arith.index_cast %squeeze3A_385 : i32 to index
          %swap3A_433 = arith.constant 96 : index
          %swap3A_434 = tpu.vector_load %arg14[%swap3A_432, %swap3A_433] {strides = array<i32>} : memref<321x128xbf16, #tpu.memory_space<vmem>>, vector<32xbf16>,
          tpu.vector_store %arg14[%swap3A_432, %swap3A_433], %max3A_431 {strides = array<i32>} : memref<321x128xbf16, #tpu.memory_space<vmem>>, vector<32xbf16>,
          %slice3A_435 = vector.extract_strided_slice %get3A_334 {offsets = [2], sizes = [1], strides = [1]} : vector<16xi32> to vector<1xi32>
          %squeeze3A_436 = vector.extract %slice3A_435[0] : i32 from vector<1xi32>
          %mul3A_437 = arith.constant 16 : i32
          %mul3A_438 = arith.muli %scan3A_329, %mul3A_437 : i32
          %add3A_439 = arith.addi %mul3A_317, %mul3A_438 : i32
          %add3A_440 = arith.constant 2 : i32
          %add3A_441 = arith.addi %add3A_439, %add3A_440 : i32
          %get3A_442 = arith.index_cast %add3A_441 : i32 to index
          %get3A_443 = arith.constant 0 : index
          %get3A_444 = tpu.vector_load %arg13[%get3A_442, %get3A_443] {strides = array<i32>} : memref<256x64xi32, #tpu.memory_space<vmem>>, vector<16xi32>,
          %bitcast3A_445 = vector.bitcast %get3A_444 : vector<16xi32> to vector<32xbf16>
          %get3A_446 = arith.index_cast %add3A_441 : i32 to index
          %get3A_447 = arith.constant 16 : index
          %get3A_448 = tpu.vector_load %arg13[%get3A_446, %get3A_447] {strides = array<i32>} : memref<256x64xi32, #tpu.memory_space<vmem>>, vector<16xi32>,
          %bitcast3A_449 = vector.bitcast %get3A_448 : vector<16xi32> to vector<32xbf16>
          %get3A_450 = arith.index_cast %add3A_441 : i32 to index
          %get3A_451 = arith.constant 32 : index
          %get3A_452 = tpu.vector_load %arg13[%get3A_450, %get3A_451] {strides = array<i32>} : memref<256x64xi32, #tpu.memory_space<vmem>>, vector<16xi32>,
          %bitcast3A_453 = vector.bitcast %get3A_452 : vector<16xi32> to vector<32xbf16>
          %get3A_454 = arith.index_cast %add3A_441 : i32 to index
          %get3A_455 = arith.constant 48 : index
          %get3A_456 = tpu.vector_load %arg13[%get3A_454, %get3A_455] {strides = array<i32>} : memref<256x64xi32, #tpu.memory_space<vmem>>, vector<16xi32>,
          %bitcast3A_457 = vector.bitcast %get3A_456 : vector<16xi32> to vector<32xbf16>
          %get3A_458 = arith.index_cast %squeeze3A_436 : i32 to index
          %get3A_459 = arith.constant 0 : index
          %get3A_460 = tpu.vector_load %arg14[%get3A_458, %get3A_459] {strides = array<i32>} : memref<321x128xbf16, #tpu.memory_space<vmem>>, vector<32xbf16>,
          %get3A_461 = arith.index_cast %squeeze3A_436 : i32 to index
          %get3A_462 = arith.constant 32 : index
          %get3A_463 = tpu.vector_load %arg14[%get3A_461, %get3A_462] {strides = array<i32>} : memref<321x128xbf16, #tpu.memory_space<vmem>>, vector<32xbf16>,
          %get3A_464 = arith.index_cast %squeeze3A_436 : i32 to index
          %get3A_465 = arith.constant 64 : index
          %get3A_466 = tpu.vector_load %arg14[%get3A_464, %get3A_465] {strides = array<i32>} : memref<321x128xbf16, #tpu.memory_space<vmem>>, vector<32xbf16>,
          %get3A_467 = arith.index_cast %squeeze3A_436 : i32 to index
          %get3A_468 = arith.constant 96 : index
          %get3A_469 = tpu.vector_load %arg14[%get3A_467, %get3A_468] {strides = array<i32>} : memref<321x128xbf16, #tpu.memory_space<vmem>>, vector<32xbf16>,
          %max3A_470 = arith.maximumf %get3A_460, %bitcast3A_445 : vector<32xbf16>
          %swap3A_471 = arith.index_cast %squeeze3A_436 : i32 to index
          %swap3A_472 = arith.constant 0 : index
          %swap3A_473 = tpu.vector_load %arg14[%swap3A_471, %swap3A_472] {strides = array<i32>} : memref<321x128xbf16, #tpu.memory_space<vmem>>, vector<32xbf16>,
          tpu.vector_store %arg14[%swap3A_471, %swap3A_472], %max3A_470 {strides = array<i32>} : memref<321x128xbf16, #tpu.memory_space<vmem>>, vector<32xbf16>,
          %max3A_474 = arith.maximumf %get3A_463, %bitcast3A_449 : vector<32xbf16>
          %swap3A_475 = arith.index_cast %squeeze3A_436 : i32 to index
          %swap3A_476 = arith.constant 32 : index
          %swap3A_477 = tpu.vector_load %arg14[%swap3A_475, %swap3A_476] {strides = array<i32>} : memref<321x128xbf16, #tpu.memory_space<vmem>>, vector<32xbf16>,
          tpu.vector_store %arg14[%swap3A_475, %swap3A_476], %max3A_474 {strides = array<i32>} : memref<321x128xbf16, #tpu.memory_space<vmem>>, vector<32xbf16>,
          %max3A_478 = arith.maximumf %get3A_466, %bitcast3A_453 : vector<32xbf16>
          %swap3A_479 = arith.index_cast %squeeze3A_436 : i32 to index
          %swap3A_480 = arith.constant 64 : index
          %swap3A_481 = tpu.vector_load %arg14[%swap3A_479, %swap3A_480] {strides = array<i32>} : memref<321x128xbf16, #tpu.memory_space<vmem>>, vector<32xbf16>,
          tpu.vector_store %arg14[%swap3A_479, %swap3A_480], %max3A_478 {strides = array<i32>} : memref<321x128xbf16, #tpu.memory_space<vmem>>, vector<32xbf16>,
          %max3A_482 = arith.maximumf %get3A_469, %bitcast3A_457 : vector<32xbf16>
          %swap3A_483 = arith.index_cast %squeeze3A_436 : i32 to index
          %swap3A_484 = arith.constant 96 : index
          %swap3A_485 = tpu.vector_load %arg14[%swap3A_483, %swap3A_484] {strides = array<i32>} : memref<321x128xbf16, #tpu.memory_space<vmem>>, vector<32xbf16>,
          tpu.vector_store %arg14[%swap3A_483, %swap3A_484], %max3A_482 {strides = array<i32>} : memref<321x128xbf16, #tpu.memory_space<vmem>>, vector<32xbf16>,
          %slice3A_486 = vector.extract_strided_slice %get3A_334 {offsets = [3], sizes = [1], strides = [1]} : vector<16xi32> to vector<1xi32>
          %squeeze3A_487 = vector.extract %slice3A_486[0] : i32 from vector<1xi32>
          %mul3A_488 = arith.constant 16 : i32
          %mul3A_489 = arith.muli %scan3A_329, %mul3A_488 : i32
          %add3A_490 = arith.addi %mul3A_317, %mul3A_489 : i32
          %add3A_491 = arith.constant 3 : i32
          %add3A_492 = arith.addi %add3A_490, %add3A_491 : i32
          %get3A_493 = arith.index_cast %add3A_492 : i32 to index
          %get3A_494 = arith.constant 0 : index
          %get3A_495 = tpu.vector_load %arg13[%get3A_493, %get3A_494] {strides = array<i32>} : memref<256x64xi32, #tpu.memory_space<vmem>>, vector<16xi32>,
          %bitcast3A_496 = vector.bitcast %get3A_495 : vector<16xi32> to vector<32xbf16>
          %get3A_497 = arith.index_cast %add3A_492 : i32 to index
          %get3A_498 = arith.constant 16 : index
          %get3A_499 = tpu.vector_load %arg13[%get3A_497, %get3A_498] {strides = array<i32>} : memref<256x64xi32, #tpu.memory_space<vmem>>, vector<16xi32>,
          %bitcast3A_500 = vector.bitcast %get3A_499 : vector<16xi32> to vector<32xbf16>
          %get3A_501 = arith.index_cast %add3A_492 : i32 to index
          %get3A_502 = arith.constant 32 : index
          %get3A_503 = tpu.vector_load %arg13[%get3A_501, %get3A_502] {strides = array<i32>} : memref<256x64xi32, #tpu.memory_space<vmem>>, vector<16xi32>,
          %bitcast3A_504 = vector.bitcast %get3A_503 : vector<16xi32> to vector<32xbf16>
          %get3A_505 = arith.index_cast %add3A_492 : i32 to index
          %get3A_506 = arith.constant 48 : index
          %get3A_507 = tpu.vector_load %arg13[%get3A_505, %get3A_506] {strides = array<i32>} : memref<256x64xi32, #tpu.memory_space<vmem>>, vector<16xi32>,
          %bitcast3A_508 = vector.bitcast %get3A_507 : vector<16xi32> to vector<32xbf16>
          %get3A_509 = arith.index_cast %squeeze3A_487 : i32 to index
          %get3A_510 = arith.constant 0 : index
          %get3A_511 = tpu.vector_load %arg14[%get3A_509, %get3A_510] {strides = array<i32>} : memref<321x128xbf16, #tpu.memory_space<vmem>>, vector<32xbf16>,
          %get3A_512 = arith.index_cast %squeeze3A_487 : i32 to index
          %get3A_513 = arith.constant 32 : index
          %get3A_514 = tpu.vector_load %arg14[%get3A_512, %get3A_513] {strides = array<i32>} : memref<321x128xbf16, #tpu.memory_space<vmem>>, vector<32xbf16>,
          %get3A_515 = arith.index_cast %squeeze3A_487 : i32 to index
          %get3A_516 = arith.constant 64 : index
          %get3A_517 = tpu.vector_load %arg14[%get3A_515, %get3A_516] {strides = array<i32>} : memref<321x128xbf16, #tpu.memory_space<vmem>>, vector<32xbf16>,
          %get3A_518 = arith.index_cast %squeeze3A_487 : i32 to index
          %get3A_519 = arith.constant 96 : index
          %get3A_520 = tpu.vector_load %arg14[%get3A_518, %get3A_519] {strides = array<i32>} : memref<321x128xbf16, #tpu.memory_space<vmem>>, vector<32xbf16>,
          %max3A_521 = arith.maximumf %get3A_511, %bitcast3A_496 : vector<32xbf16>
          %swap3A_522 = arith.index_cast %squeeze3A_487 : i32 to index
          %swap3A_523 = arith.constant 0 : index
          %swap3A_524 = tpu.vector_load %arg14[%swap3A_522, %swap3A_523] {strides = array<i32>} : memref<321x128xbf16, #tpu.memory_space<vmem>>, vector<32xbf16>,
          tpu.vector_store %arg14[%swap3A_522, %swap3A_523], %max3A_521 {strides = array<i32>} : memref<321x128xbf16, #tpu.memory_space<vmem>>, vector<32xbf16>,
          %max3A_525 = arith.maximumf %get3A_514, %bitcast3A_500 : vector<32xbf16>
          %swap3A_526 = arith.index_cast %squeeze3A_487 : i32 to index
          %swap3A_527 = arith.constant 32 : index
          %swap3A_528 = tpu.vector_load %arg14[%swap3A_526, %swap3A_527] {strides = array<i32>} : memref<321x128xbf16, #tpu.memory_space<vmem>>, vector<32xbf16>,
          tpu.vector_store %arg14[%swap3A_526, %swap3A_527], %max3A_525 {strides = array<i32>} : memref<321x128xbf16, #tpu.memory_space<vmem>>, vector<32xbf16>,
          %max3A_529 = arith.maximumf %get3A_517, %bitcast3A_504 : vector<32xbf16>
          %swap3A_530 = arith.index_cast %squeeze3A_487 : i32 to index
          %swap3A_531 = arith.constant 64 : index
          %swap3A_532 = tpu.vector_load %arg14[%swap3A_530, %swap3A_531] {strides = array<i32>} : memref<321x128xbf16, #tpu.memory_space<vmem>>, vector<32xbf16>,
          tpu.vector_store %arg14[%swap3A_530, %swap3A_531], %max3A_529 {strides = array<i32>} : memref<321x128xbf16, #tpu.memory_space<vmem>>, vector<32xbf16>,
          %max3A_533 = arith.maximumf %get3A_520, %bitcast3A_508 : vector<32xbf16>
          %swap3A_534 = arith.index_cast %squeeze3A_487 : i32 to index
          %swap3A_535 = arith.constant 96 : index
          %swap3A_536 = tpu.vector_load %arg14[%swap3A_534, %swap3A_535] {strides = array<i32>} : memref<321x128xbf16, #tpu.memory_space<vmem>>, vector<32xbf16>,
          tpu.vector_store %arg14[%swap3A_534, %swap3A_535], %max3A_533 {strides = array<i32>} : memref<321x128xbf16, #tpu.memory_space<vmem>>, vector<32xbf16>,
          %slice3A_537 = vector.extract_strided_slice %get3A_334 {offsets = [4], sizes = [1], strides = [1]} : vector<16xi32> to vector<1xi32>
          %squeeze3A_538 = vector.extract %slice3A_537[0] : i32 from vector<1xi32>
          %mul3A_539 = arith.constant 16 : i32
          %mul3A_540 = arith.muli %scan3A_329, %mul3A_539 : i32
          %add3A_541 = arith.addi %mul3A_317, %mul3A_540 : i32
          %add3A_542 = arith.constant 4 : i32
          %add3A_543 = arith.addi %add3A_541, %add3A_542 : i32
          %get3A_544 = arith.index_cast %add3A_543 : i32 to index
          %get3A_545 = arith.constant 0 : index
          %get3A_546 = tpu.vector_load %arg13[%get3A_544, %get3A_545] {strides = array<i32>} : memref<256x64xi32, #tpu.memory_space<vmem>>, vector<16xi32>,
          %bitcast3A_547 = vector.bitcast %get3A_546 : vector<16xi32> to vector<32xbf16>
          %get3A_548 = arith.index_cast %add3A_543 : i32 to index
          %get3A_549 = arith.constant 16 : index
          %get3A_550 = tpu.vector_load %arg13[%get3A_548, %get3A_549] {strides = array<i32>} : memref<256x64xi32, #tpu.memory_space<vmem>>, vector<16xi32>,
          %bitcast3A_551 = vector.bitcast %get3A_550 : vector<16xi32> to vector<32xbf16>
          %get3A_552 = arith.index_cast %add3A_543 : i32 to index
          %get3A_553 = arith.constant 32 : index
          %get3A_554 = tpu.vector_load %arg13[%get3A_552, %get3A_553] {strides = array<i32>} : memref<256x64xi32, #tpu.memory_space<vmem>>, vector<16xi32>,
          %bitcast3A_555 = vector.bitcast %get3A_554 : vector<16xi32> to vector<32xbf16>
          %get3A_556 = arith.index_cast %add3A_543 : i32 to index
          %get3A_557 = arith.constant 48 : index
          %get3A_558 = tpu.vector_load %arg13[%get3A_556, %get3A_557] {strides = array<i32>} : memref<256x64xi32, #tpu.memory_space<vmem>>, vector<16xi32>,
          %bitcast3A_559 = vector.bitcast %get3A_558 : vector<16xi32> to vector<32xbf16>
          %get3A_560 = arith.index_cast %squeeze3A_538 : i32 to index
          %get3A_561 = arith.constant 0 : index
          %get3A_562 = tpu.vector_load %arg14[%get3A_560, %get3A_561] {strides = array<i32>} : memref<321x128xbf16, #tpu.memory_space<vmem>>, vector<32xbf16>,
          %get3A_563 = arith.index_cast %squeeze3A_538 : i32 to index
          %get3A_564 = arith.constant 32 : index
          %get3A_565 = tpu.vector_load %arg14[%get3A_563, %get3A_564] {strides = array<i32>} : memref<321x128xbf16, #tpu.memory_space<vmem>>, vector<32xbf16>,
          %get3A_566 = arith.index_cast %squeeze3A_538 : i32 to index
          %get3A_567 = arith.constant 64 : index
          %get3A_568 = tpu.vector_load %arg14[%get3A_566, %get3A_567] {strides = array<i32>} : memref<321x128xbf16, #tpu.memory_space<vmem>>, vector<32xbf16>,
          %get3A_569 = arith.index_cast %squeeze3A_538 : i32 to index
          %get3A_570 = arith.constant 96 : index
          %get3A_571 = tpu.vector_load %arg14[%get3A_569, %get3A_570] {strides = array<i32>} : memref<321x128xbf16, #tpu.memory_space<vmem>>, vector<32xbf16>,
          %max3A_572 = arith.maximumf %get3A_562, %bitcast3A_547 : vector<32xbf16>
          %swap3A_573 = arith.index_cast %squeeze3A_538 : i32 to index
          %swap3A_574 = arith.constant 0 : index
          %swap3A_575 = tpu.vector_load %arg14[%swap3A_573, %swap3A_574] {strides = array<i32>} : memref<321x128xbf16, #tpu.memory_space<vmem>>, vector<32xbf16>,
          tpu.vector_store %arg14[%swap3A_573, %swap3A_574], %max3A_572 {strides = array<i32>} : memref<321x128xbf16, #tpu.memory_space<vmem>>, vector<32xbf16>,
          %max3A_576 = arith.maximumf %get3A_565, %bitcast3A_551 : vector<32xbf16>
          %swap3A_577 = arith.index_cast %squeeze3A_538 : i32 to index
          %swap3A_578 = arith.constant 32 : index
          %swap3A_579 = tpu.vector_load %arg14[%swap3A_577, %swap3A_578] {strides = array<i32>} : memref<321x128xbf16, #tpu.memory_space<vmem>>, vector<32xbf16>,
          tpu.vector_store %arg14[%swap3A_577, %swap3A_578], %max3A_576 {strides = array<i32>} : memref<321x128xbf16, #tpu.memory_space<vmem>>, vector<32xbf16>,
          %max3A_580 = arith.maximumf %get3A_568, %bitcast3A_555 : vector<32xbf16>
          %swap3A_581 = arith.index_cast %squeeze3A_538 : i32 to index
          %swap3A_582 = arith.constant 64 : index
          %swap3A_583 = tpu.vector_load %arg14[%swap3A_581, %swap3A_582] {strides = array<i32>} : memref<321x128xbf16, #tpu.memory_space<vmem>>, vector<32xbf16>,
          tpu.vector_store %arg14[%swap3A_581, %swap3A_582], %max3A_580 {strides = array<i32>} : memref<321x128xbf16, #tpu.memory_space<vmem>>, vector<32xbf16>,
          %max3A_584 = arith.maximumf %get3A_571, %bitcast3A_559 : vector<32xbf16>
          %swap3A_585 = arith.index_cast %squeeze3A_538 : i32 to index
          %swap3A_586 = arith.constant 96 : index
          %swap3A_587 = tpu.vector_load %arg14[%swap3A_585, %swap3A_586] {strides = array<i32>} : memref<321x128xbf16, #tpu.memory_space<vmem>>, vector<32xbf16>,
          tpu.vector_store %arg14[%swap3A_585, %swap3A_586], %max3A_584 {strides = array<i32>} : memref<321x128xbf16, #tpu.memory_space<vmem>>, vector<32xbf16>,
          %slice3A_588 = vector.extract_strided_slice %get3A_334 {offsets = [5], sizes = [1], strides = [1]} : vector<16xi32> to vector<1xi32>
          %squeeze3A_589 = vector.extract %slice3A_588[0] : i32 from vector<1xi32>
          %mul3A_590 = arith.constant 16 : i32
          %mul3A_591 = arith.muli %scan3A_329, %mul3A_590 : i32
          %add3A_592 = arith.addi %mul3A_317, %mul3A_591 : i32
          %add3A_593 = arith.constant 5 : i32
          %add3A_594 = arith.addi %add3A_592, %add3A_593 : i32
          %get3A_595 = arith.index_cast %add3A_594 : i32 to index
          %get3A_596 = arith.constant 0 : index
          %get3A_597 = tpu.vector_load %arg13[%get3A_595, %get3A_596] {strides = array<i32>} : memref<256x64xi32, #tpu.memory_space<vmem>>, vector<16xi32>,
          %bitcast3A_598 = vector.bitcast %get3A_597 : vector<16xi32> to vector<32xbf16>
          %get3A_599 = arith.index_cast %add3A_594 : i32 to index
          %get3A_600 = arith.constant 16 : index
          %get3A_601 = tpu.vector_load %arg13[%get3A_599, %get3A_600] {strides = array<i32>} : memref<256x64xi32, #tpu.memory_space<vmem>>, vector<16xi32>,
          %bitcast3A_602 = vector.bitcast %get3A_601 : vector<16xi32> to vector<32xbf16>
          %get3A_603 = arith.index_cast %add3A_594 : i32 to index
          %get3A_604 = arith.constant 32 : index
          %get3A_605 = tpu.vector_load %arg13[%get3A_603, %get3A_604] {strides = array<i32>} : memref<256x64xi32, #tpu.memory_space<vmem>>, vector<16xi32>,
          %bitcast3A_606 = vector.bitcast %get3A_605 : vector<16xi32> to vector<32xbf16>
          %get3A_607 = arith.index_cast %add3A_594 : i32 to index
          %get3A_608 = arith.constant 48 : index
          %get3A_609 = tpu.vector_load %arg13[%get3A_607, %get3A_608] {strides = array<i32>} : memref<256x64xi32, #tpu.memory_space<vmem>>, vector<16xi32>,
          %bitcast3A_610 = vector.bitcast %get3A_609 : vector<16xi32> to vector<32xbf16>
          %get3A_611 = arith.index_cast %squeeze3A_589 : i32 to index
          %get3A_612 = arith.constant 0 : index
          %get3A_613 = tpu.vector_load %arg14[%get3A_611, %get3A_612] {strides = array<i32>} : memref<321x128xbf16, #tpu.memory_space<vmem>>, vector<32xbf16>,
          %get3A_614 = arith.index_cast %squeeze3A_589 : i32 to index
          %get3A_615 = arith.constant 32 : index
          %get3A_616 = tpu.vector_load %arg14[%get3A_614, %get3A_615] {strides = array<i32>} : memref<321x128xbf16, #tpu.memory_space<vmem>>, vector<32xbf16>,
          %get3A_617 = arith.index_cast %squeeze3A_589 : i32 to index
          %get3A_618 = arith.constant 64 : index
          %get3A_619 = tpu.vector_load %arg14[%get3A_617, %get3A_618] {strides = array<i32>} : memref<321x128xbf16, #tpu.memory_space<vmem>>, vector<32xbf16>,
          %get3A_620 = arith.index_cast %squeeze3A_589 : i32 to index
          %get3A_621 = arith.constant 96 : index
          %get3A_622 = tpu.vector_load %arg14[%get3A_620, %get3A_621] {strides = array<i32>} : memref<321x128xbf16, #tpu.memory_space<vmem>>, vector<32xbf16>,
          %max3A_623 = arith.maximumf %get3A_613, %bitcast3A_598 : vector<32xbf16>
          %swap3A_624 = arith.index_cast %squeeze3A_589 : i32 to index
          %swap3A_625 = arith.constant 0 : index
          %swap3A_626 = tpu.vector_load %arg14[%swap3A_624, %swap3A_625] {strides = array<i32>} : memref<321x128xbf16, #tpu.memory_space<vmem>>, vector<32xbf16>,
          tpu.vector_store %arg14[%swap3A_624, %swap3A_625], %max3A_623 {strides = array<i32>} : memref<321x128xbf16, #tpu.memory_space<vmem>>, vector<32xbf16>,
          %max3A_627 = arith.maximumf %get3A_616, %bitcast3A_602 : vector<32xbf16>
          %swap3A_628 = arith.index_cast %squeeze3A_589 : i32 to index
          %swap3A_629 = arith.constant 32 : index
          %swap3A_630 = tpu.vector_load %arg14[%swap3A_628, %swap3A_629] {strides = array<i32>} : memref<321x128xbf16, #tpu.memory_space<vmem>>, vector<32xbf16>,
          tpu.vector_store %arg14[%swap3A_628, %swap3A_629], %max3A_627 {strides = array<i32>} : memref<321x128xbf16, #tpu.memory_space<vmem>>, vector<32xbf16>,
          %max3A_631 = arith.maximumf %get3A_619, %bitcast3A_606 : vector<32xbf16>
          %swap3A_632 = arith.index_cast %squeeze3A_589 : i32 to index
          %swap3A_633 = arith.constant 64 : index
          %swap3A_634 = tpu.vector_load %arg14[%swap3A_632, %swap3A_633] {strides = array<i32>} : memref<321x128xbf16, #tpu.memory_space<vmem>>, vector<32xbf16>,
          tpu.vector_store %arg14[%swap3A_632, %swap3A_633], %max3A_631 {strides = array<i32>} : memref<321x128xbf16, #tpu.memory_space<vmem>>, vector<32xbf16>,
          %max3A_635 = arith.maximumf %get3A_622, %bitcast3A_610 : vector<32xbf16>
          %swap3A_636 = arith.index_cast %squeeze3A_589 : i32 to index
          %swap3A_637 = arith.constant 96 : index
          %swap3A_638 = tpu.vector_load %arg14[%swap3A_636, %swap3A_637] {strides = array<i32>} : memref<321x128xbf16, #tpu.memory_space<vmem>>, vector<32xbf16>,
          tpu.vector_store %arg14[%swap3A_636, %swap3A_637], %max3A_635 {strides = array<i32>} : memref<321x128xbf16, #tpu.memory_space<vmem>>, vector<32xbf16>,
          %slice3A_639 = vector.extract_strided_slice %get3A_334 {offsets = [6], sizes = [1], strides = [1]} : vector<16xi32> to vector<1xi32>
          %squeeze3A_640 = vector.extract %slice3A_639[0] : i32 from vector<1xi32>
          %mul3A_641 = arith.constant 16 : i32
          %mul3A_642 = arith.muli %scan3A_329, %mul3A_641 : i32
          %add3A_643 = arith.addi %mul3A_317, %mul3A_642 : i32
          %add3A_644 = arith.constant 6 : i32
          %add3A_645 = arith.addi %add3A_643, %add3A_644 : i32
          %get3A_646 = arith.index_cast %add3A_645 : i32 to index
          %get3A_647 = arith.constant 0 : index
          %get3A_648 = tpu.vector_load %arg13[%get3A_646, %get3A_647] {strides = array<i32>} : memref<256x64xi32, #tpu.memory_space<vmem>>, vector<16xi32>,
          %bitcast3A_649 = vector.bitcast %get3A_648 : vector<16xi32> to vector<32xbf16>
          %get3A_650 = arith.index_cast %add3A_645 : i32 to index
          %get3A_651 = arith.constant 16 : index
          %get3A_652 = tpu.vector_load %arg13[%get3A_650, %get3A_651] {strides = array<i32>} : memref<256x64xi32, #tpu.memory_space<vmem>>, vector<16xi32>,
          %bitcast3A_653 = vector.bitcast %get3A_652 : vector<16xi32> to vector<32xbf16>
          %get3A_654 = arith.index_cast %add3A_645 : i32 to index
          %get3A_655 = arith.constant 32 : index
          %get3A_656 = tpu.vector_load %arg13[%get3A_654, %get3A_655] {strides = array<i32>} : memref<256x64xi32, #tpu.memory_space<vmem>>, vector<16xi32>,
          %bitcast3A_657 = vector.bitcast %get3A_656 : vector<16xi32> to vector<32xbf16>
          %get3A_658 = arith.index_cast %add3A_645 : i32 to index
          %get3A_659 = arith.constant 48 : index
          %get3A_660 = tpu.vector_load %arg13[%get3A_658, %get3A_659] {strides = array<i32>} : memref<256x64xi32, #tpu.memory_space<vmem>>, vector<16xi32>,
          %bitcast3A_661 = vector.bitcast %get3A_660 : vector<16xi32> to vector<32xbf16>
          %get3A_662 = arith.index_cast %squeeze3A_640 : i32 to index
          %get3A_663 = arith.constant 0 : index
          %get3A_664 = tpu.vector_load %arg14[%get3A_662, %get3A_663] {strides = array<i32>} : memref<321x128xbf16, #tpu.memory_space<vmem>>, vector<32xbf16>,
          %get3A_665 = arith.index_cast %squeeze3A_640 : i32 to index
          %get3A_666 = arith.constant 32 : index
          %get3A_667 = tpu.vector_load %arg14[%get3A_665, %get3A_666] {strides = array<i32>} : memref<321x128xbf16, #tpu.memory_space<vmem>>, vector<32xbf16>,
          %get3A_668 = arith.index_cast %squeeze3A_640 : i32 to index
          %get3A_669 = arith.constant 64 : index
          %get3A_670 = tpu.vector_load %arg14[%get3A_668, %get3A_669] {strides = array<i32>} : memref<321x128xbf16, #tpu.memory_space<vmem>>, vector<32xbf16>,
          %get3A_671 = arith.index_cast %squeeze3A_640 : i32 to index
          %get3A_672 = arith.constant 96 : index
          %get3A_673 = tpu.vector_load %arg14[%get3A_671, %get3A_672] {strides = array<i32>} : memref<321x128xbf16, #tpu.memory_space<vmem>>, vector<32xbf16>,
          %max3A_674 = arith.maximumf %get3A_664, %bitcast3A_649 : vector<32xbf16>
          %swap3A_675 = arith.index_cast %squeeze3A_640 : i32 to index
          %swap3A_676 = arith.constant 0 : index
          %swap3A_677 = tpu.vector_load %arg14[%swap3A_675, %swap3A_676] {strides = array<i32>} : memref<321x128xbf16, #tpu.memory_space<vmem>>, vector<32xbf16>,
          tpu.vector_store %arg14[%swap3A_675, %swap3A_676], %max3A_674 {strides = array<i32>} : memref<321x128xbf16, #tpu.memory_space<vmem>>, vector<32xbf16>,
          %max3A_678 = arith.maximumf %get3A_667, %bitcast3A_653 : vector<32xbf16>
          %swap3A_679 = arith.index_cast %squeeze3A_640 : i32 to index
          %swap3A_680 = arith.constant 32 : index
          %swap3A_681 = tpu.vector_load %arg14[%swap3A_679, %swap3A_680] {strides = array<i32>} : memref<321x128xbf16, #tpu.memory_space<vmem>>, vector<32xbf16>,
          tpu.vector_store %arg14[%swap3A_679, %swap3A_680], %max3A_678 {strides = array<i32>} : memref<321x128xbf16, #tpu.memory_space<vmem>>, vector<32xbf16>,
          %max3A_682 = arith.maximumf %get3A_670, %bitcast3A_657 : vector<32xbf16>
          %swap3A_683 = arith.index_cast %squeeze3A_640 : i32 to index
          %swap3A_684 = arith.constant 64 : index
          %swap3A_685 = tpu.vector_load %arg14[%swap3A_683, %swap3A_684] {strides = array<i32>} : memref<321x128xbf16, #tpu.memory_space<vmem>>, vector<32xbf16>,
          tpu.vector_store %arg14[%swap3A_683, %swap3A_684], %max3A_682 {strides = array<i32>} : memref<321x128xbf16, #tpu.memory_space<vmem>>, vector<32xbf16>,
          %max3A_686 = arith.maximumf %get3A_673, %bitcast3A_661 : vector<32xbf16>
          %swap3A_687 = arith.index_cast %squeeze3A_640 : i32 to index
          %swap3A_688 = arith.constant 96 : index
          %swap3A_689 = tpu.vector_load %arg14[%swap3A_687, %swap3A_688] {strides = array<i32>} : memref<321x128xbf16, #tpu.memory_space<vmem>>, vector<32xbf16>,
          tpu.vector_store %arg14[%swap3A_687, %swap3A_688], %max3A_686 {strides = array<i32>} : memref<321x128xbf16, #tpu.memory_space<vmem>>, vector<32xbf16>,
          %slice3A_690 = vector.extract_strided_slice %get3A_334 {offsets = [7], sizes = [1], strides = [1]} : vector<16xi32> to vector<1xi32>
          %squeeze3A_691 = vector.extract %slice3A_690[0] : i32 from vector<1xi32>
          %mul3A_692 = arith.constant 16 : i32
          %mul3A_693 = arith.muli %scan3A_329, %mul3A_692 : i32
          %add3A_694 = arith.addi %mul3A_317, %mul3A_693 : i32
          %add3A_695 = arith.constant 7 : i32
          %add3A_696 = arith.addi %add3A_694, %add3A_695 : i32
          %get3A_697 = arith.index_cast %add3A_696 : i32 to index
          %get3A_698 = arith.constant 0 : index
          %get3A_699 = tpu.vector_load %arg13[%get3A_697, %get3A_698] {strides = array<i32>} : memref<256x64xi32, #tpu.memory_space<vmem>>, vector<16xi32>,
          %bitcast3A_700 = vector.bitcast %get3A_699 : vector<16xi32> to vector<32xbf16>
          %get3A_701 = arith.index_cast %add3A_696 : i32 to index
          %get3A_702 = arith.constant 16 : index
          %get3A_703 = tpu.vector_load %arg13[%get3A_701, %get3A_702] {strides = array<i32>} : memref<256x64xi32, #tpu.memory_space<vmem>>, vector<16xi32>,
          %bitcast3A_704 = vector.bitcast %get3A_703 : vector<16xi32> to vector<32xbf16>
          %get3A_705 = arith.index_cast %add3A_696 : i32 to index
          %get3A_706 = arith.constant 32 : index
          %get3A_707 = tpu.vector_load %arg13[%get3A_705, %get3A_706] {strides = array<i32>} : memref<256x64xi32, #tpu.memory_space<vmem>>, vector<16xi32>,
          %bitcast3A_708 = vector.bitcast %get3A_707 : vector<16xi32> to vector<32xbf16>
          %get3A_709 = arith.index_cast %add3A_696 : i32 to index
          %get3A_710 = arith.constant 48 : index
          %get3A_711 = tpu.vector_load %arg13[%get3A_709, %get3A_710] {strides = array<i32>} : memref<256x64xi32, #tpu.memory_space<vmem>>, vector<16xi32>,
          %bitcast3A_712 = vector.bitcast %get3A_711 : vector<16xi32> to vector<32xbf16>
          %get3A_713 = arith.index_cast %squeeze3A_691 : i32 to index
          %get3A_714 = arith.constant 0 : index
          %get3A_715 = tpu.vector_load %arg14[%get3A_713, %get3A_714] {strides = array<i32>} : memref<321x128xbf16, #tpu.memory_space<vmem>>, vector<32xbf16>,
          %get3A_716 = arith.index_cast %squeeze3A_691 : i32 to index
          %get3A_717 = arith.constant 32 : index
          %get3A_718 = tpu.vector_load %arg14[%get3A_716, %get3A_717] {strides = array<i32>} : memref<321x128xbf16, #tpu.memory_space<vmem>>, vector<32xbf16>,
          %get3A_719 = arith.index_cast %squeeze3A_691 : i32 to index
          %get3A_720 = arith.constant 64 : index
          %get3A_721 = tpu.vector_load %arg14[%get3A_719, %get3A_720] {strides = array<i32>} : memref<321x128xbf16, #tpu.memory_space<vmem>>, vector<32xbf16>,
          %get3A_722 = arith.index_cast %squeeze3A_691 : i32 to index
          %get3A_723 = arith.constant 96 : index
          %get3A_724 = tpu.vector_load %arg14[%get3A_722, %get3A_723] {strides = array<i32>} : memref<321x128xbf16, #tpu.memory_space<vmem>>, vector<32xbf16>,
          %max3A_725 = arith.maximumf %get3A_715, %bitcast3A_700 : vector<32xbf16>
          %swap3A_726 = arith.index_cast %squeeze3A_691 : i32 to index
          %swap3A_727 = arith.constant 0 : index
          %swap3A_728 = tpu.vector_load %arg14[%swap3A_726, %swap3A_727] {strides = array<i32>} : memref<321x128xbf16, #tpu.memory_space<vmem>>, vector<32xbf16>,
          tpu.vector_store %arg14[%swap3A_726, %swap3A_727], %max3A_725 {strides = array<i32>} : memref<321x128xbf16, #tpu.memory_space<vmem>>, vector<32xbf16>,
          %max3A_729 = arith.maximumf %get3A_718, %bitcast3A_704 : vector<32xbf16>
          %swap3A_730 = arith.index_cast %squeeze3A_691 : i32 to index
          %swap3A_731 = arith.constant 32 : index
          %swap3A_732 = tpu.vector_load %arg14[%swap3A_730, %swap3A_731] {strides = array<i32>} : memref<321x128xbf16, #tpu.memory_space<vmem>>, vector<32xbf16>,
          tpu.vector_store %arg14[%swap3A_730, %swap3A_731], %max3A_729 {strides = array<i32>} : memref<321x128xbf16, #tpu.memory_space<vmem>>, vector<32xbf16>,
          %max3A_733 = arith.maximumf %get3A_721, %bitcast3A_708 : vector<32xbf16>
          %swap3A_734 = arith.index_cast %squeeze3A_691 : i32 to index
          %swap3A_735 = arith.constant 64 : index
          %swap3A_736 = tpu.vector_load %arg14[%swap3A_734, %swap3A_735] {strides = array<i32>} : memref<321x128xbf16, #tpu.memory_space<vmem>>, vector<32xbf16>,
          tpu.vector_store %arg14[%swap3A_734, %swap3A_735], %max3A_733 {strides = array<i32>} : memref<321x128xbf16, #tpu.memory_space<vmem>>, vector<32xbf16>,
          %max3A_737 = arith.maximumf %get3A_724, %bitcast3A_712 : vector<32xbf16>
          %swap3A_738 = arith.index_cast %squeeze3A_691 : i32 to index
          %swap3A_739 = arith.constant 96 : index
          %swap3A_740 = tpu.vector_load %arg14[%swap3A_738, %swap3A_739] {strides = array<i32>} : memref<321x128xbf16, #tpu.memory_space<vmem>>, vector<32xbf16>,
          tpu.vector_store %arg14[%swap3A_738, %swap3A_739], %max3A_737 {strides = array<i32>} : memref<321x128xbf16, #tpu.memory_space<vmem>>, vector<32xbf16>,
          %slice3A_741 = vector.extract_strided_slice %get3A_334 {offsets = [8], sizes = [1], strides = [1]} : vector<16xi32> to vector<1xi32>
          %squeeze3A_742 = vector.extract %slice3A_741[0] : i32 from vector<1xi32>
          %mul3A_743 = arith.constant 16 : i32
          %mul3A_744 = arith.muli %scan3A_329, %mul3A_743 : i32
          %add3A_745 = arith.addi %mul3A_317, %mul3A_744 : i32
          %add3A_746 = arith.constant 8 : i32
          %add3A_747 = arith.addi %add3A_745, %add3A_746 : i32
          %get3A_748 = arith.index_cast %add3A_747 : i32 to index
          %get3A_749 = arith.constant 0 : index
          %get3A_750 = tpu.vector_load %arg13[%get3A_748, %get3A_749] {strides = array<i32>} : memref<256x64xi32, #tpu.memory_space<vmem>>, vector<16xi32>,
          %bitcast3A_751 = vector.bitcast %get3A_750 : vector<16xi32> to vector<32xbf16>
          %get3A_752 = arith.index_cast %add3A_747 : i32 to index
          %get3A_753 = arith.constant 16 : index
          %get3A_754 = tpu.vector_load %arg13[%get3A_752, %get3A_753] {strides = array<i32>} : memref<256x64xi32, #tpu.memory_space<vmem>>, vector<16xi32>,
          %bitcast3A_755 = vector.bitcast %get3A_754 : vector<16xi32> to vector<32xbf16>
          %get3A_756 = arith.index_cast %add3A_747 : i32 to index
          %get3A_757 = arith.constant 32 : index
          %get3A_758 = tpu.vector_load %arg13[%get3A_756, %get3A_757] {strides = array<i32>} : memref<256x64xi32, #tpu.memory_space<vmem>>, vector<16xi32>,
          %bitcast3A_759 = vector.bitcast %get3A_758 : vector<16xi32> to vector<32xbf16>
          %get3A_760 = arith.index_cast %add3A_747 : i32 to index
          %get3A_761 = arith.constant 48 : index
          %get3A_762 = tpu.vector_load %arg13[%get3A_760, %get3A_761] {strides = array<i32>} : memref<256x64xi32, #tpu.memory_space<vmem>>, vector<16xi32>,
          %bitcast3A_763 = vector.bitcast %get3A_762 : vector<16xi32> to vector<32xbf16>
          %get3A_764 = arith.index_cast %squeeze3A_742 : i32 to index
          %get3A_765 = arith.constant 0 : index
          %get3A_766 = tpu.vector_load %arg14[%get3A_764, %get3A_765] {strides = array<i32>} : memref<321x128xbf16, #tpu.memory_space<vmem>>, vector<32xbf16>,
          %get3A_767 = arith.index_cast %squeeze3A_742 : i32 to index
          %get3A_768 = arith.constant 32 : index
          %get3A_769 = tpu.vector_load %arg14[%get3A_767, %get3A_768] {strides = array<i32>} : memref<321x128xbf16, #tpu.memory_space<vmem>>, vector<32xbf16>,
          %get3A_770 = arith.index_cast %squeeze3A_742 : i32 to index
          %get3A_771 = arith.constant 64 : index
          %get3A_772 = tpu.vector_load %arg14[%get3A_770, %get3A_771] {strides = array<i32>} : memref<321x128xbf16, #tpu.memory_space<vmem>>, vector<32xbf16>,
          %get3A_773 = arith.index_cast %squeeze3A_742 : i32 to index
          %get3A_774 = arith.constant 96 : index
          %get3A_775 = tpu.vector_load %arg14[%get3A_773, %get3A_774] {strides = array<i32>} : memref<321x128xbf16, #tpu.memory_space<vmem>>, vector<32xbf16>,
          %max3A_776 = arith.maximumf %get3A_766, %bitcast3A_751 : vector<32xbf16>
          %swap3A_777 = arith.index_cast %squeeze3A_742 : i32 to index
          %swap3A_778 = arith.constant 0 : index
          %swap3A_779 = tpu.vector_load %arg14[%swap3A_777, %swap3A_778] {strides = array<i32>} : memref<321x128xbf16, #tpu.memory_space<vmem>>, vector<32xbf16>,
          tpu.vector_store %arg14[%swap3A_777, %swap3A_778], %max3A_776 {strides = array<i32>} : memref<321x128xbf16, #tpu.memory_space<vmem>>, vector<32xbf16>,
          %max3A_780 = arith.maximumf %get3A_769, %bitcast3A_755 : vector<32xbf16>
          %swap3A_781 = arith.index_cast %squeeze3A_742 : i32 to index
          %swap3A_782 = arith.constant 32 : index
          %swap3A_783 = tpu.vector_load %arg14[%swap3A_781, %swap3A_782] {strides = array<i32>} : memref<321x128xbf16, #tpu.memory_space<vmem>>, vector<32xbf16>,
          tpu.vector_store %arg14[%swap3A_781, %swap3A_782], %max3A_780 {strides = array<i32>} : memref<321x128xbf16, #tpu.memory_space<vmem>>, vector<32xbf16>,
          %max3A_784 = arith.maximumf %get3A_772, %bitcast3A_759 : vector<32xbf16>
          %swap3A_785 = arith.index_cast %squeeze3A_742 : i32 to index
          %swap3A_786 = arith.constant 64 : index
          %swap3A_787 = tpu.vector_load %arg14[%swap3A_785, %swap3A_786] {strides = array<i32>} : memref<321x128xbf16, #tpu.memory_space<vmem>>, vector<32xbf16>,
          tpu.vector_store %arg14[%swap3A_785, %swap3A_786], %max3A_784 {strides = array<i32>} : memref<321x128xbf16, #tpu.memory_space<vmem>>, vector<32xbf16>,
          %max3A_788 = arith.maximumf %get3A_775, %bitcast3A_763 : vector<32xbf16>
          %swap3A_789 = arith.index_cast %squeeze3A_742 : i32 to index
          %swap3A_790 = arith.constant 96 : index
          %swap3A_791 = tpu.vector_load %arg14[%swap3A_789, %swap3A_790] {strides = array<i32>} : memref<321x128xbf16, #tpu.memory_space<vmem>>, vector<32xbf16>,
          tpu.vector_store %arg14[%swap3A_789, %swap3A_790], %max3A_788 {strides = array<i32>} : memref<321x128xbf16, #tpu.memory_space<vmem>>, vector<32xbf16>,
          %slice3A_792 = vector.extract_strided_slice %get3A_334 {offsets = [9], sizes = [1], strides = [1]} : vector<16xi32> to vector<1xi32>
          %squeeze3A_793 = vector.extract %slice3A_792[0] : i32 from vector<1xi32>
          %mul3A_794 = arith.constant 16 : i32
          %mul3A_795 = arith.muli %scan3A_329, %mul3A_794 : i32
          %add3A_796 = arith.addi %mul3A_317, %mul3A_795 : i32
          %add3A_797 = arith.constant 9 : i32
          %add3A_798 = arith.addi %add3A_796, %add3A_797 : i32
          %get3A_799 = arith.index_cast %add3A_798 : i32 to index
          %get3A_800 = arith.constant 0 : index
          %get3A_801 = tpu.vector_load %arg13[%get3A_799, %get3A_800] {strides = array<i32>} : memref<256x64xi32, #tpu.memory_space<vmem>>, vector<16xi32>,
          %bitcast3A_802 = vector.bitcast %get3A_801 : vector<16xi32> to vector<32xbf16>
          %get3A_803 = arith.index_cast %add3A_798 : i32 to index
          %get3A_804 = arith.constant 16 : index
          %get3A_805 = tpu.vector_load %arg13[%get3A_803, %get3A_804] {strides = array<i32>} : memref<256x64xi32, #tpu.memory_space<vmem>>, vector<16xi32>,
          %bitcast3A_806 = vector.bitcast %get3A_805 : vector<16xi32> to vector<32xbf16>
          %get3A_807 = arith.index_cast %add3A_798 : i32 to index
          %get3A_808 = arith.constant 32 : index
          %get3A_809 = tpu.vector_load %arg13[%get3A_807, %get3A_808] {strides = array<i32>} : memref<256x64xi32, #tpu.memory_space<vmem>>, vector<16xi32>,
          %bitcast3A_810 = vector.bitcast %get3A_809 : vector<16xi32> to vector<32xbf16>
          %get3A_811 = arith.index_cast %add3A_798 : i32 to index
          %get3A_812 = arith.constant 48 : index
          %get3A_813 = tpu.vector_load %arg13[%get3A_811, %get3A_812] {strides = array<i32>} : memref<256x64xi32, #tpu.memory_space<vmem>>, vector<16xi32>,
          %bitcast3A_814 = vector.bitcast %get3A_813 : vector<16xi32> to vector<32xbf16>
          %get3A_815 = arith.index_cast %squeeze3A_793 : i32 to index
          %get3A_816 = arith.constant 0 : index
          %get3A_817 = tpu.vector_load %arg14[%get3A_815, %get3A_816] {strides = array<i32>} : memref<321x128xbf16, #tpu.memory_space<vmem>>, vector<32xbf16>,
          %get3A_818 = arith.index_cast %squeeze3A_793 : i32 to index
          %get3A_819 = arith.constant 32 : index
          %get3A_820 = tpu.vector_load %arg14[%get3A_818, %get3A_819] {strides = array<i32>} : memref<321x128xbf16, #tpu.memory_space<vmem>>, vector<32xbf16>,
          %get3A_821 = arith.index_cast %squeeze3A_793 : i32 to index
          %get3A_822 = arith.constant 64 : index
          %get3A_823 = tpu.vector_load %arg14[%get3A_821, %get3A_822] {strides = array<i32>} : memref<321x128xbf16, #tpu.memory_space<vmem>>, vector<32xbf16>,
          %get3A_824 = arith.index_cast %squeeze3A_793 : i32 to index
          %get3A_825 = arith.constant 96 : index
          %get3A_826 = tpu.vector_load %arg14[%get3A_824, %get3A_825] {strides = array<i32>} : memref<321x128xbf16, #tpu.memory_space<vmem>>, vector<32xbf16>,
          %max3A_827 = arith.maximumf %get3A_817, %bitcast3A_802 : vector<32xbf16>
          %swap3A_828 = arith.index_cast %squeeze3A_793 : i32 to index
          %swap3A_829 = arith.constant 0 : index
          %swap3A_830 = tpu.vector_load %arg14[%swap3A_828, %swap3A_829] {strides = array<i32>} : memref<321x128xbf16, #tpu.memory_space<vmem>>, vector<32xbf16>,
          tpu.vector_store %arg14[%swap3A_828, %swap3A_829], %max3A_827 {strides = array<i32>} : memref<321x128xbf16, #tpu.memory_space<vmem>>, vector<32xbf16>,
          %max3A_831 = arith.maximumf %get3A_820, %bitcast3A_806 : vector<32xbf16>
          %swap3A_832 = arith.index_cast %squeeze3A_793 : i32 to index
          %swap3A_833 = arith.constant 32 : index
          %swap3A_834 = tpu.vector_load %arg14[%swap3A_832, %swap3A_833] {strides = array<i32>} : memref<321x128xbf16, #tpu.memory_space<vmem>>, vector<32xbf16>,
          tpu.vector_store %arg14[%swap3A_832, %swap3A_833], %max3A_831 {strides = array<i32>} : memref<321x128xbf16, #tpu.memory_space<vmem>>, vector<32xbf16>,
          %max3A_835 = arith.maximumf %get3A_823, %bitcast3A_810 : vector<32xbf16>
          %swap3A_836 = arith.index_cast %squeeze3A_793 : i32 to index
          %swap3A_837 = arith.constant 64 : index
          %swap3A_838 = tpu.vector_load %arg14[%swap3A_836, %swap3A_837] {strides = array<i32>} : memref<321x128xbf16, #tpu.memory_space<vmem>>, vector<32xbf16>,
          tpu.vector_store %arg14[%swap3A_836, %swap3A_837], %max3A_835 {strides = array<i32>} : memref<321x128xbf16, #tpu.memory_space<vmem>>, vector<32xbf16>,
          %max3A_839 = arith.maximumf %get3A_826, %bitcast3A_814 : vector<32xbf16>
          %swap3A_840 = arith.index_cast %squeeze3A_793 : i32 to index
          %swap3A_841 = arith.constant 96 : index
          %swap3A_842 = tpu.vector_load %arg14[%swap3A_840, %swap3A_841] {strides = array<i32>} : memref<321x128xbf16, #tpu.memory_space<vmem>>, vector<32xbf16>,
          tpu.vector_store %arg14[%swap3A_840, %swap3A_841], %max3A_839 {strides = array<i32>} : memref<321x128xbf16, #tpu.memory_space<vmem>>, vector<32xbf16>,
          %slice3A_843 = vector.extract_strided_slice %get3A_334 {offsets = [10], sizes = [1], strides = [1]} : vector<16xi32> to vector<1xi32>
          %squeeze3A_844 = vector.extract %slice3A_843[0] : i32 from vector<1xi32>
          %mul3A_845 = arith.constant 16 : i32
          %mul3A_846 = arith.muli %scan3A_329, %mul3A_845 : i32
          %add3A_847 = arith.addi %mul3A_317, %mul3A_846 : i32
          %add3A_848 = arith.constant 10 : i32
          %add3A_849 = arith.addi %add3A_847, %add3A_848 : i32
          %get3A_850 = arith.index_cast %add3A_849 : i32 to index
          %get3A_851 = arith.constant 0 : index
          %get3A_852 = tpu.vector_load %arg13[%get3A_850, %get3A_851] {strides = array<i32>} : memref<256x64xi32, #tpu.memory_space<vmem>>, vector<16xi32>,
          %bitcast3A_853 = vector.bitcast %get3A_852 : vector<16xi32> to vector<32xbf16>
          %get3A_854 = arith.index_cast %add3A_849 : i32 to index
          %get3A_855 = arith.constant 16 : index
          %get3A_856 = tpu.vector_load %arg13[%get3A_854, %get3A_855] {strides = array<i32>} : memref<256x64xi32, #tpu.memory_space<vmem>>, vector<16xi32>,
          %bitcast3A_857 = vector.bitcast %get3A_856 : vector<16xi32> to vector<32xbf16>
          %get3A_858 = arith.index_cast %add3A_849 : i32 to index
          %get3A_859 = arith.constant 32 : index
          %get3A_860 = tpu.vector_load %arg13[%get3A_858, %get3A_859] {strides = array<i32>} : memref<256x64xi32, #tpu.memory_space<vmem>>, vector<16xi32>,
          %bitcast3A_861 = vector.bitcast %get3A_860 : vector<16xi32> to vector<32xbf16>
          %get3A_862 = arith.index_cast %add3A_849 : i32 to index
          %get3A_863 = arith.constant 48 : index
          %get3A_864 = tpu.vector_load %arg13[%get3A_862, %get3A_863] {strides = array<i32>} : memref<256x64xi32, #tpu.memory_space<vmem>>, vector<16xi32>,
          %bitcast3A_865 = vector.bitcast %get3A_864 : vector<16xi32> to vector<32xbf16>
          %get3A_866 = arith.index_cast %squeeze3A_844 : i32 to index
          %get3A_867 = arith.constant 0 : index
          %get3A_868 = tpu.vector_load %arg14[%get3A_866, %get3A_867] {strides = array<i32>} : memref<321x128xbf16, #tpu.memory_space<vmem>>, vector<32xbf16>,
          %get3A_869 = arith.index_cast %squeeze3A_844 : i32 to index
          %get3A_870 = arith.constant 32 : index
          %get3A_871 = tpu.vector_load %arg14[%get3A_869, %get3A_870] {strides = array<i32>} : memref<321x128xbf16, #tpu.memory_space<vmem>>, vector<32xbf16>,
          %get3A_872 = arith.index_cast %squeeze3A_844 : i32 to index
          %get3A_873 = arith.constant 64 : index
          %get3A_874 = tpu.vector_load %arg14[%get3A_872, %get3A_873] {strides = array<i32>} : memref<321x128xbf16, #tpu.memory_space<vmem>>, vector<32xbf16>,
          %get3A_875 = arith.index_cast %squeeze3A_844 : i32 to index
          %get3A_876 = arith.constant 96 : index
          %get3A_877 = tpu.vector_load %arg14[%get3A_875, %get3A_876] {strides = array<i32>} : memref<321x128xbf16, #tpu.memory_space<vmem>>, vector<32xbf16>,
          %max3A_878 = arith.maximumf %get3A_868, %bitcast3A_853 : vector<32xbf16>
          %swap3A_879 = arith.index_cast %squeeze3A_844 : i32 to index
          %swap3A_880 = arith.constant 0 : index
          %swap3A_881 = tpu.vector_load %arg14[%swap3A_879, %swap3A_880] {strides = array<i32>} : memref<321x128xbf16, #tpu.memory_space<vmem>>, vector<32xbf16>,
          tpu.vector_store %arg14[%swap3A_879, %swap3A_880], %max3A_878 {strides = array<i32>} : memref<321x128xbf16, #tpu.memory_space<vmem>>, vector<32xbf16>,
          %max3A_882 = arith.maximumf %get3A_871, %bitcast3A_857 : vector<32xbf16>
          %swap3A_883 = arith.index_cast %squeeze3A_844 : i32 to index
          %swap3A_884 = arith.constant 32 : index
          %swap3A_885 = tpu.vector_load %arg14[%swap3A_883, %swap3A_884] {strides = array<i32>} : memref<321x128xbf16, #tpu.memory_space<vmem>>, vector<32xbf16>,
          tpu.vector_store %arg14[%swap3A_883, %swap3A_884], %max3A_882 {strides = array<i32>} : memref<321x128xbf16, #tpu.memory_space<vmem>>, vector<32xbf16>,
          %max3A_886 = arith.maximumf %get3A_874, %bitcast3A_861 : vector<32xbf16>
          %swap3A_887 = arith.index_cast %squeeze3A_844 : i32 to index
          %swap3A_888 = arith.constant 64 : index
          %swap3A_889 = tpu.vector_load %arg14[%swap3A_887, %swap3A_888] {strides = array<i32>} : memref<321x128xbf16, #tpu.memory_space<vmem>>, vector<32xbf16>,
          tpu.vector_store %arg14[%swap3A_887, %swap3A_888], %max3A_886 {strides = array<i32>} : memref<321x128xbf16, #tpu.memory_space<vmem>>, vector<32xbf16>,
          %max3A_890 = arith.maximumf %get3A_877, %bitcast3A_865 : vector<32xbf16>
          %swap3A_891 = arith.index_cast %squeeze3A_844 : i32 to index
          %swap3A_892 = arith.constant 96 : index
          %swap3A_893 = tpu.vector_load %arg14[%swap3A_891, %swap3A_892] {strides = array<i32>} : memref<321x128xbf16, #tpu.memory_space<vmem>>, vector<32xbf16>,
          tpu.vector_store %arg14[%swap3A_891, %swap3A_892], %max3A_890 {strides = array<i32>} : memref<321x128xbf16, #tpu.memory_space<vmem>>, vector<32xbf16>,
          %slice3A_894 = vector.extract_strided_slice %get3A_334 {offsets = [11], sizes = [1], strides = [1]} : vector<16xi32> to vector<1xi32>
          %squeeze3A_895 = vector.extract %slice3A_894[0] : i32 from vector<1xi32>
          %mul3A_896 = arith.constant 16 : i32
          %mul3A_897 = arith.muli %scan3A_329, %mul3A_896 : i32
          %add3A_898 = arith.addi %mul3A_317, %mul3A_897 : i32
          %add3A_899 = arith.constant 11 : i32
          %add3A_900 = arith.addi %add3A_898, %add3A_899 : i32
          %get3A_901 = arith.index_cast %add3A_900 : i32 to index
          %get3A_902 = arith.constant 0 : index
          %get3A_903 = tpu.vector_load %arg13[%get3A_901, %get3A_902] {strides = array<i32>} : memref<256x64xi32, #tpu.memory_space<vmem>>, vector<16xi32>,
          %bitcast3A_904 = vector.bitcast %get3A_903 : vector<16xi32> to vector<32xbf16>
          %get3A_905 = arith.index_cast %add3A_900 : i32 to index
          %get3A_906 = arith.constant 16 : index
          %get3A_907 = tpu.vector_load %arg13[%get3A_905, %get3A_906] {strides = array<i32>} : memref<256x64xi32, #tpu.memory_space<vmem>>, vector<16xi32>,
          %bitcast3A_908 = vector.bitcast %get3A_907 : vector<16xi32> to vector<32xbf16>
          %get3A_909 = arith.index_cast %add3A_900 : i32 to index
          %get3A_910 = arith.constant 32 : index
          %get3A_911 = tpu.vector_load %arg13[%get3A_909, %get3A_910] {strides = array<i32>} : memref<256x64xi32, #tpu.memory_space<vmem>>, vector<16xi32>,
          %bitcast3A_912 = vector.bitcast %get3A_911 : vector<16xi32> to vector<32xbf16>
          %get3A_913 = arith.index_cast %add3A_900 : i32 to index
          %get3A_914 = arith.constant 48 : index
          %get3A_915 = tpu.vector_load %arg13[%get3A_913, %get3A_914] {strides = array<i32>} : memref<256x64xi32, #tpu.memory_space<vmem>>, vector<16xi32>,
          %bitcast3A_916 = vector.bitcast %get3A_915 : vector<16xi32> to vector<32xbf16>
          %get3A_917 = arith.index_cast %squeeze3A_895 : i32 to index
          %get3A_918 = arith.constant 0 : index
          %get3A_919 = tpu.vector_load %arg14[%get3A_917, %get3A_918] {strides = array<i32>} : memref<321x128xbf16, #tpu.memory_space<vmem>>, vector<32xbf16>,
          %get3A_920 = arith.index_cast %squeeze3A_895 : i32 to index
          %get3A_921 = arith.constant 32 : index
          %get3A_922 = tpu.vector_load %arg14[%get3A_920, %get3A_921] {strides = array<i32>} : memref<321x128xbf16, #tpu.memory_space<vmem>>, vector<32xbf16>,
          %get3A_923 = arith.index_cast %squeeze3A_895 : i32 to index
          %get3A_924 = arith.constant 64 : index
          %get3A_925 = tpu.vector_load %arg14[%get3A_923, %get3A_924] {strides = array<i32>} : memref<321x128xbf16, #tpu.memory_space<vmem>>, vector<32xbf16>,
          %get3A_926 = arith.index_cast %squeeze3A_895 : i32 to index
          %get3A_927 = arith.constant 96 : index
          %get3A_928 = tpu.vector_load %arg14[%get3A_926, %get3A_927] {strides = array<i32>} : memref<321x128xbf16, #tpu.memory_space<vmem>>, vector<32xbf16>,
          %max3A_929 = arith.maximumf %get3A_919, %bitcast3A_904 : vector<32xbf16>
          %swap3A_930 = arith.index_cast %squeeze3A_895 : i32 to index
          %swap3A_931 = arith.constant 0 : index
          %swap3A_932 = tpu.vector_load %arg14[%swap3A_930, %swap3A_931] {strides = array<i32>} : memref<321x128xbf16, #tpu.memory_space<vmem>>, vector<32xbf16>,
          tpu.vector_store %arg14[%swap3A_930, %swap3A_931], %max3A_929 {strides = array<i32>} : memref<321x128xbf16, #tpu.memory_space<vmem>>, vector<32xbf16>,
          %max3A_933 = arith.maximumf %get3A_922, %bitcast3A_908 : vector<32xbf16>
          %swap3A_934 = arith.index_cast %squeeze3A_895 : i32 to index
          %swap3A_935 = arith.constant 32 : index
          %swap3A_936 = tpu.vector_load %arg14[%swap3A_934, %swap3A_935] {strides = array<i32>} : memref<321x128xbf16, #tpu.memory_space<vmem>>, vector<32xbf16>,
          tpu.vector_store %arg14[%swap3A_934, %swap3A_935], %max3A_933 {strides = array<i32>} : memref<321x128xbf16, #tpu.memory_space<vmem>>, vector<32xbf16>,
          %max3A_937 = arith.maximumf %get3A_925, %bitcast3A_912 : vector<32xbf16>
          %swap3A_938 = arith.index_cast %squeeze3A_895 : i32 to index
          %swap3A_939 = arith.constant 64 : index
          %swap3A_940 = tpu.vector_load %arg14[%swap3A_938, %swap3A_939] {strides = array<i32>} : memref<321x128xbf16, #tpu.memory_space<vmem>>, vector<32xbf16>,
          tpu.vector_store %arg14[%swap3A_938, %swap3A_939], %max3A_937 {strides = array<i32>} : memref<321x128xbf16, #tpu.memory_space<vmem>>, vector<32xbf16>,
          %max3A_941 = arith.maximumf %get3A_928, %bitcast3A_916 : vector<32xbf16>
          %swap3A_942 = arith.index_cast %squeeze3A_895 : i32 to index
          %swap3A_943 = arith.constant 96 : index
          %swap3A_944 = tpu.vector_load %arg14[%swap3A_942, %swap3A_943] {strides = array<i32>} : memref<321x128xbf16, #tpu.memory_space<vmem>>, vector<32xbf16>,
          tpu.vector_store %arg14[%swap3A_942, %swap3A_943], %max3A_941 {strides = array<i32>} : memref<321x128xbf16, #tpu.memory_space<vmem>>, vector<32xbf16>,
          %slice3A_945 = vector.extract_strided_slice %get3A_334 {offsets = [12], sizes = [1], strides = [1]} : vector<16xi32> to vector<1xi32>
          %squeeze3A_946 = vector.extract %slice3A_945[0] : i32 from vector<1xi32>
          %mul3A_947 = arith.constant 16 : i32
          %mul3A_948 = arith.muli %scan3A_329, %mul3A_947 : i32
          %add3A_949 = arith.addi %mul3A_317, %mul3A_948 : i32
          %add3A_950 = arith.constant 12 : i32
          %add3A_951 = arith.addi %add3A_949, %add3A_950 : i32
          %get3A_952 = arith.index_cast %add3A_951 : i32 to index
          %get3A_953 = arith.constant 0 : index
          %get3A_954 = tpu.vector_load %arg13[%get3A_952, %get3A_953] {strides = array<i32>} : memref<256x64xi32, #tpu.memory_space<vmem>>, vector<16xi32>,
          %bitcast3A_955 = vector.bitcast %get3A_954 : vector<16xi32> to vector<32xbf16>
          %get3A_956 = arith.index_cast %add3A_951 : i32 to index
          %get3A_957 = arith.constant 16 : index
          %get3A_958 = tpu.vector_load %arg13[%get3A_956, %get3A_957] {strides = array<i32>} : memref<256x64xi32, #tpu.memory_space<vmem>>, vector<16xi32>,
          %bitcast3A_959 = vector.bitcast %get3A_958 : vector<16xi32> to vector<32xbf16>
          %get3A_960 = arith.index_cast %add3A_951 : i32 to index
          %get3A_961 = arith.constant 32 : index
          %get3A_962 = tpu.vector_load %arg13[%get3A_960, %get3A_961] {strides = array<i32>} : memref<256x64xi32, #tpu.memory_space<vmem>>, vector<16xi32>,
          %bitcast3A_963 = vector.bitcast %get3A_962 : vector<16xi32> to vector<32xbf16>
          %get3A_964 = arith.index_cast %add3A_951 : i32 to index
          %get3A_965 = arith.constant 48 : index
          %get3A_966 = tpu.vector_load %arg13[%get3A_964, %get3A_965] {strides = array<i32>} : memref<256x64xi32, #tpu.memory_space<vmem>>, vector<16xi32>,
          %bitcast3A_967 = vector.bitcast %get3A_966 : vector<16xi32> to vector<32xbf16>
          %get3A_968 = arith.index_cast %squeeze3A_946 : i32 to index
          %get3A_969 = arith.constant 0 : index
          %get3A_970 = tpu.vector_load %arg14[%get3A_968, %get3A_969] {strides = array<i32>} : memref<321x128xbf16, #tpu.memory_space<vmem>>, vector<32xbf16>,
          %get3A_971 = arith.index_cast %squeeze3A_946 : i32 to index
          %get3A_972 = arith.constant 32 : index
          %get3A_973 = tpu.vector_load %arg14[%get3A_971, %get3A_972] {strides = array<i32>} : memref<321x128xbf16, #tpu.memory_space<vmem>>, vector<32xbf16>,
          %get3A_974 = arith.index_cast %squeeze3A_946 : i32 to index
          %get3A_975 = arith.constant 64 : index
          %get3A_976 = tpu.vector_load %arg14[%get3A_974, %get3A_975] {strides = array<i32>} : memref<321x128xbf16, #tpu.memory_space<vmem>>, vector<32xbf16>,
          %get3A_977 = arith.index_cast %squeeze3A_946 : i32 to index
          %get3A_978 = arith.constant 96 : index
          %get3A_979 = tpu.vector_load %arg14[%get3A_977, %get3A_978] {strides = array<i32>} : memref<321x128xbf16, #tpu.memory_space<vmem>>, vector<32xbf16>,
          %max3A_980 = arith.maximumf %get3A_970, %bitcast3A_955 : vector<32xbf16>
          %swap3A_981 = arith.index_cast %squeeze3A_946 : i32 to index
          %swap3A_982 = arith.constant 0 : index
          %swap3A_983 = tpu.vector_load %arg14[%swap3A_981, %swap3A_982] {strides = array<i32>} : memref<321x128xbf16, #tpu.memory_space<vmem>>, vector<32xbf16>,
          tpu.vector_store %arg14[%swap3A_981, %swap3A_982], %max3A_980 {strides = array<i32>} : memref<321x128xbf16, #tpu.memory_space<vmem>>, vector<32xbf16>,
          %max3A_984 = arith.maximumf %get3A_973, %bitcast3A_959 : vector<32xbf16>
          %swap3A_985 = arith.index_cast %squeeze3A_946 : i32 to index
          %swap3A_986 = arith.constant 32 : index
          %swap3A_987 = tpu.vector_load %arg14[%swap3A_985, %swap3A_986] {strides = array<i32>} : memref<321x128xbf16, #tpu.memory_space<vmem>>, vector<32xbf16>,
          tpu.vector_store %arg14[%swap3A_985, %swap3A_986], %max3A_984 {strides = array<i32>} : memref<321x128xbf16, #tpu.memory_space<vmem>>, vector<32xbf16>,
          %max3A_988 = arith.maximumf %get3A_976, %bitcast3A_963 : vector<32xbf16>
          %swap3A_989 = arith.index_cast %squeeze3A_946 : i32 to index
          %swap3A_990 = arith.constant 64 : index
          %swap3A_991 = tpu.vector_load %arg14[%swap3A_989, %swap3A_990] {strides = array<i32>} : memref<321x128xbf16, #tpu.memory_space<vmem>>, vector<32xbf16>,
          tpu.vector_store %arg14[%swap3A_989, %swap3A_990], %max3A_988 {strides = array<i32>} : memref<321x128xbf16, #tpu.memory_space<vmem>>, vector<32xbf16>,
          %max3A_992 = arith.maximumf %get3A_979, %bitcast3A_967 : vector<32xbf16>
          %swap3A_993 = arith.index_cast %squeeze3A_946 : i32 to index
          %swap3A_994 = arith.constant 96 : index
          %swap3A_995 = tpu.vector_load %arg14[%swap3A_993, %swap3A_994] {strides = array<i32>} : memref<321x128xbf16, #tpu.memory_space<vmem>>, vector<32xbf16>,
          tpu.vector_store %arg14[%swap3A_993, %swap3A_994], %max3A_992 {strides = array<i32>} : memref<321x128xbf16, #tpu.memory_space<vmem>>, vector<32xbf16>,
          %slice3A_996 = vector.extract_strided_slice %get3A_334 {offsets = [13], sizes = [1], strides = [1]} : vector<16xi32> to vector<1xi32>
          %squeeze3A_997 = vector.extract %slice3A_996[0] : i32 from vector<1xi32>
          %mul3A_998 = arith.constant 16 : i32
          %mul3A_999 = arith.muli %scan3A_329, %mul3A_998 : i32
          %add3A_1000 = arith.addi %mul3A_317, %mul3A_999 : i32
          %add3A_1001 = arith.constant 13 : i32
          %add3A_1002 = arith.addi %add3A_1000, %add3A_1001 : i32
          %get3A_1003 = arith.index_cast %add3A_1002 : i32 to index
          %get3A_1004 = arith.constant 0 : index
          %get3A_1005 = tpu.vector_load %arg13[%get3A_1003, %get3A_1004] {strides = array<i32>} : memref<256x64xi32, #tpu.memory_space<vmem>>, vector<16xi32>,
          %bitcast3A_1006 = vector.bitcast %get3A_1005 : vector<16xi32> to vector<32xbf16>
          %get3A_1007 = arith.index_cast %add3A_1002 : i32 to index
          %get3A_1008 = arith.constant 16 : index
          %get3A_1009 = tpu.vector_load %arg13[%get3A_1007, %get3A_1008] {strides = array<i32>} : memref<256x64xi32, #tpu.memory_space<vmem>>, vector<16xi32>,
          %bitcast3A_1010 = vector.bitcast %get3A_1009 : vector<16xi32> to vector<32xbf16>
          %get3A_1011 = arith.index_cast %add3A_1002 : i32 to index
          %get3A_1012 = arith.constant 32 : index
          %get3A_1013 = tpu.vector_load %arg13[%get3A_1011, %get3A_1012] {strides = array<i32>} : memref<256x64xi32, #tpu.memory_space<vmem>>, vector<16xi32>,
          %bitcast3A_1014 = vector.bitcast %get3A_1013 : vector<16xi32> to vector<32xbf16>
          %get3A_1015 = arith.index_cast %add3A_1002 : i32 to index
          %get3A_1016 = arith.constant 48 : index
          %get3A_1017 = tpu.vector_load %arg13[%get3A_1015, %get3A_1016] {strides = array<i32>} : memref<256x64xi32, #tpu.memory_space<vmem>>, vector<16xi32>,
          %bitcast3A_1018 = vector.bitcast %get3A_1017 : vector<16xi32> to vector<32xbf16>
          %get3A_1019 = arith.index_cast %squeeze3A_997 : i32 to index
          %get3A_1020 = arith.constant 0 : index
          %get3A_1021 = tpu.vector_load %arg14[%get3A_1019, %get3A_1020] {strides = array<i32>} : memref<321x128xbf16, #tpu.memory_space<vmem>>, vector<32xbf16>,
          %get3A_1022 = arith.index_cast %squeeze3A_997 : i32 to index
          %get3A_1023 = arith.constant 32 : index
          %get3A_1024 = tpu.vector_load %arg14[%get3A_1022, %get3A_1023] {strides = array<i32>} : memref<321x128xbf16, #tpu.memory_space<vmem>>, vector<32xbf16>,
          %get3A_1025 = arith.index_cast %squeeze3A_997 : i32 to index
          %get3A_1026 = arith.constant 64 : index
          %get3A_1027 = tpu.vector_load %arg14[%get3A_1025, %get3A_1026] {strides = array<i32>} : memref<321x128xbf16, #tpu.memory_space<vmem>>, vector<32xbf16>,
          %get3A_1028 = arith.index_cast %squeeze3A_997 : i32 to index
          %get3A_1029 = arith.constant 96 : index
          %get3A_1030 = tpu.vector_load %arg14[%get3A_1028, %get3A_1029] {strides = array<i32>} : memref<321x128xbf16, #tpu.memory_space<vmem>>, vector<32xbf16>,
          %max3A_1031 = arith.maximumf %get3A_1021, %bitcast3A_1006 : vector<32xbf16>
          %swap3A_1032 = arith.index_cast %squeeze3A_997 : i32 to index
          %swap3A_1033 = arith.constant 0 : index
          %swap3A_1034 = tpu.vector_load %arg14[%swap3A_1032, %swap3A_1033] {strides = array<i32>} : memref<321x128xbf16, #tpu.memory_space<vmem>>, vector<32xbf16>,
          tpu.vector_store %arg14[%swap3A_1032, %swap3A_1033], %max3A_1031 {strides = array<i32>} : memref<321x128xbf16, #tpu.memory_space<vmem>>, vector<32xbf16>,
          %max3A_1035 = arith.maximumf %get3A_1024, %bitcast3A_1010 : vector<32xbf16>
          %swap3A_1036 = arith.index_cast %squeeze3A_997 : i32 to index
          %swap3A_1037 = arith.constant 32 : index
          %swap3A_1038 = tpu.vector_load %arg14[%swap3A_1036, %swap3A_1037] {strides = array<i32>} : memref<321x128xbf16, #tpu.memory_space<vmem>>, vector<32xbf16>,
          tpu.vector_store %arg14[%swap3A_1036, %swap3A_1037], %max3A_1035 {strides = array<i32>} : memref<321x128xbf16, #tpu.memory_space<vmem>>, vector<32xbf16>,
          %max3A_1039 = arith.maximumf %get3A_1027, %bitcast3A_1014 : vector<32xbf16>
          %swap3A_1040 = arith.index_cast %squeeze3A_997 : i32 to index
          %swap3A_1041 = arith.constant 64 : index
          %swap3A_1042 = tpu.vector_load %arg14[%swap3A_1040, %swap3A_1041] {strides = array<i32>} : memref<321x128xbf16, #tpu.memory_space<vmem>>, vector<32xbf16>,
          tpu.vector_store %arg14[%swap3A_1040, %swap3A_1041], %max3A_1039 {strides = array<i32>} : memref<321x128xbf16, #tpu.memory_space<vmem>>, vector<32xbf16>,
          %max3A_1043 = arith.maximumf %get3A_1030, %bitcast3A_1018 : vector<32xbf16>
          %swap3A_1044 = arith.index_cast %squeeze3A_997 : i32 to index
          %swap3A_1045 = arith.constant 96 : index
          %swap3A_1046 = tpu.vector_load %arg14[%swap3A_1044, %swap3A_1045] {strides = array<i32>} : memref<321x128xbf16, #tpu.memory_space<vmem>>, vector<32xbf16>,
          tpu.vector_store %arg14[%swap3A_1044, %swap3A_1045], %max3A_1043 {strides = array<i32>} : memref<321x128xbf16, #tpu.memory_space<vmem>>, vector<32xbf16>,
          %slice3A_1047 = vector.extract_strided_slice %get3A_334 {offsets = [14], sizes = [1], strides = [1]} : vector<16xi32> to vector<1xi32>
          %squeeze3A_1048 = vector.extract %slice3A_1047[0] : i32 from vector<1xi32>
          %mul3A_1049 = arith.constant 16 : i32
          %mul3A_1050 = arith.muli %scan3A_329, %mul3A_1049 : i32
          %add3A_1051 = arith.addi %mul3A_317, %mul3A_1050 : i32
          %add3A_1052 = arith.constant 14 : i32
          %add3A_1053 = arith.addi %add3A_1051, %add3A_1052 : i32
          %get3A_1054 = arith.index_cast %add3A_1053 : i32 to index
          %get3A_1055 = arith.constant 0 : index
          %get3A_1056 = tpu.vector_load %arg13[%get3A_1054, %get3A_1055] {strides = array<i32>} : memref<256x64xi32, #tpu.memory_space<vmem>>, vector<16xi32>,
          %bitcast3A_1057 = vector.bitcast %get3A_1056 : vector<16xi32> to vector<32xbf16>
          %get3A_1058 = arith.index_cast %add3A_1053 : i32 to index
          %get3A_1059 = arith.constant 16 : index
          %get3A_1060 = tpu.vector_load %arg13[%get3A_1058, %get3A_1059] {strides = array<i32>} : memref<256x64xi32, #tpu.memory_space<vmem>>, vector<16xi32>,
          %bitcast3A_1061 = vector.bitcast %get3A_1060 : vector<16xi32> to vector<32xbf16>
          %get3A_1062 = arith.index_cast %add3A_1053 : i32 to index
          %get3A_1063 = arith.constant 32 : index
          %get3A_1064 = tpu.vector_load %arg13[%get3A_1062, %get3A_1063] {strides = array<i32>} : memref<256x64xi32, #tpu.memory_space<vmem>>, vector<16xi32>,
          %bitcast3A_1065 = vector.bitcast %get3A_1064 : vector<16xi32> to vector<32xbf16>
          %get3A_1066 = arith.index_cast %add3A_1053 : i32 to index
          %get3A_1067 = arith.constant 48 : index
          %get3A_1068 = tpu.vector_load %arg13[%get3A_1066, %get3A_1067] {strides = array<i32>} : memref<256x64xi32, #tpu.memory_space<vmem>>, vector<16xi32>,
          %bitcast3A_1069 = vector.bitcast %get3A_1068 : vector<16xi32> to vector<32xbf16>
          %get3A_1070 = arith.index_cast %squeeze3A_1048 : i32 to index
          %get3A_1071 = arith.constant 0 : index
          %get3A_1072 = tpu.vector_load %arg14[%get3A_1070, %get3A_1071] {strides = array<i32>} : memref<321x128xbf16, #tpu.memory_space<vmem>>, vector<32xbf16>,
          %get3A_1073 = arith.index_cast %squeeze3A_1048 : i32 to index
          %get3A_1074 = arith.constant 32 : index
          %get3A_1075 = tpu.vector_load %arg14[%get3A_1073, %get3A_1074] {strides = array<i32>} : memref<321x128xbf16, #tpu.memory_space<vmem>>, vector<32xbf16>,
          %get3A_1076 = arith.index_cast %squeeze3A_1048 : i32 to index
          %get3A_1077 = arith.constant 64 : index
          %get3A_1078 = tpu.vector_load %arg14[%get3A_1076, %get3A_1077] {strides = array<i32>} : memref<321x128xbf16, #tpu.memory_space<vmem>>, vector<32xbf16>,
          %get3A_1079 = arith.index_cast %squeeze3A_1048 : i32 to index
          %get3A_1080 = arith.constant 96 : index
          %get3A_1081 = tpu.vector_load %arg14[%get3A_1079, %get3A_1080] {strides = array<i32>} : memref<321x128xbf16, #tpu.memory_space<vmem>>, vector<32xbf16>,
          %max3A_1082 = arith.maximumf %get3A_1072, %bitcast3A_1057 : vector<32xbf16>
          %swap3A_1083 = arith.index_cast %squeeze3A_1048 : i32 to index
          %swap3A_1084 = arith.constant 0 : index
          %swap3A_1085 = tpu.vector_load %arg14[%swap3A_1083, %swap3A_1084] {strides = array<i32>} : memref<321x128xbf16, #tpu.memory_space<vmem>>, vector<32xbf16>,
          tpu.vector_store %arg14[%swap3A_1083, %swap3A_1084], %max3A_1082 {strides = array<i32>} : memref<321x128xbf16, #tpu.memory_space<vmem>>, vector<32xbf16>,
          %max3A_1086 = arith.maximumf %get3A_1075, %bitcast3A_1061 : vector<32xbf16>
          %swap3A_1087 = arith.index_cast %squeeze3A_1048 : i32 to index
          %swap3A_1088 = arith.constant 32 : index
          %swap3A_1089 = tpu.vector_load %arg14[%swap3A_1087, %swap3A_1088] {strides = array<i32>} : memref<321x128xbf16, #tpu.memory_space<vmem>>, vector<32xbf16>,
          tpu.vector_store %arg14[%swap3A_1087, %swap3A_1088], %max3A_1086 {strides = array<i32>} : memref<321x128xbf16, #tpu.memory_space<vmem>>, vector<32xbf16>,
          %max3A_1090 = arith.maximumf %get3A_1078, %bitcast3A_1065 : vector<32xbf16>
          %swap3A_1091 = arith.index_cast %squeeze3A_1048 : i32 to index
          %swap3A_1092 = arith.constant 64 : index
          %swap3A_1093 = tpu.vector_load %arg14[%swap3A_1091, %swap3A_1092] {strides = array<i32>} : memref<321x128xbf16, #tpu.memory_space<vmem>>, vector<32xbf16>,
          tpu.vector_store %arg14[%swap3A_1091, %swap3A_1092], %max3A_1090 {strides = array<i32>} : memref<321x128xbf16, #tpu.memory_space<vmem>>, vector<32xbf16>,
          %max3A_1094 = arith.maximumf %get3A_1081, %bitcast3A_1069 : vector<32xbf16>
          %swap3A_1095 = arith.index_cast %squeeze3A_1048 : i32 to index
          %swap3A_1096 = arith.constant 96 : index
          %swap3A_1097 = tpu.vector_load %arg14[%swap3A_1095, %swap3A_1096] {strides = array<i32>} : memref<321x128xbf16, #tpu.memory_space<vmem>>, vector<32xbf16>,
          tpu.vector_store %arg14[%swap3A_1095, %swap3A_1096], %max3A_1094 {strides = array<i32>} : memref<321x128xbf16, #tpu.memory_space<vmem>>, vector<32xbf16>,
          %slice3A_1098 = vector.extract_strided_slice %get3A_334 {offsets = [15], sizes = [1], strides = [1]} : vector<16xi32> to vector<1xi32>
          %squeeze3A_1099 = vector.extract %slice3A_1098[0] : i32 from vector<1xi32>
          %mul3A_1100 = arith.constant 16 : i32
          %mul3A_1101 = arith.muli %scan3A_329, %mul3A_1100 : i32
          %add3A_1102 = arith.addi %mul3A_317, %mul3A_1101 : i32
          %add3A_1103 = arith.constant 15 : i32
          %add3A_1104 = arith.addi %add3A_1102, %add3A_1103 : i32
          %get3A_1105 = arith.index_cast %add3A_1104 : i32 to index
          %get3A_1106 = arith.constant 0 : index
          %get3A_1107 = tpu.vector_load %arg13[%get3A_1105, %get3A_1106] {strides = array<i32>} : memref<256x64xi32, #tpu.memory_space<vmem>>, vector<16xi32>,
          %bitcast3A_1108 = vector.bitcast %get3A_1107 : vector<16xi32> to vector<32xbf16>
          %get3A_1109 = arith.index_cast %add3A_1104 : i32 to index
          %get3A_1110 = arith.constant 16 : index
          %get3A_1111 = tpu.vector_load %arg13[%get3A_1109, %get3A_1110] {strides = array<i32>} : memref<256x64xi32, #tpu.memory_space<vmem>>, vector<16xi32>,
          %bitcast3A_1112 = vector.bitcast %get3A_1111 : vector<16xi32> to vector<32xbf16>
          %get3A_1113 = arith.index_cast %add3A_1104 : i32 to index
          %get3A_1114 = arith.constant 32 : index
          %get3A_1115 = tpu.vector_load %arg13[%get3A_1113, %get3A_1114] {strides = array<i32>} : memref<256x64xi32, #tpu.memory_space<vmem>>, vector<16xi32>,
          %bitcast3A_1116 = vector.bitcast %get3A_1115 : vector<16xi32> to vector<32xbf16>
          %get3A_1117 = arith.index_cast %add3A_1104 : i32 to index
          %get3A_1118 = arith.constant 48 : index
          %get3A_1119 = tpu.vector_load %arg13[%get3A_1117, %get3A_1118] {strides = array<i32>} : memref<256x64xi32, #tpu.memory_space<vmem>>, vector<16xi32>,
          %bitcast3A_1120 = vector.bitcast %get3A_1119 : vector<16xi32> to vector<32xbf16>
          %get3A_1121 = arith.index_cast %squeeze3A_1099 : i32 to index
          %get3A_1122 = arith.constant 0 : index
          %get3A_1123 = tpu.vector_load %arg14[%get3A_1121, %get3A_1122] {strides = array<i32>} : memref<321x128xbf16, #tpu.memory_space<vmem>>, vector<32xbf16>,
          %get3A_1124 = arith.index_cast %squeeze3A_1099 : i32 to index
          %get3A_1125 = arith.constant 32 : index
          %get3A_1126 = tpu.vector_load %arg14[%get3A_1124, %get3A_1125] {strides = array<i32>} : memref<321x128xbf16, #tpu.memory_space<vmem>>, vector<32xbf16>,
          %get3A_1127 = arith.index_cast %squeeze3A_1099 : i32 to index
          %get3A_1128 = arith.constant 64 : index
          %get3A_1129 = tpu.vector_load %arg14[%get3A_1127, %get3A_1128] {strides = array<i32>} : memref<321x128xbf16, #tpu.memory_space<vmem>>, vector<32xbf16>,
          %get3A_1130 = arith.index_cast %squeeze3A_1099 : i32 to index
          %get3A_1131 = arith.constant 96 : index
          %get3A_1132 = tpu.vector_load %arg14[%get3A_1130, %get3A_1131] {strides = array<i32>} : memref<321x128xbf16, #tpu.memory_space<vmem>>, vector<32xbf16>,
          %max3A_1133 = arith.maximumf %get3A_1123, %bitcast3A_1108 : vector<32xbf16>
          %swap3A_1134 = arith.index_cast %squeeze3A_1099 : i32 to index
          %swap3A_1135 = arith.constant 0 : index
          %swap3A_1136 = tpu.vector_load %arg14[%swap3A_1134, %swap3A_1135] {strides = array<i32>} : memref<321x128xbf16, #tpu.memory_space<vmem>>, vector<32xbf16>,
          tpu.vector_store %arg14[%swap3A_1134, %swap3A_1135], %max3A_1133 {strides = array<i32>} : memref<321x128xbf16, #tpu.memory_space<vmem>>, vector<32xbf16>,
          %max3A_1137 = arith.maximumf %get3A_1126, %bitcast3A_1112 : vector<32xbf16>
          %swap3A_1138 = arith.index_cast %squeeze3A_1099 : i32 to index
          %swap3A_1139 = arith.constant 32 : index
          %swap3A_1140 = tpu.vector_load %arg14[%swap3A_1138, %swap3A_1139] {strides = array<i32>} : memref<321x128xbf16, #tpu.memory_space<vmem>>, vector<32xbf16>,
          tpu.vector_store %arg14[%swap3A_1138, %swap3A_1139], %max3A_1137 {strides = array<i32>} : memref<321x128xbf16, #tpu.memory_space<vmem>>, vector<32xbf16>,
          %max3A_1141 = arith.maximumf %get3A_1129, %bitcast3A_1116 : vector<32xbf16>
          %swap3A_1142 = arith.index_cast %squeeze3A_1099 : i32 to index
          %swap3A_1143 = arith.constant 64 : index
          %swap3A_1144 = tpu.vector_load %arg14[%swap3A_1142, %swap3A_1143] {strides = array<i32>} : memref<321x128xbf16, #tpu.memory_space<vmem>>, vector<32xbf16>,
          tpu.vector_store %arg14[%swap3A_1142, %swap3A_1143], %max3A_1141 {strides = array<i32>} : memref<321x128xbf16, #tpu.memory_space<vmem>>, vector<32xbf16>,
          %max3A_1145 = arith.maximumf %get3A_1132, %bitcast3A_1120 : vector<32xbf16>
          %swap3A_1146 = arith.index_cast %squeeze3A_1099 : i32 to index
          %swap3A_1147 = arith.constant 96 : index
          %swap3A_1148 = tpu.vector_load %arg14[%swap3A_1146, %swap3A_1147] {strides = array<i32>} : memref<321x128xbf16, #tpu.memory_space<vmem>>, vector<32xbf16>,
          tpu.vector_store %arg14[%swap3A_1146, %swap3A_1147], %max3A_1145 {strides = array<i32>} : memref<321x128xbf16, #tpu.memory_space<vmem>>, vector<32xbf16>,
        }
        %scan3A_328 = arith.constant 8 : i32
      } else {
      }
      %jit3A_115 = arith.constant 2 : i32
      %eq3A = arith.constant 0 : i32
      %eq3A_116 = arith.cmpi eq, %jit3A_115, %eq3A : i32
      %jit3A_117 = arith.constant 1 : i32
      %select_n3A_118 = arith.select %eq3A_116, %jit3A_117, %jit3A_115 : i32
      %rem3A_119 = arith.remsi %while3A_109, %select_n3A_118 : i32
      %ne3A_120 = arith.constant 0 : i32
      %ne3A_121 = arith.cmpi ne, %rem3A_119, %ne3A_120 : i32
      %lt3A = arith.constant 0 : i32
      %lt3A_122 = arith.cmpi slt, %rem3A_119, %lt3A : i32
      %lt3A_123 = arith.constant 0 : i32
      %lt3A_124 = arith.cmpi slt, %select_n3A_118, %lt3A_123 : i32
      %ne3A_125 = arith.xori %lt3A_122, %lt3A_124 : i1
      %and3A_126 = arith.andi %ne3A_125, %ne3A_121 : i1
      %add3A_127 = arith.addi %rem3A_119, %select_n3A_118 : i32
      %select_n3A_128 = arith.select %and3A_126, %add3A_127, %rem3A_119 : i32
      %mul3A_129 = arith.constant 128 : i32
      %mul3A_130 = arith.muli %select_n3A_128, %mul3A_129 : i32
      %mul3A_131 = arith.constant 128 : i32
      %mul3A_132 = arith.muli %while3A_109, %mul3A_131 : i32
      %jit3A_133 = arith.constant 4096 : i32
      %eq3A_134 = arith.constant 0 : i32
      %eq3A_135 = arith.cmpi eq, %jit3A_133, %eq3A_134 : i32
      %jit3A_136 = arith.constant 1 : i32
      %select_n3A_137 = arith.select %eq3A_135, %jit3A_136, %jit3A_133 : i32
      %rem3A_138 = arith.remsi %mul3A_132, %select_n3A_137 : i32
      %ne3A_139 = arith.constant 0 : i32
      %ne3A_140 = arith.cmpi ne, %rem3A_138, %ne3A_139 : i32
      %lt3A_141 = arith.constant 0 : i32
      %lt3A_142 = arith.cmpi slt, %rem3A_138, %lt3A_141 : i32
      %lt3A_143 = arith.constant 0 : i32
      %lt3A_144 = arith.cmpi slt, %select_n3A_137, %lt3A_143 : i32
      %ne3A_145 = arith.xori %lt3A_142, %lt3A_144 : i1
      %and3A_146 = arith.andi %ne3A_145, %ne3A_140 : i1
      %add3A_147 = arith.addi %rem3A_138, %select_n3A_137 : i32
      %select_n3A_148 = arith.select %and3A_146, %add3A_147, %rem3A_138 : i32
      %multiple_of3A = tpu.assume_multiple %select_n3A_148, 128 : i32
      %add3A_149 = arith.constant 0 : i32
      %add3A_150 = arith.addi %multiple_of3A, %add3A_149 : i32
      %get3A = arith.index_cast %add3A_150 : i32 to index
      %get3A_151 = tpu.vector_load %arg10[%get3A] {strides = array<i32>} : memref<4112xi32, #tpu.memory_space<vmem>>, vector<16xi32>,
      %shift_right_arithmetic3A = arith.constant 9 : i32
      %shift_right_arithmetic3A_152 = vector.broadcast %shift_right_arithmetic3A : i32 to vector<16xi32>
      %shift_right_arithmetic3A_153 = arith.shrsi %get3A_151, %shift_right_arithmetic3A_152 : vector<16xi32>
      %add3A_154 = arith.constant 0 : i32
      %add3A_155 = arith.addi %mul3A_130, %add3A_154 : i32
      %swap3A = arith.index_cast %add3A_155 : i32 to index
      %swap3A_156 = tpu.vector_load %arg11[%swap3A] {strides = array<i32>} : memref<256xi32, #tpu.memory_space<vmem>>, vector<16xi32>,
      tpu.vector_store %arg11[%swap3A], %shift_right_arithmetic3A_153 {strides = array<i32>} : memref<256xi32, #tpu.memory_space<vmem>>, vector<16xi32>,
      %and3A_157 = arith.constant 511 : i32
      %and3A_158 = vector.broadcast %and3A_157 : i32 to vector<16xi32>
      %and3A_159 = arith.andi %get3A_151, %and3A_158 : vector<16xi32>
      %add3A_160 = arith.constant 0 : i32
      %add3A_161 = arith.addi %mul3A_130, %add3A_160 : i32
      %swap3A_162 = arith.index_cast %add3A_161 : i32 to index
      %swap3A_163 = tpu.vector_load %arg12[%swap3A_162] {strides = array<i32>} : memref<256xi32, #tpu.memory_space<vmem>>, vector<16xi32>,
      tpu.vector_store %arg12[%swap3A_162], %and3A_159 {strides = array<i32>} : memref<256xi32, #tpu.memory_space<vmem>>, vector<16xi32>,
      %add3A_164 = arith.constant 16 : i32
      %add3A_165 = arith.addi %multiple_of3A, %add3A_164 : i32
      %get3A_166 = arith.index_cast %add3A_165 : i32 to index
      %get3A_167 = tpu.vector_load %arg10[%get3A_166] {strides = array<i32>} : memref<4112xi32, #tpu.memory_space<vmem>>, vector<16xi32>,
      %shift_right_arithmetic3A_168 = arith.constant 9 : i32
      %shift_right_arithmetic3A_169 = vector.broadcast %shift_right_arithmetic3A_168 : i32 to vector<16xi32>
      %shift_right_arithmetic3A_170 = arith.shrsi %get3A_167, %shift_right_arithmetic3A_169 : vector<16xi32>
      %add3A_171 = arith.constant 16 : i32
      %add3A_172 = arith.addi %mul3A_130, %add3A_171 : i32
      %swap3A_173 = arith.index_cast %add3A_172 : i32 to index
      %swap3A_174 = tpu.vector_load %arg11[%swap3A_173] {strides = array<i32>} : memref<256xi32, #tpu.memory_space<vmem>>, vector<16xi32>,
      tpu.vector_store %arg11[%swap3A_173], %shift_right_arithmetic3A_170 {strides = array<i32>} : memref<256xi32, #tpu.memory_space<vmem>>, vector<16xi32>,
      %and3A_175 = arith.constant 511 : i32
      %and3A_176 = vector.broadcast %and3A_175 : i32 to vector<16xi32>
      %and3A_177 = arith.andi %get3A_167, %and3A_176 : vector<16xi32>
      %add3A_178 = arith.constant 16 : i32
      %add3A_179 = arith.addi %mul3A_130, %add3A_178 : i32
      %swap3A_180 = arith.index_cast %add3A_179 : i32 to index
      %swap3A_181 = tpu.vector_load %arg12[%swap3A_180] {strides = array<i32>} : memref<256xi32, #tpu.memory_space<vmem>>, vector<16xi32>,
      tpu.vector_store %arg12[%swap3A_180], %and3A_177 {strides = array<i32>} : memref<256xi32, #tpu.memory_space<vmem>>, vector<16xi32>,
      %add3A_182 = arith.constant 32 : i32
      %add3A_183 = arith.addi %multiple_of3A, %add3A_182 : i32
      %get3A_184 = arith.index_cast %add3A_183 : i32 to index
      %get3A_185 = tpu.vector_load %arg10[%get3A_184] {strides = array<i32>} : memref<4112xi32, #tpu.memory_space<vmem>>, vector<16xi32>,
      %shift_right_arithmetic3A_186 = arith.constant 9 : i32
      %shift_right_arithmetic3A_187 = vector.broadcast %shift_right_arithmetic3A_186 : i32 to vector<16xi32>
      %shift_right_arithmetic3A_188 = arith.shrsi %get3A_185, %shift_right_arithmetic3A_187 : vector<16xi32>
      %add3A_189 = arith.constant 32 : i32
      %add3A_190 = arith.addi %mul3A_130, %add3A_189 : i32
      %swap3A_191 = arith.index_cast %add3A_190 : i32 to index
      %swap3A_192 = tpu.vector_load %arg11[%swap3A_191] {strides = array<i32>} : memref<256xi32, #tpu.memory_space<vmem>>, vector<16xi32>,
      tpu.vector_store %arg11[%swap3A_191], %shift_right_arithmetic3A_188 {strides = array<i32>} : memref<256xi32, #tpu.memory_space<vmem>>, vector<16xi32>,
      %and3A_193 = arith.constant 511 : i32
      %and3A_194 = vector.broadcast %and3A_193 : i32 to vector<16xi32>
      %and3A_195 = arith.andi %get3A_185, %and3A_194 : vector<16xi32>
      %add3A_196 = arith.constant 32 : i32
      %add3A_197 = arith.addi %mul3A_130, %add3A_196 : i32
      %swap3A_198 = arith.index_cast %add3A_197 : i32 to index
      %swap3A_199 = tpu.vector_load %arg12[%swap3A_198] {strides = array<i32>} : memref<256xi32, #tpu.memory_space<vmem>>, vector<16xi32>,
      tpu.vector_store %arg12[%swap3A_198], %and3A_195 {strides = array<i32>} : memref<256xi32, #tpu.memory_space<vmem>>, vector<16xi32>,
      %add3A_200 = arith.constant 48 : i32
      %add3A_201 = arith.addi %multiple_of3A, %add3A_200 : i32
      %get3A_202 = arith.index_cast %add3A_201 : i32 to index
      %get3A_203 = tpu.vector_load %arg10[%get3A_202] {strides = array<i32>} : memref<4112xi32, #tpu.memory_space<vmem>>, vector<16xi32>,
      %shift_right_arithmetic3A_204 = arith.constant 9 : i32
      %shift_right_arithmetic3A_205 = vector.broadcast %shift_right_arithmetic3A_204 : i32 to vector<16xi32>
      %shift_right_arithmetic3A_206 = arith.shrsi %get3A_203, %shift_right_arithmetic3A_205 : vector<16xi32>
      %add3A_207 = arith.constant 48 : i32
      %add3A_208 = arith.addi %mul3A_130, %add3A_207 : i32
      %swap3A_209 = arith.index_cast %add3A_208 : i32 to index
      %swap3A_210 = tpu.vector_load %arg11[%swap3A_209] {strides = array<i32>} : memref<256xi32, #tpu.memory_space<vmem>>, vector<16xi32>,
      tpu.vector_store %arg11[%swap3A_209], %shift_right_arithmetic3A_206 {strides = array<i32>} : memref<256xi32, #tpu.memory_space<vmem>>, vector<16xi32>,
      %and3A_211 = arith.constant 511 : i32
      %and3A_212 = vector.broadcast %and3A_211 : i32 to vector<16xi32>
      %and3A_213 = arith.andi %get3A_203, %and3A_212 : vector<16xi32>
      %add3A_214 = arith.constant 48 : i32
      %add3A_215 = arith.addi %mul3A_130, %add3A_214 : i32
      %swap3A_216 = arith.index_cast %add3A_215 : i32 to index
      %swap3A_217 = tpu.vector_load %arg12[%swap3A_216] {strides = array<i32>} : memref<256xi32, #tpu.memory_space<vmem>>, vector<16xi32>,
      tpu.vector_store %arg12[%swap3A_216], %and3A_213 {strides = array<i32>} : memref<256xi32, #tpu.memory_space<vmem>>, vector<16xi32>,
      %add3A_218 = arith.constant 64 : i32
      %add3A_219 = arith.addi %multiple_of3A, %add3A_218 : i32
      %get3A_220 = arith.index_cast %add3A_219 : i32 to index
      %get3A_221 = tpu.vector_load %arg10[%get3A_220] {strides = array<i32>} : memref<4112xi32, #tpu.memory_space<vmem>>, vector<16xi32>,
      %shift_right_arithmetic3A_222 = arith.constant 9 : i32
      %shift_right_arithmetic3A_223 = vector.broadcast %shift_right_arithmetic3A_222 : i32 to vector<16xi32>
      %shift_right_arithmetic3A_224 = arith.shrsi %get3A_221, %shift_right_arithmetic3A_223 : vector<16xi32>
      %add3A_225 = arith.constant 64 : i32
      %add3A_226 = arith.addi %mul3A_130, %add3A_225 : i32
      %swap3A_227 = arith.index_cast %add3A_226 : i32 to index
      %swap3A_228 = tpu.vector_load %arg11[%swap3A_227] {strides = array<i32>} : memref<256xi32, #tpu.memory_space<vmem>>, vector<16xi32>,
      tpu.vector_store %arg11[%swap3A_227], %shift_right_arithmetic3A_224 {strides = array<i32>} : memref<256xi32, #tpu.memory_space<vmem>>, vector<16xi32>,
      %and3A_229 = arith.constant 511 : i32
      %and3A_230 = vector.broadcast %and3A_229 : i32 to vector<16xi32>
      %and3A_231 = arith.andi %get3A_221, %and3A_230 : vector<16xi32>
      %add3A_232 = arith.constant 64 : i32
      %add3A_233 = arith.addi %mul3A_130, %add3A_232 : i32
      %swap3A_234 = arith.index_cast %add3A_233 : i32 to index
      %swap3A_235 = tpu.vector_load %arg12[%swap3A_234] {strides = array<i32>} : memref<256xi32, #tpu.memory_space<vmem>>, vector<16xi32>,
      tpu.vector_store %arg12[%swap3A_234], %and3A_231 {strides = array<i32>} : memref<256xi32, #tpu.memory_space<vmem>>, vector<16xi32>,
      %add3A_236 = arith.constant 80 : i32
      %add3A_237 = arith.addi %multiple_of3A, %add3A_236 : i32
      %get3A_238 = arith.index_cast %add3A_237 : i32 to index
      %get3A_239 = tpu.vector_load %arg10[%get3A_238] {strides = array<i32>} : memref<4112xi32, #tpu.memory_space<vmem>>, vector<16xi32>,
      %shift_right_arithmetic3A_240 = arith.constant 9 : i32
      %shift_right_arithmetic3A_241 = vector.broadcast %shift_right_arithmetic3A_240 : i32 to vector<16xi32>
      %shift_right_arithmetic3A_242 = arith.shrsi %get3A_239, %shift_right_arithmetic3A_241 : vector<16xi32>
      %add3A_243 = arith.constant 80 : i32
      %add3A_244 = arith.addi %mul3A_130, %add3A_243 : i32
      %swap3A_245 = arith.index_cast %add3A_244 : i32 to index
      %swap3A_246 = tpu.vector_load %arg11[%swap3A_245] {strides = array<i32>} : memref<256xi32, #tpu.memory_space<vmem>>, vector<16xi32>,
      tpu.vector_store %arg11[%swap3A_245], %shift_right_arithmetic3A_242 {strides = array<i32>} : memref<256xi32, #tpu.memory_space<vmem>>, vector<16xi32>,
      %and3A_247 = arith.constant 511 : i32
      %and3A_248 = vector.broadcast %and3A_247 : i32 to vector<16xi32>
      %and3A_249 = arith.andi %get3A_239, %and3A_248 : vector<16xi32>
      %add3A_250 = arith.constant 80 : i32
      %add3A_251 = arith.addi %mul3A_130, %add3A_250 : i32
      %swap3A_252 = arith.index_cast %add3A_251 : i32 to index
      %swap3A_253 = tpu.vector_load %arg12[%swap3A_252] {strides = array<i32>} : memref<256xi32, #tpu.memory_space<vmem>>, vector<16xi32>,
      tpu.vector_store %arg12[%swap3A_252], %and3A_249 {strides = array<i32>} : memref<256xi32, #tpu.memory_space<vmem>>, vector<16xi32>,
      %add3A_254 = arith.constant 96 : i32
      %add3A_255 = arith.addi %multiple_of3A, %add3A_254 : i32
      %get3A_256 = arith.index_cast %add3A_255 : i32 to index
      %get3A_257 = tpu.vector_load %arg10[%get3A_256] {strides = array<i32>} : memref<4112xi32, #tpu.memory_space<vmem>>, vector<16xi32>,
      %shift_right_arithmetic3A_258 = arith.constant 9 : i32
      %shift_right_arithmetic3A_259 = vector.broadcast %shift_right_arithmetic3A_258 : i32 to vector<16xi32>
      %shift_right_arithmetic3A_260 = arith.shrsi %get3A_257, %shift_right_arithmetic3A_259 : vector<16xi32>
      %add3A_261 = arith.constant 96 : i32
      %add3A_262 = arith.addi %mul3A_130, %add3A_261 : i32
      %swap3A_263 = arith.index_cast %add3A_262 : i32 to index
      %swap3A_264 = tpu.vector_load %arg11[%swap3A_263] {strides = array<i32>} : memref<256xi32, #tpu.memory_space<vmem>>, vector<16xi32>,
      tpu.vector_store %arg11[%swap3A_263], %shift_right_arithmetic3A_260 {strides = array<i32>} : memref<256xi32, #tpu.memory_space<vmem>>, vector<16xi32>,
      %and3A_265 = arith.constant 511 : i32
      %and3A_266 = vector.broadcast %and3A_265 : i32 to vector<16xi32>
      %and3A_267 = arith.andi %get3A_257, %and3A_266 : vector<16xi32>
      %add3A_268 = arith.constant 96 : i32
      %add3A_269 = arith.addi %mul3A_130, %add3A_268 : i32
      %swap3A_270 = arith.index_cast %add3A_269 : i32 to index
      %swap3A_271 = tpu.vector_load %arg12[%swap3A_270] {strides = array<i32>} : memref<256xi32, #tpu.memory_space<vmem>>, vector<16xi32>,
      tpu.vector_store %arg12[%swap3A_270], %and3A_267 {strides = array<i32>} : memref<256xi32, #tpu.memory_space<vmem>>, vector<16xi32>,
      %add3A_272 = arith.constant 112 : i32
      %add3A_273 = arith.addi %multiple_of3A, %add3A_272 : i32
      %get3A_274 = arith.index_cast %add3A_273 : i32 to index
      %get3A_275 = tpu.vector_load %arg10[%get3A_274] {strides = array<i32>} : memref<4112xi32, #tpu.memory_space<vmem>>, vector<16xi32>,
      %shift_right_arithmetic3A_276 = arith.constant 9 : i32
      %shift_right_arithmetic3A_277 = vector.broadcast %shift_right_arithmetic3A_276 : i32 to vector<16xi32>
      %shift_right_arithmetic3A_278 = arith.shrsi %get3A_275, %shift_right_arithmetic3A_277 : vector<16xi32>
      %add3A_279 = arith.constant 112 : i32
      %add3A_280 = arith.addi %mul3A_130, %add3A_279 : i32
      %swap3A_281 = arith.index_cast %add3A_280 : i32 to index
      %swap3A_282 = tpu.vector_load %arg11[%swap3A_281] {strides = array<i32>} : memref<256xi32, #tpu.memory_space<vmem>>, vector<16xi32>,
      tpu.vector_store %arg11[%swap3A_281], %shift_right_arithmetic3A_278 {strides = array<i32>} : memref<256xi32, #tpu.memory_space<vmem>>, vector<16xi32>,
      %and3A_283 = arith.constant 511 : i32
      %and3A_284 = vector.broadcast %and3A_283 : i32 to vector<16xi32>
      %and3A_285 = arith.andi %get3A_275, %and3A_284 : vector<16xi32>
      %add3A_286 = arith.constant 112 : i32
      %add3A_287 = arith.addi %mul3A_130, %add3A_286 : i32
      %swap3A_288 = arith.index_cast %add3A_287 : i32 to index
      %swap3A_289 = tpu.vector_load %arg12[%swap3A_288] {strides = array<i32>} : memref<256xi32, #tpu.memory_space<vmem>>, vector<16xi32>,
      tpu.vector_store %arg12[%swap3A_288], %and3A_285 {strides = array<i32>} : memref<256xi32, #tpu.memory_space<vmem>>, vector<16xi32>,
      %dma_start3A_290 = arith.constant 0 : i32
      %dma_start3A_291 = tpu.memref_slice %arg13[%mul3A_130, %dma_start3A_290] : memref<256x64xi32, #tpu.memory_space<vmem>> -> memref<128x64xi32, #tpu.memory_space<vmem>>
      %dma_start3A_292 = tpu.memref_slice %arg11[%mul3A_130] : memref<256xi32, #tpu.memory_space<vmem>> -> memref<128xi32, #tpu.memory_space<vmem>>
      %dma_start3A_293 = arith.constant 0 : i32
      %dma_start3A_294 = arith.constant 0 : i32
      %dma_start3A_295 = tpu.memref_slice %arg4[%dma_start3A_293, %dma_start3A_294] : memref<10000x64xi32, #tpu.memory_space<hbm>> -> memref<10000x64xi32, #tpu.memory_space<hbm>>
      tpu.enqueue_indirect_dma source(%dma_start3A_295 : memref<10000x64xi32, #tpu.memory_space<hbm>>) target(%dma_start3A_291 : memref<128x64xi32, #tpu.memory_space<vmem>>) offsets(%dma_start3A_292 : memref<128xi32, #tpu.memory_space<vmem>>) semaphore(%arg16 : memref<!tpu.dma_semaphore, #tpu.memory_space<semaphore_mem>>)
      %add3A_296 = arith.constant 1 : i32
      %add3A_297 = arith.addi %while3A_109, %add3A_296 : i32
      scf.yield %add3A_297 : i32
    }
    %gt3A = arith.constant 0 : i32
    %gt3A_105 = arith.cmpi sgt, %while3A, %gt3A : i32
    %convert_element_type3A = arith.extui %gt3A_105 : i1 to i32
    %cond3A = arith.constant 0 : i32
    %cond3A_106 = arith.cmpi ne, %convert_element_type3A, %cond3A : i32
    scf.if %cond3A_106 {
      %sub3A_109 = arith.constant 1 : i32
      %sub3A_110 = arith.subi %while3A, %sub3A_109 : i32
      %jit3A_111 = arith.constant 2 : i32
      %eq3A = arith.constant 0 : i32
      %eq3A_112 = arith.cmpi eq, %jit3A_111, %eq3A : i32
      %jit3A_113 = arith.constant 1 : i32
      %select_n3A_114 = arith.select %eq3A_112, %jit3A_113, %jit3A_111 : i32
      %rem3A_115 = arith.remsi %sub3A_110, %select_n3A_114 : i32
      %ne3A_116 = arith.constant 0 : i32
      %ne3A_117 = arith.cmpi ne, %rem3A_115, %ne3A_116 : i32
      %lt3A = arith.constant 0 : i32
      %lt3A_118 = arith.cmpi slt, %rem3A_115, %lt3A : i32
      %lt3A_119 = arith.constant 0 : i32
      %lt3A_120 = arith.cmpi slt, %select_n3A_114, %lt3A_119 : i32
      %ne3A_121 = arith.xori %lt3A_118, %lt3A_120 : i1
      %and3A_122 = arith.andi %ne3A_121, %ne3A_117 : i1
      %add3A_123 = arith.addi %rem3A_115, %select_n3A_114 : i32
      %select_n3A_124 = arith.select %and3A_122, %add3A_123, %rem3A_115 : i32
      %mul3A_125 = arith.constant 128 : i32
      %mul3A_126 = arith.muli %select_n3A_124, %mul3A_125 : i32
      %dma_wait3A = arith.constant 0 : i32
      %dma_wait3A_127 = tpu.memref_slice %arg13[%mul3A_126, %dma_wait3A] : memref<256x64xi32, #tpu.memory_space<vmem>> -> memref<128x64xi32, #tpu.memory_space<vmem>>
      %dma_wait3A_128 = tpu.memref_slice %arg11[%mul3A_126] : memref<256xi32, #tpu.memory_space<vmem>> -> memref<128xi32, #tpu.memory_space<vmem>>
      %dma_wait3A_129 = arith.constant 0 : i32
      %dma_wait3A_130 = arith.constant 0 : i32
      %dma_wait3A_131 = tpu.memref_slice %arg4[%dma_wait3A_129, %dma_wait3A_130] : memref<10000x64xi32, #tpu.memory_space<hbm>> -> memref<10000x64xi32, #tpu.memory_space<hbm>>
      tpu.wait_indirect_dma semaphore(%arg16 : memref<!tpu.dma_semaphore, #tpu.memory_space<semaphore_mem>>) src(%dma_wait3A_131 : memref<10000x64xi32, #tpu.memory_space<hbm>>) dst(%dma_wait3A_127 : memref<128x64xi32, #tpu.memory_space<vmem>>)
      %scan3A_132 = arith.constant 0 : i32
      %scan3A_133 = arith.constant 0 : i32
      %scan3A_134 = arith.constant 8 : i32
      %scan3A_135 = arith.addi %scan3A_133, %scan3A_134 : i32
      %scan3A_136 = arith.constant 1 : i32
      scf.for %scan3A_138 = %scan3A_133 to %scan3A_135 step %scan3A_136  : i32 {
        %mul3A_139 = arith.constant 16 : i32
        %mul3A_140 = arith.muli %scan3A_138, %mul3A_139 : i32
        %add3A_141 = arith.addi %mul3A_126, %mul3A_140 : i32
        %get3A = arith.index_cast %add3A_141 : i32 to index
        %get3A_142 = tpu.vector_load %arg12[%get3A] {strides = array<i32>} : memref<256xi32, #tpu.memory_space<vmem>>, vector<16xi32>,
        %slice3A_143 = vector.extract_strided_slice %get3A_142 {offsets = [0], sizes = [1], strides = [1]} : vector<16xi32> to vector<1xi32>
        %squeeze3A_144 = vector.extract %slice3A_143[0] : i32 from vector<1xi32>
        %mul3A_145 = arith.constant 16 : i32
        %mul3A_146 = arith.muli %scan3A_138, %mul3A_145 : i32
        %add3A_147 = arith.addi %mul3A_126, %mul3A_146 : i32
        %add3A_148 = arith.constant 0 : i32
        %add3A_149 = arith.addi %add3A_147, %add3A_148 : i32
        %get3A_150 = arith.index_cast %add3A_149 : i32 to index
        %get3A_151 = arith.constant 0 : index
        %get3A_152 = tpu.vector_load %arg13[%get3A_150, %get3A_151] {strides = array<i32>} : memref<256x64xi32, #tpu.memory_space<vmem>>, vector<16xi32>,
        %bitcast3A = vector.bitcast %get3A_152 : vector<16xi32> to vector<32xbf16>
        %get3A_153 = arith.index_cast %add3A_149 : i32 to index
        %get3A_154 = arith.constant 16 : index
        %get3A_155 = tpu.vector_load %arg13[%get3A_153, %get3A_154] {strides = array<i32>} : memref<256x64xi32, #tpu.memory_space<vmem>>, vector<16xi32>,
        %bitcast3A_156 = vector.bitcast %get3A_155 : vector<16xi32> to vector<32xbf16>
        %get3A_157 = arith.index_cast %add3A_149 : i32 to index
        %get3A_158 = arith.constant 32 : index
        %get3A_159 = tpu.vector_load %arg13[%get3A_157, %get3A_158] {strides = array<i32>} : memref<256x64xi32, #tpu.memory_space<vmem>>, vector<16xi32>,
        %bitcast3A_160 = vector.bitcast %get3A_159 : vector<16xi32> to vector<32xbf16>
        %get3A_161 = arith.index_cast %add3A_149 : i32 to index
        %get3A_162 = arith.constant 48 : index
        %get3A_163 = tpu.vector_load %arg13[%get3A_161, %get3A_162] {strides = array<i32>} : memref<256x64xi32, #tpu.memory_space<vmem>>, vector<16xi32>,
        %bitcast3A_164 = vector.bitcast %get3A_163 : vector<16xi32> to vector<32xbf16>
        %get3A_165 = arith.index_cast %squeeze3A_144 : i32 to index
        %get3A_166 = arith.constant 0 : index
        %get3A_167 = tpu.vector_load %arg14[%get3A_165, %get3A_166] {strides = array<i32>} : memref<321x128xbf16, #tpu.memory_space<vmem>>, vector<32xbf16>,
        %get3A_168 = arith.index_cast %squeeze3A_144 : i32 to index
        %get3A_169 = arith.constant 32 : index
        %get3A_170 = tpu.vector_load %arg14[%get3A_168, %get3A_169] {strides = array<i32>} : memref<321x128xbf16, #tpu.memory_space<vmem>>, vector<32xbf16>,
        %get3A_171 = arith.index_cast %squeeze3A_144 : i32 to index
        %get3A_172 = arith.constant 64 : index
        %get3A_173 = tpu.vector_load %arg14[%get3A_171, %get3A_172] {strides = array<i32>} : memref<321x128xbf16, #tpu.memory_space<vmem>>, vector<32xbf16>,
        %get3A_174 = arith.index_cast %squeeze3A_144 : i32 to index
        %get3A_175 = arith.constant 96 : index
        %get3A_176 = tpu.vector_load %arg14[%get3A_174, %get3A_175] {strides = array<i32>} : memref<321x128xbf16, #tpu.memory_space<vmem>>, vector<32xbf16>,
        %max3A = arith.maximumf %get3A_167, %bitcast3A : vector<32xbf16>
        %swap3A = arith.index_cast %squeeze3A_144 : i32 to index
        %swap3A_177 = arith.constant 0 : index
        %swap3A_178 = tpu.vector_load %arg14[%swap3A, %swap3A_177] {strides = array<i32>} : memref<321x128xbf16, #tpu.memory_space<vmem>>, vector<32xbf16>,
        tpu.vector_store %arg14[%swap3A, %swap3A_177], %max3A {strides = array<i32>} : memref<321x128xbf16, #tpu.memory_space<vmem>>, vector<32xbf16>,
        %max3A_179 = arith.maximumf %get3A_170, %bitcast3A_156 : vector<32xbf16>
        %swap3A_180 = arith.index_cast %squeeze3A_144 : i32 to index
        %swap3A_181 = arith.constant 32 : index
        %swap3A_182 = tpu.vector_load %arg14[%swap3A_180, %swap3A_181] {strides = array<i32>} : memref<321x128xbf16, #tpu.memory_space<vmem>>, vector<32xbf16>,
        tpu.vector_store %arg14[%swap3A_180, %swap3A_181], %max3A_179 {strides = array<i32>} : memref<321x128xbf16, #tpu.memory_space<vmem>>, vector<32xbf16>,
        %max3A_183 = arith.maximumf %get3A_173, %bitcast3A_160 : vector<32xbf16>
        %swap3A_184 = arith.index_cast %squeeze3A_144 : i32 to index
        %swap3A_185 = arith.constant 64 : index
        %swap3A_186 = tpu.vector_load %arg14[%swap3A_184, %swap3A_185] {strides = array<i32>} : memref<321x128xbf16, #tpu.memory_space<vmem>>, vector<32xbf16>,
        tpu.vector_store %arg14[%swap3A_184, %swap3A_185], %max3A_183 {strides = array<i32>} : memref<321x128xbf16, #tpu.memory_space<vmem>>, vector<32xbf16>,
        %max3A_187 = arith.maximumf %get3A_176, %bitcast3A_164 : vector<32xbf16>
        %swap3A_188 = arith.index_cast %squeeze3A_144 : i32 to index
        %swap3A_189 = arith.constant 96 : index
        %swap3A_190 = tpu.vector_load %arg14[%swap3A_188, %swap3A_189] {strides = array<i32>} : memref<321x128xbf16, #tpu.memory_space<vmem>>, vector<32xbf16>,
        tpu.vector_store %arg14[%swap3A_188, %swap3A_189], %max3A_187 {strides = array<i32>} : memref<321x128xbf16, #tpu.memory_space<vmem>>, vector<32xbf16>,
        %slice3A_191 = vector.extract_strided_slice %get3A_142 {offsets = [1], sizes = [1], strides = [1]} : vector<16xi32> to vector<1xi32>
        %squeeze3A_192 = vector.extract %slice3A_191[0] : i32 from vector<1xi32>
        %mul3A_193 = arith.constant 16 : i32
        %mul3A_194 = arith.muli %scan3A_138, %mul3A_193 : i32
        %add3A_195 = arith.addi %mul3A_126, %mul3A_194 : i32
        %add3A_196 = arith.constant 1 : i32
        %add3A_197 = arith.addi %add3A_195, %add3A_196 : i32
        %get3A_198 = arith.index_cast %add3A_197 : i32 to index
        %get3A_199 = arith.constant 0 : index
        %get3A_200 = tpu.vector_load %arg13[%get3A_198, %get3A_199] {strides = array<i32>} : memref<256x64xi32, #tpu.memory_space<vmem>>, vector<16xi32>,
        %bitcast3A_201 = vector.bitcast %get3A_200 : vector<16xi32> to vector<32xbf16>
        %get3A_202 = arith.index_cast %add3A_197 : i32 to index
        %get3A_203 = arith.constant 16 : index
        %get3A_204 = tpu.vector_load %arg13[%get3A_202, %get3A_203] {strides = array<i32>} : memref<256x64xi32, #tpu.memory_space<vmem>>, vector<16xi32>,
        %bitcast3A_205 = vector.bitcast %get3A_204 : vector<16xi32> to vector<32xbf16>
        %get3A_206 = arith.index_cast %add3A_197 : i32 to index
        %get3A_207 = arith.constant 32 : index
        %get3A_208 = tpu.vector_load %arg13[%get3A_206, %get3A_207] {strides = array<i32>} : memref<256x64xi32, #tpu.memory_space<vmem>>, vector<16xi32>,
        %bitcast3A_209 = vector.bitcast %get3A_208 : vector<16xi32> to vector<32xbf16>
        %get3A_210 = arith.index_cast %add3A_197 : i32 to index
        %get3A_211 = arith.constant 48 : index
        %get3A_212 = tpu.vector_load %arg13[%get3A_210, %get3A_211] {strides = array<i32>} : memref<256x64xi32, #tpu.memory_space<vmem>>, vector<16xi32>,
        %bitcast3A_213 = vector.bitcast %get3A_212 : vector<16xi32> to vector<32xbf16>
        %get3A_214 = arith.index_cast %squeeze3A_192 : i32 to index
        %get3A_215 = arith.constant 0 : index
        %get3A_216 = tpu.vector_load %arg14[%get3A_214, %get3A_215] {strides = array<i32>} : memref<321x128xbf16, #tpu.memory_space<vmem>>, vector<32xbf16>,
        %get3A_217 = arith.index_cast %squeeze3A_192 : i32 to index
        %get3A_218 = arith.constant 32 : index
        %get3A_219 = tpu.vector_load %arg14[%get3A_217, %get3A_218] {strides = array<i32>} : memref<321x128xbf16, #tpu.memory_space<vmem>>, vector<32xbf16>,
        %get3A_220 = arith.index_cast %squeeze3A_192 : i32 to index
        %get3A_221 = arith.constant 64 : index
        %get3A_222 = tpu.vector_load %arg14[%get3A_220, %get3A_221] {strides = array<i32>} : memref<321x128xbf16, #tpu.memory_space<vmem>>, vector<32xbf16>,
        %get3A_223 = arith.index_cast %squeeze3A_192 : i32 to index
        %get3A_224 = arith.constant 96 : index
        %get3A_225 = tpu.vector_load %arg14[%get3A_223, %get3A_224] {strides = array<i32>} : memref<321x128xbf16, #tpu.memory_space<vmem>>, vector<32xbf16>,
        %max3A_226 = arith.maximumf %get3A_216, %bitcast3A_201 : vector<32xbf16>
        %swap3A_227 = arith.index_cast %squeeze3A_192 : i32 to index
        %swap3A_228 = arith.constant 0 : index
        %swap3A_229 = tpu.vector_load %arg14[%swap3A_227, %swap3A_228] {strides = array<i32>} : memref<321x128xbf16, #tpu.memory_space<vmem>>, vector<32xbf16>,
        tpu.vector_store %arg14[%swap3A_227, %swap3A_228], %max3A_226 {strides = array<i32>} : memref<321x128xbf16, #tpu.memory_space<vmem>>, vector<32xbf16>,
        %max3A_230 = arith.maximumf %get3A_219, %bitcast3A_205 : vector<32xbf16>
        %swap3A_231 = arith.index_cast %squeeze3A_192 : i32 to index
        %swap3A_232 = arith.constant 32 : index
        %swap3A_233 = tpu.vector_load %arg14[%swap3A_231, %swap3A_232] {strides = array<i32>} : memref<321x128xbf16, #tpu.memory_space<vmem>>, vector<32xbf16>,
        tpu.vector_store %arg14[%swap3A_231, %swap3A_232], %max3A_230 {strides = array<i32>} : memref<321x128xbf16, #tpu.memory_space<vmem>>, vector<32xbf16>,
        %max3A_234 = arith.maximumf %get3A_222, %bitcast3A_209 : vector<32xbf16>
        %swap3A_235 = arith.index_cast %squeeze3A_192 : i32 to index
        %swap3A_236 = arith.constant 64 : index
        %swap3A_237 = tpu.vector_load %arg14[%swap3A_235, %swap3A_236] {strides = array<i32>} : memref<321x128xbf16, #tpu.memory_space<vmem>>, vector<32xbf16>,
        tpu.vector_store %arg14[%swap3A_235, %swap3A_236], %max3A_234 {strides = array<i32>} : memref<321x128xbf16, #tpu.memory_space<vmem>>, vector<32xbf16>,
        %max3A_238 = arith.maximumf %get3A_225, %bitcast3A_213 : vector<32xbf16>
        %swap3A_239 = arith.index_cast %squeeze3A_192 : i32 to index
        %swap3A_240 = arith.constant 96 : index
        %swap3A_241 = tpu.vector_load %arg14[%swap3A_239, %swap3A_240] {strides = array<i32>} : memref<321x128xbf16, #tpu.memory_space<vmem>>, vector<32xbf16>,
        tpu.vector_store %arg14[%swap3A_239, %swap3A_240], %max3A_238 {strides = array<i32>} : memref<321x128xbf16, #tpu.memory_space<vmem>>, vector<32xbf16>,
        %slice3A_242 = vector.extract_strided_slice %get3A_142 {offsets = [2], sizes = [1], strides = [1]} : vector<16xi32> to vector<1xi32>
        %squeeze3A_243 = vector.extract %slice3A_242[0] : i32 from vector<1xi32>
        %mul3A_244 = arith.constant 16 : i32
        %mul3A_245 = arith.muli %scan3A_138, %mul3A_244 : i32
        %add3A_246 = arith.addi %mul3A_126, %mul3A_245 : i32
        %add3A_247 = arith.constant 2 : i32
        %add3A_248 = arith.addi %add3A_246, %add3A_247 : i32
        %get3A_249 = arith.index_cast %add3A_248 : i32 to index
        %get3A_250 = arith.constant 0 : index
        %get3A_251 = tpu.vector_load %arg13[%get3A_249, %get3A_250] {strides = array<i32>} : memref<256x64xi32, #tpu.memory_space<vmem>>, vector<16xi32>,
        %bitcast3A_252 = vector.bitcast %get3A_251 : vector<16xi32> to vector<32xbf16>
        %get3A_253 = arith.index_cast %add3A_248 : i32 to index
        %get3A_254 = arith.constant 16 : index
        %get3A_255 = tpu.vector_load %arg13[%get3A_253, %get3A_254] {strides = array<i32>} : memref<256x64xi32, #tpu.memory_space<vmem>>, vector<16xi32>,
        %bitcast3A_256 = vector.bitcast %get3A_255 : vector<16xi32> to vector<32xbf16>
        %get3A_257 = arith.index_cast %add3A_248 : i32 to index
        %get3A_258 = arith.constant 32 : index
        %get3A_259 = tpu.vector_load %arg13[%get3A_257, %get3A_258] {strides = array<i32>} : memref<256x64xi32, #tpu.memory_space<vmem>>, vector<16xi32>,
        %bitcast3A_260 = vector.bitcast %get3A_259 : vector<16xi32> to vector<32xbf16>
        %get3A_261 = arith.index_cast %add3A_248 : i32 to index
        %get3A_262 = arith.constant 48 : index
        %get3A_263 = tpu.vector_load %arg13[%get3A_261, %get3A_262] {strides = array<i32>} : memref<256x64xi32, #tpu.memory_space<vmem>>, vector<16xi32>,
        %bitcast3A_264 = vector.bitcast %get3A_263 : vector<16xi32> to vector<32xbf16>
        %get3A_265 = arith.index_cast %squeeze3A_243 : i32 to index
        %get3A_266 = arith.constant 0 : index
        %get3A_267 = tpu.vector_load %arg14[%get3A_265, %get3A_266] {strides = array<i32>} : memref<321x128xbf16, #tpu.memory_space<vmem>>, vector<32xbf16>,
        %get3A_268 = arith.index_cast %squeeze3A_243 : i32 to index
        %get3A_269 = arith.constant 32 : index
        %get3A_270 = tpu.vector_load %arg14[%get3A_268, %get3A_269] {strides = array<i32>} : memref<321x128xbf16, #tpu.memory_space<vmem>>, vector<32xbf16>,
        %get3A_271 = arith.index_cast %squeeze3A_243 : i32 to index
        %get3A_272 = arith.constant 64 : index
        %get3A_273 = tpu.vector_load %arg14[%get3A_271, %get3A_272] {strides = array<i32>} : memref<321x128xbf16, #tpu.memory_space<vmem>>, vector<32xbf16>,
        %get3A_274 = arith.index_cast %squeeze3A_243 : i32 to index
        %get3A_275 = arith.constant 96 : index
        %get3A_276 = tpu.vector_load %arg14[%get3A_274, %get3A_275] {strides = array<i32>} : memref<321x128xbf16, #tpu.memory_space<vmem>>, vector<32xbf16>,
        %max3A_277 = arith.maximumf %get3A_267, %bitcast3A_252 : vector<32xbf16>
        %swap3A_278 = arith.index_cast %squeeze3A_243 : i32 to index
        %swap3A_279 = arith.constant 0 : index
        %swap3A_280 = tpu.vector_load %arg14[%swap3A_278, %swap3A_279] {strides = array<i32>} : memref<321x128xbf16, #tpu.memory_space<vmem>>, vector<32xbf16>,
        tpu.vector_store %arg14[%swap3A_278, %swap3A_279], %max3A_277 {strides = array<i32>} : memref<321x128xbf16, #tpu.memory_space<vmem>>, vector<32xbf16>,
        %max3A_281 = arith.maximumf %get3A_270, %bitcast3A_256 : vector<32xbf16>
        %swap3A_282 = arith.index_cast %squeeze3A_243 : i32 to index
        %swap3A_283 = arith.constant 32 : index
        %swap3A_284 = tpu.vector_load %arg14[%swap3A_282, %swap3A_283] {strides = array<i32>} : memref<321x128xbf16, #tpu.memory_space<vmem>>, vector<32xbf16>,
        tpu.vector_store %arg14[%swap3A_282, %swap3A_283], %max3A_281 {strides = array<i32>} : memref<321x128xbf16, #tpu.memory_space<vmem>>, vector<32xbf16>,
        %max3A_285 = arith.maximumf %get3A_273, %bitcast3A_260 : vector<32xbf16>
        %swap3A_286 = arith.index_cast %squeeze3A_243 : i32 to index
        %swap3A_287 = arith.constant 64 : index
        %swap3A_288 = tpu.vector_load %arg14[%swap3A_286, %swap3A_287] {strides = array<i32>} : memref<321x128xbf16, #tpu.memory_space<vmem>>, vector<32xbf16>,
        tpu.vector_store %arg14[%swap3A_286, %swap3A_287], %max3A_285 {strides = array<i32>} : memref<321x128xbf16, #tpu.memory_space<vmem>>, vector<32xbf16>,
        %max3A_289 = arith.maximumf %get3A_276, %bitcast3A_264 : vector<32xbf16>
        %swap3A_290 = arith.index_cast %squeeze3A_243 : i32 to index
        %swap3A_291 = arith.constant 96 : index
        %swap3A_292 = tpu.vector_load %arg14[%swap3A_290, %swap3A_291] {strides = array<i32>} : memref<321x128xbf16, #tpu.memory_space<vmem>>, vector<32xbf16>,
        tpu.vector_store %arg14[%swap3A_290, %swap3A_291], %max3A_289 {strides = array<i32>} : memref<321x128xbf16, #tpu.memory_space<vmem>>, vector<32xbf16>,
        %slice3A_293 = vector.extract_strided_slice %get3A_142 {offsets = [3], sizes = [1], strides = [1]} : vector<16xi32> to vector<1xi32>
        %squeeze3A_294 = vector.extract %slice3A_293[0] : i32 from vector<1xi32>
        %mul3A_295 = arith.constant 16 : i32
        %mul3A_296 = arith.muli %scan3A_138, %mul3A_295 : i32
        %add3A_297 = arith.addi %mul3A_126, %mul3A_296 : i32
        %add3A_298 = arith.constant 3 : i32
        %add3A_299 = arith.addi %add3A_297, %add3A_298 : i32
        %get3A_300 = arith.index_cast %add3A_299 : i32 to index
        %get3A_301 = arith.constant 0 : index
        %get3A_302 = tpu.vector_load %arg13[%get3A_300, %get3A_301] {strides = array<i32>} : memref<256x64xi32, #tpu.memory_space<vmem>>, vector<16xi32>,
        %bitcast3A_303 = vector.bitcast %get3A_302 : vector<16xi32> to vector<32xbf16>
        %get3A_304 = arith.index_cast %add3A_299 : i32 to index
        %get3A_305 = arith.constant 16 : index
        %get3A_306 = tpu.vector_load %arg13[%get3A_304, %get3A_305] {strides = array<i32>} : memref<256x64xi32, #tpu.memory_space<vmem>>, vector<16xi32>,
        %bitcast3A_307 = vector.bitcast %get3A_306 : vector<16xi32> to vector<32xbf16>
        %get3A_308 = arith.index_cast %add3A_299 : i32 to index
        %get3A_309 = arith.constant 32 : index
        %get3A_310 = tpu.vector_load %arg13[%get3A_308, %get3A_309] {strides = array<i32>} : memref<256x64xi32, #tpu.memory_space<vmem>>, vector<16xi32>,
        %bitcast3A_311 = vector.bitcast %get3A_310 : vector<16xi32> to vector<32xbf16>
        %get3A_312 = arith.index_cast %add3A_299 : i32 to index
        %get3A_313 = arith.constant 48 : index
        %get3A_314 = tpu.vector_load %arg13[%get3A_312, %get3A_313] {strides = array<i32>} : memref<256x64xi32, #tpu.memory_space<vmem>>, vector<16xi32>,
        %bitcast3A_315 = vector.bitcast %get3A_314 : vector<16xi32> to vector<32xbf16>
        %get3A_316 = arith.index_cast %squeeze3A_294 : i32 to index
        %get3A_317 = arith.constant 0 : index
        %get3A_318 = tpu.vector_load %arg14[%get3A_316, %get3A_317] {strides = array<i32>} : memref<321x128xbf16, #tpu.memory_space<vmem>>, vector<32xbf16>,
        %get3A_319 = arith.index_cast %squeeze3A_294 : i32 to index
        %get3A_320 = arith.constant 32 : index
        %get3A_321 = tpu.vector_load %arg14[%get3A_319, %get3A_320] {strides = array<i32>} : memref<321x128xbf16, #tpu.memory_space<vmem>>, vector<32xbf16>,
        %get3A_322 = arith.index_cast %squeeze3A_294 : i32 to index
        %get3A_323 = arith.constant 64 : index
        %get3A_324 = tpu.vector_load %arg14[%get3A_322, %get3A_323] {strides = array<i32>} : memref<321x128xbf16, #tpu.memory_space<vmem>>, vector<32xbf16>,
        %get3A_325 = arith.index_cast %squeeze3A_294 : i32 to index
        %get3A_326 = arith.constant 96 : index
        %get3A_327 = tpu.vector_load %arg14[%get3A_325, %get3A_326] {strides = array<i32>} : memref<321x128xbf16, #tpu.memory_space<vmem>>, vector<32xbf16>,
        %max3A_328 = arith.maximumf %get3A_318, %bitcast3A_303 : vector<32xbf16>
        %swap3A_329 = arith.index_cast %squeeze3A_294 : i32 to index
        %swap3A_330 = arith.constant 0 : index
        %swap3A_331 = tpu.vector_load %arg14[%swap3A_329, %swap3A_330] {strides = array<i32>} : memref<321x128xbf16, #tpu.memory_space<vmem>>, vector<32xbf16>,
        tpu.vector_store %arg14[%swap3A_329, %swap3A_330], %max3A_328 {strides = array<i32>} : memref<321x128xbf16, #tpu.memory_space<vmem>>, vector<32xbf16>,
        %max3A_332 = arith.maximumf %get3A_321, %bitcast3A_307 : vector<32xbf16>
        %swap3A_333 = arith.index_cast %squeeze3A_294 : i32 to index
        %swap3A_334 = arith.constant 32 : index
        %swap3A_335 = tpu.vector_load %arg14[%swap3A_333, %swap3A_334] {strides = array<i32>} : memref<321x128xbf16, #tpu.memory_space<vmem>>, vector<32xbf16>,
        tpu.vector_store %arg14[%swap3A_333, %swap3A_334], %max3A_332 {strides = array<i32>} : memref<321x128xbf16, #tpu.memory_space<vmem>>, vector<32xbf16>,
        %max3A_336 = arith.maximumf %get3A_324, %bitcast3A_311 : vector<32xbf16>
        %swap3A_337 = arith.index_cast %squeeze3A_294 : i32 to index
        %swap3A_338 = arith.constant 64 : index
        %swap3A_339 = tpu.vector_load %arg14[%swap3A_337, %swap3A_338] {strides = array<i32>} : memref<321x128xbf16, #tpu.memory_space<vmem>>, vector<32xbf16>,
        tpu.vector_store %arg14[%swap3A_337, %swap3A_338], %max3A_336 {strides = array<i32>} : memref<321x128xbf16, #tpu.memory_space<vmem>>, vector<32xbf16>,
        %max3A_340 = arith.maximumf %get3A_327, %bitcast3A_315 : vector<32xbf16>
        %swap3A_341 = arith.index_cast %squeeze3A_294 : i32 to index
        %swap3A_342 = arith.constant 96 : index
        %swap3A_343 = tpu.vector_load %arg14[%swap3A_341, %swap3A_342] {strides = array<i32>} : memref<321x128xbf16, #tpu.memory_space<vmem>>, vector<32xbf16>,
        tpu.vector_store %arg14[%swap3A_341, %swap3A_342], %max3A_340 {strides = array<i32>} : memref<321x128xbf16, #tpu.memory_space<vmem>>, vector<32xbf16>,
        %slice3A_344 = vector.extract_strided_slice %get3A_142 {offsets = [4], sizes = [1], strides = [1]} : vector<16xi32> to vector<1xi32>
        %squeeze3A_345 = vector.extract %slice3A_344[0] : i32 from vector<1xi32>
        %mul3A_346 = arith.constant 16 : i32
        %mul3A_347 = arith.muli %scan3A_138, %mul3A_346 : i32
        %add3A_348 = arith.addi %mul3A_126, %mul3A_347 : i32
        %add3A_349 = arith.constant 4 : i32
        %add3A_350 = arith.addi %add3A_348, %add3A_349 : i32
        %get3A_351 = arith.index_cast %add3A_350 : i32 to index
        %get3A_352 = arith.constant 0 : index
        %get3A_353 = tpu.vector_load %arg13[%get3A_351, %get3A_352] {strides = array<i32>} : memref<256x64xi32, #tpu.memory_space<vmem>>, vector<16xi32>,
        %bitcast3A_354 = vector.bitcast %get3A_353 : vector<16xi32> to vector<32xbf16>
        %get3A_355 = arith.index_cast %add3A_350 : i32 to index
        %get3A_356 = arith.constant 16 : index
        %get3A_357 = tpu.vector_load %arg13[%get3A_355, %get3A_356] {strides = array<i32>} : memref<256x64xi32, #tpu.memory_space<vmem>>, vector<16xi32>,
        %bitcast3A_358 = vector.bitcast %get3A_357 : vector<16xi32> to vector<32xbf16>
        %get3A_359 = arith.index_cast %add3A_350 : i32 to index
        %get3A_360 = arith.constant 32 : index
        %get3A_361 = tpu.vector_load %arg13[%get3A_359, %get3A_360] {strides = array<i32>} : memref<256x64xi32, #tpu.memory_space<vmem>>, vector<16xi32>,
        %bitcast3A_362 = vector.bitcast %get3A_361 : vector<16xi32> to vector<32xbf16>
        %get3A_363 = arith.index_cast %add3A_350 : i32 to index
        %get3A_364 = arith.constant 48 : index
        %get3A_365 = tpu.vector_load %arg13[%get3A_363, %get3A_364] {strides = array<i32>} : memref<256x64xi32, #tpu.memory_space<vmem>>, vector<16xi32>,
        %bitcast3A_366 = vector.bitcast %get3A_365 : vector<16xi32> to vector<32xbf16>
        %get3A_367 = arith.index_cast %squeeze3A_345 : i32 to index
        %get3A_368 = arith.constant 0 : index
        %get3A_369 = tpu.vector_load %arg14[%get3A_367, %get3A_368] {strides = array<i32>} : memref<321x128xbf16, #tpu.memory_space<vmem>>, vector<32xbf16>,
        %get3A_370 = arith.index_cast %squeeze3A_345 : i32 to index
        %get3A_371 = arith.constant 32 : index
        %get3A_372 = tpu.vector_load %arg14[%get3A_370, %get3A_371] {strides = array<i32>} : memref<321x128xbf16, #tpu.memory_space<vmem>>, vector<32xbf16>,
        %get3A_373 = arith.index_cast %squeeze3A_345 : i32 to index
        %get3A_374 = arith.constant 64 : index
        %get3A_375 = tpu.vector_load %arg14[%get3A_373, %get3A_374] {strides = array<i32>} : memref<321x128xbf16, #tpu.memory_space<vmem>>, vector<32xbf16>,
        %get3A_376 = arith.index_cast %squeeze3A_345 : i32 to index
        %get3A_377 = arith.constant 96 : index
        %get3A_378 = tpu.vector_load %arg14[%get3A_376, %get3A_377] {strides = array<i32>} : memref<321x128xbf16, #tpu.memory_space<vmem>>, vector<32xbf16>,
        %max3A_379 = arith.maximumf %get3A_369, %bitcast3A_354 : vector<32xbf16>
        %swap3A_380 = arith.index_cast %squeeze3A_345 : i32 to index
        %swap3A_381 = arith.constant 0 : index
        %swap3A_382 = tpu.vector_load %arg14[%swap3A_380, %swap3A_381] {strides = array<i32>} : memref<321x128xbf16, #tpu.memory_space<vmem>>, vector<32xbf16>,
        tpu.vector_store %arg14[%swap3A_380, %swap3A_381], %max3A_379 {strides = array<i32>} : memref<321x128xbf16, #tpu.memory_space<vmem>>, vector<32xbf16>,
        %max3A_383 = arith.maximumf %get3A_372, %bitcast3A_358 : vector<32xbf16>
        %swap3A_384 = arith.index_cast %squeeze3A_345 : i32 to index
        %swap3A_385 = arith.constant 32 : index
        %swap3A_386 = tpu.vector_load %arg14[%swap3A_384, %swap3A_385] {strides = array<i32>} : memref<321x128xbf16, #tpu.memory_space<vmem>>, vector<32xbf16>,
        tpu.vector_store %arg14[%swap3A_384, %swap3A_385], %max3A_383 {strides = array<i32>} : memref<321x128xbf16, #tpu.memory_space<vmem>>, vector<32xbf16>,
        %max3A_387 = arith.maximumf %get3A_375, %bitcast3A_362 : vector<32xbf16>
        %swap3A_388 = arith.index_cast %squeeze3A_345 : i32 to index
        %swap3A_389 = arith.constant 64 : index
        %swap3A_390 = tpu.vector_load %arg14[%swap3A_388, %swap3A_389] {strides = array<i32>} : memref<321x128xbf16, #tpu.memory_space<vmem>>, vector<32xbf16>,
        tpu.vector_store %arg14[%swap3A_388, %swap3A_389], %max3A_387 {strides = array<i32>} : memref<321x128xbf16, #tpu.memory_space<vmem>>, vector<32xbf16>,
        %max3A_391 = arith.maximumf %get3A_378, %bitcast3A_366 : vector<32xbf16>
        %swap3A_392 = arith.index_cast %squeeze3A_345 : i32 to index
        %swap3A_393 = arith.constant 96 : index
        %swap3A_394 = tpu.vector_load %arg14[%swap3A_392, %swap3A_393] {strides = array<i32>} : memref<321x128xbf16, #tpu.memory_space<vmem>>, vector<32xbf16>,
        tpu.vector_store %arg14[%swap3A_392, %swap3A_393], %max3A_391 {strides = array<i32>} : memref<321x128xbf16, #tpu.memory_space<vmem>>, vector<32xbf16>,
        %slice3A_395 = vector.extract_strided_slice %get3A_142 {offsets = [5], sizes = [1], strides = [1]} : vector<16xi32> to vector<1xi32>
        %squeeze3A_396 = vector.extract %slice3A_395[0] : i32 from vector<1xi32>
        %mul3A_397 = arith.constant 16 : i32
        %mul3A_398 = arith.muli %scan3A_138, %mul3A_397 : i32
        %add3A_399 = arith.addi %mul3A_126, %mul3A_398 : i32
        %add3A_400 = arith.constant 5 : i32
        %add3A_401 = arith.addi %add3A_399, %add3A_400 : i32
        %get3A_402 = arith.index_cast %add3A_401 : i32 to index
        %get3A_403 = arith.constant 0 : index
        %get3A_404 = tpu.vector_load %arg13[%get3A_402, %get3A_403] {strides = array<i32>} : memref<256x64xi32, #tpu.memory_space<vmem>>, vector<16xi32>,
        %bitcast3A_405 = vector.bitcast %get3A_404 : vector<16xi32> to vector<32xbf16>
        %get3A_406 = arith.index_cast %add3A_401 : i32 to index
        %get3A_407 = arith.constant 16 : index
        %get3A_408 = tpu.vector_load %arg13[%get3A_406, %get3A_407] {strides = array<i32>} : memref<256x64xi32, #tpu.memory_space<vmem>>, vector<16xi32>,
        %bitcast3A_409 = vector.bitcast %get3A_408 : vector<16xi32> to vector<32xbf16>
        %get3A_410 = arith.index_cast %add3A_401 : i32 to index
        %get3A_411 = arith.constant 32 : index
        %get3A_412 = tpu.vector_load %arg13[%get3A_410, %get3A_411] {strides = array<i32>} : memref<256x64xi32, #tpu.memory_space<vmem>>, vector<16xi32>,
        %bitcast3A_413 = vector.bitcast %get3A_412 : vector<16xi32> to vector<32xbf16>
        %get3A_414 = arith.index_cast %add3A_401 : i32 to index
        %get3A_415 = arith.constant 48 : index
        %get3A_416 = tpu.vector_load %arg13[%get3A_414, %get3A_415] {strides = array<i32>} : memref<256x64xi32, #tpu.memory_space<vmem>>, vector<16xi32>,
        %bitcast3A_417 = vector.bitcast %get3A_416 : vector<16xi32> to vector<32xbf16>
        %get3A_418 = arith.index_cast %squeeze3A_396 : i32 to index
        %get3A_419 = arith.constant 0 : index
        %get3A_420 = tpu.vector_load %arg14[%get3A_418, %get3A_419] {strides = array<i32>} : memref<321x128xbf16, #tpu.memory_space<vmem>>, vector<32xbf16>,
        %get3A_421 = arith.index_cast %squeeze3A_396 : i32 to index
        %get3A_422 = arith.constant 32 : index
        %get3A_423 = tpu.vector_load %arg14[%get3A_421, %get3A_422] {strides = array<i32>} : memref<321x128xbf16, #tpu.memory_space<vmem>>, vector<32xbf16>,
        %get3A_424 = arith.index_cast %squeeze3A_396 : i32 to index
        %get3A_425 = arith.constant 64 : index
        %get3A_426 = tpu.vector_load %arg14[%get3A_424, %get3A_425] {strides = array<i32>} : memref<321x128xbf16, #tpu.memory_space<vmem>>, vector<32xbf16>,
        %get3A_427 = arith.index_cast %squeeze3A_396 : i32 to index
        %get3A_428 = arith.constant 96 : index
        %get3A_429 = tpu.vector_load %arg14[%get3A_427, %get3A_428] {strides = array<i32>} : memref<321x128xbf16, #tpu.memory_space<vmem>>, vector<32xbf16>,
        %max3A_430 = arith.maximumf %get3A_420, %bitcast3A_405 : vector<32xbf16>
        %swap3A_431 = arith.index_cast %squeeze3A_396 : i32 to index
        %swap3A_432 = arith.constant 0 : index
        %swap3A_433 = tpu.vector_load %arg14[%swap3A_431, %swap3A_432] {strides = array<i32>} : memref<321x128xbf16, #tpu.memory_space<vmem>>, vector<32xbf16>,
        tpu.vector_store %arg14[%swap3A_431, %swap3A_432], %max3A_430 {strides = array<i32>} : memref<321x128xbf16, #tpu.memory_space<vmem>>, vector<32xbf16>,
        %max3A_434 = arith.maximumf %get3A_423, %bitcast3A_409 : vector<32xbf16>
        %swap3A_435 = arith.index_cast %squeeze3A_396 : i32 to index
        %swap3A_436 = arith.constant 32 : index
        %swap3A_437 = tpu.vector_load %arg14[%swap3A_435, %swap3A_436] {strides = array<i32>} : memref<321x128xbf16, #tpu.memory_space<vmem>>, vector<32xbf16>,
        tpu.vector_store %arg14[%swap3A_435, %swap3A_436], %max3A_434 {strides = array<i32>} : memref<321x128xbf16, #tpu.memory_space<vmem>>, vector<32xbf16>,
        %max3A_438 = arith.maximumf %get3A_426, %bitcast3A_413 : vector<32xbf16>
        %swap3A_439 = arith.index_cast %squeeze3A_396 : i32 to index
        %swap3A_440 = arith.constant 64 : index
        %swap3A_441 = tpu.vector_load %arg14[%swap3A_439, %swap3A_440] {strides = array<i32>} : memref<321x128xbf16, #tpu.memory_space<vmem>>, vector<32xbf16>,
        tpu.vector_store %arg14[%swap3A_439, %swap3A_440], %max3A_438 {strides = array<i32>} : memref<321x128xbf16, #tpu.memory_space<vmem>>, vector<32xbf16>,
        %max3A_442 = arith.maximumf %get3A_429, %bitcast3A_417 : vector<32xbf16>
        %swap3A_443 = arith.index_cast %squeeze3A_396 : i32 to index
        %swap3A_444 = arith.constant 96 : index
        %swap3A_445 = tpu.vector_load %arg14[%swap3A_443, %swap3A_444] {strides = array<i32>} : memref<321x128xbf16, #tpu.memory_space<vmem>>, vector<32xbf16>,
        tpu.vector_store %arg14[%swap3A_443, %swap3A_444], %max3A_442 {strides = array<i32>} : memref<321x128xbf16, #tpu.memory_space<vmem>>, vector<32xbf16>,
        %slice3A_446 = vector.extract_strided_slice %get3A_142 {offsets = [6], sizes = [1], strides = [1]} : vector<16xi32> to vector<1xi32>
        %squeeze3A_447 = vector.extract %slice3A_446[0] : i32 from vector<1xi32>
        %mul3A_448 = arith.constant 16 : i32
        %mul3A_449 = arith.muli %scan3A_138, %mul3A_448 : i32
        %add3A_450 = arith.addi %mul3A_126, %mul3A_449 : i32
        %add3A_451 = arith.constant 6 : i32
        %add3A_452 = arith.addi %add3A_450, %add3A_451 : i32
        %get3A_453 = arith.index_cast %add3A_452 : i32 to index
        %get3A_454 = arith.constant 0 : index
        %get3A_455 = tpu.vector_load %arg13[%get3A_453, %get3A_454] {strides = array<i32>} : memref<256x64xi32, #tpu.memory_space<vmem>>, vector<16xi32>,
        %bitcast3A_456 = vector.bitcast %get3A_455 : vector<16xi32> to vector<32xbf16>
        %get3A_457 = arith.index_cast %add3A_452 : i32 to index
        %get3A_458 = arith.constant 16 : index
        %get3A_459 = tpu.vector_load %arg13[%get3A_457, %get3A_458] {strides = array<i32>} : memref<256x64xi32, #tpu.memory_space<vmem>>, vector<16xi32>,
        %bitcast3A_460 = vector.bitcast %get3A_459 : vector<16xi32> to vector<32xbf16>
        %get3A_461 = arith.index_cast %add3A_452 : i32 to index
        %get3A_462 = arith.constant 32 : index
        %get3A_463 = tpu.vector_load %arg13[%get3A_461, %get3A_462] {strides = array<i32>} : memref<256x64xi32, #tpu.memory_space<vmem>>, vector<16xi32>,
        %bitcast3A_464 = vector.bitcast %get3A_463 : vector<16xi32> to vector<32xbf16>
        %get3A_465 = arith.index_cast %add3A_452 : i32 to index
        %get3A_466 = arith.constant 48 : index
        %get3A_467 = tpu.vector_load %arg13[%get3A_465, %get3A_466] {strides = array<i32>} : memref<256x64xi32, #tpu.memory_space<vmem>>, vector<16xi32>,
        %bitcast3A_468 = vector.bitcast %get3A_467 : vector<16xi32> to vector<32xbf16>
        %get3A_469 = arith.index_cast %squeeze3A_447 : i32 to index
        %get3A_470 = arith.constant 0 : index
        %get3A_471 = tpu.vector_load %arg14[%get3A_469, %get3A_470] {strides = array<i32>} : memref<321x128xbf16, #tpu.memory_space<vmem>>, vector<32xbf16>,
        %get3A_472 = arith.index_cast %squeeze3A_447 : i32 to index
        %get3A_473 = arith.constant 32 : index
        %get3A_474 = tpu.vector_load %arg14[%get3A_472, %get3A_473] {strides = array<i32>} : memref<321x128xbf16, #tpu.memory_space<vmem>>, vector<32xbf16>,
        %get3A_475 = arith.index_cast %squeeze3A_447 : i32 to index
        %get3A_476 = arith.constant 64 : index
        %get3A_477 = tpu.vector_load %arg14[%get3A_475, %get3A_476] {strides = array<i32>} : memref<321x128xbf16, #tpu.memory_space<vmem>>, vector<32xbf16>,
        %get3A_478 = arith.index_cast %squeeze3A_447 : i32 to index
        %get3A_479 = arith.constant 96 : index
        %get3A_480 = tpu.vector_load %arg14[%get3A_478, %get3A_479] {strides = array<i32>} : memref<321x128xbf16, #tpu.memory_space<vmem>>, vector<32xbf16>,
        %max3A_481 = arith.maximumf %get3A_471, %bitcast3A_456 : vector<32xbf16>
        %swap3A_482 = arith.index_cast %squeeze3A_447 : i32 to index
        %swap3A_483 = arith.constant 0 : index
        %swap3A_484 = tpu.vector_load %arg14[%swap3A_482, %swap3A_483] {strides = array<i32>} : memref<321x128xbf16, #tpu.memory_space<vmem>>, vector<32xbf16>,
        tpu.vector_store %arg14[%swap3A_482, %swap3A_483], %max3A_481 {strides = array<i32>} : memref<321x128xbf16, #tpu.memory_space<vmem>>, vector<32xbf16>,
        %max3A_485 = arith.maximumf %get3A_474, %bitcast3A_460 : vector<32xbf16>
        %swap3A_486 = arith.index_cast %squeeze3A_447 : i32 to index
        %swap3A_487 = arith.constant 32 : index
        %swap3A_488 = tpu.vector_load %arg14[%swap3A_486, %swap3A_487] {strides = array<i32>} : memref<321x128xbf16, #tpu.memory_space<vmem>>, vector<32xbf16>,
        tpu.vector_store %arg14[%swap3A_486, %swap3A_487], %max3A_485 {strides = array<i32>} : memref<321x128xbf16, #tpu.memory_space<vmem>>, vector<32xbf16>,
        %max3A_489 = arith.maximumf %get3A_477, %bitcast3A_464 : vector<32xbf16>
        %swap3A_490 = arith.index_cast %squeeze3A_447 : i32 to index
        %swap3A_491 = arith.constant 64 : index
        %swap3A_492 = tpu.vector_load %arg14[%swap3A_490, %swap3A_491] {strides = array<i32>} : memref<321x128xbf16, #tpu.memory_space<vmem>>, vector<32xbf16>,
        tpu.vector_store %arg14[%swap3A_490, %swap3A_491], %max3A_489 {strides = array<i32>} : memref<321x128xbf16, #tpu.memory_space<vmem>>, vector<32xbf16>,
        %max3A_493 = arith.maximumf %get3A_480, %bitcast3A_468 : vector<32xbf16>
        %swap3A_494 = arith.index_cast %squeeze3A_447 : i32 to index
        %swap3A_495 = arith.constant 96 : index
        %swap3A_496 = tpu.vector_load %arg14[%swap3A_494, %swap3A_495] {strides = array<i32>} : memref<321x128xbf16, #tpu.memory_space<vmem>>, vector<32xbf16>,
        tpu.vector_store %arg14[%swap3A_494, %swap3A_495], %max3A_493 {strides = array<i32>} : memref<321x128xbf16, #tpu.memory_space<vmem>>, vector<32xbf16>,
        %slice3A_497 = vector.extract_strided_slice %get3A_142 {offsets = [7], sizes = [1], strides = [1]} : vector<16xi32> to vector<1xi32>
        %squeeze3A_498 = vector.extract %slice3A_497[0] : i32 from vector<1xi32>
        %mul3A_499 = arith.constant 16 : i32
        %mul3A_500 = arith.muli %scan3A_138, %mul3A_499 : i32
        %add3A_501 = arith.addi %mul3A_126, %mul3A_500 : i32
        %add3A_502 = arith.constant 7 : i32
        %add3A_503 = arith.addi %add3A_501, %add3A_502 : i32
        %get3A_504 = arith.index_cast %add3A_503 : i32 to index
        %get3A_505 = arith.constant 0 : index
        %get3A_506 = tpu.vector_load %arg13[%get3A_504, %get3A_505] {strides = array<i32>} : memref<256x64xi32, #tpu.memory_space<vmem>>, vector<16xi32>,
        %bitcast3A_507 = vector.bitcast %get3A_506 : vector<16xi32> to vector<32xbf16>
        %get3A_508 = arith.index_cast %add3A_503 : i32 to index
        %get3A_509 = arith.constant 16 : index
        %get3A_510 = tpu.vector_load %arg13[%get3A_508, %get3A_509] {strides = array<i32>} : memref<256x64xi32, #tpu.memory_space<vmem>>, vector<16xi32>,
        %bitcast3A_511 = vector.bitcast %get3A_510 : vector<16xi32> to vector<32xbf16>
        %get3A_512 = arith.index_cast %add3A_503 : i32 to index
        %get3A_513 = arith.constant 32 : index
        %get3A_514 = tpu.vector_load %arg13[%get3A_512, %get3A_513] {strides = array<i32>} : memref<256x64xi32, #tpu.memory_space<vmem>>, vector<16xi32>,
        %bitcast3A_515 = vector.bitcast %get3A_514 : vector<16xi32> to vector<32xbf16>
        %get3A_516 = arith.index_cast %add3A_503 : i32 to index
        %get3A_517 = arith.constant 48 : index
        %get3A_518 = tpu.vector_load %arg13[%get3A_516, %get3A_517] {strides = array<i32>} : memref<256x64xi32, #tpu.memory_space<vmem>>, vector<16xi32>,
        %bitcast3A_519 = vector.bitcast %get3A_518 : vector<16xi32> to vector<32xbf16>
        %get3A_520 = arith.index_cast %squeeze3A_498 : i32 to index
        %get3A_521 = arith.constant 0 : index
        %get3A_522 = tpu.vector_load %arg14[%get3A_520, %get3A_521] {strides = array<i32>} : memref<321x128xbf16, #tpu.memory_space<vmem>>, vector<32xbf16>,
        %get3A_523 = arith.index_cast %squeeze3A_498 : i32 to index
        %get3A_524 = arith.constant 32 : index
        %get3A_525 = tpu.vector_load %arg14[%get3A_523, %get3A_524] {strides = array<i32>} : memref<321x128xbf16, #tpu.memory_space<vmem>>, vector<32xbf16>,
        %get3A_526 = arith.index_cast %squeeze3A_498 : i32 to index
        %get3A_527 = arith.constant 64 : index
        %get3A_528 = tpu.vector_load %arg14[%get3A_526, %get3A_527] {strides = array<i32>} : memref<321x128xbf16, #tpu.memory_space<vmem>>, vector<32xbf16>,
        %get3A_529 = arith.index_cast %squeeze3A_498 : i32 to index
        %get3A_530 = arith.constant 96 : index
        %get3A_531 = tpu.vector_load %arg14[%get3A_529, %get3A_530] {strides = array<i32>} : memref<321x128xbf16, #tpu.memory_space<vmem>>, vector<32xbf16>,
        %max3A_532 = arith.maximumf %get3A_522, %bitcast3A_507 : vector<32xbf16>
        %swap3A_533 = arith.index_cast %squeeze3A_498 : i32 to index
        %swap3A_534 = arith.constant 0 : index
        %swap3A_535 = tpu.vector_load %arg14[%swap3A_533, %swap3A_534] {strides = array<i32>} : memref<321x128xbf16, #tpu.memory_space<vmem>>, vector<32xbf16>,
        tpu.vector_store %arg14[%swap3A_533, %swap3A_534], %max3A_532 {strides = array<i32>} : memref<321x128xbf16, #tpu.memory_space<vmem>>, vector<32xbf16>,
        %max3A_536 = arith.maximumf %get3A_525, %bitcast3A_511 : vector<32xbf16>
        %swap3A_537 = arith.index_cast %squeeze3A_498 : i32 to index
        %swap3A_538 = arith.constant 32 : index
        %swap3A_539 = tpu.vector_load %arg14[%swap3A_537, %swap3A_538] {strides = array<i32>} : memref<321x128xbf16, #tpu.memory_space<vmem>>, vector<32xbf16>,
        tpu.vector_store %arg14[%swap3A_537, %swap3A_538], %max3A_536 {strides = array<i32>} : memref<321x128xbf16, #tpu.memory_space<vmem>>, vector<32xbf16>,
        %max3A_540 = arith.maximumf %get3A_528, %bitcast3A_515 : vector<32xbf16>
        %swap3A_541 = arith.index_cast %squeeze3A_498 : i32 to index
        %swap3A_542 = arith.constant 64 : index
        %swap3A_543 = tpu.vector_load %arg14[%swap3A_541, %swap3A_542] {strides = array<i32>} : memref<321x128xbf16, #tpu.memory_space<vmem>>, vector<32xbf16>,
        tpu.vector_store %arg14[%swap3A_541, %swap3A_542], %max3A_540 {strides = array<i32>} : memref<321x128xbf16, #tpu.memory_space<vmem>>, vector<32xbf16>,
        %max3A_544 = arith.maximumf %get3A_531, %bitcast3A_519 : vector<32xbf16>
        %swap3A_545 = arith.index_cast %squeeze3A_498 : i32 to index
        %swap3A_546 = arith.constant 96 : index
        %swap3A_547 = tpu.vector_load %arg14[%swap3A_545, %swap3A_546] {strides = array<i32>} : memref<321x128xbf16, #tpu.memory_space<vmem>>, vector<32xbf16>,
        tpu.vector_store %arg14[%swap3A_545, %swap3A_546], %max3A_544 {strides = array<i32>} : memref<321x128xbf16, #tpu.memory_space<vmem>>, vector<32xbf16>,
        %slice3A_548 = vector.extract_strided_slice %get3A_142 {offsets = [8], sizes = [1], strides = [1]} : vector<16xi32> to vector<1xi32>
        %squeeze3A_549 = vector.extract %slice3A_548[0] : i32 from vector<1xi32>
        %mul3A_550 = arith.constant 16 : i32
        %mul3A_551 = arith.muli %scan3A_138, %mul3A_550 : i32
        %add3A_552 = arith.addi %mul3A_126, %mul3A_551 : i32
        %add3A_553 = arith.constant 8 : i32
        %add3A_554 = arith.addi %add3A_552, %add3A_553 : i32
        %get3A_555 = arith.index_cast %add3A_554 : i32 to index
        %get3A_556 = arith.constant 0 : index
        %get3A_557 = tpu.vector_load %arg13[%get3A_555, %get3A_556] {strides = array<i32>} : memref<256x64xi32, #tpu.memory_space<vmem>>, vector<16xi32>,
        %bitcast3A_558 = vector.bitcast %get3A_557 : vector<16xi32> to vector<32xbf16>
        %get3A_559 = arith.index_cast %add3A_554 : i32 to index
        %get3A_560 = arith.constant 16 : index
        %get3A_561 = tpu.vector_load %arg13[%get3A_559, %get3A_560] {strides = array<i32>} : memref<256x64xi32, #tpu.memory_space<vmem>>, vector<16xi32>,
        %bitcast3A_562 = vector.bitcast %get3A_561 : vector<16xi32> to vector<32xbf16>
        %get3A_563 = arith.index_cast %add3A_554 : i32 to index
        %get3A_564 = arith.constant 32 : index
        %get3A_565 = tpu.vector_load %arg13[%get3A_563, %get3A_564] {strides = array<i32>} : memref<256x64xi32, #tpu.memory_space<vmem>>, vector<16xi32>,
        %bitcast3A_566 = vector.bitcast %get3A_565 : vector<16xi32> to vector<32xbf16>
        %get3A_567 = arith.index_cast %add3A_554 : i32 to index
        %get3A_568 = arith.constant 48 : index
        %get3A_569 = tpu.vector_load %arg13[%get3A_567, %get3A_568] {strides = array<i32>} : memref<256x64xi32, #tpu.memory_space<vmem>>, vector<16xi32>,
        %bitcast3A_570 = vector.bitcast %get3A_569 : vector<16xi32> to vector<32xbf16>
        %get3A_571 = arith.index_cast %squeeze3A_549 : i32 to index
        %get3A_572 = arith.constant 0 : index
        %get3A_573 = tpu.vector_load %arg14[%get3A_571, %get3A_572] {strides = array<i32>} : memref<321x128xbf16, #tpu.memory_space<vmem>>, vector<32xbf16>,
        %get3A_574 = arith.index_cast %squeeze3A_549 : i32 to index
        %get3A_575 = arith.constant 32 : index
        %get3A_576 = tpu.vector_load %arg14[%get3A_574, %get3A_575] {strides = array<i32>} : memref<321x128xbf16, #tpu.memory_space<vmem>>, vector<32xbf16>,
        %get3A_577 = arith.index_cast %squeeze3A_549 : i32 to index
        %get3A_578 = arith.constant 64 : index
        %get3A_579 = tpu.vector_load %arg14[%get3A_577, %get3A_578] {strides = array<i32>} : memref<321x128xbf16, #tpu.memory_space<vmem>>, vector<32xbf16>,
        %get3A_580 = arith.index_cast %squeeze3A_549 : i32 to index
        %get3A_581 = arith.constant 96 : index
        %get3A_582 = tpu.vector_load %arg14[%get3A_580, %get3A_581] {strides = array<i32>} : memref<321x128xbf16, #tpu.memory_space<vmem>>, vector<32xbf16>,
        %max3A_583 = arith.maximumf %get3A_573, %bitcast3A_558 : vector<32xbf16>
        %swap3A_584 = arith.index_cast %squeeze3A_549 : i32 to index
        %swap3A_585 = arith.constant 0 : index
        %swap3A_586 = tpu.vector_load %arg14[%swap3A_584, %swap3A_585] {strides = array<i32>} : memref<321x128xbf16, #tpu.memory_space<vmem>>, vector<32xbf16>,
        tpu.vector_store %arg14[%swap3A_584, %swap3A_585], %max3A_583 {strides = array<i32>} : memref<321x128xbf16, #tpu.memory_space<vmem>>, vector<32xbf16>,
        %max3A_587 = arith.maximumf %get3A_576, %bitcast3A_562 : vector<32xbf16>
        %swap3A_588 = arith.index_cast %squeeze3A_549 : i32 to index
        %swap3A_589 = arith.constant 32 : index
        %swap3A_590 = tpu.vector_load %arg14[%swap3A_588, %swap3A_589] {strides = array<i32>} : memref<321x128xbf16, #tpu.memory_space<vmem>>, vector<32xbf16>,
        tpu.vector_store %arg14[%swap3A_588, %swap3A_589], %max3A_587 {strides = array<i32>} : memref<321x128xbf16, #tpu.memory_space<vmem>>, vector<32xbf16>,
        %max3A_591 = arith.maximumf %get3A_579, %bitcast3A_566 : vector<32xbf16>
        %swap3A_592 = arith.index_cast %squeeze3A_549 : i32 to index
        %swap3A_593 = arith.constant 64 : index
        %swap3A_594 = tpu.vector_load %arg14[%swap3A_592, %swap3A_593] {strides = array<i32>} : memref<321x128xbf16, #tpu.memory_space<vmem>>, vector<32xbf16>,
        tpu.vector_store %arg14[%swap3A_592, %swap3A_593], %max3A_591 {strides = array<i32>} : memref<321x128xbf16, #tpu.memory_space<vmem>>, vector<32xbf16>,
        %max3A_595 = arith.maximumf %get3A_582, %bitcast3A_570 : vector<32xbf16>
        %swap3A_596 = arith.index_cast %squeeze3A_549 : i32 to index
        %swap3A_597 = arith.constant 96 : index
        %swap3A_598 = tpu.vector_load %arg14[%swap3A_596, %swap3A_597] {strides = array<i32>} : memref<321x128xbf16, #tpu.memory_space<vmem>>, vector<32xbf16>,
        tpu.vector_store %arg14[%swap3A_596, %swap3A_597], %max3A_595 {strides = array<i32>} : memref<321x128xbf16, #tpu.memory_space<vmem>>, vector<32xbf16>,
        %slice3A_599 = vector.extract_strided_slice %get3A_142 {offsets = [9], sizes = [1], strides = [1]} : vector<16xi32> to vector<1xi32>
        %squeeze3A_600 = vector.extract %slice3A_599[0] : i32 from vector<1xi32>
        %mul3A_601 = arith.constant 16 : i32
        %mul3A_602 = arith.muli %scan3A_138, %mul3A_601 : i32
        %add3A_603 = arith.addi %mul3A_126, %mul3A_602 : i32
        %add3A_604 = arith.constant 9 : i32
        %add3A_605 = arith.addi %add3A_603, %add3A_604 : i32
        %get3A_606 = arith.index_cast %add3A_605 : i32 to index
        %get3A_607 = arith.constant 0 : index
        %get3A_608 = tpu.vector_load %arg13[%get3A_606, %get3A_607] {strides = array<i32>} : memref<256x64xi32, #tpu.memory_space<vmem>>, vector<16xi32>,
        %bitcast3A_609 = vector.bitcast %get3A_608 : vector<16xi32> to vector<32xbf16>
        %get3A_610 = arith.index_cast %add3A_605 : i32 to index
        %get3A_611 = arith.constant 16 : index
        %get3A_612 = tpu.vector_load %arg13[%get3A_610, %get3A_611] {strides = array<i32>} : memref<256x64xi32, #tpu.memory_space<vmem>>, vector<16xi32>,
        %bitcast3A_613 = vector.bitcast %get3A_612 : vector<16xi32> to vector<32xbf16>
        %get3A_614 = arith.index_cast %add3A_605 : i32 to index
        %get3A_615 = arith.constant 32 : index
        %get3A_616 = tpu.vector_load %arg13[%get3A_614, %get3A_615] {strides = array<i32>} : memref<256x64xi32, #tpu.memory_space<vmem>>, vector<16xi32>,
        %bitcast3A_617 = vector.bitcast %get3A_616 : vector<16xi32> to vector<32xbf16>
        %get3A_618 = arith.index_cast %add3A_605 : i32 to index
        %get3A_619 = arith.constant 48 : index
        %get3A_620 = tpu.vector_load %arg13[%get3A_618, %get3A_619] {strides = array<i32>} : memref<256x64xi32, #tpu.memory_space<vmem>>, vector<16xi32>,
        %bitcast3A_621 = vector.bitcast %get3A_620 : vector<16xi32> to vector<32xbf16>
        %get3A_622 = arith.index_cast %squeeze3A_600 : i32 to index
        %get3A_623 = arith.constant 0 : index
        %get3A_624 = tpu.vector_load %arg14[%get3A_622, %get3A_623] {strides = array<i32>} : memref<321x128xbf16, #tpu.memory_space<vmem>>, vector<32xbf16>,
        %get3A_625 = arith.index_cast %squeeze3A_600 : i32 to index
        %get3A_626 = arith.constant 32 : index
        %get3A_627 = tpu.vector_load %arg14[%get3A_625, %get3A_626] {strides = array<i32>} : memref<321x128xbf16, #tpu.memory_space<vmem>>, vector<32xbf16>,
        %get3A_628 = arith.index_cast %squeeze3A_600 : i32 to index
        %get3A_629 = arith.constant 64 : index
        %get3A_630 = tpu.vector_load %arg14[%get3A_628, %get3A_629] {strides = array<i32>} : memref<321x128xbf16, #tpu.memory_space<vmem>>, vector<32xbf16>,
        %get3A_631 = arith.index_cast %squeeze3A_600 : i32 to index
        %get3A_632 = arith.constant 96 : index
        %get3A_633 = tpu.vector_load %arg14[%get3A_631, %get3A_632] {strides = array<i32>} : memref<321x128xbf16, #tpu.memory_space<vmem>>, vector<32xbf16>,
        %max3A_634 = arith.maximumf %get3A_624, %bitcast3A_609 : vector<32xbf16>
        %swap3A_635 = arith.index_cast %squeeze3A_600 : i32 to index
        %swap3A_636 = arith.constant 0 : index
        %swap3A_637 = tpu.vector_load %arg14[%swap3A_635, %swap3A_636] {strides = array<i32>} : memref<321x128xbf16, #tpu.memory_space<vmem>>, vector<32xbf16>,
        tpu.vector_store %arg14[%swap3A_635, %swap3A_636], %max3A_634 {strides = array<i32>} : memref<321x128xbf16, #tpu.memory_space<vmem>>, vector<32xbf16>,
        %max3A_638 = arith.maximumf %get3A_627, %bitcast3A_613 : vector<32xbf16>
        %swap3A_639 = arith.index_cast %squeeze3A_600 : i32 to index
        %swap3A_640 = arith.constant 32 : index
        %swap3A_641 = tpu.vector_load %arg14[%swap3A_639, %swap3A_640] {strides = array<i32>} : memref<321x128xbf16, #tpu.memory_space<vmem>>, vector<32xbf16>,
        tpu.vector_store %arg14[%swap3A_639, %swap3A_640], %max3A_638 {strides = array<i32>} : memref<321x128xbf16, #tpu.memory_space<vmem>>, vector<32xbf16>,
        %max3A_642 = arith.maximumf %get3A_630, %bitcast3A_617 : vector<32xbf16>
        %swap3A_643 = arith.index_cast %squeeze3A_600 : i32 to index
        %swap3A_644 = arith.constant 64 : index
        %swap3A_645 = tpu.vector_load %arg14[%swap3A_643, %swap3A_644] {strides = array<i32>} : memref<321x128xbf16, #tpu.memory_space<vmem>>, vector<32xbf16>,
        tpu.vector_store %arg14[%swap3A_643, %swap3A_644], %max3A_642 {strides = array<i32>} : memref<321x128xbf16, #tpu.memory_space<vmem>>, vector<32xbf16>,
        %max3A_646 = arith.maximumf %get3A_633, %bitcast3A_621 : vector<32xbf16>
        %swap3A_647 = arith.index_cast %squeeze3A_600 : i32 to index
        %swap3A_648 = arith.constant 96 : index
        %swap3A_649 = tpu.vector_load %arg14[%swap3A_647, %swap3A_648] {strides = array<i32>} : memref<321x128xbf16, #tpu.memory_space<vmem>>, vector<32xbf16>,
        tpu.vector_store %arg14[%swap3A_647, %swap3A_648], %max3A_646 {strides = array<i32>} : memref<321x128xbf16, #tpu.memory_space<vmem>>, vector<32xbf16>,
        %slice3A_650 = vector.extract_strided_slice %get3A_142 {offsets = [10], sizes = [1], strides = [1]} : vector<16xi32> to vector<1xi32>
        %squeeze3A_651 = vector.extract %slice3A_650[0] : i32 from vector<1xi32>
        %mul3A_652 = arith.constant 16 : i32
        %mul3A_653 = arith.muli %scan3A_138, %mul3A_652 : i32
        %add3A_654 = arith.addi %mul3A_126, %mul3A_653 : i32
        %add3A_655 = arith.constant 10 : i32
        %add3A_656 = arith.addi %add3A_654, %add3A_655 : i32
        %get3A_657 = arith.index_cast %add3A_656 : i32 to index
        %get3A_658 = arith.constant 0 : index
        %get3A_659 = tpu.vector_load %arg13[%get3A_657, %get3A_658] {strides = array<i32>} : memref<256x64xi32, #tpu.memory_space<vmem>>, vector<16xi32>,
        %bitcast3A_660 = vector.bitcast %get3A_659 : vector<16xi32> to vector<32xbf16>
        %get3A_661 = arith.index_cast %add3A_656 : i32 to index
        %get3A_662 = arith.constant 16 : index
        %get3A_663 = tpu.vector_load %arg13[%get3A_661, %get3A_662] {strides = array<i32>} : memref<256x64xi32, #tpu.memory_space<vmem>>, vector<16xi32>,
        %bitcast3A_664 = vector.bitcast %get3A_663 : vector<16xi32> to vector<32xbf16>
        %get3A_665 = arith.index_cast %add3A_656 : i32 to index
        %get3A_666 = arith.constant 32 : index
        %get3A_667 = tpu.vector_load %arg13[%get3A_665, %get3A_666] {strides = array<i32>} : memref<256x64xi32, #tpu.memory_space<vmem>>, vector<16xi32>,
        %bitcast3A_668 = vector.bitcast %get3A_667 : vector<16xi32> to vector<32xbf16>
        %get3A_669 = arith.index_cast %add3A_656 : i32 to index
        %get3A_670 = arith.constant 48 : index
        %get3A_671 = tpu.vector_load %arg13[%get3A_669, %get3A_670] {strides = array<i32>} : memref<256x64xi32, #tpu.memory_space<vmem>>, vector<16xi32>,
        %bitcast3A_672 = vector.bitcast %get3A_671 : vector<16xi32> to vector<32xbf16>
        %get3A_673 = arith.index_cast %squeeze3A_651 : i32 to index
        %get3A_674 = arith.constant 0 : index
        %get3A_675 = tpu.vector_load %arg14[%get3A_673, %get3A_674] {strides = array<i32>} : memref<321x128xbf16, #tpu.memory_space<vmem>>, vector<32xbf16>,
        %get3A_676 = arith.index_cast %squeeze3A_651 : i32 to index
        %get3A_677 = arith.constant 32 : index
        %get3A_678 = tpu.vector_load %arg14[%get3A_676, %get3A_677] {strides = array<i32>} : memref<321x128xbf16, #tpu.memory_space<vmem>>, vector<32xbf16>,
        %get3A_679 = arith.index_cast %squeeze3A_651 : i32 to index
        %get3A_680 = arith.constant 64 : index
        %get3A_681 = tpu.vector_load %arg14[%get3A_679, %get3A_680] {strides = array<i32>} : memref<321x128xbf16, #tpu.memory_space<vmem>>, vector<32xbf16>,
        %get3A_682 = arith.index_cast %squeeze3A_651 : i32 to index
        %get3A_683 = arith.constant 96 : index
        %get3A_684 = tpu.vector_load %arg14[%get3A_682, %get3A_683] {strides = array<i32>} : memref<321x128xbf16, #tpu.memory_space<vmem>>, vector<32xbf16>,
        %max3A_685 = arith.maximumf %get3A_675, %bitcast3A_660 : vector<32xbf16>
        %swap3A_686 = arith.index_cast %squeeze3A_651 : i32 to index
        %swap3A_687 = arith.constant 0 : index
        %swap3A_688 = tpu.vector_load %arg14[%swap3A_686, %swap3A_687] {strides = array<i32>} : memref<321x128xbf16, #tpu.memory_space<vmem>>, vector<32xbf16>,
        tpu.vector_store %arg14[%swap3A_686, %swap3A_687], %max3A_685 {strides = array<i32>} : memref<321x128xbf16, #tpu.memory_space<vmem>>, vector<32xbf16>,
        %max3A_689 = arith.maximumf %get3A_678, %bitcast3A_664 : vector<32xbf16>
        %swap3A_690 = arith.index_cast %squeeze3A_651 : i32 to index
        %swap3A_691 = arith.constant 32 : index
        %swap3A_692 = tpu.vector_load %arg14[%swap3A_690, %swap3A_691] {strides = array<i32>} : memref<321x128xbf16, #tpu.memory_space<vmem>>, vector<32xbf16>,
        tpu.vector_store %arg14[%swap3A_690, %swap3A_691], %max3A_689 {strides = array<i32>} : memref<321x128xbf16, #tpu.memory_space<vmem>>, vector<32xbf16>,
        %max3A_693 = arith.maximumf %get3A_681, %bitcast3A_668 : vector<32xbf16>
        %swap3A_694 = arith.index_cast %squeeze3A_651 : i32 to index
        %swap3A_695 = arith.constant 64 : index
        %swap3A_696 = tpu.vector_load %arg14[%swap3A_694, %swap3A_695] {strides = array<i32>} : memref<321x128xbf16, #tpu.memory_space<vmem>>, vector<32xbf16>,
        tpu.vector_store %arg14[%swap3A_694, %swap3A_695], %max3A_693 {strides = array<i32>} : memref<321x128xbf16, #tpu.memory_space<vmem>>, vector<32xbf16>,
        %max3A_697 = arith.maximumf %get3A_684, %bitcast3A_672 : vector<32xbf16>
        %swap3A_698 = arith.index_cast %squeeze3A_651 : i32 to index
        %swap3A_699 = arith.constant 96 : index
        %swap3A_700 = tpu.vector_load %arg14[%swap3A_698, %swap3A_699] {strides = array<i32>} : memref<321x128xbf16, #tpu.memory_space<vmem>>, vector<32xbf16>,
        tpu.vector_store %arg14[%swap3A_698, %swap3A_699], %max3A_697 {strides = array<i32>} : memref<321x128xbf16, #tpu.memory_space<vmem>>, vector<32xbf16>,
        %slice3A_701 = vector.extract_strided_slice %get3A_142 {offsets = [11], sizes = [1], strides = [1]} : vector<16xi32> to vector<1xi32>
        %squeeze3A_702 = vector.extract %slice3A_701[0] : i32 from vector<1xi32>
        %mul3A_703 = arith.constant 16 : i32
        %mul3A_704 = arith.muli %scan3A_138, %mul3A_703 : i32
        %add3A_705 = arith.addi %mul3A_126, %mul3A_704 : i32
        %add3A_706 = arith.constant 11 : i32
        %add3A_707 = arith.addi %add3A_705, %add3A_706 : i32
        %get3A_708 = arith.index_cast %add3A_707 : i32 to index
        %get3A_709 = arith.constant 0 : index
        %get3A_710 = tpu.vector_load %arg13[%get3A_708, %get3A_709] {strides = array<i32>} : memref<256x64xi32, #tpu.memory_space<vmem>>, vector<16xi32>,
        %bitcast3A_711 = vector.bitcast %get3A_710 : vector<16xi32> to vector<32xbf16>
        %get3A_712 = arith.index_cast %add3A_707 : i32 to index
        %get3A_713 = arith.constant 16 : index
        %get3A_714 = tpu.vector_load %arg13[%get3A_712, %get3A_713] {strides = array<i32>} : memref<256x64xi32, #tpu.memory_space<vmem>>, vector<16xi32>,
        %bitcast3A_715 = vector.bitcast %get3A_714 : vector<16xi32> to vector<32xbf16>
        %get3A_716 = arith.index_cast %add3A_707 : i32 to index
        %get3A_717 = arith.constant 32 : index
        %get3A_718 = tpu.vector_load %arg13[%get3A_716, %get3A_717] {strides = array<i32>} : memref<256x64xi32, #tpu.memory_space<vmem>>, vector<16xi32>,
        %bitcast3A_719 = vector.bitcast %get3A_718 : vector<16xi32> to vector<32xbf16>
        %get3A_720 = arith.index_cast %add3A_707 : i32 to index
        %get3A_721 = arith.constant 48 : index
        %get3A_722 = tpu.vector_load %arg13[%get3A_720, %get3A_721] {strides = array<i32>} : memref<256x64xi32, #tpu.memory_space<vmem>>, vector<16xi32>,
        %bitcast3A_723 = vector.bitcast %get3A_722 : vector<16xi32> to vector<32xbf16>
        %get3A_724 = arith.index_cast %squeeze3A_702 : i32 to index
        %get3A_725 = arith.constant 0 : index
        %get3A_726 = tpu.vector_load %arg14[%get3A_724, %get3A_725] {strides = array<i32>} : memref<321x128xbf16, #tpu.memory_space<vmem>>, vector<32xbf16>,
        %get3A_727 = arith.index_cast %squeeze3A_702 : i32 to index
        %get3A_728 = arith.constant 32 : index
        %get3A_729 = tpu.vector_load %arg14[%get3A_727, %get3A_728] {strides = array<i32>} : memref<321x128xbf16, #tpu.memory_space<vmem>>, vector<32xbf16>,
        %get3A_730 = arith.index_cast %squeeze3A_702 : i32 to index
        %get3A_731 = arith.constant 64 : index
        %get3A_732 = tpu.vector_load %arg14[%get3A_730, %get3A_731] {strides = array<i32>} : memref<321x128xbf16, #tpu.memory_space<vmem>>, vector<32xbf16>,
        %get3A_733 = arith.index_cast %squeeze3A_702 : i32 to index
        %get3A_734 = arith.constant 96 : index
        %get3A_735 = tpu.vector_load %arg14[%get3A_733, %get3A_734] {strides = array<i32>} : memref<321x128xbf16, #tpu.memory_space<vmem>>, vector<32xbf16>,
        %max3A_736 = arith.maximumf %get3A_726, %bitcast3A_711 : vector<32xbf16>
        %swap3A_737 = arith.index_cast %squeeze3A_702 : i32 to index
        %swap3A_738 = arith.constant 0 : index
        %swap3A_739 = tpu.vector_load %arg14[%swap3A_737, %swap3A_738] {strides = array<i32>} : memref<321x128xbf16, #tpu.memory_space<vmem>>, vector<32xbf16>,
        tpu.vector_store %arg14[%swap3A_737, %swap3A_738], %max3A_736 {strides = array<i32>} : memref<321x128xbf16, #tpu.memory_space<vmem>>, vector<32xbf16>,
        %max3A_740 = arith.maximumf %get3A_729, %bitcast3A_715 : vector<32xbf16>
        %swap3A_741 = arith.index_cast %squeeze3A_702 : i32 to index
        %swap3A_742 = arith.constant 32 : index
        %swap3A_743 = tpu.vector_load %arg14[%swap3A_741, %swap3A_742] {strides = array<i32>} : memref<321x128xbf16, #tpu.memory_space<vmem>>, vector<32xbf16>,
        tpu.vector_store %arg14[%swap3A_741, %swap3A_742], %max3A_740 {strides = array<i32>} : memref<321x128xbf16, #tpu.memory_space<vmem>>, vector<32xbf16>,
        %max3A_744 = arith.maximumf %get3A_732, %bitcast3A_719 : vector<32xbf16>
        %swap3A_745 = arith.index_cast %squeeze3A_702 : i32 to index
        %swap3A_746 = arith.constant 64 : index
        %swap3A_747 = tpu.vector_load %arg14[%swap3A_745, %swap3A_746] {strides = array<i32>} : memref<321x128xbf16, #tpu.memory_space<vmem>>, vector<32xbf16>,
        tpu.vector_store %arg14[%swap3A_745, %swap3A_746], %max3A_744 {strides = array<i32>} : memref<321x128xbf16, #tpu.memory_space<vmem>>, vector<32xbf16>,
        %max3A_748 = arith.maximumf %get3A_735, %bitcast3A_723 : vector<32xbf16>
        %swap3A_749 = arith.index_cast %squeeze3A_702 : i32 to index
        %swap3A_750 = arith.constant 96 : index
        %swap3A_751 = tpu.vector_load %arg14[%swap3A_749, %swap3A_750] {strides = array<i32>} : memref<321x128xbf16, #tpu.memory_space<vmem>>, vector<32xbf16>,
        tpu.vector_store %arg14[%swap3A_749, %swap3A_750], %max3A_748 {strides = array<i32>} : memref<321x128xbf16, #tpu.memory_space<vmem>>, vector<32xbf16>,
        %slice3A_752 = vector.extract_strided_slice %get3A_142 {offsets = [12], sizes = [1], strides = [1]} : vector<16xi32> to vector<1xi32>
        %squeeze3A_753 = vector.extract %slice3A_752[0] : i32 from vector<1xi32>
        %mul3A_754 = arith.constant 16 : i32
        %mul3A_755 = arith.muli %scan3A_138, %mul3A_754 : i32
        %add3A_756 = arith.addi %mul3A_126, %mul3A_755 : i32
        %add3A_757 = arith.constant 12 : i32
        %add3A_758 = arith.addi %add3A_756, %add3A_757 : i32
        %get3A_759 = arith.index_cast %add3A_758 : i32 to index
        %get3A_760 = arith.constant 0 : index
        %get3A_761 = tpu.vector_load %arg13[%get3A_759, %get3A_760] {strides = array<i32>} : memref<256x64xi32, #tpu.memory_space<vmem>>, vector<16xi32>,
        %bitcast3A_762 = vector.bitcast %get3A_761 : vector<16xi32> to vector<32xbf16>
        %get3A_763 = arith.index_cast %add3A_758 : i32 to index
        %get3A_764 = arith.constant 16 : index
        %get3A_765 = tpu.vector_load %arg13[%get3A_763, %get3A_764] {strides = array<i32>} : memref<256x64xi32, #tpu.memory_space<vmem>>, vector<16xi32>,
        %bitcast3A_766 = vector.bitcast %get3A_765 : vector<16xi32> to vector<32xbf16>
        %get3A_767 = arith.index_cast %add3A_758 : i32 to index
        %get3A_768 = arith.constant 32 : index
        %get3A_769 = tpu.vector_load %arg13[%get3A_767, %get3A_768] {strides = array<i32>} : memref<256x64xi32, #tpu.memory_space<vmem>>, vector<16xi32>,
        %bitcast3A_770 = vector.bitcast %get3A_769 : vector<16xi32> to vector<32xbf16>
        %get3A_771 = arith.index_cast %add3A_758 : i32 to index
        %get3A_772 = arith.constant 48 : index
        %get3A_773 = tpu.vector_load %arg13[%get3A_771, %get3A_772] {strides = array<i32>} : memref<256x64xi32, #tpu.memory_space<vmem>>, vector<16xi32>,
        %bitcast3A_774 = vector.bitcast %get3A_773 : vector<16xi32> to vector<32xbf16>
        %get3A_775 = arith.index_cast %squeeze3A_753 : i32 to index
        %get3A_776 = arith.constant 0 : index
        %get3A_777 = tpu.vector_load %arg14[%get3A_775, %get3A_776] {strides = array<i32>} : memref<321x128xbf16, #tpu.memory_space<vmem>>, vector<32xbf16>,
        %get3A_778 = arith.index_cast %squeeze3A_753 : i32 to index
        %get3A_779 = arith.constant 32 : index
        %get3A_780 = tpu.vector_load %arg14[%get3A_778, %get3A_779] {strides = array<i32>} : memref<321x128xbf16, #tpu.memory_space<vmem>>, vector<32xbf16>,
        %get3A_781 = arith.index_cast %squeeze3A_753 : i32 to index
        %get3A_782 = arith.constant 64 : index
        %get3A_783 = tpu.vector_load %arg14[%get3A_781, %get3A_782] {strides = array<i32>} : memref<321x128xbf16, #tpu.memory_space<vmem>>, vector<32xbf16>,
        %get3A_784 = arith.index_cast %squeeze3A_753 : i32 to index
        %get3A_785 = arith.constant 96 : index
        %get3A_786 = tpu.vector_load %arg14[%get3A_784, %get3A_785] {strides = array<i32>} : memref<321x128xbf16, #tpu.memory_space<vmem>>, vector<32xbf16>,
        %max3A_787 = arith.maximumf %get3A_777, %bitcast3A_762 : vector<32xbf16>
        %swap3A_788 = arith.index_cast %squeeze3A_753 : i32 to index
        %swap3A_789 = arith.constant 0 : index
        %swap3A_790 = tpu.vector_load %arg14[%swap3A_788, %swap3A_789] {strides = array<i32>} : memref<321x128xbf16, #tpu.memory_space<vmem>>, vector<32xbf16>,
        tpu.vector_store %arg14[%swap3A_788, %swap3A_789], %max3A_787 {strides = array<i32>} : memref<321x128xbf16, #tpu.memory_space<vmem>>, vector<32xbf16>,
        %max3A_791 = arith.maximumf %get3A_780, %bitcast3A_766 : vector<32xbf16>
        %swap3A_792 = arith.index_cast %squeeze3A_753 : i32 to index
        %swap3A_793 = arith.constant 32 : index
        %swap3A_794 = tpu.vector_load %arg14[%swap3A_792, %swap3A_793] {strides = array<i32>} : memref<321x128xbf16, #tpu.memory_space<vmem>>, vector<32xbf16>,
        tpu.vector_store %arg14[%swap3A_792, %swap3A_793], %max3A_791 {strides = array<i32>} : memref<321x128xbf16, #tpu.memory_space<vmem>>, vector<32xbf16>,
        %max3A_795 = arith.maximumf %get3A_783, %bitcast3A_770 : vector<32xbf16>
        %swap3A_796 = arith.index_cast %squeeze3A_753 : i32 to index
        %swap3A_797 = arith.constant 64 : index
        %swap3A_798 = tpu.vector_load %arg14[%swap3A_796, %swap3A_797] {strides = array<i32>} : memref<321x128xbf16, #tpu.memory_space<vmem>>, vector<32xbf16>,
        tpu.vector_store %arg14[%swap3A_796, %swap3A_797], %max3A_795 {strides = array<i32>} : memref<321x128xbf16, #tpu.memory_space<vmem>>, vector<32xbf16>,
        %max3A_799 = arith.maximumf %get3A_786, %bitcast3A_774 : vector<32xbf16>
        %swap3A_800 = arith.index_cast %squeeze3A_753 : i32 to index
        %swap3A_801 = arith.constant 96 : index
        %swap3A_802 = tpu.vector_load %arg14[%swap3A_800, %swap3A_801] {strides = array<i32>} : memref<321x128xbf16, #tpu.memory_space<vmem>>, vector<32xbf16>,
        tpu.vector_store %arg14[%swap3A_800, %swap3A_801], %max3A_799 {strides = array<i32>} : memref<321x128xbf16, #tpu.memory_space<vmem>>, vector<32xbf16>,
        %slice3A_803 = vector.extract_strided_slice %get3A_142 {offsets = [13], sizes = [1], strides = [1]} : vector<16xi32> to vector<1xi32>
        %squeeze3A_804 = vector.extract %slice3A_803[0] : i32 from vector<1xi32>
        %mul3A_805 = arith.constant 16 : i32
        %mul3A_806 = arith.muli %scan3A_138, %mul3A_805 : i32
        %add3A_807 = arith.addi %mul3A_126, %mul3A_806 : i32
        %add3A_808 = arith.constant 13 : i32
        %add3A_809 = arith.addi %add3A_807, %add3A_808 : i32
        %get3A_810 = arith.index_cast %add3A_809 : i32 to index
        %get3A_811 = arith.constant 0 : index
        %get3A_812 = tpu.vector_load %arg13[%get3A_810, %get3A_811] {strides = array<i32>} : memref<256x64xi32, #tpu.memory_space<vmem>>, vector<16xi32>,
        %bitcast3A_813 = vector.bitcast %get3A_812 : vector<16xi32> to vector<32xbf16>
        %get3A_814 = arith.index_cast %add3A_809 : i32 to index
        %get3A_815 = arith.constant 16 : index
        %get3A_816 = tpu.vector_load %arg13[%get3A_814, %get3A_815] {strides = array<i32>} : memref<256x64xi32, #tpu.memory_space<vmem>>, vector<16xi32>,
        %bitcast3A_817 = vector.bitcast %get3A_816 : vector<16xi32> to vector<32xbf16>
        %get3A_818 = arith.index_cast %add3A_809 : i32 to index
        %get3A_819 = arith.constant 32 : index
        %get3A_820 = tpu.vector_load %arg13[%get3A_818, %get3A_819] {strides = array<i32>} : memref<256x64xi32, #tpu.memory_space<vmem>>, vector<16xi32>,
        %bitcast3A_821 = vector.bitcast %get3A_820 : vector<16xi32> to vector<32xbf16>
        %get3A_822 = arith.index_cast %add3A_809 : i32 to index
        %get3A_823 = arith.constant 48 : index
        %get3A_824 = tpu.vector_load %arg13[%get3A_822, %get3A_823] {strides = array<i32>} : memref<256x64xi32, #tpu.memory_space<vmem>>, vector<16xi32>,
        %bitcast3A_825 = vector.bitcast %get3A_824 : vector<16xi32> to vector<32xbf16>
        %get3A_826 = arith.index_cast %squeeze3A_804 : i32 to index
        %get3A_827 = arith.constant 0 : index
        %get3A_828 = tpu.vector_load %arg14[%get3A_826, %get3A_827] {strides = array<i32>} : memref<321x128xbf16, #tpu.memory_space<vmem>>, vector<32xbf16>,
        %get3A_829 = arith.index_cast %squeeze3A_804 : i32 to index
        %get3A_830 = arith.constant 32 : index
        %get3A_831 = tpu.vector_load %arg14[%get3A_829, %get3A_830] {strides = array<i32>} : memref<321x128xbf16, #tpu.memory_space<vmem>>, vector<32xbf16>,
        %get3A_832 = arith.index_cast %squeeze3A_804 : i32 to index
        %get3A_833 = arith.constant 64 : index
        %get3A_834 = tpu.vector_load %arg14[%get3A_832, %get3A_833] {strides = array<i32>} : memref<321x128xbf16, #tpu.memory_space<vmem>>, vector<32xbf16>,
        %get3A_835 = arith.index_cast %squeeze3A_804 : i32 to index
        %get3A_836 = arith.constant 96 : index
        %get3A_837 = tpu.vector_load %arg14[%get3A_835, %get3A_836] {strides = array<i32>} : memref<321x128xbf16, #tpu.memory_space<vmem>>, vector<32xbf16>,
        %max3A_838 = arith.maximumf %get3A_828, %bitcast3A_813 : vector<32xbf16>
        %swap3A_839 = arith.index_cast %squeeze3A_804 : i32 to index
        %swap3A_840 = arith.constant 0 : index
        %swap3A_841 = tpu.vector_load %arg14[%swap3A_839, %swap3A_840] {strides = array<i32>} : memref<321x128xbf16, #tpu.memory_space<vmem>>, vector<32xbf16>,
        tpu.vector_store %arg14[%swap3A_839, %swap3A_840], %max3A_838 {strides = array<i32>} : memref<321x128xbf16, #tpu.memory_space<vmem>>, vector<32xbf16>,
        %max3A_842 = arith.maximumf %get3A_831, %bitcast3A_817 : vector<32xbf16>
        %swap3A_843 = arith.index_cast %squeeze3A_804 : i32 to index
        %swap3A_844 = arith.constant 32 : index
        %swap3A_845 = tpu.vector_load %arg14[%swap3A_843, %swap3A_844] {strides = array<i32>} : memref<321x128xbf16, #tpu.memory_space<vmem>>, vector<32xbf16>,
        tpu.vector_store %arg14[%swap3A_843, %swap3A_844], %max3A_842 {strides = array<i32>} : memref<321x128xbf16, #tpu.memory_space<vmem>>, vector<32xbf16>,
        %max3A_846 = arith.maximumf %get3A_834, %bitcast3A_821 : vector<32xbf16>
        %swap3A_847 = arith.index_cast %squeeze3A_804 : i32 to index
        %swap3A_848 = arith.constant 64 : index
        %swap3A_849 = tpu.vector_load %arg14[%swap3A_847, %swap3A_848] {strides = array<i32>} : memref<321x128xbf16, #tpu.memory_space<vmem>>, vector<32xbf16>,
        tpu.vector_store %arg14[%swap3A_847, %swap3A_848], %max3A_846 {strides = array<i32>} : memref<321x128xbf16, #tpu.memory_space<vmem>>, vector<32xbf16>,
        %max3A_850 = arith.maximumf %get3A_837, %bitcast3A_825 : vector<32xbf16>
        %swap3A_851 = arith.index_cast %squeeze3A_804 : i32 to index
        %swap3A_852 = arith.constant 96 : index
        %swap3A_853 = tpu.vector_load %arg14[%swap3A_851, %swap3A_852] {strides = array<i32>} : memref<321x128xbf16, #tpu.memory_space<vmem>>, vector<32xbf16>,
        tpu.vector_store %arg14[%swap3A_851, %swap3A_852], %max3A_850 {strides = array<i32>} : memref<321x128xbf16, #tpu.memory_space<vmem>>, vector<32xbf16>,
        %slice3A_854 = vector.extract_strided_slice %get3A_142 {offsets = [14], sizes = [1], strides = [1]} : vector<16xi32> to vector<1xi32>
        %squeeze3A_855 = vector.extract %slice3A_854[0] : i32 from vector<1xi32>
        %mul3A_856 = arith.constant 16 : i32
        %mul3A_857 = arith.muli %scan3A_138, %mul3A_856 : i32
        %add3A_858 = arith.addi %mul3A_126, %mul3A_857 : i32
        %add3A_859 = arith.constant 14 : i32
        %add3A_860 = arith.addi %add3A_858, %add3A_859 : i32
        %get3A_861 = arith.index_cast %add3A_860 : i32 to index
        %get3A_862 = arith.constant 0 : index
        %get3A_863 = tpu.vector_load %arg13[%get3A_861, %get3A_862] {strides = array<i32>} : memref<256x64xi32, #tpu.memory_space<vmem>>, vector<16xi32>,
        %bitcast3A_864 = vector.bitcast %get3A_863 : vector<16xi32> to vector<32xbf16>
        %get3A_865 = arith.index_cast %add3A_860 : i32 to index
        %get3A_866 = arith.constant 16 : index
        %get3A_867 = tpu.vector_load %arg13[%get3A_865, %get3A_866] {strides = array<i32>} : memref<256x64xi32, #tpu.memory_space<vmem>>, vector<16xi32>,
        %bitcast3A_868 = vector.bitcast %get3A_867 : vector<16xi32> to vector<32xbf16>
        %get3A_869 = arith.index_cast %add3A_860 : i32 to index
        %get3A_870 = arith.constant 32 : index
        %get3A_871 = tpu.vector_load %arg13[%get3A_869, %get3A_870] {strides = array<i32>} : memref<256x64xi32, #tpu.memory_space<vmem>>, vector<16xi32>,
        %bitcast3A_872 = vector.bitcast %get3A_871 : vector<16xi32> to vector<32xbf16>
        %get3A_873 = arith.index_cast %add3A_860 : i32 to index
        %get3A_874 = arith.constant 48 : index
        %get3A_875 = tpu.vector_load %arg13[%get3A_873, %get3A_874] {strides = array<i32>} : memref<256x64xi32, #tpu.memory_space<vmem>>, vector<16xi32>,
        %bitcast3A_876 = vector.bitcast %get3A_875 : vector<16xi32> to vector<32xbf16>
        %get3A_877 = arith.index_cast %squeeze3A_855 : i32 to index
        %get3A_878 = arith.constant 0 : index
        %get3A_879 = tpu.vector_load %arg14[%get3A_877, %get3A_878] {strides = array<i32>} : memref<321x128xbf16, #tpu.memory_space<vmem>>, vector<32xbf16>,
        %get3A_880 = arith.index_cast %squeeze3A_855 : i32 to index
        %get3A_881 = arith.constant 32 : index
        %get3A_882 = tpu.vector_load %arg14[%get3A_880, %get3A_881] {strides = array<i32>} : memref<321x128xbf16, #tpu.memory_space<vmem>>, vector<32xbf16>,
        %get3A_883 = arith.index_cast %squeeze3A_855 : i32 to index
        %get3A_884 = arith.constant 64 : index
        %get3A_885 = tpu.vector_load %arg14[%get3A_883, %get3A_884] {strides = array<i32>} : memref<321x128xbf16, #tpu.memory_space<vmem>>, vector<32xbf16>,
        %get3A_886 = arith.index_cast %squeeze3A_855 : i32 to index
        %get3A_887 = arith.constant 96 : index
        %get3A_888 = tpu.vector_load %arg14[%get3A_886, %get3A_887] {strides = array<i32>} : memref<321x128xbf16, #tpu.memory_space<vmem>>, vector<32xbf16>,
        %max3A_889 = arith.maximumf %get3A_879, %bitcast3A_864 : vector<32xbf16>
        %swap3A_890 = arith.index_cast %squeeze3A_855 : i32 to index
        %swap3A_891 = arith.constant 0 : index
        %swap3A_892 = tpu.vector_load %arg14[%swap3A_890, %swap3A_891] {strides = array<i32>} : memref<321x128xbf16, #tpu.memory_space<vmem>>, vector<32xbf16>,
        tpu.vector_store %arg14[%swap3A_890, %swap3A_891], %max3A_889 {strides = array<i32>} : memref<321x128xbf16, #tpu.memory_space<vmem>>, vector<32xbf16>,
        %max3A_893 = arith.maximumf %get3A_882, %bitcast3A_868 : vector<32xbf16>
        %swap3A_894 = arith.index_cast %squeeze3A_855 : i32 to index
        %swap3A_895 = arith.constant 32 : index
        %swap3A_896 = tpu.vector_load %arg14[%swap3A_894, %swap3A_895] {strides = array<i32>} : memref<321x128xbf16, #tpu.memory_space<vmem>>, vector<32xbf16>,
        tpu.vector_store %arg14[%swap3A_894, %swap3A_895], %max3A_893 {strides = array<i32>} : memref<321x128xbf16, #tpu.memory_space<vmem>>, vector<32xbf16>,
        %max3A_897 = arith.maximumf %get3A_885, %bitcast3A_872 : vector<32xbf16>
        %swap3A_898 = arith.index_cast %squeeze3A_855 : i32 to index
        %swap3A_899 = arith.constant 64 : index
        %swap3A_900 = tpu.vector_load %arg14[%swap3A_898, %swap3A_899] {strides = array<i32>} : memref<321x128xbf16, #tpu.memory_space<vmem>>, vector<32xbf16>,
        tpu.vector_store %arg14[%swap3A_898, %swap3A_899], %max3A_897 {strides = array<i32>} : memref<321x128xbf16, #tpu.memory_space<vmem>>, vector<32xbf16>,
        %max3A_901 = arith.maximumf %get3A_888, %bitcast3A_876 : vector<32xbf16>
        %swap3A_902 = arith.index_cast %squeeze3A_855 : i32 to index
        %swap3A_903 = arith.constant 96 : index
        %swap3A_904 = tpu.vector_load %arg14[%swap3A_902, %swap3A_903] {strides = array<i32>} : memref<321x128xbf16, #tpu.memory_space<vmem>>, vector<32xbf16>,
        tpu.vector_store %arg14[%swap3A_902, %swap3A_903], %max3A_901 {strides = array<i32>} : memref<321x128xbf16, #tpu.memory_space<vmem>>, vector<32xbf16>,
        %slice3A_905 = vector.extract_strided_slice %get3A_142 {offsets = [15], sizes = [1], strides = [1]} : vector<16xi32> to vector<1xi32>
        %squeeze3A_906 = vector.extract %slice3A_905[0] : i32 from vector<1xi32>
        %mul3A_907 = arith.constant 16 : i32
        %mul3A_908 = arith.muli %scan3A_138, %mul3A_907 : i32
        %add3A_909 = arith.addi %mul3A_126, %mul3A_908 : i32
        %add3A_910 = arith.constant 15 : i32
        %add3A_911 = arith.addi %add3A_909, %add3A_910 : i32
        %get3A_912 = arith.index_cast %add3A_911 : i32 to index
        %get3A_913 = arith.constant 0 : index
        %get3A_914 = tpu.vector_load %arg13[%get3A_912, %get3A_913] {strides = array<i32>} : memref<256x64xi32, #tpu.memory_space<vmem>>, vector<16xi32>,
        %bitcast3A_915 = vector.bitcast %get3A_914 : vector<16xi32> to vector<32xbf16>
        %get3A_916 = arith.index_cast %add3A_911 : i32 to index
        %get3A_917 = arith.constant 16 : index
        %get3A_918 = tpu.vector_load %arg13[%get3A_916, %get3A_917] {strides = array<i32>} : memref<256x64xi32, #tpu.memory_space<vmem>>, vector<16xi32>,
        %bitcast3A_919 = vector.bitcast %get3A_918 : vector<16xi32> to vector<32xbf16>
        %get3A_920 = arith.index_cast %add3A_911 : i32 to index
        %get3A_921 = arith.constant 32 : index
        %get3A_922 = tpu.vector_load %arg13[%get3A_920, %get3A_921] {strides = array<i32>} : memref<256x64xi32, #tpu.memory_space<vmem>>, vector<16xi32>,
        %bitcast3A_923 = vector.bitcast %get3A_922 : vector<16xi32> to vector<32xbf16>
        %get3A_924 = arith.index_cast %add3A_911 : i32 to index
        %get3A_925 = arith.constant 48 : index
        %get3A_926 = tpu.vector_load %arg13[%get3A_924, %get3A_925] {strides = array<i32>} : memref<256x64xi32, #tpu.memory_space<vmem>>, vector<16xi32>,
        %bitcast3A_927 = vector.bitcast %get3A_926 : vector<16xi32> to vector<32xbf16>
        %get3A_928 = arith.index_cast %squeeze3A_906 : i32 to index
        %get3A_929 = arith.constant 0 : index
        %get3A_930 = tpu.vector_load %arg14[%get3A_928, %get3A_929] {strides = array<i32>} : memref<321x128xbf16, #tpu.memory_space<vmem>>, vector<32xbf16>,
        %get3A_931 = arith.index_cast %squeeze3A_906 : i32 to index
        %get3A_932 = arith.constant 32 : index
        %get3A_933 = tpu.vector_load %arg14[%get3A_931, %get3A_932] {strides = array<i32>} : memref<321x128xbf16, #tpu.memory_space<vmem>>, vector<32xbf16>,
        %get3A_934 = arith.index_cast %squeeze3A_906 : i32 to index
        %get3A_935 = arith.constant 64 : index
        %get3A_936 = tpu.vector_load %arg14[%get3A_934, %get3A_935] {strides = array<i32>} : memref<321x128xbf16, #tpu.memory_space<vmem>>, vector<32xbf16>,
        %get3A_937 = arith.index_cast %squeeze3A_906 : i32 to index
        %get3A_938 = arith.constant 96 : index
        %get3A_939 = tpu.vector_load %arg14[%get3A_937, %get3A_938] {strides = array<i32>} : memref<321x128xbf16, #tpu.memory_space<vmem>>, vector<32xbf16>,
        %max3A_940 = arith.maximumf %get3A_930, %bitcast3A_915 : vector<32xbf16>
        %swap3A_941 = arith.index_cast %squeeze3A_906 : i32 to index
        %swap3A_942 = arith.constant 0 : index
        %swap3A_943 = tpu.vector_load %arg14[%swap3A_941, %swap3A_942] {strides = array<i32>} : memref<321x128xbf16, #tpu.memory_space<vmem>>, vector<32xbf16>,
        tpu.vector_store %arg14[%swap3A_941, %swap3A_942], %max3A_940 {strides = array<i32>} : memref<321x128xbf16, #tpu.memory_space<vmem>>, vector<32xbf16>,
        %max3A_944 = arith.maximumf %get3A_933, %bitcast3A_919 : vector<32xbf16>
        %swap3A_945 = arith.index_cast %squeeze3A_906 : i32 to index
        %swap3A_946 = arith.constant 32 : index
        %swap3A_947 = tpu.vector_load %arg14[%swap3A_945, %swap3A_946] {strides = array<i32>} : memref<321x128xbf16, #tpu.memory_space<vmem>>, vector<32xbf16>,
        tpu.vector_store %arg14[%swap3A_945, %swap3A_946], %max3A_944 {strides = array<i32>} : memref<321x128xbf16, #tpu.memory_space<vmem>>, vector<32xbf16>,
        %max3A_948 = arith.maximumf %get3A_936, %bitcast3A_923 : vector<32xbf16>
        %swap3A_949 = arith.index_cast %squeeze3A_906 : i32 to index
        %swap3A_950 = arith.constant 64 : index
        %swap3A_951 = tpu.vector_load %arg14[%swap3A_949, %swap3A_950] {strides = array<i32>} : memref<321x128xbf16, #tpu.memory_space<vmem>>, vector<32xbf16>,
        tpu.vector_store %arg14[%swap3A_949, %swap3A_950], %max3A_948 {strides = array<i32>} : memref<321x128xbf16, #tpu.memory_space<vmem>>, vector<32xbf16>,
        %max3A_952 = arith.maximumf %get3A_939, %bitcast3A_927 : vector<32xbf16>
        %swap3A_953 = arith.index_cast %squeeze3A_906 : i32 to index
        %swap3A_954 = arith.constant 96 : index
        %swap3A_955 = tpu.vector_load %arg14[%swap3A_953, %swap3A_954] {strides = array<i32>} : memref<321x128xbf16, #tpu.memory_space<vmem>>, vector<32xbf16>,
        tpu.vector_store %arg14[%swap3A_953, %swap3A_954], %max3A_952 {strides = array<i32>} : memref<321x128xbf16, #tpu.memory_space<vmem>>, vector<32xbf16>,
      }
      %scan3A_137 = arith.constant 8 : i32
    } else {
    }
    %mul3A_107 = arith.constant 320 : i32
    %mul3A_108 = arith.muli %add3A, %mul3A_107 : i32
    "tpu.region"() ({
      %run_scoped3A = tpu.sem_alloc : memref<!tpu.dma_semaphore, #tpu.memory_space<semaphore_mem>>
      %dma_start3A_109 = arith.constant 0 : i32
      %dma_start3A_110 = arith.constant 0 : i32
      %dma_start3A_111 = tpu.memref_slice %arg14[%dma_start3A_109, %dma_start3A_110] : memref<321x128xbf16, #tpu.memory_space<vmem>> -> memref<320x128xbf16, #tpu.memory_space<vmem>>
      %dma_start3A_112 = arith.constant 0 : i32
      %dma_start3A_113 = tpu.memref_slice %arg5[%mul3A_108, %dma_start3A_112] : memref<10240x128xbf16, #tpu.memory_space<hbm>> -> memref<320x128xbf16, #tpu.memory_space<hbm>>
      %dma_start3A_114 = arith.constant 0 : i32
      %dma_start3A_115 = tpu.memref_slice %arg5[%mul3A_108, %dma_start3A_114] : memref<10240x128xbf16, #tpu.memory_space<hbm>> -> memref<320x128xbf16, #tpu.memory_space<hbm>>
      %dma_start3A_116 = arith.constant 0 : i32
      %dma_start3A_117 = arith.constant 0 : i32
      %dma_start3A_118 = tpu.memref_slice %arg14[%dma_start3A_116, %dma_start3A_117] : memref<321x128xbf16, #tpu.memory_space<vmem>> -> memref<320x128xbf16, #tpu.memory_space<vmem>>
      tpu.enqueue_dma source(%dma_start3A_118 : memref<320x128xbf16, #tpu.memory_space<vmem>>) target(%dma_start3A_115 : memref<320x128xbf16, #tpu.memory_space<hbm>>) target_semaphore(%run_scoped3A : memref<!tpu.dma_semaphore, #tpu.memory_space<semaphore_mem>>)
      %dma_wait3A = arith.constant 0 : i32
      %dma_wait3A_119 = arith.constant 0 : i32
      %dma_wait3A_120 = tpu.memref_slice %arg14[%dma_wait3A, %dma_wait3A_119] : memref<321x128xbf16, #tpu.memory_space<vmem>> -> memref<320x128xbf16, #tpu.memory_space<vmem>>
      %dma_wait3A_121 = arith.constant 0 : i32
      %dma_wait3A_122 = tpu.memref_slice %arg5[%mul3A_108, %dma_wait3A_121] : memref<10240x128xbf16, #tpu.memory_space<hbm>> -> memref<320x128xbf16, #tpu.memory_space<hbm>>
      %dma_wait3A_123 = arith.constant 0 : i32
      %dma_wait3A_124 = tpu.memref_slice %arg5[%mul3A_108, %dma_wait3A_123] : memref<10240x128xbf16, #tpu.memory_space<hbm>> -> memref<320x128xbf16, #tpu.memory_space<hbm>>
      %dma_wait3A_125 = arith.constant 0 : i32
      %dma_wait3A_126 = arith.constant 0 : i32
      %dma_wait3A_127 = tpu.memref_slice %arg14[%dma_wait3A_125, %dma_wait3A_126] : memref<321x128xbf16, #tpu.memory_space<vmem>> -> memref<320x128xbf16, #tpu.memory_space<vmem>>
      tpu.wait_dma2 semaphore(%run_scoped3A : memref<!tpu.dma_semaphore, #tpu.memory_space<semaphore_mem>>) src(%dma_wait3A_127 : memref<320x128xbf16, #tpu.memory_space<vmem>>) dst(%dma_wait3A_124 : memref<320x128xbf16, #tpu.memory_space<hbm>>)
      tpu.yield
    }) : () -> ()
    return
  }
}

</mosaic_0001>

<sc_bundles>
// kernel: _segmax.3.cloned.1.call-start
scs
__scs_entry_jumppad:
0x0: {  	(pc) =	sbr.rel $0x88, $3  }
0x1: {  	(tag) =	ssettag $0x0;
	lr =	simm.s32 $0x1  }
0x2: {  	[smem:$0x3F9E] =	sst lr;
	_ =	strace $0xD0000000  }
0x3: {  	_ = 	snop  }
0x4: {  	_ = 	snop  }
0x5: {  	_ = 	snop  }
0x6: {  	_ = 	snop  }
0x7: {  	_ = 	snop  }
__scs_overlays_trampoline_lowered:
0x8: {  	[smem:$0x3FAD] =	sst s0  }
0x9: {  	[smem:$0x3FAE] =	sst s1  }
0xa: {  	[smem:$0x3FAF] =	sst s2  }
0xb: {  	[smem:$0x3FB0] =	sst s3  }
0xc: {  	[smem:$0x3FB1] =	sst s4  }
0xd: {  	[smem:$0x3FB2] =	sst s5  }
0xe: {  	[smem:$0x3FB3] =	sst s6  }
0xf: {  	[smem:$0x3FB4] =	sst s7  }
0x10: {  	[smem:$0x3FB5] =	sst s8  }
0x11: {  	[smem:$0x3FB6] =	sst s9;
	s0 =	simm.s32 @!p0 $0x0  }
0x12: {  	s1 =	sld [smem:$0x3F9C];
	s0 =	simm.s32 @p0 $0x1  }
0x13: {  	[smem:$0x3FB7] =	sst s0;
	s0 =	simm.s32 @!p1 $0x0  }
0x14: {  	s2 =	sld [smem:$0x3F9B];
	s0 =	simm.s32 @p1 $0x1  }
0x15: {  	[smem:$0x3FB8] =	sst s0;
	s0 =	simm.s32 @!p2 $0x0  }
0x16: {  	s3 =	sld [smem:$0x3FDB];
	s0 =	simm.s32 @p2 $0x1  }
0x17: {  	s4 =	simm.s32 $0x1BF5;
	[smem:$0x3FBA] =	sst s0  }
0x18: {  	s0 =	sld [smem:$0x3F9D];
	_ =	swait.ge [sflag:s4], $0x0  }
0x19: {  	s7 =	sld [smem:$0x3F9E]  }
0x1a: {  	s8 =	sadd.s32 $0xFFFFE003, lr  }
0x1b: {  	s9 =	sadd.s32 $0xFFFFFEF7, lr;
	s5 =	simm.s32 $0xFFFFFFFF;
	p2 =	slt.u32 s8, $0xFFFFF086  }
0x1c: {  	p1 =	slt.u32 s9, $0xF7A;
	s5 =	simm.s32 @!p2 $0x0  }
0x1d: {  	s5 =	simm.s32 @p1 $0x1;
	p0 =	seq.s32 s7, s2  }
0x1e: {  	s7 =	smul.u32 @!p0 $0xF7A, s2;
	p2 =	seq.s32 @!p0 s5, $0x0  }
0x1f: {  	s9 =	smul.u32 $0xF7A, s1;
	s8 =	simm.s32 @!p0 $0x1BF5;
	p2 =	por !p2, p0  }
0x20: {  	[sflag:s8] =	ssyncset.s32 @!p0 $0xFFFFF086;
	s6 =	sadd.s32 @!p0 s3, s7;
	s7 =	simm.s32 @!p0 $0x108  }
0x21: {  	s3 =	sadd.s32 s3, s9;
	s6 =	sadd.s32 @!p0 $0x88, s6;
	s7 =	simm.s32 @p2 $0x1082  }
0x22: {  	[simem:s7], [sflag:s8] =	dma.local @!p0 [hbm:s6], $0xF7A  }
0x23: {  	s9 =	sor.u32 $0xD0000000, s2;
	s6 =	simm.s32 $0x108;
	_ =	swait.ge @!p0 [sflag:s8], $0x0  }
0x24: {  	s3 =	sadd.s32 $0x88, s3;
	s6 =	simm.s32 @!p1 $0x1082;
	[sflag:s4] =	ssyncset.s32 $0xFFFFF086  }
0x25: {  	[simem:s6], [sflag:s4] =	dma.local [hbm:s3], $0xF7A  }
0x26: {  	[smem:$0x3F9E] =	sst s1;
	(tag) =	ssettag s2;
	_ =	strace s9  }
0x27: {  	s1 =	sld [smem:$0x3FAE]  }
0x28: {  	s2 =	sld [smem:$0x3FAF]  }
0x29: {  	s4 =	sld [smem:$0x3FB1]  }
0x2a: {  	p0 =	seq.s32 s5, $0x0;
	s5 =	sld [smem:$0x3FB2]  }
0x2b: {  	s6 =	sld [smem:$0x3FB3]  }
0x2c: {  	s7 =	sld [smem:$0x3FB4]  }
0x2d: {  	s3 =	simm.s32 $0x108;
	s8 =	sld [smem:$0x3FB5]  }
0x2e: {  	s3 =	simm.s32 @!p0 $0x1082;
	s9 =	sld [smem:$0x3FB6]  }
0x2f: {  	lr =	sadd.s32 s0, s3;
	s0 =	sld [smem:$0x3FAD]  }
0x30: {  	s3 =	sld [smem:$0x3FB0]  }
0x31: {  	[smem:$0x3FB9] =	sst s10  }
0x32: {  	s10 =	sld [smem:$0x3FB7];
	_ =	sdelay $0x3  }
0x33: {  	p0 =	seq.s32 s10, $0x1;
	s10 =	sld [smem:$0x3FB9];
	_ =	sdelay $0x3  }
0x34: {  	[smem:$0x3FB9] =	sst s10  }
0x35: {  	s10 =	sld [smem:$0x3FB8];
	_ =	sdelay $0x3  }
0x36: {  	p1 =	seq.s32 s10, $0x1;
	s10 =	sld [smem:$0x3FB9];
	_ =	sdelay $0x3  }
0x37: {  	[smem:$0x3FB9] =	sst s10  }
0x38: {  	s10 =	sld [smem:$0x3FBA]  }
0x39: {  	_ = 	snop;
	(pc) =	sbr.ind lr, $3  }
0x3a: {  	_ = 	snop  }
0x3b: {  	_ = 	snop  }
0x3c: {  	p2 =	seq.s32 s10, $0x1;
	s10 =	sld [smem:$0x3FB9]  }
0x3d: {  	_ =	shalt  }
0x3e: {  	_ =	shalt  }
0x3f: {  	_ =	shalt  }
0x40: {  	_ =	shalt  }
0x41: {  	_ =	shalt  }
0x42: {  	_ =	shalt  }
0x43: {  	_ =	shalt  }
0x44: {  	_ =	shalt  }
0x45: {  	_ =	shalt  }
0x46: {  	_ =	shalt  }
0x47: {  	_ =	shalt  }
0x48: {  	_ =	shalt  }
0x49: {  	_ =	shalt  }
0x4a: {  	_ =	shalt  }
0x4b: {  	_ =	shalt  }
0x4c: {  	_ =	shalt  }
0x4d: {  	_ =	shalt  }
0x4e: {  	_ =	shalt  }
0x4f: {  	_ =	shalt  }
0x50: {  	_ =	shalt  }
0x51: {  	_ =	shalt  }
0x52: {  	_ =	shalt  }
0x53: {  	_ =	shalt  }
0x54: {  	_ =	shalt  }
0x55: {  	_ =	shalt  }
0x56: {  	_ =	shalt  }
0x57: {  	_ =	shalt  }
0x58: {  	_ =	shalt  }
0x59: {  	_ =	shalt  }
0x5a: {  	_ =	shalt  }
0x5b: {  	_ =	shalt  }
0x5c: {  	_ =	shalt  }
0x5d: {  	_ =	shalt  }
0x5e: {  	_ =	shalt  }
0x5f: {  	_ =	shalt  }
0x60: {  	_ =	shalt  }
0x61: {  	_ =	shalt  }
0x62: {  	_ =	shalt  }
0x63: {  	_ =	shalt  }
0x64: {  	_ =	shalt  }
0x65: {  	_ =	shalt  }
0x66: {  	_ =	shalt  }
0x67: {  	_ =	shalt  }
0x68: {  	_ =	shalt  }
0x69: {  	_ =	shalt  }
0x6a: {  	_ =	shalt  }
0x6b: {  	_ =	shalt  }
0x6c: {  	_ =	shalt  }
0x6d: {  	_ =	shalt  }
0x6e: {  	_ =	shalt  }
0x6f: {  	_ =	shalt  }
0x70: {  	_ =	shalt  }
0x71: {  	_ =	shalt  }
0x72: {  	_ =	shalt  }
0x73: {  	_ =	shalt  }
0x74: {  	_ =	shalt  }
0x75: {  	_ =	shalt  }
0x76: {  	_ =	shalt  }
0x77: {  	_ =	shalt  }
0x78: {  	_ =	shalt  }
0x79: {  	_ =	shalt  }
0x7a: {  	_ =	shalt  }
0x7b: {  	_ =	shalt  }
0x7c: {  	_ =	shalt  }
0x7d: {  	_ =	shalt  }
0x7e: {  	_ =	shalt  }
0x7f: {  	_ =	shalt  }
0x80: {  	_ =	shalt  }
0x81: {  	_ =	shalt  }
0x82: {  	_ =	shalt  }
0x83: {  	_ =	shalt  }
0x84: {  	_ =	shalt  }
0x85: {  	_ =	shalt  }
0x86: {  	_ =	shalt  }
0x87: {  	_ =	shalt  }
.Lfunc_end0:
.L_simem_size_0:
called_computation_lowered:
.L_overlay_start_0:
0x88: {  	s2 =	sld [smem:$0x3FD9]  }
0x89: {  	s3 =	sld [smem:$0x3FFE];
	_ =	sdelay $0x1  }
0x8a: {  	s1 =	srdreg.scid  }
0x8b: {  	s0 =	sand.u32 $0x1, s1  }
0x8c: {  	s17 =	sshll.u32 s0, $0xA;
	s2 =	sadd.s32 s3, s2  }
0x8d: {  	s2 =	sadd.s32 s2, s17  }
0x8e: {  	[smem:$0x3FC5] =	sst s2  }
0x8f: {  	_ = 	snop  }
0x90: {  	s2 =	sld [smem:$0x3FC8]  }
0x91: {  	s18 =	sld [smem:$0x3FC7]  }
0x92: {  	s4 =	sld [smem:$0x3FD0];
	(tm) =	ssettm $0x1  }
0x93: {  	s5 =	sld [smem:$0x3FFB];
	_ =	sdelay $0x3  }
0x94: {  	_ =	strace s5  }
0x95: {  	s5 =	sld [smem:$0x3FFC];
	_ =	sdelay $0x3  }
0x96: {  	_ =	strace s5  }
0x97: {  	s5 =	sld [smem:$0x3FFD];
	_ =	sdelay $0x3  }
0x98: {  	_ =	strace s5  }
0x99: {  	_ =	strace $0x8FFFFFFF  }
0x9a: {  	s19 =	sld [smem:$0x3FDB];
	_ =	sdelay $0x1  }
0x9b: {  	s6 =	simm.s32 $_scs_section_size  }
0x9c: {  	s7 =	simm.s32 $_size__tile_overlayer_lowered;
	s8 =	simm.s32 $_tile_overlayer_lowered  }
0x9d: {  	s22 =	simm.s32 $0x1BFF;
	s21 =	sshll.u32 s8, $0x1;
	s5 =	sadd.s32 s6, s19  }
0x9e: {  	s9 =	simm.s32 $0x0;
	s20 =	sshll.u32 s7, $0x1;
	s7 =	sadd.s32 s21, s5  }
0x9f: {  	[timem:s9], [sflag:s22] =	dma.local [hbm:s7], s20  }
0xa0: {  	_ =	swait.ge [sflag:s22], s20  }
0xa1: {  	s6 =	ssub.s32 $0x0, s20;
	[sflag:s22] =	ssyncset.done $0x0  }
0xa2: {  	[sflag:s22] =	ssyncadd.s32 s6;
	_ =	sdelay $0x1  }
0xa3: {  	s23 =	simm.s32 $0x1B8B  }
0xa4: {  	_ =	swait.ge [sflag:s23], $0x1  }
0xa5: {  	[sflag:s23] =	ssyncset.done $0x0  }
0xa6: {  	s25 =	simm.s32 $0x1B8E;
	s24 =	sld [smem:$0x3FFE];
	[sflag:s23] =	ssyncadd.s32 $0xFFFFFFFF  }
0xa7: {  	s26 =	simm.s32 $execute0_lowered;
	[smem:$0x3FD2] =	sst s25  }
0xa8: {  	s7 =	sshll.u32 s26, $0x1;
	_ =	strace $0x80000046;
	[dreg:$0x1] =	wrdreg $0xFFFFFFFF  }
0xa9: {  	s28 =	simm.s32 $_size_execute0_lowered;
	s5 =	sadd.s32 s5, s7;
	[dreg:$0x0] =	wrdreg $0x0  }
0xaa: {  	s7 =	sshll.u32 s28, $0x1;
	[dreg:$0x2] =	wrdreg s5  }
0xab: {  	[dreg:$0x3] =	wrdreg s7  }
0xac: {  	[dreg:$0x4] =	wrdreg $0xC0  }
0xad: {  	_ =	task [dreg:s9], $0x5FFFF  }
0xae: {  	[dreg:$0x1] =	wrdreg $0xFFFFFFFF  }
0xaf: {  	[dreg:$0x0] =	wrdreg $0x60  }
0xb0: {  	[dreg:$0x2] =	wrdreg s2  }
0xb1: {  	[dreg:$0x3] =	wrdreg s18  }
0xb2: {  	[dreg:$0x4] =	wrdreg s24  }
0xb3: {  	[dreg:$0x5] =	wrdreg s4  }
0xb4: {  	[dreg:$0x6] =	wrdreg $0x9  }
0xb5: {  	_ =	task.clear_ibuf [dreg:s9], $0x7FFFF;
	_ =	strace $0x90000046  }
0xb6: {  	s29 =	simm.s32 $0x9;
	_ =	strace $0x80000048  }
0xb7: {  	_ =	swait.ge [sflag:s29], $0x1  }
0xb8: {  	[sflag:s29] =	ssyncadd.s32 $0xFFFFFFFF  }
0xb9: {  	_ =	strace $0x90000048  }
0xba: {  	_ =	sfence  }
0xbb: {  	s30 =	sld [smem:$0x0];
	_ =	sdelay $0x2  }
0xbc: {  	s31 =	sshll.u32 s1, $0xD;
	s1 =	sshrl.u32 s1, $0x2  }
0xbd: {  	s3 =	sand.u32 $0x4000, s31;
	s1 =	sadd.s32 s1, s30  }
0xbe: {  	s0 =	sor.u32 s3, s0;
	s1 =	sshll.u32 s1, $0x11  }
0xbf: {  	s0 =	sor.u32 s1, s0  }
0xc0: {  	s0 =	sadd.s32 $0x8F2B, s0  }
0xc1: {  	[sflag:s0] =	ssyncadd.remote.s32 $0x1  }
0xc2: {  	_ =	sfence.sel $0xFFFF  }
0xc3: {  	[dreg:$0x0] =	wrdreg $0xFFFFFFFF;
	(pc) =	sbr.abs _section_cstart, $3  }
0xc4: {  	[dreg:$0x1] =	wrdreg $0xFFFFFFFF  }
0xc5: {  	_ =	task.clear_ibuf [dreg:s9], $0x2FFFF;
	_ =	strace $0x9FFFFFFF  }
0xc6: {  	(tm) =	ssettm $0x7FFFFFFF  }
0xc7: {  	_ =	shalt  }
tec
execute0_lowered:
.L_overlay_start_1:
0x0: {  	(tag) =	ssettag $0x1  }
0x1: {  	s1 =	rddreg [dreg:$0x0]  }
0x2: {  	s2 =	rddreg [dreg:$0x1]  }
0x3: {  	s5 =	rddreg [dreg:$0x2]  }
0x4: {  	s3 =	srdreg.scid;
	s0 =	stileid.u32  }
0x5: {  	s6 =	rddreg [dreg:$0x3];
	s4 =	simm.s32 $0x0;
	s10 =	simm.s32 $0x1770  }
0x6: {  	s11 =	simm.s32 $0x1;
	s7 =	sand.u32 $0x1, s3;
	s8 =	sshll.u32 s0, $0x1  }
0x7: {  	s14 =	simm.s32 $0x80;
	s15 =	simm.s32 $0x7150;
	s8 =	sor.u32 s7, s8  }
0x8: {  	s16 =	simm.s32 $0x3;
	s17 =	simm.s32 $0x0;
	s12 =	smul.u32 $0x140, s8  }
.Ltmp0:
0x9: {  	[smem:$0x7FF] =	sst s4;
	s7 =	ssub.s32 $0x2, s7;
	(pc) =	sbr.rel .LBB2_1-.Ltmp0, $4  }
0xa: {  	s5 =	sadd.s32 $0x400, s5;
	s9 =	sshrl.u32 s7, $0x1;
	s8 =	smul.u32 $0xA00, s8  }
0xb: {  	_ =	strace $0x80000047;
	s7 =	ssub.s32 s7, s9;
	s9 =	simm.s32 $0x7D0  }
0xc: {  	v2 =	vimm.bf16 $-3.0040e+38;
	v3 =	vimm.s32 $0x0;
	v4 =	vlaneseq.u32;
	s13 =	sadd.s32 $0x140, s12;
	s6 =	sadd.s32 s6, s8;
	s7 =	smax.u32 s7, $0x1  }
0xd: {  	v5 =	vimm.s32 $0x140;
	s8 =	simm.s32 $0xFA0;
	v0 =	vmov s12;
	s12 =	simm.s32 $0x1F40;
	v1 =	vmov s13;
	s13 =	simm.s32 $0x2  }
.LBB2_33:
0xe: {  	s17 =	sadd.s32 $0x1, s17  }
0xf: {  	p0 =	sne.s32 s17, s7  }
.Ltmp1:
0x10: {  	_ = 	snop;
	(pc) =	sbr.rel @!p0 .LBB2_34-.Ltmp1, $4  }
0x11: {  	[hbm4b:s6+s4] =	stream.linear.scatter [tilespmem:s15], [sflag:$0x3], $0x5000, $0x38;
	[tilespmem:$0xC190] =	vst v63  }
0x12: {  	_ =	swait.ge [sflag:s16], $0x5000  }
0x13: {  	[sflag:s16] =	ssyncset.done $0x0  }
0x14: {  	[sflag:s16] =	ssyncadd.s32 $0xFFFFB000  }
.LBB2_1:
0x15: {  	s19 =	simm.s32 $0x100;
	s18 =	simm.s32 $0x0  }
.LBB2_2:
0x16: {  	p0 =	sne.s32 s19, $0x14000;
	[tilespmem:s18+$0x7180] =	vst v2;
	s20 =	smov.u32 s19;
	s19 =	sadd.s32 $0x100, s19  }
.Ltmp2:
0x17: {  	[tilespmem:s18+$0x7170] =	vst v2;
	(pc) =	sbr.rel @p0 .LBB2_2-.Ltmp2, $3  }
0x18: {  	[tilespmem:s18+$0x7150] =	vst v2  }
0x19: {  	[tilespmem:s18+$0x7160] =	vst v2;
	_ =	sdelay $0x1  }
0x1a: {  	s18 =	sshra.s32 s20, $0x2  }
0x1b: {  	[tilespmem:s18+$0x7180] =	vst v2  }
0x1c: {  	[tilespmem:s18+$0x7170] =	vst v2  }
.Ltmp3:
0x1d: {  	[tilespmem:s18+$0x7150] =	vst v2;
	(pc) =	sbr.rel .LBB2_4-.Ltmp3, $4  }
0x1e: {  	[tilespmem:s18+$0x7160] =	vst v2;
	s20 =	simm.s32 $0x0  }
0x1f: {  	[tilespmem:s20], [sflag:$0x1] =	stream.linear.gather [hbm4b:s2+s20], $0x7D0, $0x38;
	[tilespmem:$0xC190] =	vst v63  }
0x20: {  	s19 =	simm.s32 $0x0  }
0x21: {  	v6 =	vimm.s32 $0x0;
	[tilespmem:s8], [sflag:$0x1] =	stream.linear.gather [hbm4b:s1+s20], $0x7D0, $0x38;
	[tilespmem:$0xC190] =	vst v63  }
.LBB2_21:
0x22: {  	s20 =	smov.u32 s26  }
.LBB2_22:
0x23: {  	s19 =	sadd.s32 $0x1, s19  }
0x24: {  	p0 =	sne.s32 s19, $0x28  }
.Ltmp4:
0x25: {  	_ = 	snop;
	(pc) =	sbr.rel @!p0 .LBB2_23-.Ltmp4, $1  }
0x26: {  	_ =	sdelay $0x3  }
.LBB2_4:
0x27: {  	s23 =	smul.u32 $0xFA0, s19;
	_ =	sdelay $0x1  }
0x28: {  	s18 =	sshrl.u32 s23, $0x3  }
0x29: {  	s18 =	sadd.s32 $0xFA, s18  }
0x2a: {  	s21 =	sadd.s32 s2, s18  }
0x2b: {  	[tilespmem:s9], [sflag:$0x1] =	stream.linear.gather [hbm4b:s21+s4], $0x7D0, $0x38;
	[tilespmem:$0xC190] =	vst v63  }
0x2c: {  	s18 =	sadd.s32 s1, s18  }
0x2d: {  	[tilespmem:s10], [sflag:$0x1] =	stream.linear.gather [hbm4b:s18+s4], $0x7D0, $0x38;
	[tilespmem:$0xC190] =	vst v63  }
0x2e: {  	_ =	swait.ge [sflag:s11], $0x7D0  }
0x2f: {  	[sflag:s11] =	ssyncset.done $0x0  }
0x30: {  	[sflag:s11] =	ssyncadd.s32 $0xFFFFF830  }
0x31: {  	_ =	swait.ge [sflag:s11], $0x7D0  }
0x32: {  	s22 =	simm.s32 $0xFC0;
	s21 =	simm.s32 $0x20;
	[sflag:s11] =	ssyncset.done $0x0  }
0x33: {  	s18 =	smov.u32 s20;
	s20 =	simm.s32 $0xFFFFFFFB;
	[sflag:s11] =	ssyncadd.s32 $0xFFFFF830  }
.LBB2_5:
0x34: {  	v7 =	vld [tilespmem:s21+$0xFFFFFFE0];
	_ =	sdelay $0x4  }
0x35: {  	vm0 =	vge.s32 v7, v0;
	vm1 =	vlt.s32 v7, v1  }
0x36: {  	vm0 =	vmand vm0, vm1  }
0x37: {  	v8 =	vsel vm0, $0x1, v3  }
0x38: {  	(xrf0) =	vadd.scan.msk.s32 $0xffff, v8;
	_ =	sdelay $0x5  }
0x39: {  	v9 =	vadd.s32 $0xFFFFFFFF, v6;
	v8, _, _ =	vpop (xrf0)  }
0x3a: {  	v10 =	vld [tilespmem:s22+$0xFFFFFFE0];
	v8 =	vadd.s32 v8, v9  }
0x3b: {  	v8 =	vand.u32 $0xFFF, v8  }
0x3c: {  	v8 =	vnsel vm0, $0x1000, v8;
	_ =	sdelay $0x2  }
0x3d: {  	v51 =	vshll.u32 v10, $0x9;
	v7 =	vsub.s32 v7, v0  }
0x3e: {  	v7 =	vadd.s32 v51, v7  }
0x3f: {  	[tilespmem:v8+s12+$0x0] =	vst.idx.msk $0xffff, v7  }
0x40: {  	v7 =	vld [tilespmem:s21+$0xFFFFFFF0];
	_ =	sdelay $0x4  }
0x41: {  	vm9 =	vge.s32 v7, v0;
	vm2 =	vlt.s32 v7, v1  }
0x42: {  	vm1 =	vmand vm9, vm2  }
0x43: {  	v8 =	vsel vm1, $0x1, v3  }
0x44: {  	(xrf0) =	vadd.scan.msk.s32 $0xffff, v8;
	_ =	sdelay $0x1  }
0x45: {  	v8 =	vmpcnt.ones.xlane vm0;
	_ =	sdelay $0x2  }
0x46: {  	v6 =	vadd.s32 v6, v8  }
0x47: {  	v52 =	vadd.s32 $0xFFFFFFFF, v6;
	v8, _, _ =	vpop (xrf0)  }
0x48: {  	v53 =	vld [tilespmem:s22+$0xFFFFFFF0];
	v8 =	vadd.s32 v8, v52  }
0x49: {  	v8 =	vand.u32 $0xFFF, v8  }
0x4a: {  	v8 =	vnsel vm1, $0x1000, v8;
	_ =	sdelay $0x2  }
0x4b: {  	v54 =	vshll.u32 v53, $0x9;
	v7 =	vsub.s32 v7, v0  }
0x4c: {  	v7 =	vadd.s32 v54, v7  }
0x4d: {  	[tilespmem:v8+s12+$0x0] =	vst.idx.msk $0xffff, v7  }
0x4e: {  	v7 =	vld [tilespmem:s21+$0x0];
	_ =	sdelay $0x4  }
0x4f: {  	vm10 =	vge.s32 v7, v0;
	vm11 =	vlt.s32 v7, v1  }
0x50: {  	vm0 =	vmand vm10, vm11  }
0x51: {  	v8 =	vsel vm0, $0x1, v3  }
0x52: {  	(xrf0) =	vadd.scan.msk.s32 $0xffff, v8;
	_ =	sdelay $0x1  }
0x53: {  	v8 =	vmpcnt.ones.xlane vm1;
	_ =	sdelay $0x2  }
0x54: {  	v6 =	vadd.s32 v6, v8  }
0x55: {  	v55 =	vadd.s32 $0xFFFFFFFF, v6;
	v8, _, _ =	vpop (xrf0)  }
0x56: {  	v56 =	vld [tilespmem:s22+$0x0];
	v8 =	vadd.s32 v8, v55  }
0x57: {  	v8 =	vand.u32 $0xFFF, v8  }
0x58: {  	v8 =	vnsel vm0, $0x1000, v8;
	_ =	sdelay $0x2  }
0x59: {  	v57 =	vshll.u32 v56, $0x9;
	v7 =	vsub.s32 v7, v0  }
0x5a: {  	v7 =	vadd.s32 v57, v7  }
0x5b: {  	[tilespmem:v8+s12+$0x0] =	vst.idx.msk $0xffff, v7  }
0x5c: {  	v7 =	vld [tilespmem:s21+$0x10];
	_ =	sdelay $0x4  }
0x5d: {  	vm12 =	vge.s32 v7, v0;
	vm13 =	vlt.s32 v7, v1  }
0x5e: {  	vm1 =	vmand vm12, vm13  }
0x5f: {  	v8 =	vsel vm1, $0x1, v3  }
0x60: {  	(xrf0) =	vadd.scan.msk.s32 $0xffff, v8;
	_ =	sdelay $0x1  }
0x61: {  	v8 =	vmpcnt.ones.xlane vm0;
	_ =	sdelay $0x2  }
0x62: {  	v6 =	vadd.s32 v6, v8  }
0x63: {  	v58 =	vadd.s32 $0xFFFFFFFF, v6;
	v8, _, _ =	vpop (xrf0)  }
0x64: {  	v59 =	vld [tilespmem:s22+$0x10];
	v8 =	vadd.s32 v8, v58  }
0x65: {  	v8 =	vand.u32 $0xFFF, v8  }
0x66: {  	v8 =	vnsel vm1, $0x1000, v8;
	_ =	sdelay $0x2  }
0x67: {  	v60 =	vshll.u32 v59, $0x9;
	v7 =	vsub.s32 v7, v0  }
0x68: {  	v7 =	vadd.s32 v60, v7  }
0x69: {  	[tilespmem:v8+s12+$0x0] =	vst.idx.msk $0xffff, v7  }
0x6a: {  	v7 =	vld [tilespmem:s21+$0x20];
	_ =	sdelay $0x4  }
0x6b: {  	vm14 =	vge.s32 v7, v0;
	vm15 =	vlt.s32 v7, v1  }
0x6c: {  	vm0 =	vmand vm14, vm15  }
0x6d: {  	v8 =	vsel vm0, $0x1, v3  }
0x6e: {  	(xrf0) =	vadd.scan.msk.s32 $0xffff, v8;
	_ =	sdelay $0x1  }
0x6f: {  	v8 =	vmpcnt.ones.xlane vm1;
	_ =	sdelay $0x2  }
0x70: {  	v6 =	vadd.s32 v6, v8  }
0x71: {  	v61 =	vadd.s32 $0xFFFFFFFF, v6;
	v8, _, _ =	vpop (xrf0)  }
0x72: {  	v62 =	vld [tilespmem:s22+$0x20];
	v8 =	vadd.s32 v8, v61  }
0x73: {  	s20 =	sadd.s32 $0x5, s20;
	v8 =	vand.u32 $0xFFF, v8  }
0x74: {  	p0 =	slt.u32 s20, $0x78;
	v8 =	vnsel vm0, $0x1000, v8  }
.Ltmp5:
0x75: {  	_ = 	snop;
	(pc) =	sbr.rel @p0 .LBB2_5-.Ltmp5, $4  }
0x76: {  	_ = 	snop  }
0x77: {  	v10 =	vshll.u32 v62, $0x9;
	v7 =	vsub.s32 v7, v0;
	v63 =	vmpcnt.ones.xlane vm0  }
0x78: {  	v7 =	vadd.s32 v10, v7  }
0x79: {  	s21 =	sadd.s32 $0x50, s21;
	s22 =	sadd.s32 $0x50, s22;
	v6 =	vadd.s32 v6, v63;
	[tilespmem:v8+s12+$0x0] =	vst.idx.msk $0xffff, v7  }
0x7a: {  	(v2sf) =	vpush v6, $0x0;
	_ =	sdelay $0xe  }
0x7b: {  	s20 =	spop (v2sf)  }
0x7c: {  	s21 =	sand.u32 $0x7F, s20  }
0x7d: {  	s22 =	sshra.s32 s20, $0x1F;
	p0 =	slt.s32 s20, $0x1;
	p1 =	sne.s32 s21, $0x0  }
0x7e: {  	s31 =	sshrl.u32 s22, $0x19;
	p0 =	por !p0, !p1  }
0x7f: {  	s21 =	simm.s32 $0x1;
	s20 =	sadd.s32 s31, s20;
	p0 =	por !p0, !p0  }
0x80: {  	s22 =	sshra.s32 s20, $0x7;
	s21 =	simm.s32 @!p0 $0x0  }
0x81: {  	s24 =	ssub.s32 s22, s21  }
0x82: {  	p0 =	sge.s32 s18, s24  }
.Ltmp6:
0x83: {  	_ = 	snop;
	(pc) =	sbr.rel @p0 .LBB2_13-.Ltmp6, $2  }
0x84: {  	_ =	sdelay $0x2  }
0x85: {  	s20 =	smov.u32 s18  }
.Ltmp7:
0x86: {  	(pc) =	sbr.rel .LBB2_8-.Ltmp7, $2  }
0x87: {  	_ =	sdelay $0x2  }
0x88: {  	s20 =	sshll.u32 s18, $0x7;
	s25 =	smov.u32 s18  }
.LBB2_11:
0x89: {  	s26 =	sshll.u32 s25, $0x7  }
0x8a: {  	s28 =	sand.u32 $0xF80, s26  }
0x8b: {  	v7 =	vld [tilespmem:s28+$0x1F40];
	_ =	sdelay $0x4  }
0x8c: {  	s26 =	sand.u32 $0x80, s26;
	v8 =	vshra.s32 v7, $0x9  }
0x8d: {  	v7 =	vand.u32 $0x1FF, v7;
	[tilespmem:s26+$0x2F50] =	vst v8  }
0x8e: {  	[tilespmem:s26+$0x3050] =	vst v7  }
0x8f: {  	v7 =	vld [tilespmem:s28+$0x1F50];
	_ =	sdelay $0x4  }
0x90: {  	v8 =	vshra.s32 v7, $0x9  }
0x91: {  	v7 =	vand.u32 $0x1FF, v7;
	[tilespmem:s26+$0x2F60] =	vst v8  }
0x92: {  	[tilespmem:s26+$0x3060] =	vst v7  }
0x93: {  	v7 =	vld [tilespmem:s28+$0x1F60];
	_ =	sdelay $0x4  }
0x94: {  	v8 =	vshra.s32 v7, $0x9  }
0x95: {  	v7 =	vand.u32 $0x1FF, v7;
	[tilespmem:s26+$0x2F70] =	vst v8  }
0x96: {  	[tilespmem:s26+$0x3070] =	vst v7  }
0x97: {  	v7 =	vld [tilespmem:s28+$0x1F70];
	_ =	sdelay $0x4  }
0x98: {  	v8 =	vshra.s32 v7, $0x9  }
0x99: {  	v7 =	vand.u32 $0x1FF, v7;
	[tilespmem:s26+$0x2F80] =	vst v8  }
0x9a: {  	[tilespmem:s26+$0x3080] =	vst v7  }
0x9b: {  	v7 =	vld [tilespmem:s28+$0x1F80];
	_ =	sdelay $0x4  }
0x9c: {  	v8 =	vshra.s32 v7, $0x9  }
0x9d: {  	v7 =	vand.u32 $0x1FF, v7;
	[tilespmem:s26+$0x2F90] =	vst v8  }
0x9e: {  	[tilespmem:s26+$0x3090] =	vst v7  }
0x9f: {  	v7 =	vld [tilespmem:s28+$0x1F90];
	_ =	sdelay $0x4  }
0xa0: {  	v8 =	vshra.s32 v7, $0x9  }
0xa1: {  	v7 =	vand.u32 $0x1FF, v7;
	[tilespmem:s26+$0x2FA0] =	vst v8  }
0xa2: {  	[tilespmem:s26+$0x30A0] =	vst v7  }
0xa3: {  	v7 =	vld [tilespmem:s28+$0x1FA0];
	_ =	sdelay $0x4  }
0xa4: {  	v8 =	vshra.s32 v7, $0x9  }
0xa5: {  	v7 =	vand.u32 $0x1FF, v7;
	[tilespmem:s26+$0x2FB0] =	vst v8  }
0xa6: {  	[tilespmem:s26+$0x30B0] =	vst v7  }
0xa7: {  	v7 =	vld [tilespmem:s28+$0x1FB0];
	_ =	sdelay $0x1  }
0xa8: {  	s25 =	sadd.s32 $0x1, s25  }
0xa9: {  	p0 =	sne.s32 s25, s24  }
.Ltmp8:
0xaa: {  	_ = 	snop;
	(pc) =	sbr.rel @!p0 .LBB2_12-.Ltmp8, $4  }
0xab: {  	v8 =	vshra.s32 v7, $0x9  }
0xac: {  	s30 =	sshll.u32 s26, $0x6;
	v7 =	vand.u32 $0x1FF, v7;
	[tilespmem:s26+$0x2FC0] =	vst v8  }
0xad: {  	s20 =	sadd.s32 $0x80, s20;
	s29 =	sadd.s32 $0x2F50, s26;
	s31 =	sadd.s32 $0x3150, s30;
	[tilespmem:s26+$0x30C0] =	vst v7  }
0xae: {  	[tilespmem:s31], [sflag:$0x2] =	stream.indirect.gather [hbm4b:s5+s14], $0x40, s29, s14, $0xb8;
	[tilespmem:$0xC190] =	vst v63  }
.LBB2_8:
0xaf: {  	p0 =	slt.s32 s25, $0x1  }
.Ltmp9:
0xb0: {  	_ = 	snop;
	(pc) =	sbr.rel @p0 .LBB2_11-.Ltmp9, $1  }
0xb1: {  	_ =	sdelay $0x3  }
0xb2: {  	_ =	swait.ge [sflag:s13], $0x2000  }
0xb3: {  	[sflag:s13] =	ssyncset.done $0x0  }
0xb4: {  	s26 =	sand.u32 $0x80, s20;
	s28 =	simm.s32 $0x0;
	[sflag:s13] =	ssyncadd.s32 $0xFFFFE000  }
.LBB2_10:
0xb5: {  	s29 =	sadd.s32 s28, s26  }
0xb6: {  	s29 =	sxor.u32 $0x80, s29  }
0xb7: {  	v7 =	vld [tilespmem:s29+$0x3050];
	_ =	sdelay $0x4  }
0xb8: {  	v7 =	vshll.u32 v7, $0x8  }
0xb9: {  	v7 =	vshra.s32 v7, $0x2  }
0xba: {  	(v2sf) =	vpush v7, $0x0;
	_ =	sdelay $0x9  }
0xbb: {  	s29 =	sshll.u32 s29, $0x6  }
0xbc: {  	s29 =	sand.u32 $0x3FFFFFC0, s29  }
0xbd: {  	v8 =	vld [tilespmem:s29+$0x3150]  }
0xbe: {  	v9 =	vld [tilespmem:s29+$0x3160]  }
0xbf: {  	v10 =	vld [tilespmem:s29+$0x3170];
	(v2sf) =	vpush v7, $0x1  }
0xc0: {  	v11 =	vld [tilespmem:s29+$0x3180];
	s30 =	spop (v2sf)  }
0xc1: {  	v12 =	vld [tilespmem:s30+$0x7150]  }
0xc2: {  	v13 =	vld [tilespmem:s30+$0x7160]  }
0xc3: {  	v14 =	vld [tilespmem:s30+$0x7170]  }
0xc4: {  	v15 =	vld [tilespmem:s30+$0x7180];
	_ =	sdelay $0x1  }
0xc5: {  	v8 =	vmax.bf16 v12, v8  }
0xc6: {  	[tilespmem:s30+$0x7150] =	vst v8;
	v8 =	vmax.bf16 v13, v9  }
0xc7: {  	[tilespmem:s30+$0x7160] =	vst v8;
	v8 =	vmax.bf16 v14, v10  }
0xc8: {  	[tilespmem:s30+$0x7170] =	vst v8;
	v8 =	vmax.bf16 v15, v11  }
0xc9: {  	[tilespmem:s30+$0x7180] =	vst v8  }
0xca: {  	v8 =	vld [tilespmem:s29+$0x3190]  }
0xcb: {  	v53 =	vld [tilespmem:s29+$0x31A0]  }
0xcc: {  	(v2sf) =	vpush v7, $0x2;
	v54 =	vld [tilespmem:s29+$0x31B0]  }
0xcd: {  	s31 =	spop (v2sf);
	v55 =	vld [tilespmem:s29+$0x31C0]  }
0xce: {  	v56 =	vld [tilespmem:s31+$0x7150]  }
0xcf: {  	v57 =	vld [tilespmem:s31+$0x7160]  }
0xd0: {  	v58 =	vld [tilespmem:s31+$0x7170]  }
0xd1: {  	v59 =	vld [tilespmem:s31+$0x7180];
	_ =	sdelay $0x1  }
0xd2: {  	v8 =	vmax.bf16 v56, v8  }
0xd3: {  	[tilespmem:s31+$0x7150] =	vst v8;
	v8 =	vmax.bf16 v57, v53  }
0xd4: {  	[tilespmem:s31+$0x7160] =	vst v8;
	v8 =	vmax.bf16 v58, v54  }
0xd5: {  	[tilespmem:s31+$0x7170] =	vst v8;
	v8 =	vmax.bf16 v59, v55  }
0xd6: {  	[tilespmem:s31+$0x7180] =	vst v8  }
0xd7: {  	v8 =	vld [tilespmem:s29+$0x31D0]  }
0xd8: {  	v60 =	vld [tilespmem:s29+$0x31E0]  }
0xd9: {  	(v2sf) =	vpush v7, $0x3;
	v61 =	vld [tilespmem:s29+$0x31F0]  }
0xda: {  	s3 =	spop (v2sf);
	v62 =	vld [tilespmem:s29+$0x3200]  }
0xdb: {  	v63 =	vld [tilespmem:s3+$0x7150]  }
0xdc: {  	v18 =	vld [tilespmem:s3+$0x7160]  }
0xdd: {  	v19 =	vld [tilespmem:s3+$0x7170]  }
0xde: {  	v20 =	vld [tilespmem:s3+$0x7180];
	_ =	sdelay $0x1  }
0xdf: {  	v8 =	vmax.bf16 v63, v8  }
0xe0: {  	[tilespmem:s3+$0x7150] =	vst v8;
	v8 =	vmax.bf16 v18, v60  }
0xe1: {  	[tilespmem:s3+$0x7160] =	vst v8;
	v8 =	vmax.bf16 v19, v61  }
0xe2: {  	[tilespmem:s3+$0x7170] =	vst v8;
	v8 =	vmax.bf16 v20, v62  }
0xe3: {  	[tilespmem:s3+$0x7180] =	vst v8  }
0xe4: {  	v8 =	vld [tilespmem:s29+$0x3210]  }
0xe5: {  	v21 =	vld [tilespmem:s29+$0x3220]  }
0xe6: {  	(v2sf) =	vpush v7, $0x4;
	v22 =	vld [tilespmem:s29+$0x3230]  }
0xe7: {  	s31 =	spop (v2sf);
	v23 =	vld [tilespmem:s29+$0x3240]  }
0xe8: {  	v24 =	vld [tilespmem:s31+$0x7150]  }
0xe9: {  	v25 =	vld [tilespmem:s31+$0x7160]  }
0xea: {  	v26 =	vld [tilespmem:s31+$0x7170]  }
0xeb: {  	v27 =	vld [tilespmem:s31+$0x7180];
	_ =	sdelay $0x1  }
0xec: {  	v8 =	vmax.bf16 v24, v8  }
0xed: {  	[tilespmem:s31+$0x7150] =	vst v8;
	v8 =	vmax.bf16 v25, v21  }
0xee: {  	[tilespmem:s31+$0x7160] =	vst v8;
	v8 =	vmax.bf16 v26, v22  }
0xef: {  	[tilespmem:s31+$0x7170] =	vst v8;
	v8 =	vmax.bf16 v27, v23  }
0xf0: {  	[tilespmem:s31+$0x7180] =	vst v8  }
0xf1: {  	v8 =	vld [tilespmem:s29+$0x3250]  }
0xf2: {  	v28 =	vld [tilespmem:s29+$0x3260]  }
0xf3: {  	(v2sf) =	vpush v7, $0x5;
	v29 =	vld [tilespmem:s29+$0x3270]  }
0xf4: {  	s3 =	spop (v2sf);
	v30 =	vld [tilespmem:s29+$0x3280]  }
0xf5: {  	v31 =	vld [tilespmem:s3+$0x7150]  }
0xf6: {  	v32 =	vld [tilespmem:s3+$0x7160]  }
0xf7: {  	v33 =	vld [tilespmem:s3+$0x7170]  }
0xf8: {  	v34 =	vld [tilespmem:s3+$0x7180];
	_ =	sdelay $0x1  }
0xf9: {  	v8 =	vmax.bf16 v31, v8  }
0xfa: {  	[tilespmem:s3+$0x7150] =	vst v8;
	v8 =	vmax.bf16 v32, v28  }
0xfb: {  	[tilespmem:s3+$0x7160] =	vst v8;
	v8 =	vmax.bf16 v33, v29  }
0xfc: {  	[tilespmem:s3+$0x7170] =	vst v8;
	v8 =	vmax.bf16 v34, v30  }
0xfd: {  	[tilespmem:s3+$0x7180] =	vst v8  }
0xfe: {  	v8 =	vld [tilespmem:s29+$0x3290]  }
0xff: {  	v35 =	vld [tilespmem:s29+$0x32A0]  }
0x100: {  	(v2sf) =	vpush v7, $0x6;
	v36 =	vld [tilespmem:s29+$0x32B0]  }
0x101: {  	s31 =	spop (v2sf);
	v37 =	vld [tilespmem:s29+$0x32C0]  }
0x102: {  	v38 =	vld [tilespmem:s31+$0x7150]  }
0x103: {  	v39 =	vld [tilespmem:s31+$0x7160]  }
0x104: {  	v40 =	vld [tilespmem:s31+$0x7170]  }
0x105: {  	v41 =	vld [tilespmem:s31+$0x7180];
	_ =	sdelay $0x1  }
0x106: {  	v8 =	vmax.bf16 v38, v8  }
0x107: {  	[tilespmem:s31+$0x7150] =	vst v8;
	v8 =	vmax.bf16 v39, v35  }
0x108: {  	[tilespmem:s31+$0x7160] =	vst v8;
	v8 =	vmax.bf16 v40, v36  }
0x109: {  	[tilespmem:s31+$0x7170] =	vst v8;
	v8 =	vmax.bf16 v41, v37  }
0x10a: {  	[tilespmem:s31+$0x7180] =	vst v8  }
0x10b: {  	v8 =	vld [tilespmem:s29+$0x32D0]  }
0x10c: {  	v42 =	vld [tilespmem:s29+$0x32E0]  }
0x10d: {  	(v2sf) =	vpush v7, $0x7;
	v43 =	vld [tilespmem:s29+$0x32F0]  }
0x10e: {  	s3 =	spop (v2sf);
	v44 =	vld [tilespmem:s29+$0x3300]  }
0x10f: {  	v45 =	vld [tilespmem:s3+$0x7150]  }
0x110: {  	v46 =	vld [tilespmem:s3+$0x7160]  }
0x111: {  	v47 =	vld [tilespmem:s3+$0x7170]  }
0x112: {  	v48 =	vld [tilespmem:s3+$0x7180];
	_ =	sdelay $0x1  }
0x113: {  	v8 =	vmax.bf16 v45, v8  }
0x114: {  	[tilespmem:s3+$0x7150] =	vst v8;
	v8 =	vmax.bf16 v46, v42  }
0x115: {  	[tilespmem:s3+$0x7160] =	vst v8;
	v8 =	vmax.bf16 v47, v43  }
0x116: {  	[tilespmem:s3+$0x7170] =	vst v8;
	v8 =	vmax.bf16 v48, v44  }
0x117: {  	[tilespmem:s3+$0x7180] =	vst v8  }
0x118: {  	v8 =	vld [tilespmem:s29+$0x3310]  }
0x119: {  	v49 =	vld [tilespmem:s29+$0x3320]  }
0x11a: {  	(v2sf) =	vpush v7, $0x8;
	v50 =	vld [tilespmem:s29+$0x3330]  }
0x11b: {  	s31 =	spop (v2sf);
	v51 =	vld [tilespmem:s29+$0x3340]  }
0x11c: {  	v52 =	vld [tilespmem:s31+$0x7150]  }
0x11d: {  	v53 =	vld [tilespmem:s31+$0x7160]  }
0x11e: {  	v54 =	vld [tilespmem:s31+$0x7170]  }
0x11f: {  	v55 =	vld [tilespmem:s31+$0x7180];
	_ =	sdelay $0x1  }
0x120: {  	v8 =	vmax.bf16 v52, v8  }
0x121: {  	[tilespmem:s31+$0x7150] =	vst v8;
	v8 =	vmax.bf16 v53, v49  }
0x122: {  	[tilespmem:s31+$0x7160] =	vst v8;
	v8 =	vmax.bf16 v54, v50  }
0x123: {  	[tilespmem:s31+$0x7170] =	vst v8;
	v8 =	vmax.bf16 v55, v51  }
0x124: {  	[tilespmem:s31+$0x7180] =	vst v8  }
0x125: {  	v8 =	vld [tilespmem:s29+$0x3350]  }
0x126: {  	v56 =	vld [tilespmem:s29+$0x3360]  }
0x127: {  	(v2sf) =	vpush v7, $0x9;
	v57 =	vld [tilespmem:s29+$0x3370]  }
0x128: {  	s3 =	spop (v2sf);
	v58 =	vld [tilespmem:s29+$0x3380]  }
0x129: {  	v59 =	vld [tilespmem:s3+$0x7150]  }
0x12a: {  	v60 =	vld [tilespmem:s3+$0x7160]  }
0x12b: {  	v61 =	vld [tilespmem:s3+$0x7170]  }
0x12c: {  	v62 =	vld [tilespmem:s3+$0x7180];
	_ =	sdelay $0x1  }
0x12d: {  	v8 =	vmax.bf16 v59, v8  }
0x12e: {  	[tilespmem:s3+$0x7150] =	vst v8;
	v8 =	vmax.bf16 v60, v56  }
0x12f: {  	[tilespmem:s3+$0x7160] =	vst v8;
	v8 =	vmax.bf16 v61, v57  }
0x130: {  	[tilespmem:s3+$0x7170] =	vst v8;
	v8 =	vmax.bf16 v62, v58  }
0x131: {  	[tilespmem:s3+$0x7180] =	vst v8  }
0x132: {  	v8 =	vld [tilespmem:s29+$0x3390]  }
0x133: {  	v63 =	vld [tilespmem:s29+$0x33A0]  }
0x134: {  	(v2sf) =	vpush v7, $0xA;
	v18 =	vld [tilespmem:s29+$0x33B0]  }
0x135: {  	s31 =	spop (v2sf);
	v19 =	vld [tilespmem:s29+$0x33C0]  }
0x136: {  	v20 =	vld [tilespmem:s31+$0x7150]  }
0x137: {  	v21 =	vld [tilespmem:s31+$0x7160]  }
0x138: {  	v22 =	vld [tilespmem:s31+$0x7170]  }
0x139: {  	v23 =	vld [tilespmem:s31+$0x7180];
	_ =	sdelay $0x1  }
0x13a: {  	v8 =	vmax.bf16 v20, v8  }
0x13b: {  	[tilespmem:s31+$0x7150] =	vst v8;
	v8 =	vmax.bf16 v21, v63  }
0x13c: {  	[tilespmem:s31+$0x7160] =	vst v8;
	v8 =	vmax.bf16 v22, v18  }
0x13d: {  	[tilespmem:s31+$0x7170] =	vst v8;
	v8 =	vmax.bf16 v23, v19  }
0x13e: {  	[tilespmem:s31+$0x7180] =	vst v8  }
0x13f: {  	v8 =	vld [tilespmem:s29+$0x33D0]  }
0x140: {  	v24 =	vld [tilespmem:s29+$0x33E0]  }
0x141: {  	(v2sf) =	vpush v7, $0xB;
	v25 =	vld [tilespmem:s29+$0x33F0]  }
0x142: {  	s3 =	spop (v2sf);
	v26 =	vld [tilespmem:s29+$0x3400]  }
0x143: {  	v27 =	vld [tilespmem:s3+$0x7150]  }
0x144: {  	v28 =	vld [tilespmem:s3+$0x7160]  }
0x145: {  	v29 =	vld [tilespmem:s3+$0x7170]  }
0x146: {  	v30 =	vld [tilespmem:s3+$0x7180];
	_ =	sdelay $0x1  }
0x147: {  	v8 =	vmax.bf16 v27, v8  }
0x148: {  	[tilespmem:s3+$0x7150] =	vst v8;
	v8 =	vmax.bf16 v28, v24  }
0x149: {  	[tilespmem:s3+$0x7160] =	vst v8;
	v8 =	vmax.bf16 v29, v25  }
0x14a: {  	[tilespmem:s3+$0x7170] =	vst v8;
	v8 =	vmax.bf16 v30, v26  }
0x14b: {  	[tilespmem:s3+$0x7180] =	vst v8  }
0x14c: {  	v8 =	vld [tilespmem:s29+$0x3410]  }
0x14d: {  	v31 =	vld [tilespmem:s29+$0x3420]  }
0x14e: {  	(v2sf) =	vpush v7, $0xC;
	v32 =	vld [tilespmem:s29+$0x3430]  }
0x14f: {  	s31 =	spop (v2sf);
	v33 =	vld [tilespmem:s29+$0x3440]  }
0x150: {  	v34 =	vld [tilespmem:s31+$0x7150]  }
0x151: {  	v35 =	vld [tilespmem:s31+$0x7160]  }
0x152: {  	v36 =	vld [tilespmem:s31+$0x7170]  }
0x153: {  	v37 =	vld [tilespmem:s31+$0x7180];
	_ =	sdelay $0x1  }
0x154: {  	v8 =	vmax.bf16 v34, v8  }
0x155: {  	[tilespmem:s31+$0x7150] =	vst v8;
	v8 =	vmax.bf16 v35, v31  }
0x156: {  	[tilespmem:s31+$0x7160] =	vst v8;
	v8 =	vmax.bf16 v36, v32  }
0x157: {  	[tilespmem:s31+$0x7170] =	vst v8;
	v8 =	vmax.bf16 v37, v33  }
0x158: {  	[tilespmem:s31+$0x7180] =	vst v8  }
0x159: {  	v8 =	vld [tilespmem:s29+$0x3450]  }
0x15a: {  	v38 =	vld [tilespmem:s29+$0x3460]  }
0x15b: {  	(v2sf) =	vpush v7, $0xD;
	v39 =	vld [tilespmem:s29+$0x3470]  }
0x15c: {  	s3 =	spop (v2sf);
	v40 =	vld [tilespmem:s29+$0x3480]  }
0x15d: {  	v41 =	vld [tilespmem:s3+$0x7150]  }
0x15e: {  	v42 =	vld [tilespmem:s3+$0x7160]  }
0x15f: {  	v43 =	vld [tilespmem:s3+$0x7170]  }
0x160: {  	v44 =	vld [tilespmem:s3+$0x7180];
	_ =	sdelay $0x1  }
0x161: {  	v8 =	vmax.bf16 v41, v8  }
0x162: {  	[tilespmem:s3+$0x7150] =	vst v8;
	v8 =	vmax.bf16 v42, v38  }
0x163: {  	[tilespmem:s3+$0x7160] =	vst v8;
	v8 =	vmax.bf16 v43, v39  }
0x164: {  	[tilespmem:s3+$0x7170] =	vst v8;
	v8 =	vmax.bf16 v44, v40  }
0x165: {  	[tilespmem:s3+$0x7180] =	vst v8  }
0x166: {  	v8 =	vld [tilespmem:s29+$0x3490]  }
0x167: {  	v45 =	vld [tilespmem:s29+$0x34A0]  }
0x168: {  	(v2sf) =	vpush v7, $0xE;
	v46 =	vld [tilespmem:s29+$0x34B0]  }
0x169: {  	s31 =	spop (v2sf);
	v47 =	vld [tilespmem:s29+$0x34C0]  }
0x16a: {  	v48 =	vld [tilespmem:s31+$0x7150]  }
0x16b: {  	v49 =	vld [tilespmem:s31+$0x7160]  }
0x16c: {  	v50 =	vld [tilespmem:s31+$0x7170]  }
0x16d: {  	v51 =	vld [tilespmem:s31+$0x7180];
	_ =	sdelay $0x1  }
0x16e: {  	v8 =	vmax.bf16 v48, v8  }
0x16f: {  	[tilespmem:s31+$0x7150] =	vst v8;
	v8 =	vmax.bf16 v49, v45  }
0x170: {  	[tilespmem:s31+$0x7160] =	vst v8;
	v8 =	vmax.bf16 v50, v46  }
0x171: {  	[tilespmem:s31+$0x7170] =	vst v8;
	v8 =	vmax.bf16 v51, v47  }
0x172: {  	[tilespmem:s31+$0x7180] =	vst v8  }
0x173: {  	v8 =	vld [tilespmem:s29+$0x34D0]  }
0x174: {  	v52 =	vld [tilespmem:s29+$0x34E0]  }
0x175: {  	(v2sf) =	vpush v7, $0xF;
	v53 =	vld [tilespmem:s29+$0x34F0]  }
0x176: {  	s3 =	spop (v2sf);
	v7 =	vld [tilespmem:s29+$0x3500]  }
0x177: {  	v54 =	vld [tilespmem:s3+$0x7150]  }
0x178: {  	v57 =	vld [tilespmem:s3+$0x7180]  }
0x179: {  	v55 =	vld [tilespmem:s3+$0x7160]  }
0x17a: {  	v56 =	vld [tilespmem:s3+$0x7170];
	_ =	sdelay $0x1  }
0x17b: {  	v8 =	vmax.bf16 v54, v8  }
0x17c: {  	v7 =	vmax.bf16 v57, v7;
	[tilespmem:s3+$0x7150] =	vst v8  }
0x17d: {  	v8 =	vmax.bf16 v55, v52;
	[tilespmem:s3+$0x7180] =	vst v7  }
0x17e: {  	[tilespmem:s3+$0x7160] =	vst v8;
	v8 =	vmax.bf16 v56, v53  }
0x17f: {  	[tilespmem:s3+$0x7170] =	vst v8  }
0x180: {  	v7 =	vld [tilespmem:s29+$0x3510]  }
0x181: {  	v8 =	vld [tilespmem:s29+$0x3520]  }
0x182: {  	v58 =	vld [tilespmem:s29+$0x3530]  }
0x183: {  	s31 =	spop (v2sf);
	v59 =	vld [tilespmem:s29+$0x3540]  }
0x184: {  	v60 =	vld [tilespmem:s31+$0x7150]  }
0x185: {  	v61 =	vld [tilespmem:s31+$0x7160]  }
0x186: {  	v62 =	vld [tilespmem:s31+$0x7170]  }
0x187: {  	v63 =	vld [tilespmem:s31+$0x7180]  }
0x188: {  	p0 =	sne.s32 s28, $0x70  }
.Ltmp10:
0x189: {  	v7 =	vmax.bf16 v60, v7;
	(pc) =	sbr.rel @p0 .LBB2_10-.Ltmp10, $4  }
0x18a: {  	[tilespmem:s31+$0x7150] =	vst v7;
	v7 =	vmax.bf16 v61, v8  }
0x18b: {  	[tilespmem:s31+$0x7160] =	vst v7;
	v7 =	vmax.bf16 v62, v58  }
0x18c: {  	[tilespmem:s31+$0x7170] =	vst v7;
	v7 =	vmax.bf16 v63, v59  }
0x18d: {  	s28 =	sadd.s32 $0x10, s28;
	[tilespmem:s31+$0x7180] =	vst v7  }
.Ltmp11:
0x18e: {  	_ = 	snop;
	(pc) =	sbr.rel .LBB2_11-.Ltmp11, $1  }
0x18f: {  	_ =	sdelay $0x3  }
.LBB2_12:
0x190: {  	s20 =	smov.u32 s24  }
.LBB2_13:
0x191: {  	p0 =	seq.s32 s19, $0x27  }
0x192: {  	s23 =	sshrl.u32 @!p0 s23, $0x3  }
0x193: {  	s23 =	sadd.s32 @!p0 $0x1F4, s23  }
0x194: {  	s25 =	simm.s32 @!p0 $0x0;
	s24 =	sadd.s32 @!p0 s2, s23  }
0x195: {  	[tilespmem:s25], [sflag:$0x1] =	stream.linear.gather @!p0 [hbm4b:s24+s25], $0x7D0, $0x38;
	[tilespmem:$0xC190] =	vst v63  }
0x196: {  	s23 =	sadd.s32 @!p0 s1, s23;
	s24 =	simm.s32 @!p0 $0xFA0  }
0x197: {  	[tilespmem:s24], [sflag:$0x1] =	stream.linear.gather @!p0 [hbm4b:s23+s25], $0x7D0, $0x38;
	[tilespmem:$0xC190] =	vst v63  }
0x198: {  	_ =	swait.ge [sflag:s11], $0x7D0  }
0x199: {  	[sflag:s11] =	ssyncset.done $0x0  }
0x19a: {  	[sflag:s11] =	ssyncadd.s32 $0xFFFFF830  }
0x19b: {  	_ =	swait.ge [sflag:s11], $0x7D0  }
0x19c: {  	s23 =	simm.s32 $0xFFFFFFFB;
	[sflag:s11] =	ssyncset.done $0x0  }
0x19d: {  	s24 =	simm.s32 $0x7F0;
	s25 =	simm.s32 $0x1790;
	[sflag:s11] =	ssyncadd.s32 $0xFFFFF830  }
.LBB2_14:
0x19e: {  	v7 =	vld [tilespmem:s24+$0xFFFFFFE0];
	_ =	sdelay $0x4  }
0x19f: {  	vm0 =	vge.s32 v7, v0;
	vm1 =	vlt.s32 v7, v1  }
0x1a0: {  	vm0 =	vmand vm0, vm1  }
0x1a1: {  	v8 =	vsel vm0, $0x1, v3  }
0x1a2: {  	(xrf0) =	vadd.scan.msk.s32 $0xffff, v8;
	_ =	sdelay $0x5  }
0x1a3: {  	v9 =	vadd.s32 $0xFFFFFFFF, v6;
	v8, _, _ =	vpop (xrf0)  }
0x1a4: {  	v10 =	vld [tilespmem:s25+$0xFFFFFFE0];
	v8 =	vadd.s32 v8, v9  }
0x1a5: {  	v8 =	vand.u32 $0xFFF, v8  }
0x1a6: {  	v8 =	vnsel vm0, $0x1000, v8;
	_ =	sdelay $0x2  }
0x1a7: {  	v51 =	vshll.u32 v10, $0x9;
	v7 =	vsub.s32 v7, v0  }
0x1a8: {  	v7 =	vadd.s32 v51, v7  }
0x1a9: {  	[tilespmem:v8+s12+$0x0] =	vst.idx.msk $0xffff, v7  }
0x1aa: {  	v7 =	vld [tilespmem:s24+$0xFFFFFFF0];
	_ =	sdelay $0x4  }
0x1ab: {  	vm9 =	vge.s32 v7, v0;
	vm2 =	vlt.s32 v7, v1  }
0x1ac: {  	vm1 =	vmand vm9, vm2  }
0x1ad: {  	v8 =	vsel vm1, $0x1, v3  }
0x1ae: {  	(xrf0) =	vadd.scan.msk.s32 $0xffff, v8;
	_ =	sdelay $0x1  }
0x1af: {  	v8 =	vmpcnt.ones.xlane vm0;
	_ =	sdelay $0x2  }
0x1b0: {  	v6 =	vadd.s32 v6, v8  }
0x1b1: {  	v52 =	vadd.s32 $0xFFFFFFFF, v6;
	v8, _, _ =	vpop (xrf0)  }
0x1b2: {  	v53 =	vld [tilespmem:s25+$0xFFFFFFF0];
	v8 =	vadd.s32 v8, v52  }
0x1b3: {  	v8 =	vand.u32 $0xFFF, v8  }
0x1b4: {  	v8 =	vnsel vm1, $0x1000, v8;
	_ =	sdelay $0x2  }
0x1b5: {  	v54 =	vshll.u32 v53, $0x9;
	v7 =	vsub.s32 v7, v0  }
0x1b6: {  	v7 =	vadd.s32 v54, v7  }
0x1b7: {  	[tilespmem:v8+s12+$0x0] =	vst.idx.msk $0xffff, v7  }
0x1b8: {  	v7 =	vld [tilespmem:s24+$0x0];
	_ =	sdelay $0x4  }
0x1b9: {  	vm10 =	vge.s32 v7, v0;
	vm11 =	vlt.s32 v7, v1  }
0x1ba: {  	vm0 =	vmand vm10, vm11  }
0x1bb: {  	v8 =	vsel vm0, $0x1, v3  }
0x1bc: {  	(xrf0) =	vadd.scan.msk.s32 $0xffff, v8;
	_ =	sdelay $0x1  }
0x1bd: {  	v8 =	vmpcnt.ones.xlane vm1;
	_ =	sdelay $0x2  }
0x1be: {  	v6 =	vadd.s32 v6, v8  }
0x1bf: {  	v55 =	vadd.s32 $0xFFFFFFFF, v6;
	v8, _, _ =	vpop (xrf0)  }
0x1c0: {  	v56 =	vld [tilespmem:s25+$0x0];
	v8 =	vadd.s32 v8, v55  }
0x1c1: {  	v8 =	vand.u32 $0xFFF, v8  }
0x1c2: {  	v8 =	vnsel vm0, $0x1000, v8;
	_ =	sdelay $0x2  }
0x1c3: {  	v57 =	vshll.u32 v56, $0x9;
	v7 =	vsub.s32 v7, v0  }
0x1c4: {  	v7 =	vadd.s32 v57, v7  }
0x1c5: {  	[tilespmem:v8+s12+$0x0] =	vst.idx.msk $0xffff, v7  }
0x1c6: {  	v7 =	vld [tilespmem:s24+$0x10];
	_ =	sdelay $0x4  }
0x1c7: {  	vm12 =	vge.s32 v7, v0;
	vm13 =	vlt.s32 v7, v1  }
0x1c8: {  	vm1 =	vmand vm12, vm13  }
0x1c9: {  	v8 =	vsel vm1, $0x1, v3  }
0x1ca: {  	(xrf0) =	vadd.scan.msk.s32 $0xffff, v8;
	_ =	sdelay $0x1  }
0x1cb: {  	v8 =	vmpcnt.ones.xlane vm0;
	_ =	sdelay $0x2  }
0x1cc: {  	v6 =	vadd.s32 v6, v8  }
0x1cd: {  	v58 =	vadd.s32 $0xFFFFFFFF, v6;
	v8, _, _ =	vpop (xrf0)  }
0x1ce: {  	v59 =	vld [tilespmem:s25+$0x10];
	v8 =	vadd.s32 v8, v58  }
0x1cf: {  	v8 =	vand.u32 $0xFFF, v8  }
0x1d0: {  	v8 =	vnsel vm1, $0x1000, v8;
	_ =	sdelay $0x2  }
0x1d1: {  	v60 =	vshll.u32 v59, $0x9;
	v7 =	vsub.s32 v7, v0  }
0x1d2: {  	v7 =	vadd.s32 v60, v7  }
0x1d3: {  	[tilespmem:v8+s12+$0x0] =	vst.idx.msk $0xffff, v7  }
0x1d4: {  	v7 =	vld [tilespmem:s24+$0x20];
	_ =	sdelay $0x4  }
0x1d5: {  	vm14 =	vge.s32 v7, v0;
	vm15 =	vlt.s32 v7, v1  }
0x1d6: {  	vm0 =	vmand vm14, vm15  }
0x1d7: {  	v8 =	vsel vm0, $0x1, v3  }
0x1d8: {  	(xrf0) =	vadd.scan.msk.s32 $0xffff, v8;
	_ =	sdelay $0x1  }
0x1d9: {  	v8 =	vmpcnt.ones.xlane vm1;
	_ =	sdelay $0x2  }
0x1da: {  	v6 =	vadd.s32 v6, v8  }
0x1db: {  	v61 =	vadd.s32 $0xFFFFFFFF, v6;
	v8, _, _ =	vpop (xrf0)  }
0x1dc: {  	v62 =	vld [tilespmem:s25+$0x20];
	v8 =	vadd.s32 v8, v61  }
0x1dd: {  	s23 =	sadd.s32 $0x5, s23;
	v8 =	vand.u32 $0xFFF, v8  }
0x1de: {  	p0 =	slt.u32 s23, $0x78;
	v8 =	vnsel vm0, $0x1000, v8  }
.Ltmp12:
0x1df: {  	_ = 	snop;
	(pc) =	sbr.rel @p0 .LBB2_14-.Ltmp12, $4  }
0x1e0: {  	_ = 	snop  }
0x1e1: {  	v10 =	vshll.u32 v62, $0x9;
	v7 =	vsub.s32 v7, v0;
	v63 =	vmpcnt.ones.xlane vm0  }
0x1e2: {  	v7 =	vadd.s32 v10, v7  }
0x1e3: {  	s24 =	sadd.s32 $0x50, s24;
	s25 =	sadd.s32 $0x50, s25;
	v6 =	vadd.s32 v6, v63;
	[tilespmem:v8+s12+$0x0] =	vst.idx.msk $0xffff, v7  }
0x1e4: {  	(v2sf) =	vpush v6, $0x0;
	_ =	sdelay $0xe  }
0x1e5: {  	s25 =	spop (v2sf)  }
0x1e6: {  	s23 =	sand.u32 $0x7F, s25  }
0x1e7: {  	s24 =	sshra.s32 s25, $0x1F;
	p0 =	slt.s32 s25, $0x1;
	p1 =	sne.s32 s23, $0x0  }
0x1e8: {  	s31 =	sshrl.u32 s24, $0x19;
	p0 =	por !p0, !p1  }
0x1e9: {  	s23 =	simm.s32 $0x1;
	s24 =	sadd.s32 s31, s25;
	p0 =	por !p0, !p0  }
0x1ea: {  	s24 =	sshra.s32 s24, $0x7;
	s23 =	simm.s32 @!p0 $0x0  }
0x1eb: {  	s26 =	ssub.s32 s24, s23  }
0x1ec: {  	p0 =	sge.s32 s20, s26  }
.Ltmp13:
0x1ed: {  	_ = 	snop;
	(pc) =	sbr.rel @p0 .LBB2_22-.Ltmp13, $1  }
0x1ee: {  	_ =	sdelay $0x3  }
.Ltmp14:
0x1ef: {  	(pc) =	sbr.rel .LBB2_17-.Ltmp14, $2  }
0x1f0: {  	_ =	sdelay $0x2  }
0x1f1: {  	s28 =	sshll.u32 s20, $0x7  }
.LBB2_20:
0x1f2: {  	s3 =	sshll.u32 s20, $0x7  }
0x1f3: {  	s29 =	sand.u32 $0xF80, s3  }
0x1f4: {  	v7 =	vld [tilespmem:s29+$0x1F40];
	_ =	sdelay $0x4  }
0x1f5: {  	s3 =	sand.u32 $0x80, s3;
	v8 =	vshra.s32 v7, $0x9  }
0x1f6: {  	v7 =	vand.u32 $0x1FF, v7;
	[tilespmem:s3+$0x2F50] =	vst v8  }
0x1f7: {  	[tilespmem:s3+$0x3050] =	vst v7  }
0x1f8: {  	v7 =	vld [tilespmem:s29+$0x1F50];
	_ =	sdelay $0x4  }
0x1f9: {  	v8 =	vshra.s32 v7, $0x9  }
0x1fa: {  	v7 =	vand.u32 $0x1FF, v7;
	[tilespmem:s3+$0x2F60] =	vst v8  }
0x1fb: {  	[tilespmem:s3+$0x3060] =	vst v7  }
0x1fc: {  	v7 =	vld [tilespmem:s29+$0x1F60];
	_ =	sdelay $0x4  }
0x1fd: {  	v8 =	vshra.s32 v7, $0x9  }
0x1fe: {  	v7 =	vand.u32 $0x1FF, v7;
	[tilespmem:s3+$0x2F70] =	vst v8  }
0x1ff: {  	[tilespmem:s3+$0x3070] =	vst v7  }
0x200: {  	v7 =	vld [tilespmem:s29+$0x1F70];
	_ =	sdelay $0x4  }
0x201: {  	v8 =	vshra.s32 v7, $0x9  }
0x202: {  	v7 =	vand.u32 $0x1FF, v7;
	[tilespmem:s3+$0x2F80] =	vst v8  }
0x203: {  	[tilespmem:s3+$0x3080] =	vst v7  }
0x204: {  	v7 =	vld [tilespmem:s29+$0x1F80];
	_ =	sdelay $0x4  }
0x205: {  	v8 =	vshra.s32 v7, $0x9  }
0x206: {  	v7 =	vand.u32 $0x1FF, v7;
	[tilespmem:s3+$0x2F90] =	vst v8  }
0x207: {  	[tilespmem:s3+$0x3090] =	vst v7  }
0x208: {  	v7 =	vld [tilespmem:s29+$0x1F90];
	_ =	sdelay $0x4  }
0x209: {  	v8 =	vshra.s32 v7, $0x9  }
0x20a: {  	v7 =	vand.u32 $0x1FF, v7;
	[tilespmem:s3+$0x2FA0] =	vst v8  }
0x20b: {  	[tilespmem:s3+$0x30A0] =	vst v7  }
0x20c: {  	v7 =	vld [tilespmem:s29+$0x1FA0];
	_ =	sdelay $0x4  }
0x20d: {  	v8 =	vshra.s32 v7, $0x9  }
0x20e: {  	v7 =	vand.u32 $0x1FF, v7;
	[tilespmem:s3+$0x2FB0] =	vst v8  }
0x20f: {  	[tilespmem:s3+$0x30B0] =	vst v7  }
0x210: {  	v7 =	vld [tilespmem:s29+$0x1FB0];
	_ =	sdelay $0x1  }
0x211: {  	s20 =	sadd.s32 $0x1, s20  }
0x212: {  	p0 =	sne.s32 s20, s26  }
.Ltmp15:
0x213: {  	_ = 	snop;
	(pc) =	sbr.rel @!p0 .LBB2_21-.Ltmp15, $4  }
0x214: {  	v8 =	vshra.s32 v7, $0x9  }
0x215: {  	s31 =	sshll.u32 s3, $0x6;
	v7 =	vand.u32 $0x1FF, v7;
	[tilespmem:s3+$0x2FC0] =	vst v8  }
0x216: {  	s28 =	sadd.s32 $0x80, s28;
	s30 =	sadd.s32 $0x2F50, s3;
	s31 =	sadd.s32 $0x3150, s31;
	[tilespmem:s3+$0x30C0] =	vst v7  }
0x217: {  	[tilespmem:s31], [sflag:$0x2] =	stream.indirect.gather [hbm4b:s5+s14], $0x40, s30, s14, $0xb8;
	[tilespmem:$0xC190] =	vst v63  }
.LBB2_17:
0x218: {  	p0 =	slt.s32 s20, $0x1  }
.Ltmp16:
0x219: {  	_ = 	snop;
	(pc) =	sbr.rel @p0 .LBB2_20-.Ltmp16, $1  }
0x21a: {  	_ =	sdelay $0x3  }
0x21b: {  	_ =	swait.ge [sflag:s13], $0x2000  }
0x21c: {  	[sflag:s13] =	ssyncset.done $0x0  }
0x21d: {  	s29 =	sand.u32 $0x80, s28;
	s30 =	simm.s32 $0x0;
	[sflag:s13] =	ssyncadd.s32 $0xFFFFE000  }
.LBB2_19:
0x21e: {  	s31 =	sadd.s32 s30, s29  }
0x21f: {  	s31 =	sxor.u32 $0x80, s31  }
0x220: {  	v7 =	vld [tilespmem:s31+$0x3050];
	_ =	sdelay $0x4  }
0x221: {  	v7 =	vshll.u32 v7, $0x8  }
0x222: {  	v7 =	vshra.s32 v7, $0x2  }
0x223: {  	(v2sf) =	vpush v7, $0x0;
	_ =	sdelay $0x9  }
0x224: {  	s31 =	sshll.u32 s31, $0x6  }
0x225: {  	s31 =	sand.u32 $0x3FFFFFC0, s31  }
0x226: {  	v8 =	vld [tilespmem:s31+$0x3150]  }
0x227: {  	v9 =	vld [tilespmem:s31+$0x3160]  }
0x228: {  	v10 =	vld [tilespmem:s31+$0x3170];
	(v2sf) =	vpush v7, $0x1  }
0x229: {  	v11 =	vld [tilespmem:s31+$0x3180];
	s3 =	spop (v2sf)  }
0x22a: {  	v12 =	vld [tilespmem:s3+$0x7150]  }
0x22b: {  	v13 =	vld [tilespmem:s3+$0x7160]  }
0x22c: {  	v14 =	vld [tilespmem:s3+$0x7170]  }
0x22d: {  	v15 =	vld [tilespmem:s3+$0x7180];
	_ =	sdelay $0x1  }
0x22e: {  	v8 =	vmax.bf16 v12, v8  }
0x22f: {  	[tilespmem:s3+$0x7150] =	vst v8;
	v8 =	vmax.bf16 v13, v9  }
0x230: {  	[tilespmem:s3+$0x7160] =	vst v8;
	v8 =	vmax.bf16 v14, v10  }
0x231: {  	[tilespmem:s3+$0x7170] =	vst v8;
	v8 =	vmax.bf16 v15, v11  }
0x232: {  	[tilespmem:s3+$0x7180] =	vst v8  }
0x233: {  	v8 =	vld [tilespmem:s31+$0x3190]  }
0x234: {  	v53 =	vld [tilespmem:s31+$0x31A0]  }
0x235: {  	(v2sf) =	vpush v7, $0x2;
	v54 =	vld [tilespmem:s31+$0x31B0]  }
0x236: {  	s3 =	spop (v2sf);
	v55 =	vld [tilespmem:s31+$0x31C0]  }
0x237: {  	v56 =	vld [tilespmem:s3+$0x7150]  }
0x238: {  	v57 =	vld [tilespmem:s3+$0x7160]  }
0x239: {  	v58 =	vld [tilespmem:s3+$0x7170]  }
0x23a: {  	v59 =	vld [tilespmem:s3+$0x7180];
	_ =	sdelay $0x1  }
0x23b: {  	v8 =	vmax.bf16 v56, v8  }
0x23c: {  	[tilespmem:s3+$0x7150] =	vst v8;
	v8 =	vmax.bf16 v57, v53  }
0x23d: {  	[tilespmem:s3+$0x7160] =	vst v8;
	v8 =	vmax.bf16 v58, v54  }
0x23e: {  	[tilespmem:s3+$0x7170] =	vst v8;
	v8 =	vmax.bf16 v59, v55  }
0x23f: {  	[tilespmem:s3+$0x7180] =	vst v8  }
0x240: {  	v8 =	vld [tilespmem:s31+$0x31D0]  }
0x241: {  	v60 =	vld [tilespmem:s31+$0x31E0]  }
0x242: {  	(v2sf) =	vpush v7, $0x3;
	v61 =	vld [tilespmem:s31+$0x31F0]  }
0x243: {  	s3 =	spop (v2sf);
	v62 =	vld [tilespmem:s31+$0x3200]  }
0x244: {  	v63 =	vld [tilespmem:s3+$0x7150]  }
0x245: {  	v18 =	vld [tilespmem:s3+$0x7160]  }
0x246: {  	v19 =	vld [tilespmem:s3+$0x7170]  }
0x247: {  	v20 =	vld [tilespmem:s3+$0x7180];
	_ =	sdelay $0x1  }
0x248: {  	v8 =	vmax.bf16 v63, v8  }
0x249: {  	[tilespmem:s3+$0x7150] =	vst v8;
	v8 =	vmax.bf16 v18, v60  }
0x24a: {  	[tilespmem:s3+$0x7160] =	vst v8;
	v8 =	vmax.bf16 v19, v61  }
0x24b: {  	[tilespmem:s3+$0x7170] =	vst v8;
	v8 =	vmax.bf16 v20, v62  }
0x24c: {  	[tilespmem:s3+$0x7180] =	vst v8  }
0x24d: {  	v8 =	vld [tilespmem:s31+$0x3210]  }
0x24e: {  	v21 =	vld [tilespmem:s31+$0x3220]  }
0x24f: {  	(v2sf) =	vpush v7, $0x4;
	v22 =	vld [tilespmem:s31+$0x3230]  }
0x250: {  	s3 =	spop (v2sf);
	v23 =	vld [tilespmem:s31+$0x3240]  }
0x251: {  	v24 =	vld [tilespmem:s3+$0x7150]  }
0x252: {  	v25 =	vld [tilespmem:s3+$0x7160]  }
0x253: {  	v26 =	vld [tilespmem:s3+$0x7170]  }
0x254: {  	v27 =	vld [tilespmem:s3+$0x7180];
	_ =	sdelay $0x1  }
0x255: {  	v8 =	vmax.bf16 v24, v8  }
0x256: {  	[tilespmem:s3+$0x7150] =	vst v8;
	v8 =	vmax.bf16 v25, v21  }
0x257: {  	[tilespmem:s3+$0x7160] =	vst v8;
	v8 =	vmax.bf16 v26, v22  }
0x258: {  	[tilespmem:s3+$0x7170] =	vst v8;
	v8 =	vmax.bf16 v27, v23  }
0x259: {  	[tilespmem:s3+$0x7180] =	vst v8  }
0x25a: {  	v8 =	vld [tilespmem:s31+$0x3250]  }
0x25b: {  	v28 =	vld [tilespmem:s31+$0x3260]  }
0x25c: {  	(v2sf) =	vpush v7, $0x5;
	v29 =	vld [tilespmem:s31+$0x3270]  }
0x25d: {  	s3 =	spop (v2sf);
	v30 =	vld [tilespmem:s31+$0x3280]  }
0x25e: {  	v31 =	vld [tilespmem:s3+$0x7150]  }
0x25f: {  	v32 =	vld [tilespmem:s3+$0x7160]  }
0x260: {  	v33 =	vld [tilespmem:s3+$0x7170]  }
0x261: {  	v34 =	vld [tilespmem:s3+$0x7180];
	_ =	sdelay $0x1  }
0x262: {  	v8 =	vmax.bf16 v31, v8  }
0x263: {  	[tilespmem:s3+$0x7150] =	vst v8;
	v8 =	vmax.bf16 v32, v28  }
0x264: {  	[tilespmem:s3+$0x7160] =	vst v8;
	v8 =	vmax.bf16 v33, v29  }
0x265: {  	[tilespmem:s3+$0x7170] =	vst v8;
	v8 =	vmax.bf16 v34, v30  }
0x266: {  	[tilespmem:s3+$0x7180] =	vst v8  }
0x267: {  	v8 =	vld [tilespmem:s31+$0x3290]  }
0x268: {  	v35 =	vld [tilespmem:s31+$0x32A0]  }
0x269: {  	(v2sf) =	vpush v7, $0x6;
	v36 =	vld [tilespmem:s31+$0x32B0]  }
0x26a: {  	s3 =	spop (v2sf);
	v37 =	vld [tilespmem:s31+$0x32C0]  }
0x26b: {  	v38 =	vld [tilespmem:s3+$0x7150]  }
0x26c: {  	v39 =	vld [tilespmem:s3+$0x7160]  }
0x26d: {  	v40 =	vld [tilespmem:s3+$0x7170]  }
0x26e: {  	v41 =	vld [tilespmem:s3+$0x7180];
	_ =	sdelay $0x1  }
0x26f: {  	v8 =	vmax.bf16 v38, v8  }
0x270: {  	[tilespmem:s3+$0x7150] =	vst v8;
	v8 =	vmax.bf16 v39, v35  }
0x271: {  	[tilespmem:s3+$0x7160] =	vst v8;
	v8 =	vmax.bf16 v40, v36  }
0x272: {  	[tilespmem:s3+$0x7170] =	vst v8;
	v8 =	vmax.bf16 v41, v37  }
0x273: {  	[tilespmem:s3+$0x7180] =	vst v8  }
0x274: {  	v8 =	vld [tilespmem:s31+$0x32D0]  }
0x275: {  	v42 =	vld [tilespmem:s31+$0x32E0]  }
0x276: {  	(v2sf) =	vpush v7, $0x7;
	v43 =	vld [tilespmem:s31+$0x32F0]  }
0x277: {  	s3 =	spop (v2sf);
	v44 =	vld [tilespmem:s31+$0x3300]  }
0x278: {  	v45 =	vld [tilespmem:s3+$0x7150]  }
0x279: {  	v46 =	vld [tilespmem:s3+$0x7160]  }
0x27a: {  	v47 =	vld [tilespmem:s3+$0x7170]  }
0x27b: {  	v48 =	vld [tilespmem:s3+$0x7180];
	_ =	sdelay $0x1  }
0x27c: {  	v8 =	vmax.bf16 v45, v8  }
0x27d: {  	[tilespmem:s3+$0x7150] =	vst v8;
	v8 =	vmax.bf16 v46, v42  }
0x27e: {  	[tilespmem:s3+$0x7160] =	vst v8;
	v8 =	vmax.bf16 v47, v43  }
0x27f: {  	[tilespmem:s3+$0x7170] =	vst v8;
	v8 =	vmax.bf16 v48, v44  }
0x280: {  	[tilespmem:s3+$0x7180] =	vst v8  }
0x281: {  	v8 =	vld [tilespmem:s31+$0x3310]  }
0x282: {  	v49 =	vld [tilespmem:s31+$0x3320]  }
0x283: {  	(v2sf) =	vpush v7, $0x8;
	v50 =	vld [tilespmem:s31+$0x3330]  }
0x284: {  	s3 =	spop (v2sf);
	v51 =	vld [tilespmem:s31+$0x3340]  }
0x285: {  	v52 =	vld [tilespmem:s3+$0x7150]  }
0x286: {  	v53 =	vld [tilespmem:s3+$0x7160]  }
0x287: {  	v54 =	vld [tilespmem:s3+$0x7170]  }
0x288: {  	v55 =	vld [tilespmem:s3+$0x7180];
	_ =	sdelay $0x1  }
0x289: {  	v8 =	vmax.bf16 v52, v8  }
0x28a: {  	[tilespmem:s3+$0x7150] =	vst v8;
	v8 =	vmax.bf16 v53, v49  }
0x28b: {  	[tilespmem:s3+$0x7160] =	vst v8;
	v8 =	vmax.bf16 v54, v50  }
0x28c: {  	[tilespmem:s3+$0x7170] =	vst v8;
	v8 =	vmax.bf16 v55, v51  }
0x28d: {  	[tilespmem:s3+$0x7180] =	vst v8  }
0x28e: {  	v8 =	vld [tilespmem:s31+$0x3350]  }
0x28f: {  	v56 =	vld [tilespmem:s31+$0x3360]  }
0x290: {  	(v2sf) =	vpush v7, $0x9;
	v57 =	vld [tilespmem:s31+$0x3370]  }
0x291: {  	s3 =	spop (v2sf);
	v58 =	vld [tilespmem:s31+$0x3380]  }
0x292: {  	v59 =	vld [tilespmem:s3+$0x7150]  }
0x293: {  	v60 =	vld [tilespmem:s3+$0x7160]  }
0x294: {  	v61 =	vld [tilespmem:s3+$0x7170]  }
0x295: {  	v62 =	vld [tilespmem:s3+$0x7180];
	_ =	sdelay $0x1  }
0x296: {  	v8 =	vmax.bf16 v59, v8  }
0x297: {  	[tilespmem:s3+$0x7150] =	vst v8;
	v8 =	vmax.bf16 v60, v56  }
0x298: {  	[tilespmem:s3+$0x7160] =	vst v8;
	v8 =	vmax.bf16 v61, v57  }
0x299: {  	[tilespmem:s3+$0x7170] =	vst v8;
	v8 =	vmax.bf16 v62, v58  }
0x29a: {  	[tilespmem:s3+$0x7180] =	vst v8  }
0x29b: {  	v8 =	vld [tilespmem:s31+$0x3390]  }
0x29c: {  	v63 =	vld [tilespmem:s31+$0x33A0]  }
0x29d: {  	(v2sf) =	vpush v7, $0xA;
	v18 =	vld [tilespmem:s31+$0x33B0]  }
0x29e: {  	s3 =	spop (v2sf);
	v19 =	vld [tilespmem:s31+$0x33C0]  }
0x29f: {  	v20 =	vld [tilespmem:s3+$0x7150]  }
0x2a0: {  	v21 =	vld [tilespmem:s3+$0x7160]  }
0x2a1: {  	v22 =	vld [tilespmem:s3+$0x7170]  }
0x2a2: {  	v23 =	vld [tilespmem:s3+$0x7180];
	_ =	sdelay $0x1  }
0x2a3: {  	v8 =	vmax.bf16 v20, v8  }
0x2a4: {  	[tilespmem:s3+$0x7150] =	vst v8;
	v8 =	vmax.bf16 v21, v63  }
0x2a5: {  	[tilespmem:s3+$0x7160] =	vst v8;
	v8 =	vmax.bf16 v22, v18  }
0x2a6: {  	[tilespmem:s3+$0x7170] =	vst v8;
	v8 =	vmax.bf16 v23, v19  }
0x2a7: {  	[tilespmem:s3+$0x7180] =	vst v8  }
0x2a8: {  	v8 =	vld [tilespmem:s31+$0x33D0]  }
0x2a9: {  	v24 =	vld [tilespmem:s31+$0x33E0]  }
0x2aa: {  	(v2sf) =	vpush v7, $0xB;
	v25 =	vld [tilespmem:s31+$0x33F0]  }
0x2ab: {  	s3 =	spop (v2sf);
	v26 =	vld [tilespmem:s31+$0x3400]  }
0x2ac: {  	v27 =	vld [tilespmem:s3+$0x7150]  }
0x2ad: {  	v28 =	vld [tilespmem:s3+$0x7160]  }
0x2ae: {  	v29 =	vld [tilespmem:s3+$0x7170]  }
0x2af: {  	v30 =	vld [tilespmem:s3+$0x7180];
	_ =	sdelay $0x1  }
0x2b0: {  	v8 =	vmax.bf16 v27, v8  }
0x2b1: {  	[tilespmem:s3+$0x7150] =	vst v8;
	v8 =	vmax.bf16 v28, v24  }
0x2b2: {  	[tilespmem:s3+$0x7160] =	vst v8;
	v8 =	vmax.bf16 v29, v25  }
0x2b3: {  	[tilespmem:s3+$0x7170] =	vst v8;
	v8 =	vmax.bf16 v30, v26  }
0x2b4: {  	[tilespmem:s3+$0x7180] =	vst v8  }
0x2b5: {  	v8 =	vld [tilespmem:s31+$0x3410]  }
0x2b6: {  	v31 =	vld [tilespmem:s31+$0x3420]  }
0x2b7: {  	(v2sf) =	vpush v7, $0xC;
	v32 =	vld [tilespmem:s31+$0x3430]  }
0x2b8: {  	s3 =	spop (v2sf);
	v33 =	vld [tilespmem:s31+$0x3440]  }
0x2b9: {  	v34 =	vld [tilespmem:s3+$0x7150]  }
0x2ba: {  	v35 =	vld [tilespmem:s3+$0x7160]  }
0x2bb: {  	v36 =	vld [tilespmem:s3+$0x7170]  }
0x2bc: {  	v37 =	vld [tilespmem:s3+$0x7180];
	_ =	sdelay $0x1  }
0x2bd: {  	v8 =	vmax.bf16 v34, v8  }
0x2be: {  	[tilespmem:s3+$0x7150] =	vst v8;
	v8 =	vmax.bf16 v35, v31  }
0x2bf: {  	[tilespmem:s3+$0x7160] =	vst v8;
	v8 =	vmax.bf16 v36, v32  }
0x2c0: {  	[tilespmem:s3+$0x7170] =	vst v8;
	v8 =	vmax.bf16 v37, v33  }
0x2c1: {  	[tilespmem:s3+$0x7180] =	vst v8  }
0x2c2: {  	v8 =	vld [tilespmem:s31+$0x3450]  }
0x2c3: {  	v38 =	vld [tilespmem:s31+$0x3460]  }
0x2c4: {  	(v2sf) =	vpush v7, $0xD;
	v39 =	vld [tilespmem:s31+$0x3470]  }
0x2c5: {  	s3 =	spop (v2sf);
	v40 =	vld [tilespmem:s31+$0x3480]  }
0x2c6: {  	v41 =	vld [tilespmem:s3+$0x7150]  }
0x2c7: {  	v42 =	vld [tilespmem:s3+$0x7160]  }
0x2c8: {  	v43 =	vld [tilespmem:s3+$0x7170]  }
0x2c9: {  	v44 =	vld [tilespmem:s3+$0x7180];
	_ =	sdelay $0x1  }
0x2ca: {  	v8 =	vmax.bf16 v41, v8  }
0x2cb: {  	[tilespmem:s3+$0x7150] =	vst v8;
	v8 =	vmax.bf16 v42, v38  }
0x2cc: {  	[tilespmem:s3+$0x7160] =	vst v8;
	v8 =	vmax.bf16 v43, v39  }
0x2cd: {  	[tilespmem:s3+$0x7170] =	vst v8;
	v8 =	vmax.bf16 v44, v40  }
0x2ce: {  	[tilespmem:s3+$0x7180] =	vst v8  }
0x2cf: {  	v8 =	vld [tilespmem:s31+$0x3490]  }
0x2d0: {  	v45 =	vld [tilespmem:s31+$0x34A0]  }
0x2d1: {  	(v2sf) =	vpush v7, $0xE;
	v46 =	vld [tilespmem:s31+$0x34B0]  }
0x2d2: {  	s3 =	spop (v2sf);
	v47 =	vld [tilespmem:s31+$0x34C0]  }
0x2d3: {  	v48 =	vld [tilespmem:s3+$0x7150]  }
0x2d4: {  	v49 =	vld [tilespmem:s3+$0x7160]  }
0x2d5: {  	v50 =	vld [tilespmem:s3+$0x7170]  }
0x2d6: {  	v51 =	vld [tilespmem:s3+$0x7180];
	_ =	sdelay $0x1  }
0x2d7: {  	v8 =	vmax.bf16 v48, v8  }
0x2d8: {  	[tilespmem:s3+$0x7150] =	vst v8;
	v8 =	vmax.bf16 v49, v45  }
0x2d9: {  	[tilespmem:s3+$0x7160] =	vst v8;
	v8 =	vmax.bf16 v50, v46  }
0x2da: {  	[tilespmem:s3+$0x7170] =	vst v8;
	v8 =	vmax.bf16 v51, v47  }
0x2db: {  	[tilespmem:s3+$0x7180] =	vst v8  }
0x2dc: {  	v8 =	vld [tilespmem:s31+$0x34D0]  }
0x2dd: {  	v52 =	vld [tilespmem:s31+$0x34E0]  }
0x2de: {  	(v2sf) =	vpush v7, $0xF;
	v53 =	vld [tilespmem:s31+$0x34F0]  }
0x2df: {  	s3 =	spop (v2sf);
	v7 =	vld [tilespmem:s31+$0x3500]  }
0x2e0: {  	v54 =	vld [tilespmem:s3+$0x7150]  }
0x2e1: {  	v57 =	vld [tilespmem:s3+$0x7180]  }
0x2e2: {  	v55 =	vld [tilespmem:s3+$0x7160]  }
0x2e3: {  	v56 =	vld [tilespmem:s3+$0x7170];
	_ =	sdelay $0x1  }
0x2e4: {  	v8 =	vmax.bf16 v54, v8  }
0x2e5: {  	v7 =	vmax.bf16 v57, v7;
	[tilespmem:s3+$0x7150] =	vst v8  }
0x2e6: {  	v8 =	vmax.bf16 v55, v52;
	[tilespmem:s3+$0x7180] =	vst v7  }
0x2e7: {  	[tilespmem:s3+$0x7160] =	vst v8;
	v8 =	vmax.bf16 v56, v53  }
0x2e8: {  	[tilespmem:s3+$0x7170] =	vst v8  }
0x2e9: {  	v7 =	vld [tilespmem:s31+$0x3510]  }
0x2ea: {  	v8 =	vld [tilespmem:s31+$0x3520]  }
0x2eb: {  	v58 =	vld [tilespmem:s31+$0x3530]  }
0x2ec: {  	v59 =	vld [tilespmem:s31+$0x3540];
	s31 =	spop (v2sf)  }
0x2ed: {  	v60 =	vld [tilespmem:s31+$0x7150]  }
0x2ee: {  	v61 =	vld [tilespmem:s31+$0x7160]  }
0x2ef: {  	v62 =	vld [tilespmem:s31+$0x7170]  }
0x2f0: {  	v63 =	vld [tilespmem:s31+$0x7180]  }
0x2f1: {  	p0 =	sne.s32 s30, $0x70  }
.Ltmp17:
0x2f2: {  	v7 =	vmax.bf16 v60, v7;
	(pc) =	sbr.rel @p0 .LBB2_19-.Ltmp17, $4  }
0x2f3: {  	[tilespmem:s31+$0x7150] =	vst v7;
	v7 =	vmax.bf16 v61, v8  }
0x2f4: {  	[tilespmem:s31+$0x7160] =	vst v7;
	v7 =	vmax.bf16 v62, v58  }
0x2f5: {  	[tilespmem:s31+$0x7170] =	vst v7;
	v7 =	vmax.bf16 v63, v59  }
0x2f6: {  	s30 =	sadd.s32 $0x10, s30;
	[tilespmem:s31+$0x7180] =	vst v7  }
.Ltmp18:
0x2f7: {  	_ = 	snop;
	(pc) =	sbr.rel .LBB2_20-.Ltmp18, $1  }
0x2f8: {  	_ =	sdelay $0x3  }
.LBB2_23:
0x2f9: {  	v6 =	vbroadcast v6, $0x0;
	_ =	sdelay $0x1  }
0x2fa: {  	s3 =	sadd.s32 $0x10, s25;
	s19 =	sadd.s32 $0x40, s25;
	v6 =	vadd.s32 v4, v6  }
0x2fb: {  	s30 =	sadd.s32 $0x20, s25;
	v7 =	vadd.s32 s3, v4;
	v10 =	vadd.s32 s19, v4;
	s19 =	sadd.s32 $0x7F, s25;
	v6 =	vand.u32 $0xFFF, v6  }
0x2fc: {  	s31 =	sadd.s32 $0x30, s25;
	s26 =	sadd.s32 $0x50, s25;
	v8 =	vadd.s32 s30, v4;
	v7 =	vand.u32 $0xFFF, v7;
	s30 =	sand.u32 $0x7F, s19  }
0x2fd: {  	v9 =	vadd.s32 s31, v4;
	v8 =	vand.u32 $0xFFF, v8;
	s31 =	sshra.s32 s19, $0x1F;
	p1 =	slt.s32 s19, $0x1;
	p0 =	sne.s32 s30, $0x0  }
0x2fe: {  	s28 =	sadd.s32 $0x60, s25;
	v9 =	vand.u32 $0xFFF, v9;
	s3 =	sshrl.u32 s31, $0x19;
	p0 =	por !p1, !p0  }
0x2ff: {  	v11 =	vadd.s32 s26, v4;
	v10 =	vand.u32 $0xFFF, v10;
	s3 =	sadd.s32 s3, s19;
	s19 =	simm.s32 $0x1;
	p0 =	por !p0, !p0  }
0x300: {  	s29 =	sadd.s32 $0x70, s25;
	v62 =	vadd.s32 s28, v4;
	s3 =	sshra.s32 s3, $0x7;
	s19 =	simm.s32 @!p0 $0x0;
	[tilespmem:v6+s12+$0x0] =	vst.idx.msk $0xffff, v5;
	v6 =	vand.u32 $0xFFF, v11  }
0x301: {  	v12 =	vadd.s32 s29, v4;
	s19 =	ssub.s32 s3, s19;
	[tilespmem:v7+s12+$0x0] =	vst.idx.msk $0xffff, v5;
	v7 =	vand.u32 $0xFFF, v62  }
0x302: {  	v63 =	vand.u32 $0xFFF, v12;
	p0 =	sge.s32 s20, s19;
	[tilespmem:v8+s12+$0x0] =	vst.idx.msk $0xffff, v5  }
.Ltmp19:
0x303: {  	[tilespmem:v9+s12+$0x0] =	vst.idx.msk $0xffff, v5;
	(pc) =	sbr.rel @p0 .LBB2_30-.Ltmp19, $4  }
0x304: {  	[tilespmem:v10+s12+$0x0] =	vst.idx.msk $0xffff, v5  }
0x305: {  	[tilespmem:v6+s12+$0x0] =	vst.idx.msk $0xffff, v5  }
0x306: {  	[tilespmem:v7+s12+$0x0] =	vst.idx.msk $0xffff, v5  }
0x307: {  	[tilespmem:v63+s12+$0x0] =	vst.idx.msk $0xffff, v5  }
0x308: {  	s3 =	ssub.s32 s22, s21  }
.Ltmp20:
0x309: {  	p0 =	sgt.s32 s18, s3;
	(pc) =	sbr.rel .LBB2_25-.Ltmp20, $4  }
0x30a: {  	s3 =	smov.u32 @p0 s18;
	s18 =	ssub.s32 s24, s23  }
0x30b: {  	p0 =	sgt.s32 s3, s18  }
0x30c: {  	s18 =	smov.u32 @p0 s3  }
0x30d: {  	s18 =	sshll.u32 s18, $0x7  }
.LBB2_28:
0x30e: {  	s3 =	sshll.u32 s20, $0x7  }
0x30f: {  	s21 =	sand.u32 $0xF80, s3  }
0x310: {  	v6 =	vld [tilespmem:s21+$0x1F40];
	_ =	sdelay $0x4  }
0x311: {  	s3 =	sand.u32 $0x80, s3;
	v7 =	vshra.s32 v6, $0x9  }
0x312: {  	v6 =	vand.u32 $0x1FF, v6;
	[tilespmem:s3+$0x2F50] =	vst v7  }
0x313: {  	[tilespmem:s3+$0x3050] =	vst v6  }
0x314: {  	v6 =	vld [tilespmem:s21+$0x1F50];
	_ =	sdelay $0x4  }
0x315: {  	v7 =	vshra.s32 v6, $0x9  }
0x316: {  	v6 =	vand.u32 $0x1FF, v6;
	[tilespmem:s3+$0x2F60] =	vst v7  }
0x317: {  	[tilespmem:s3+$0x3060] =	vst v6  }
0x318: {  	v6 =	vld [tilespmem:s21+$0x1F60];
	_ =	sdelay $0x4  }
0x319: {  	v7 =	vshra.s32 v6, $0x9  }
0x31a: {  	v6 =	vand.u32 $0x1FF, v6;
	[tilespmem:s3+$0x2F70] =	vst v7  }
0x31b: {  	[tilespmem:s3+$0x3070] =	vst v6  }
0x31c: {  	v6 =	vld [tilespmem:s21+$0x1F70];
	_ =	sdelay $0x4  }
0x31d: {  	v7 =	vshra.s32 v6, $0x9  }
0x31e: {  	v6 =	vand.u32 $0x1FF, v6;
	[tilespmem:s3+$0x2F80] =	vst v7  }
0x31f: {  	[tilespmem:s3+$0x3080] =	vst v6  }
0x320: {  	v6 =	vld [tilespmem:s21+$0x1F80];
	_ =	sdelay $0x4  }
0x321: {  	v7 =	vshra.s32 v6, $0x9  }
0x322: {  	v6 =	vand.u32 $0x1FF, v6;
	[tilespmem:s3+$0x2F90] =	vst v7  }
0x323: {  	[tilespmem:s3+$0x3090] =	vst v6  }
0x324: {  	v6 =	vld [tilespmem:s21+$0x1F90];
	_ =	sdelay $0x4  }
0x325: {  	v7 =	vshra.s32 v6, $0x9  }
0x326: {  	v6 =	vand.u32 $0x1FF, v6;
	[tilespmem:s3+$0x2FA0] =	vst v7  }
0x327: {  	[tilespmem:s3+$0x30A0] =	vst v6  }
0x328: {  	v6 =	vld [tilespmem:s21+$0x1FA0];
	_ =	sdelay $0x4  }
0x329: {  	v7 =	vshra.s32 v6, $0x9  }
0x32a: {  	v6 =	vand.u32 $0x1FF, v6;
	[tilespmem:s3+$0x2FB0] =	vst v7  }
0x32b: {  	[tilespmem:s3+$0x30B0] =	vst v6  }
0x32c: {  	v6 =	vld [tilespmem:s21+$0x1FB0];
	_ =	sdelay $0x1  }
0x32d: {  	s20 =	sadd.s32 $0x1, s20  }
0x32e: {  	p0 =	sne.s32 s20, s19  }
.Ltmp21:
0x32f: {  	_ = 	snop;
	(pc) =	sbr.rel @!p0 .LBB2_29-.Ltmp21, $4  }
0x330: {  	v7 =	vshra.s32 v6, $0x9  }
0x331: {  	s30 =	sshll.u32 s3, $0x6;
	v6 =	vand.u32 $0x1FF, v6;
	[tilespmem:s3+$0x2FC0] =	vst v7  }
0x332: {  	s18 =	sadd.s32 $0x80, s18;
	s22 =	sadd.s32 $0x2F50, s3;
	s31 =	sadd.s32 $0x3150, s30;
	[tilespmem:s3+$0x30C0] =	vst v6  }
0x333: {  	[tilespmem:s31], [sflag:$0x2] =	stream.indirect.gather [hbm4b:s5+s14], $0x40, s22, s14, $0xb8;
	[tilespmem:$0xC190] =	vst v63  }
.LBB2_25:
0x334: {  	p0 =	slt.s32 s20, $0x1  }
.Ltmp22:
0x335: {  	_ = 	snop;
	(pc) =	sbr.rel @p0 .LBB2_28-.Ltmp22, $1  }
0x336: {  	_ =	sdelay $0x3  }
0x337: {  	_ =	swait.ge [sflag:s13], $0x2000  }
0x338: {  	[sflag:s13] =	ssyncset.done $0x0  }
0x339: {  	s21 =	sand.u32 $0x80, s18;
	s22 =	simm.s32 $0x0;
	[sflag:s13] =	ssyncadd.s32 $0xFFFFE000  }
.LBB2_27:
0x33a: {  	s3 =	sadd.s32 s22, s21  }
0x33b: {  	s3 =	sxor.u32 $0x80, s3  }
0x33c: {  	v6 =	vld [tilespmem:s3+$0x3050];
	_ =	sdelay $0x4  }
0x33d: {  	v6 =	vshll.u32 v6, $0x8  }
0x33e: {  	v6 =	vshra.s32 v6, $0x2  }
0x33f: {  	(v2sf) =	vpush v6, $0x0;
	_ =	sdelay $0x9  }
0x340: {  	s3 =	sshll.u32 s3, $0x6  }
0x341: {  	s23 =	sand.u32 $0x3FFFFFC0, s3  }
0x342: {  	v7 =	vld [tilespmem:s23+$0x3150]  }
0x343: {  	v8 =	vld [tilespmem:s23+$0x3160]  }
0x344: {  	v9 =	vld [tilespmem:s23+$0x3170];
	(v2sf) =	vpush v6, $0x1  }
0x345: {  	v10 =	vld [tilespmem:s23+$0x3180];
	s30 =	spop (v2sf)  }
0x346: {  	v11 =	vld [tilespmem:s30+$0x7150]  }
0x347: {  	v12 =	vld [tilespmem:s30+$0x7160]  }
0x348: {  	v13 =	vld [tilespmem:s30+$0x7170]  }
0x349: {  	v14 =	vld [tilespmem:s30+$0x7180];
	_ =	sdelay $0x1  }
0x34a: {  	v7 =	vmax.bf16 v11, v7  }
0x34b: {  	[tilespmem:s30+$0x7150] =	vst v7;
	v7 =	vmax.bf16 v12, v8  }
0x34c: {  	[tilespmem:s30+$0x7160] =	vst v7;
	v7 =	vmax.bf16 v13, v9  }
0x34d: {  	[tilespmem:s30+$0x7170] =	vst v7;
	v7 =	vmax.bf16 v14, v10  }
0x34e: {  	[tilespmem:s30+$0x7180] =	vst v7  }
0x34f: {  	v7 =	vld [tilespmem:s23+$0x3190]  }
0x350: {  	v57 =	vld [tilespmem:s23+$0x31A0]  }
0x351: {  	(v2sf) =	vpush v6, $0x2;
	v58 =	vld [tilespmem:s23+$0x31B0]  }
0x352: {  	s31 =	spop (v2sf);
	v59 =	vld [tilespmem:s23+$0x31C0]  }
0x353: {  	v60 =	vld [tilespmem:s31+$0x7150]  }
0x354: {  	v61 =	vld [tilespmem:s31+$0x7160]  }
0x355: {  	v62 =	vld [tilespmem:s31+$0x7170]  }
0x356: {  	v63 =	vld [tilespmem:s31+$0x7180];
	_ =	sdelay $0x1  }
0x357: {  	v7 =	vmax.bf16 v60, v7  }
0x358: {  	[tilespmem:s31+$0x7150] =	vst v7;
	v7 =	vmax.bf16 v61, v57  }
0x359: {  	[tilespmem:s31+$0x7160] =	vst v7;
	v7 =	vmax.bf16 v62, v58  }
0x35a: {  	[tilespmem:s31+$0x7170] =	vst v7;
	v7 =	vmax.bf16 v63, v59  }
0x35b: {  	[tilespmem:s31+$0x7180] =	vst v7  }
0x35c: {  	v7 =	vld [tilespmem:s23+$0x31D0]  }
0x35d: {  	v16 =	vld [tilespmem:s23+$0x31E0]  }
0x35e: {  	(v2sf) =	vpush v6, $0x3;
	v17 =	vld [tilespmem:s23+$0x31F0]  }
0x35f: {  	s24 =	spop (v2sf);
	v18 =	vld [tilespmem:s23+$0x3200]  }
0x360: {  	v19 =	vld [tilespmem:s24+$0x7150]  }
0x361: {  	v20 =	vld [tilespmem:s24+$0x7160]  }
0x362: {  	v21 =	vld [tilespmem:s24+$0x7170]  }
0x363: {  	v22 =	vld [tilespmem:s24+$0x7180];
	_ =	sdelay $0x1  }
0x364: {  	v7 =	vmax.bf16 v19, v7  }
0x365: {  	[tilespmem:s24+$0x7150] =	vst v7;
	v7 =	vmax.bf16 v20, v16  }
0x366: {  	[tilespmem:s24+$0x7160] =	vst v7;
	v7 =	vmax.bf16 v21, v17  }
0x367: {  	[tilespmem:s24+$0x7170] =	vst v7;
	v7 =	vmax.bf16 v22, v18  }
0x368: {  	[tilespmem:s24+$0x7180] =	vst v7  }
0x369: {  	v7 =	vld [tilespmem:s23+$0x3210]  }
0x36a: {  	v23 =	vld [tilespmem:s23+$0x3220]  }
0x36b: {  	(v2sf) =	vpush v6, $0x4;
	v24 =	vld [tilespmem:s23+$0x3230]  }
0x36c: {  	s25 =	spop (v2sf);
	v25 =	vld [tilespmem:s23+$0x3240]  }
0x36d: {  	v26 =	vld [tilespmem:s25+$0x7150]  }
0x36e: {  	v27 =	vld [tilespmem:s25+$0x7160]  }
0x36f: {  	v28 =	vld [tilespmem:s25+$0x7170]  }
0x370: {  	v29 =	vld [tilespmem:s25+$0x7180];
	_ =	sdelay $0x1  }
0x371: {  	v7 =	vmax.bf16 v26, v7  }
0x372: {  	[tilespmem:s25+$0x7150] =	vst v7;
	v7 =	vmax.bf16 v27, v23  }
0x373: {  	[tilespmem:s25+$0x7160] =	vst v7;
	v7 =	vmax.bf16 v28, v24  }
0x374: {  	[tilespmem:s25+$0x7170] =	vst v7;
	v7 =	vmax.bf16 v29, v25  }
0x375: {  	[tilespmem:s25+$0x7180] =	vst v7  }
0x376: {  	v7 =	vld [tilespmem:s23+$0x3250]  }
0x377: {  	v30 =	vld [tilespmem:s23+$0x3260]  }
0x378: {  	(v2sf) =	vpush v6, $0x5;
	v31 =	vld [tilespmem:s23+$0x3270]  }
0x379: {  	s26 =	spop (v2sf);
	v32 =	vld [tilespmem:s23+$0x3280]  }
0x37a: {  	v33 =	vld [tilespmem:s26+$0x7150]  }
0x37b: {  	v34 =	vld [tilespmem:s26+$0x7160]  }
0x37c: {  	v35 =	vld [tilespmem:s26+$0x7170]  }
0x37d: {  	v36 =	vld [tilespmem:s26+$0x7180];
	_ =	sdelay $0x1  }
0x37e: {  	v7 =	vmax.bf16 v33, v7  }
0x37f: {  	[tilespmem:s26+$0x7150] =	vst v7;
	v7 =	vmax.bf16 v34, v30  }
0x380: {  	[tilespmem:s26+$0x7160] =	vst v7;
	v7 =	vmax.bf16 v35, v31  }
0x381: {  	[tilespmem:s26+$0x7170] =	vst v7;
	v7 =	vmax.bf16 v36, v32  }
0x382: {  	[tilespmem:s26+$0x7180] =	vst v7  }
0x383: {  	v7 =	vld [tilespmem:s23+$0x3290]  }
0x384: {  	v37 =	vld [tilespmem:s23+$0x32A0]  }
0x385: {  	(v2sf) =	vpush v6, $0x6;
	v38 =	vld [tilespmem:s23+$0x32B0]  }
0x386: {  	s28 =	spop (v2sf);
	v39 =	vld [tilespmem:s23+$0x32C0]  }
0x387: {  	v40 =	vld [tilespmem:s28+$0x7150]  }
0x388: {  	v41 =	vld [tilespmem:s28+$0x7160]  }
0x389: {  	v42 =	vld [tilespmem:s28+$0x7170]  }
0x38a: {  	v43 =	vld [tilespmem:s28+$0x7180];
	_ =	sdelay $0x1  }
0x38b: {  	v7 =	vmax.bf16 v40, v7  }
0x38c: {  	[tilespmem:s28+$0x7150] =	vst v7;
	v7 =	vmax.bf16 v41, v37  }
0x38d: {  	[tilespmem:s28+$0x7160] =	vst v7;
	v7 =	vmax.bf16 v42, v38  }
0x38e: {  	[tilespmem:s28+$0x7170] =	vst v7;
	v7 =	vmax.bf16 v43, v39  }
0x38f: {  	[tilespmem:s28+$0x7180] =	vst v7  }
0x390: {  	v7 =	vld [tilespmem:s23+$0x32D0]  }
0x391: {  	v44 =	vld [tilespmem:s23+$0x32E0]  }
0x392: {  	(v2sf) =	vpush v6, $0x7;
	v45 =	vld [tilespmem:s23+$0x32F0]  }
0x393: {  	s29 =	spop (v2sf);
	v46 =	vld [tilespmem:s23+$0x3300]  }
0x394: {  	v47 =	vld [tilespmem:s29+$0x7150]  }
0x395: {  	v48 =	vld [tilespmem:s29+$0x7160]  }
0x396: {  	v49 =	vld [tilespmem:s29+$0x7170]  }
0x397: {  	v50 =	vld [tilespmem:s29+$0x7180];
	_ =	sdelay $0x1  }
0x398: {  	v7 =	vmax.bf16 v47, v7  }
0x399: {  	[tilespmem:s29+$0x7150] =	vst v7;
	v7 =	vmax.bf16 v48, v44  }
0x39a: {  	[tilespmem:s29+$0x7160] =	vst v7;
	v7 =	vmax.bf16 v49, v45  }
0x39b: {  	[tilespmem:s29+$0x7170] =	vst v7;
	v7 =	vmax.bf16 v50, v46  }
0x39c: {  	[tilespmem:s29+$0x7180] =	vst v7  }
0x39d: {  	v7 =	vld [tilespmem:s23+$0x3310]  }
0x39e: {  	v51 =	vld [tilespmem:s23+$0x3320]  }
0x39f: {  	(v2sf) =	vpush v6, $0x8;
	v52 =	vld [tilespmem:s23+$0x3330]  }
0x3a0: {  	s30 =	spop (v2sf);
	v53 =	vld [tilespmem:s23+$0x3340]  }
0x3a1: {  	v54 =	vld [tilespmem:s30+$0x7150]  }
0x3a2: {  	v55 =	vld [tilespmem:s30+$0x7160]  }
0x3a3: {  	v56 =	vld [tilespmem:s30+$0x7170]  }
0x3a4: {  	v57 =	vld [tilespmem:s30+$0x7180];
	_ =	sdelay $0x1  }
0x3a5: {  	v7 =	vmax.bf16 v54, v7  }
0x3a6: {  	[tilespmem:s30+$0x7150] =	vst v7;
	v7 =	vmax.bf16 v55, v51  }
0x3a7: {  	[tilespmem:s30+$0x7160] =	vst v7;
	v7 =	vmax.bf16 v56, v52  }
0x3a8: {  	[tilespmem:s30+$0x7170] =	vst v7;
	v7 =	vmax.bf16 v57, v53  }
0x3a9: {  	[tilespmem:s30+$0x7180] =	vst v7  }
0x3aa: {  	v7 =	vld [tilespmem:s23+$0x3350]  }
0x3ab: {  	v58 =	vld [tilespmem:s23+$0x3360]  }
0x3ac: {  	(v2sf) =	vpush v6, $0x9;
	v59 =	vld [tilespmem:s23+$0x3370]  }
0x3ad: {  	s31 =	spop (v2sf);
	v60 =	vld [tilespmem:s23+$0x3380]  }
0x3ae: {  	v61 =	vld [tilespmem:s31+$0x7150]  }
0x3af: {  	v62 =	vld [tilespmem:s31+$0x7160]  }
0x3b0: {  	v63 =	vld [tilespmem:s31+$0x7170]  }
0x3b1: {  	v16 =	vld [tilespmem:s31+$0x7180];
	_ =	sdelay $0x1  }
0x3b2: {  	v7 =	vmax.bf16 v61, v7  }
0x3b3: {  	[tilespmem:s31+$0x7150] =	vst v7;
	v7 =	vmax.bf16 v62, v58  }
0x3b4: {  	[tilespmem:s31+$0x7160] =	vst v7;
	v7 =	vmax.bf16 v63, v59  }
0x3b5: {  	[tilespmem:s31+$0x7170] =	vst v7;
	v7 =	vmax.bf16 v16, v60  }
0x3b6: {  	[tilespmem:s31+$0x7180] =	vst v7  }
0x3b7: {  	v7 =	vld [tilespmem:s23+$0x3390]  }
0x3b8: {  	v17 =	vld [tilespmem:s23+$0x33A0]  }
0x3b9: {  	(v2sf) =	vpush v6, $0xA;
	v18 =	vld [tilespmem:s23+$0x33B0]  }
0x3ba: {  	s24 =	spop (v2sf);
	v19 =	vld [tilespmem:s23+$0x33C0]  }
0x3bb: {  	v20 =	vld [tilespmem:s24+$0x7150]  }
0x3bc: {  	v21 =	vld [tilespmem:s24+$0x7160]  }
0x3bd: {  	v22 =	vld [tilespmem:s24+$0x7170]  }
0x3be: {  	v23 =	vld [tilespmem:s24+$0x7180];
	_ =	sdelay $0x1  }
0x3bf: {  	v7 =	vmax.bf16 v20, v7  }
0x3c0: {  	[tilespmem:s24+$0x7150] =	vst v7;
	v7 =	vmax.bf16 v21, v17  }
0x3c1: {  	[tilespmem:s24+$0x7160] =	vst v7;
	v7 =	vmax.bf16 v22, v18  }
0x3c2: {  	[tilespmem:s24+$0x7170] =	vst v7;
	v7 =	vmax.bf16 v23, v19  }
0x3c3: {  	[tilespmem:s24+$0x7180] =	vst v7  }
0x3c4: {  	v7 =	vld [tilespmem:s23+$0x33D0]  }
0x3c5: {  	v24 =	vld [tilespmem:s23+$0x33E0]  }
0x3c6: {  	(v2sf) =	vpush v6, $0xB;
	v25 =	vld [tilespmem:s23+$0x33F0]  }
0x3c7: {  	s25 =	spop (v2sf);
	v26 =	vld [tilespmem:s23+$0x3400]  }
0x3c8: {  	v27 =	vld [tilespmem:s25+$0x7150]  }
0x3c9: {  	v28 =	vld [tilespmem:s25+$0x7160]  }
0x3ca: {  	v29 =	vld [tilespmem:s25+$0x7170]  }
0x3cb: {  	v30 =	vld [tilespmem:s25+$0x7180];
	_ =	sdelay $0x1  }
0x3cc: {  	v7 =	vmax.bf16 v27, v7  }
0x3cd: {  	[tilespmem:s25+$0x7150] =	vst v7;
	v7 =	vmax.bf16 v28, v24  }
0x3ce: {  	[tilespmem:s25+$0x7160] =	vst v7;
	v7 =	vmax.bf16 v29, v25  }
0x3cf: {  	[tilespmem:s25+$0x7170] =	vst v7;
	v7 =	vmax.bf16 v30, v26  }
0x3d0: {  	[tilespmem:s25+$0x7180] =	vst v7  }
0x3d1: {  	v7 =	vld [tilespmem:s23+$0x3410]  }
0x3d2: {  	v31 =	vld [tilespmem:s23+$0x3420]  }
0x3d3: {  	(v2sf) =	vpush v6, $0xC;
	v32 =	vld [tilespmem:s23+$0x3430]  }
0x3d4: {  	s26 =	spop (v2sf);
	v33 =	vld [tilespmem:s23+$0x3440]  }
0x3d5: {  	v34 =	vld [tilespmem:s26+$0x7150]  }
0x3d6: {  	v35 =	vld [tilespmem:s26+$0x7160]  }
0x3d7: {  	v36 =	vld [tilespmem:s26+$0x7170]  }
0x3d8: {  	v37 =	vld [tilespmem:s26+$0x7180];
	_ =	sdelay $0x1  }
0x3d9: {  	v7 =	vmax.bf16 v34, v7  }
0x3da: {  	[tilespmem:s26+$0x7150] =	vst v7;
	v7 =	vmax.bf16 v35, v31  }
0x3db: {  	[tilespmem:s26+$0x7160] =	vst v7;
	v7 =	vmax.bf16 v36, v32  }
0x3dc: {  	[tilespmem:s26+$0x7170] =	vst v7;
	v7 =	vmax.bf16 v37, v33  }
0x3dd: {  	[tilespmem:s26+$0x7180] =	vst v7  }
0x3de: {  	v7 =	vld [tilespmem:s23+$0x3450]  }
0x3df: {  	v38 =	vld [tilespmem:s23+$0x3460]  }
0x3e0: {  	(v2sf) =	vpush v6, $0xD;
	v39 =	vld [tilespmem:s23+$0x3470]  }
0x3e1: {  	s28 =	spop (v2sf);
	v40 =	vld [tilespmem:s23+$0x3480]  }
0x3e2: {  	v41 =	vld [tilespmem:s28+$0x7150]  }
0x3e3: {  	v42 =	vld [tilespmem:s28+$0x7160]  }
0x3e4: {  	v43 =	vld [tilespmem:s28+$0x7170]  }
0x3e5: {  	v44 =	vld [tilespmem:s28+$0x7180];
	_ =	sdelay $0x1  }
0x3e6: {  	v7 =	vmax.bf16 v41, v7  }
0x3e7: {  	[tilespmem:s28+$0x7150] =	vst v7;
	v7 =	vmax.bf16 v42, v38  }
0x3e8: {  	[tilespmem:s28+$0x7160] =	vst v7;
	v7 =	vmax.bf16 v43, v39  }
0x3e9: {  	[tilespmem:s28+$0x7170] =	vst v7;
	v7 =	vmax.bf16 v44, v40  }
0x3ea: {  	[tilespmem:s28+$0x7180] =	vst v7  }
0x3eb: {  	v7 =	vld [tilespmem:s23+$0x3490]  }
0x3ec: {  	v45 =	vld [tilespmem:s23+$0x34A0]  }
0x3ed: {  	(v2sf) =	vpush v6, $0xE;
	v46 =	vld [tilespmem:s23+$0x34B0]  }
0x3ee: {  	s29 =	spop (v2sf);
	v47 =	vld [tilespmem:s23+$0x34C0]  }
0x3ef: {  	v48 =	vld [tilespmem:s29+$0x7150]  }
0x3f0: {  	v49 =	vld [tilespmem:s29+$0x7160]  }
0x3f1: {  	v50 =	vld [tilespmem:s29+$0x7170]  }
0x3f2: {  	v51 =	vld [tilespmem:s29+$0x7180];
	_ =	sdelay $0x1  }
0x3f3: {  	v7 =	vmax.bf16 v48, v7  }
0x3f4: {  	[tilespmem:s29+$0x7150] =	vst v7;
	v7 =	vmax.bf16 v49, v45  }
0x3f5: {  	[tilespmem:s29+$0x7160] =	vst v7;
	v7 =	vmax.bf16 v50, v46  }
0x3f6: {  	[tilespmem:s29+$0x7170] =	vst v7;
	v7 =	vmax.bf16 v51, v47  }
0x3f7: {  	[tilespmem:s29+$0x7180] =	vst v7  }
0x3f8: {  	v7 =	vld [tilespmem:s23+$0x34D0]  }
0x3f9: {  	v52 =	vld [tilespmem:s23+$0x34E0]  }
0x3fa: {  	(v2sf) =	vpush v6, $0xF;
	v53 =	vld [tilespmem:s23+$0x34F0]  }
0x3fb: {  	s30 =	spop (v2sf);
	v6 =	vld [tilespmem:s23+$0x3500]  }
0x3fc: {  	v54 =	vld [tilespmem:s30+$0x7150]  }
0x3fd: {  	v57 =	vld [tilespmem:s30+$0x7180]  }
0x3fe: {  	v55 =	vld [tilespmem:s30+$0x7160]  }
0x3ff: {  	v56 =	vld [tilespmem:s30+$0x7170];
	_ =	sdelay $0x1  }
0x400: {  	v7 =	vmax.bf16 v54, v7  }
0x401: {  	v6 =	vmax.bf16 v57, v6;
	[tilespmem:s30+$0x7150] =	vst v7  }
0x402: {  	v7 =	vmax.bf16 v55, v52;
	[tilespmem:s30+$0x7180] =	vst v6  }
0x403: {  	[tilespmem:s30+$0x7160] =	vst v7;
	v7 =	vmax.bf16 v56, v53  }
0x404: {  	[tilespmem:s30+$0x7170] =	vst v7  }
0x405: {  	v6 =	vld [tilespmem:s23+$0x3510]  }
0x406: {  	v7 =	vld [tilespmem:s23+$0x3520]  }
0x407: {  	v58 =	vld [tilespmem:s23+$0x3530]  }
0x408: {  	s31 =	spop (v2sf);
	v59 =	vld [tilespmem:s23+$0x3540]  }
0x409: {  	v60 =	vld [tilespmem:s31+$0x7150]  }
0x40a: {  	v61 =	vld [tilespmem:s31+$0x7160]  }
0x40b: {  	v62 =	vld [tilespmem:s31+$0x7170]  }
0x40c: {  	v63 =	vld [tilespmem:s31+$0x7180]  }
0x40d: {  	p0 =	sne.s32 s22, $0x70  }
.Ltmp23:
0x40e: {  	v6 =	vmax.bf16 v60, v6;
	(pc) =	sbr.rel @p0 .LBB2_27-.Ltmp23, $4  }
0x40f: {  	[tilespmem:s31+$0x7150] =	vst v6;
	v6 =	vmax.bf16 v61, v7  }
0x410: {  	[tilespmem:s31+$0x7160] =	vst v6;
	v6 =	vmax.bf16 v62, v58  }
0x411: {  	[tilespmem:s31+$0x7170] =	vst v6;
	v6 =	vmax.bf16 v63, v59  }
0x412: {  	s22 =	sadd.s32 $0x10, s22;
	[tilespmem:s31+$0x7180] =	vst v6  }
.Ltmp24:
0x413: {  	_ = 	snop;
	(pc) =	sbr.rel .LBB2_28-.Ltmp24, $1  }
0x414: {  	_ =	sdelay $0x3  }
.LBB2_29:
0x415: {  	s20 =	smov.u32 s19  }
.LBB2_30:
0x416: {  	p0 =	slt.s32 s20, $0x1  }
.Ltmp25:
0x417: {  	_ = 	snop;
	(pc) =	sbr.rel @p0 .LBB2_33-.Ltmp25, $1  }
0x418: {  	_ =	sdelay $0x3  }
0x419: {  	_ =	swait.ge [sflag:s13], $0x2000  }
0x41a: {  	s3 =	sshll.u32 s20, $0x7;
	[sflag:s13] =	ssyncset.done $0x0  }
0x41b: {  	s19 =	simm.s32 $0x0;
	s18 =	sand.u32 $0x80, s3;
	[sflag:s13] =	ssyncadd.s32 $0xFFFFE000  }
.LBB2_32:
0x41c: {  	s3 =	sadd.s32 s19, s18  }
0x41d: {  	s3 =	sxor.u32 $0x80, s3  }
0x41e: {  	v6 =	vld [tilespmem:s3+$0x3050];
	_ =	sdelay $0x4  }
0x41f: {  	v6 =	vshll.u32 v6, $0x8  }
0x420: {  	v6 =	vshra.s32 v6, $0x2  }
0x421: {  	(v2sf) =	vpush v6, $0x0;
	_ =	sdelay $0x9  }
0x422: {  	s3 =	sshll.u32 s3, $0x6  }
0x423: {  	s20 =	sand.u32 $0x3FFFFFC0, s3  }
0x424: {  	v7 =	vld [tilespmem:s20+$0x3150]  }
0x425: {  	v8 =	vld [tilespmem:s20+$0x3160]  }
0x426: {  	v9 =	vld [tilespmem:s20+$0x3170];
	(v2sf) =	vpush v6, $0x1  }
0x427: {  	v10 =	vld [tilespmem:s20+$0x3180];
	s25 =	spop (v2sf)  }
0x428: {  	v11 =	vld [tilespmem:s25+$0x7150]  }
0x429: {  	v12 =	vld [tilespmem:s25+$0x7160]  }
0x42a: {  	v13 =	vld [tilespmem:s25+$0x7170]  }
0x42b: {  	v14 =	vld [tilespmem:s25+$0x7180];
	_ =	sdelay $0x1  }
0x42c: {  	v7 =	vmax.bf16 v11, v7  }
0x42d: {  	[tilespmem:s25+$0x7150] =	vst v7;
	v7 =	vmax.bf16 v12, v8  }
0x42e: {  	[tilespmem:s25+$0x7160] =	vst v7;
	v7 =	vmax.bf16 v13, v9  }
0x42f: {  	[tilespmem:s25+$0x7170] =	vst v7;
	v7 =	vmax.bf16 v14, v10  }
0x430: {  	[tilespmem:s25+$0x7180] =	vst v7  }
0x431: {  	v7 =	vld [tilespmem:s20+$0x3190]  }
0x432: {  	v57 =	vld [tilespmem:s20+$0x31A0]  }
0x433: {  	(v2sf) =	vpush v6, $0x2;
	v58 =	vld [tilespmem:s20+$0x31B0]  }
0x434: {  	s26 =	spop (v2sf);
	v59 =	vld [tilespmem:s20+$0x31C0]  }
0x435: {  	v60 =	vld [tilespmem:s26+$0x7150]  }
0x436: {  	v61 =	vld [tilespmem:s26+$0x7160]  }
0x437: {  	v62 =	vld [tilespmem:s26+$0x7170]  }
0x438: {  	v63 =	vld [tilespmem:s26+$0x7180];
	_ =	sdelay $0x1  }
0x439: {  	v7 =	vmax.bf16 v60, v7  }
0x43a: {  	[tilespmem:s26+$0x7150] =	vst v7;
	v7 =	vmax.bf16 v61, v57  }
0x43b: {  	[tilespmem:s26+$0x7160] =	vst v7;
	v7 =	vmax.bf16 v62, v58  }
0x43c: {  	[tilespmem:s26+$0x7170] =	vst v7;
	v7 =	vmax.bf16 v63, v59  }
0x43d: {  	[tilespmem:s26+$0x7180] =	vst v7  }
0x43e: {  	v7 =	vld [tilespmem:s20+$0x31D0]  }
0x43f: {  	v16 =	vld [tilespmem:s20+$0x31E0]  }
0x440: {  	(v2sf) =	vpush v6, $0x3;
	v17 =	vld [tilespmem:s20+$0x31F0]  }
0x441: {  	s28 =	spop (v2sf);
	v18 =	vld [tilespmem:s20+$0x3200]  }
0x442: {  	v19 =	vld [tilespmem:s28+$0x7150]  }
0x443: {  	v20 =	vld [tilespmem:s28+$0x7160]  }
0x444: {  	v21 =	vld [tilespmem:s28+$0x7170]  }
0x445: {  	v22 =	vld [tilespmem:s28+$0x7180];
	_ =	sdelay $0x1  }
0x446: {  	v7 =	vmax.bf16 v19, v7  }
0x447: {  	[tilespmem:s28+$0x7150] =	vst v7;
	v7 =	vmax.bf16 v20, v16  }
0x448: {  	[tilespmem:s28+$0x7160] =	vst v7;
	v7 =	vmax.bf16 v21, v17  }
0x449: {  	[tilespmem:s28+$0x7170] =	vst v7;
	v7 =	vmax.bf16 v22, v18  }
0x44a: {  	[tilespmem:s28+$0x7180] =	vst v7  }
0x44b: {  	v7 =	vld [tilespmem:s20+$0x3210]  }
0x44c: {  	v23 =	vld [tilespmem:s20+$0x3220]  }
0x44d: {  	(v2sf) =	vpush v6, $0x4;
	v24 =	vld [tilespmem:s20+$0x3230]  }
0x44e: {  	s29 =	spop (v2sf);
	v25 =	vld [tilespmem:s20+$0x3240]  }
0x44f: {  	v26 =	vld [tilespmem:s29+$0x7150]  }
0x450: {  	v27 =	vld [tilespmem:s29+$0x7160]  }
0x451: {  	v28 =	vld [tilespmem:s29+$0x7170]  }
0x452: {  	v29 =	vld [tilespmem:s29+$0x7180];
	_ =	sdelay $0x1  }
0x453: {  	v7 =	vmax.bf16 v26, v7  }
0x454: {  	[tilespmem:s29+$0x7150] =	vst v7;
	v7 =	vmax.bf16 v27, v23  }
0x455: {  	[tilespmem:s29+$0x7160] =	vst v7;
	v7 =	vmax.bf16 v28, v24  }
0x456: {  	[tilespmem:s29+$0x7170] =	vst v7;
	v7 =	vmax.bf16 v29, v25  }
0x457: {  	[tilespmem:s29+$0x7180] =	vst v7  }
0x458: {  	v7 =	vld [tilespmem:s20+$0x3250]  }
0x459: {  	v30 =	vld [tilespmem:s20+$0x3260]  }
0x45a: {  	(v2sf) =	vpush v6, $0x5;
	v31 =	vld [tilespmem:s20+$0x3270]  }
0x45b: {  	s30 =	spop (v2sf);
	v32 =	vld [tilespmem:s20+$0x3280]  }
0x45c: {  	v33 =	vld [tilespmem:s30+$0x7150]  }
0x45d: {  	v34 =	vld [tilespmem:s30+$0x7160]  }
0x45e: {  	v35 =	vld [tilespmem:s30+$0x7170]  }
0x45f: {  	v36 =	vld [tilespmem:s30+$0x7180];
	_ =	sdelay $0x1  }
0x460: {  	v7 =	vmax.bf16 v33, v7  }
0x461: {  	[tilespmem:s30+$0x7150] =	vst v7;
	v7 =	vmax.bf16 v34, v30  }
0x462: {  	[tilespmem:s30+$0x7160] =	vst v7;
	v7 =	vmax.bf16 v35, v31  }
0x463: {  	[tilespmem:s30+$0x7170] =	vst v7;
	v7 =	vmax.bf16 v36, v32  }
0x464: {  	[tilespmem:s30+$0x7180] =	vst v7  }
0x465: {  	v7 =	vld [tilespmem:s20+$0x3290]  }
0x466: {  	v37 =	vld [tilespmem:s20+$0x32A0]  }
0x467: {  	(v2sf) =	vpush v6, $0x6;
	v38 =	vld [tilespmem:s20+$0x32B0]  }
0x468: {  	s31 =	spop (v2sf);
	v39 =	vld [tilespmem:s20+$0x32C0]  }
0x469: {  	v40 =	vld [tilespmem:s31+$0x7150]  }
0x46a: {  	v41 =	vld [tilespmem:s31+$0x7160]  }
0x46b: {  	v42 =	vld [tilespmem:s31+$0x7170]  }
0x46c: {  	v43 =	vld [tilespmem:s31+$0x7180];
	_ =	sdelay $0x1  }
0x46d: {  	v7 =	vmax.bf16 v40, v7  }
0x46e: {  	[tilespmem:s31+$0x7150] =	vst v7;
	v7 =	vmax.bf16 v41, v37  }
0x46f: {  	[tilespmem:s31+$0x7160] =	vst v7;
	v7 =	vmax.bf16 v42, v38  }
0x470: {  	[tilespmem:s31+$0x7170] =	vst v7;
	v7 =	vmax.bf16 v43, v39  }
0x471: {  	[tilespmem:s31+$0x7180] =	vst v7  }
0x472: {  	v7 =	vld [tilespmem:s20+$0x32D0]  }
0x473: {  	v44 =	vld [tilespmem:s20+$0x32E0]  }
0x474: {  	(v2sf) =	vpush v6, $0x7;
	v45 =	vld [tilespmem:s20+$0x32F0]  }
0x475: {  	s21 =	spop (v2sf);
	v46 =	vld [tilespmem:s20+$0x3300]  }
0x476: {  	v47 =	vld [tilespmem:s21+$0x7150]  }
0x477: {  	v48 =	vld [tilespmem:s21+$0x7160]  }
0x478: {  	v49 =	vld [tilespmem:s21+$0x7170]  }
0x479: {  	v50 =	vld [tilespmem:s21+$0x7180];
	_ =	sdelay $0x1  }
0x47a: {  	v7 =	vmax.bf16 v47, v7  }
0x47b: {  	[tilespmem:s21+$0x7150] =	vst v7;
	v7 =	vmax.bf16 v48, v44  }
0x47c: {  	[tilespmem:s21+$0x7160] =	vst v7;
	v7 =	vmax.bf16 v49, v45  }
0x47d: {  	[tilespmem:s21+$0x7170] =	vst v7;
	v7 =	vmax.bf16 v50, v46  }
0x47e: {  	[tilespmem:s21+$0x7180] =	vst v7  }
0x47f: {  	v7 =	vld [tilespmem:s20+$0x3310]  }
0x480: {  	v51 =	vld [tilespmem:s20+$0x3320]  }
0x481: {  	(v2sf) =	vpush v6, $0x8;
	v52 =	vld [tilespmem:s20+$0x3330]  }
0x482: {  	s22 =	spop (v2sf);
	v53 =	vld [tilespmem:s20+$0x3340]  }
0x483: {  	v54 =	vld [tilespmem:s22+$0x7150]  }
0x484: {  	v55 =	vld [tilespmem:s22+$0x7160]  }
0x485: {  	v56 =	vld [tilespmem:s22+$0x7170]  }
0x486: {  	v57 =	vld [tilespmem:s22+$0x7180];
	_ =	sdelay $0x1  }
0x487: {  	v7 =	vmax.bf16 v54, v7  }
0x488: {  	[tilespmem:s22+$0x7150] =	vst v7;
	v7 =	vmax.bf16 v55, v51  }
0x489: {  	[tilespmem:s22+$0x7160] =	vst v7;
	v7 =	vmax.bf16 v56, v52  }
0x48a: {  	[tilespmem:s22+$0x7170] =	vst v7;
	v7 =	vmax.bf16 v57, v53  }
0x48b: {  	[tilespmem:s22+$0x7180] =	vst v7  }
0x48c: {  	v7 =	vld [tilespmem:s20+$0x3350]  }
0x48d: {  	v58 =	vld [tilespmem:s20+$0x3360]  }
0x48e: {  	(v2sf) =	vpush v6, $0x9;
	v59 =	vld [tilespmem:s20+$0x3370]  }
0x48f: {  	s23 =	spop (v2sf);
	v60 =	vld [tilespmem:s20+$0x3380]  }
0x490: {  	v61 =	vld [tilespmem:s23+$0x7150]  }
0x491: {  	v62 =	vld [tilespmem:s23+$0x7160]  }
0x492: {  	v63 =	vld [tilespmem:s23+$0x7170]  }
0x493: {  	v16 =	vld [tilespmem:s23+$0x7180];
	_ =	sdelay $0x1  }
0x494: {  	v7 =	vmax.bf16 v61, v7  }
0x495: {  	[tilespmem:s23+$0x7150] =	vst v7;
	v7 =	vmax.bf16 v62, v58  }
0x496: {  	[tilespmem:s23+$0x7160] =	vst v7;
	v7 =	vmax.bf16 v63, v59  }
0x497: {  	[tilespmem:s23+$0x7170] =	vst v7;
	v7 =	vmax.bf16 v16, v60  }
0x498: {  	[tilespmem:s23+$0x7180] =	vst v7  }
0x499: {  	v7 =	vld [tilespmem:s20+$0x3390]  }
0x49a: {  	v17 =	vld [tilespmem:s20+$0x33A0]  }
0x49b: {  	(v2sf) =	vpush v6, $0xA;
	v18 =	vld [tilespmem:s20+$0x33B0]  }
0x49c: {  	s24 =	spop (v2sf);
	v19 =	vld [tilespmem:s20+$0x33C0]  }
0x49d: {  	v20 =	vld [tilespmem:s24+$0x7150]  }
0x49e: {  	v21 =	vld [tilespmem:s24+$0x7160]  }
0x49f: {  	v22 =	vld [tilespmem:s24+$0x7170]  }
0x4a0: {  	v23 =	vld [tilespmem:s24+$0x7180];
	_ =	sdelay $0x1  }
0x4a1: {  	v7 =	vmax.bf16 v20, v7  }
0x4a2: {  	[tilespmem:s24+$0x7150] =	vst v7;
	v7 =	vmax.bf16 v21, v17  }
0x4a3: {  	[tilespmem:s24+$0x7160] =	vst v7;
	v7 =	vmax.bf16 v22, v18  }
0x4a4: {  	[tilespmem:s24+$0x7170] =	vst v7;
	v7 =	vmax.bf16 v23, v19  }
0x4a5: {  	[tilespmem:s24+$0x7180] =	vst v7  }
0x4a6: {  	v7 =	vld [tilespmem:s20+$0x33D0]  }
0x4a7: {  	v24 =	vld [tilespmem:s20+$0x33E0]  }
0x4a8: {  	(v2sf) =	vpush v6, $0xB;
	v25 =	vld [tilespmem:s20+$0x33F0]  }
0x4a9: {  	s25 =	spop (v2sf);
	v26 =	vld [tilespmem:s20+$0x3400]  }
0x4aa: {  	v27 =	vld [tilespmem:s25+$0x7150]  }
0x4ab: {  	v28 =	vld [tilespmem:s25+$0x7160]  }
0x4ac: {  	v29 =	vld [tilespmem:s25+$0x7170]  }
0x4ad: {  	v30 =	vld [tilespmem:s25+$0x7180];
	_ =	sdelay $0x1  }
0x4ae: {  	v7 =	vmax.bf16 v27, v7  }
0x4af: {  	[tilespmem:s25+$0x7150] =	vst v7;
	v7 =	vmax.bf16 v28, v24  }
0x4b0: {  	[tilespmem:s25+$0x7160] =	vst v7;
	v7 =	vmax.bf16 v29, v25  }
0x4b1: {  	[tilespmem:s25+$0x7170] =	vst v7;
	v7 =	vmax.bf16 v30, v26  }
0x4b2: {  	[tilespmem:s25+$0x7180] =	vst v7  }
0x4b3: {  	v7 =	vld [tilespmem:s20+$0x3410]  }
0x4b4: {  	v31 =	vld [tilespmem:s20+$0x3420]  }
0x4b5: {  	(v2sf) =	vpush v6, $0xC;
	v32 =	vld [tilespmem:s20+$0x3430]  }
0x4b6: {  	s26 =	spop (v2sf);
	v33 =	vld [tilespmem:s20+$0x3440]  }
0x4b7: {  	v34 =	vld [tilespmem:s26+$0x7150]  }
0x4b8: {  	v35 =	vld [tilespmem:s26+$0x7160]  }
0x4b9: {  	v36 =	vld [tilespmem:s26+$0x7170]  }
0x4ba: {  	v37 =	vld [tilespmem:s26+$0x7180];
	_ =	sdelay $0x1  }
0x4bb: {  	v7 =	vmax.bf16 v34, v7  }
0x4bc: {  	[tilespmem:s26+$0x7150] =	vst v7;
	v7 =	vmax.bf16 v35, v31  }
0x4bd: {  	[tilespmem:s26+$0x7160] =	vst v7;
	v7 =	vmax.bf16 v36, v32  }
0x4be: {  	[tilespmem:s26+$0x7170] =	vst v7;
	v7 =	vmax.bf16 v37, v33  }
0x4bf: {  	[tilespmem:s26+$0x7180] =	vst v7  }
0x4c0: {  	v7 =	vld [tilespmem:s20+$0x3450]  }
0x4c1: {  	v38 =	vld [tilespmem:s20+$0x3460]  }
0x4c2: {  	(v2sf) =	vpush v6, $0xD;
	v39 =	vld [tilespmem:s20+$0x3470]  }
0x4c3: {  	s28 =	spop (v2sf);
	v40 =	vld [tilespmem:s20+$0x3480]  }
0x4c4: {  	v41 =	vld [tilespmem:s28+$0x7150]  }
0x4c5: {  	v42 =	vld [tilespmem:s28+$0x7160]  }
0x4c6: {  	v43 =	vld [tilespmem:s28+$0x7170]  }
0x4c7: {  	v44 =	vld [tilespmem:s28+$0x7180];
	_ =	sdelay $0x1  }
0x4c8: {  	v7 =	vmax.bf16 v41, v7  }
0x4c9: {  	[tilespmem:s28+$0x7150] =	vst v7;
	v7 =	vmax.bf16 v42, v38  }
0x4ca: {  	[tilespmem:s28+$0x7160] =	vst v7;
	v7 =	vmax.bf16 v43, v39  }
0x4cb: {  	[tilespmem:s28+$0x7170] =	vst v7;
	v7 =	vmax.bf16 v44, v40  }
0x4cc: {  	[tilespmem:s28+$0x7180] =	vst v7  }
0x4cd: {  	v7 =	vld [tilespmem:s20+$0x3490]  }
0x4ce: {  	v45 =	vld [tilespmem:s20+$0x34A0]  }
0x4cf: {  	(v2sf) =	vpush v6, $0xE;
	v46 =	vld [tilespmem:s20+$0x34B0]  }
0x4d0: {  	s29 =	spop (v2sf);
	v47 =	vld [tilespmem:s20+$0x34C0]  }
0x4d1: {  	v48 =	vld [tilespmem:s29+$0x7150]  }
0x4d2: {  	v49 =	vld [tilespmem:s29+$0x7160]  }
0x4d3: {  	v50 =	vld [tilespmem:s29+$0x7170]  }
0x4d4: {  	v51 =	vld [tilespmem:s29+$0x7180];
	_ =	sdelay $0x1  }
0x4d5: {  	v7 =	vmax.bf16 v48, v7  }
0x4d6: {  	[tilespmem:s29+$0x7150] =	vst v7;
	v7 =	vmax.bf16 v49, v45  }
0x4d7: {  	[tilespmem:s29+$0x7160] =	vst v7;
	v7 =	vmax.bf16 v50, v46  }
0x4d8: {  	[tilespmem:s29+$0x7170] =	vst v7;
	v7 =	vmax.bf16 v51, v47  }
0x4d9: {  	[tilespmem:s29+$0x7180] =	vst v7  }
0x4da: {  	v7 =	vld [tilespmem:s20+$0x34D0]  }
0x4db: {  	v52 =	vld [tilespmem:s20+$0x34E0]  }
0x4dc: {  	(v2sf) =	vpush v6, $0xF;
	v53 =	vld [tilespmem:s20+$0x34F0]  }
0x4dd: {  	s30 =	spop (v2sf);
	v6 =	vld [tilespmem:s20+$0x3500]  }
0x4de: {  	v54 =	vld [tilespmem:s30+$0x7150]  }
0x4df: {  	v57 =	vld [tilespmem:s30+$0x7180]  }
0x4e0: {  	v55 =	vld [tilespmem:s30+$0x7160]  }
0x4e1: {  	v56 =	vld [tilespmem:s30+$0x7170];
	_ =	sdelay $0x1  }
0x4e2: {  	v7 =	vmax.bf16 v54, v7  }
0x4e3: {  	v6 =	vmax.bf16 v57, v6;
	[tilespmem:s30+$0x7150] =	vst v7  }
0x4e4: {  	v7 =	vmax.bf16 v55, v52;
	[tilespmem:s30+$0x7180] =	vst v6  }
0x4e5: {  	[tilespmem:s30+$0x7160] =	vst v7;
	v7 =	vmax.bf16 v56, v53  }
0x4e6: {  	[tilespmem:s30+$0x7170] =	vst v7  }
0x4e7: {  	v6 =	vld [tilespmem:s20+$0x3510]  }
0x4e8: {  	v7 =	vld [tilespmem:s20+$0x3520]  }
0x4e9: {  	v58 =	vld [tilespmem:s20+$0x3530]  }
0x4ea: {  	s31 =	spop (v2sf);
	v59 =	vld [tilespmem:s20+$0x3540]  }
0x4eb: {  	v60 =	vld [tilespmem:s31+$0x7150]  }
0x4ec: {  	v61 =	vld [tilespmem:s31+$0x7160]  }
0x4ed: {  	v62 =	vld [tilespmem:s31+$0x7170]  }
0x4ee: {  	v63 =	vld [tilespmem:s31+$0x7180]  }
0x4ef: {  	p0 =	sne.s32 s19, $0x70  }
.Ltmp26:
0x4f0: {  	v6 =	vmax.bf16 v60, v6;
	(pc) =	sbr.rel @p0 .LBB2_32-.Ltmp26, $4  }
0x4f1: {  	[tilespmem:s31+$0x7150] =	vst v6;
	v6 =	vmax.bf16 v61, v7  }
0x4f2: {  	[tilespmem:s31+$0x7160] =	vst v6;
	v6 =	vmax.bf16 v62, v58  }
0x4f3: {  	[tilespmem:s31+$0x7170] =	vst v6;
	v6 =	vmax.bf16 v63, v59  }
0x4f4: {  	s19 =	sadd.s32 $0x10, s19;
	[tilespmem:s31+$0x7180] =	vst v6  }
.Ltmp27:
0x4f5: {  	_ = 	snop;
	(pc) =	sbr.rel .LBB2_33-.Ltmp27, $1  }
0x4f6: {  	_ =	sdelay $0x3  }
.LBB2_34:
0x4f7: {  	_ =	sfence.sel $0x180000  }
0x4f8: {  	[bflag:$0x0] =	sbarrier.arrive $0xFFFF  }
0x4f9: {  	_ =	strace $0x90000047  }
0x4fa: {  	[bflag:$0x2] =	sbarrier.arrive $0xFFFF  }
0x4fb: {  	p0 =	sne.s32 s0, $0x0;
	s0 =	rddreg [dreg:$0x4]  }
0x4fc: {  	s0 =	sadd.s32 @!p0 $0x100000, s0  }
0x4fd: {  	[sflag:s0] =	ssyncadd.tile.s32 @!p0 $0x1;
	_ =	shalt  }
.Lfunc_end2:
_tile_overlayer_lowered:
.L_overlay_start_2:
0x4fe: {  	(tag) =	ssettag $0x2  }
0x4ff: {  	s0 =	rddreg [dreg:$0x0];
	s2 =	stileid.u32  }
0x500: {  	s1 =	rddreg [dreg:$0x1];
	p0 =	sne.s32 s2, $0x0  }
0x501: {  	s3 =	rddreg [dreg:$0x2];
	[bflag:$0x3] =	sbarrier.arrive $0xFFFF;
	s2 =	simm.s32 @!p0 $0x1C03  }
0x502: {  	[timem:s3], [sflag:s2] =	dma.local @!p0 [hbm:s0], s1  }
0x503: {  	s0 =	simm.s32 @!p0 $0x3  }
0x504: {  	_ =	swait.ge @!p0 [sflag:s0], s1  }
0x505: {  	s1 =	ssub.s32 @!p0 $0x0, s1;
	[sflag:s0] =	ssyncset.done @!p0 $0x0  }
0x506: {  	[sflag:s0] =	ssyncadd.s32 @!p0 s1  }
0x507: {  	[bflag:$0x3] =	sbarrier.arrive $0xFFFF  }
0x508: {  	_ =	shalt  }

</sc_bundles>
